<compile_context>
chip_gen: v7x
topology: tpu7x:2x2x1
jax: 0.10.2.dev20260603
libtpu: 0.0.44.dev20260713+nightly
codegen_flags: <defaults>
</compile_context>

<pallas_src>
import functools

import jax
import jax.numpy as jnp
from jax import lax
from jax.experimental import pallas as pl
from jax.experimental.pallas import tpu as pltpu
from jax.experimental.pallas import tpu_sc as plsc

N = 10000
E = 320000
D = 128
N_PAD = 10240
E_PAD = 327680
N_TILES = 16
N_CORES = 2
ROWS_PER_TILE = N_PAD // N_TILES
CHUNK = 128
CHUNKS_PER_TILE = E_PAD // (N_TILES * N_CORES * CHUNK)
NBUF = 2
N_PHASES = 2
PHASE_CHUNKS = CHUNKS_PER_TILE // N_PHASES
f32 = jnp.float32


def _make_sc_segsum():
    mesh = plsc.VectorSubcoreMesh(core_axis_name="c", subcore_axis_name="s")

    @functools.partial(
        pl.kernel, mesh=mesh,
        out_type=jax.ShapeDtypeStruct((N_CORES, N_PAD, D), f32),
        scratch_types=[
            pltpu.VMEM((PHASE_CHUNKS, CHUNK), jnp.int32),
            pltpu.VMEM((PHASE_CHUNKS, CHUNK), jnp.int32),
            *[pltpu.VMEM((CHUNK, D), f32) for _ in range(NBUF)],
            pltpu.VMEM_SHARED((N_PAD, D), f32),
            *[pltpu.SemaphoreType.DMA for _ in range(NBUF)],
        ])
    def sc_kernel(tab_hbm, idx3, row3, zs, s_out, idxbuf, rowbuf, *rest):
        bufs = rest[:NBUF]
        sacc = rest[NBUF]
        sems = rest[NBUF + 1:]
        cid = lax.axis_index("c")
        sid = lax.axis_index("s")
        wid = cid * N_TILES + sid
        rbase = sid * ROWS_PER_TILE
        pltpu.sync_copy(zs, sacc.at[pl.ds(rbase, ROWS_PER_TILE)])
        plsc.subcore_barrier()

        for phase in range(N_PHASES):
            pltpu.sync_copy(idx3.at[wid, pl.ds(phase * PHASE_CHUNKS,
                                               PHASE_CHUNKS)], idxbuf)
            pltpu.sync_copy(row3.at[wid, pl.ds(phase * PHASE_CHUNKS,
                                               PHASE_CHUNKS)], rowbuf)

            for b in range(NBUF):
                pltpu.async_copy(tab_hbm.at[idxbuf.at[b]], bufs[b], sems[b])

            def ring_body(i, carry):
                jbase = i * NBUF
                for b in range(NBUF):
                    pltpu.make_async_copy(tab_hbm.at[pl.ds(0, CHUNK)],
                                          bufs[b], sems[b]).wait()
                    pltpu.sync_copy(bufs[b], sacc.at[rowbuf.at[jbase + b]],
                                    add=True)
                    pltpu.async_copy(tab_hbm.at[idxbuf.at[jbase + NBUF + b]],
                                     bufs[b], sems[b])
                return carry

            lax.fori_loop(0, PHASE_CHUNKS // NBUF - 1, ring_body, 0)
            tail = PHASE_CHUNKS - NBUF
            for b in range(NBUF):
                pltpu.make_async_copy(tab_hbm.at[pl.ds(0, CHUNK)],
                                      bufs[b], sems[b]).wait()
                pltpu.sync_copy(bufs[b], sacc.at[rowbuf.at[tail + b]],
                                add=True)
        plsc.subcore_barrier()
        pltpu.sync_copy(sacc.at[pl.ds(rbase, ROWS_PER_TILE)],
                        s_out.at[cid, pl.ds(rbase, ROWS_PER_TILE)])

    return sc_kernel


def _make_sc_first():
    mesh = plsc.VectorSubcoreMesh(core_axis_name="c", subcore_axis_name="s")
    WCHUNKS = CHUNKS_PER_TILE * N_CORES
    WPHASES = WCHUNKS // PHASE_CHUNKS

    @functools.partial(
        pl.kernel, mesh=mesh,
        out_type=jax.ShapeDtypeStruct((N_CORES, N_PAD, D), f32),
        scratch_types=[
            pltpu.VMEM((PHASE_CHUNKS, CHUNK), jnp.int32),
            pltpu.VMEM((PHASE_CHUNKS, CHUNK), jnp.int32),
            *[pltpu.VMEM((CHUNK, D), f32) for _ in range(NBUF)],
            pltpu.VMEM_SHARED((N_PAD, D), f32),
            *[pltpu.SemaphoreType.DMA for _ in range(NBUF)],
        ])
    def sc_kernel(h_hbm, e2_hbm, col3, eidx3, row3, zs, s_out,
                  idxbuf, rowbuf, *rest):
        bufs = rest[:NBUF]
        sacc = rest[NBUF]
        sems = rest[NBUF + 1:]
        cid = lax.axis_index("c")
        sid = lax.axis_index("s")
        rbase = sid * ROWS_PER_TILE
        pltpu.sync_copy(zs, sacc.at[pl.ds(rbase, ROWS_PER_TILE)])
        plsc.subcore_barrier()

        def run(tab_hbm, idx3):
            for p in range(WPHASES):
                r0 = 2 * sid + (p // 2)
                c0 = (p % 2) * PHASE_CHUNKS
                pltpu.sync_copy(idx3.at[r0, pl.ds(c0, PHASE_CHUNKS)], idxbuf)
                pltpu.sync_copy(row3.at[r0, pl.ds(c0, PHASE_CHUNKS)], rowbuf)
                for b in range(NBUF):
                    pltpu.async_copy(tab_hbm.at[idxbuf.at[b]], bufs[b],
                                     sems[b])

                def ring_body(i, carry):
                    jbase = i * NBUF
                    for b in range(NBUF):
                        pltpu.make_async_copy(tab_hbm.at[pl.ds(0, CHUNK)],
                                              bufs[b], sems[b]).wait()
                        pltpu.sync_copy(bufs[b],
                                        sacc.at[rowbuf.at[jbase + b]],
                                        add=True)
                        pltpu.async_copy(
                            tab_hbm.at[idxbuf.at[jbase + NBUF + b]],
                            bufs[b], sems[b])
                    return carry

                lax.fori_loop(0, PHASE_CHUNKS // NBUF - 1, ring_body, 0)
                tail = PHASE_CHUNKS - NBUF
                for b in range(NBUF):
                    pltpu.make_async_copy(tab_hbm.at[pl.ds(0, CHUNK)],
                                          bufs[b], sems[b]).wait()
                    pltpu.sync_copy(bufs[b], sacc.at[rowbuf.at[tail + b]],
                                    add=True)

        @pl.when(cid == 0)
        def _():
            run(h_hbm, col3)

        @pl.when(cid == 1)
        def _():
            run(e2_hbm, eidx3)

        plsc.subcore_barrier()
        pltpu.sync_copy(sacc.at[pl.ds(rbase, ROWS_PER_TILE)],
                        s_out.at[cid, pl.ds(rbase, ROWS_PER_TILE)])

    return sc_kernel


def _build_e_table(state_edge):
    BE = 2000
    grid = (E // BE,)

    def body(e_ref, out_ref):
        out_ref[:, 0:16] = e_ref[...]
        out_ref[:, 16:17] = jnp.ones((BE, 1), f32)

    return pl.pallas_call(
        body,
        grid=grid,
        in_specs=[pl.BlockSpec((BE, 16), lambda i: (i, 0))],
        out_specs=pl.BlockSpec((BE, D), lambda i: (i, 0)),
        out_shape=jax.ShapeDtypeStruct((E, D), f32),
    )(state_edge)


def _tc_layer(h, s_arr, s_terms, e_arr, ab, bw, cx, g0, g1, gb8,
              residual: bool):
    BR = 1024
    grid = (N_PAD // BR,)
    e_base = e_arr.shape[0] - 1

    def body(h_ref, s_ref, e_ref, ab_ref, bw_ref, cx_ref,
             g0_ref, g1_ref, gb_ref, out_ref):
        eb = e_ref[0]
        sb = s_ref[0]
        for k in range(1, s_terms):
            sb = sb + s_ref[k]
        cnt = eb[:, 16:17]
        inv = 1.0 / jnp.maximum(cnt, 1.0)
        msk = (cnt > 0.0).astype(f32)
        sb = sb * inv
        lane = lax.broadcasted_iota(jnp.int32, eb.shape, 1)
        me = jnp.where(lane < 17, eb * inv, 0.0)
        hv = h_ref[...]
        aggr = (jnp.dot(hv, ab_ref[...], preferred_element_type=f32)
                + jnp.dot(sb, bw_ref[...], preferred_element_type=f32)
                + jnp.dot(me, cx_ref[...], preferred_element_type=f32)) * msk
        out = (jnp.dot(hv, g0_ref[...], preferred_element_type=f32)
               + jnp.dot(aggr, g1_ref[...], preferred_element_type=f32)
               + gb_ref[0:1, :])
        out_ref[...] = out + hv if residual else out

    rowspec = pl.BlockSpec((BR, D), lambda i: (i, 0))
    wspec = pl.BlockSpec((D, D), lambda i: (0, 0))
    sspec = pl.BlockSpec((s_terms, BR, D), lambda i: (0, i, 0))
    espec = pl.BlockSpec((1, BR, D), lambda i: (e_base, i, 0))
    return pl.pallas_call(
        body,
        grid=grid,
        in_specs=[rowspec, sspec, espec,
                  wspec, wspec, wspec,
                  wspec, wspec, pl.BlockSpec((8, D), lambda i: (0, 0))],
        out_specs=rowspec,
        out_shape=jax.ShapeDtypeStruct((N_PAD, D), f32),
    )(h, s_arr, e_arr, ab, bw, cx, g0, g1, gb8)


def kernel(state_node, state_edge, edge_index, phi_W, phi_b, gam_W, gam_b):
    L = phi_W.shape[0]
    h = jnp.pad(state_node, ((0, N_PAD - N), (0, 0)))
    pad = E_PAD - E
    dummy = N + jnp.arange(pad, dtype=jnp.int32) % (N_PAD - N)
    row3 = jnp.concatenate([edge_index[0], dummy]).reshape(
        N_TILES * N_CORES, CHUNKS_PER_TILE, CHUNK)
    col3 = jnp.concatenate([edge_index[1], dummy]).reshape(
        N_TILES * N_CORES, CHUNKS_PER_TILE, CHUNK)
    eidx3 = jnp.concatenate(
        [jnp.arange(E, dtype=jnp.int32), jnp.zeros((pad,), jnp.int32)]
    ).reshape(N_TILES * N_CORES, CHUNKS_PER_TILE, CHUNK)
    e2 = _build_e_table(state_edge)
    zs = jnp.zeros((ROWS_PER_TILE, D), f32)

    ab = phi_W[:, :D, :] - phi_W[:, D:2 * D, :]
    bw = phi_W[:, D:2 * D, :]
    cx = jnp.zeros((L, D, D), f32)
    cx = cx.at[:, :16, :].set(phi_W[:, 2 * D:, :]).at[:, 16, :].set(phi_b)
    g0 = gam_W[:, :D, :]
    g1 = gam_W[:, D:, :]
    gb8 = jnp.broadcast_to(gam_b[:, None, :], (L, 8, D))

    sc_segsum = _make_sc_segsum()
    sc_first = _make_sc_first()

    first = sc_first(h, e2, col3, eidx3, row3, zs)
    h = _tc_layer(h, first, 1, first, ab[0], bw[0], cx[0], g0[0], g1[0],
                  gb8[0], residual=(L > 1))
    for l in range(1, L):
        s_parts = sc_segsum(h, col3, row3, zs)
        h = _tc_layer(h, s_parts, 2, first,
                      ab[l], bw[l], cx[l], g0[l], g1[l], gb8[l],
                      residual=(l < L - 1))
    return h[:N]

# --- scband reference (transcript-rebuilt; emitter-appended) ---
"""Pipeline reference for scband-mpnnblock-89343909692236 (READ-ONLY COPY).

The authoritative reference and input builder live on the scoring server;
editing this copy changes nothing except your own understanding.
"""

import jax, jax.numpy as jnp
import numpy as np

N = 10000
E = 320000
D = 128
DE = 16
L = 3

def setup_inputs(seed: int = 0) -> dict:
    key = jax.random.key(seed)
    ks = jax.random.split(key, 7)
    state_node = jax.random.normal(ks[0], (N, D), dtype=jnp.float32)
    state_edge = jax.random.normal(ks[1], (E, DE), dtype=jnp.float32)
    edge_index = jax.random.randint(ks[2], (2, E), 0, N, dtype=jnp.int32)
    phi_W = jax.random.normal(ks[3], (L, 2 * D + DE, D), dtype=jnp.float32) * 0.05
    phi_b = jnp.zeros((L, D), dtype=jnp.float32)
    gam_W = jax.random.normal(ks[4], (L, 2 * D, D), dtype=jnp.float32) * 0.05
    gam_b = jnp.zeros((L, D), dtype=jnp.float32)
    return {"state_node": state_node, "state_edge": state_edge, "edge_index": edge_index,
            "phi_W": phi_W, "phi_b": phi_b, "gam_W": gam_W, "gam_b": gam_b}

def _mpnn_layer(h, e, row, col, pW, pb, gW, gb):
    # flow='target_to_source': h_i = h[edge_index[0]], h_j = h[edge_index[1]], aggregate at edge_index[0]
    h_i = h[row]
    h_j = h[col]
    msg = jnp.concatenate([h_i, h_j - h_i, e], axis=1) @ pW + pb
    sums = jax.ops.segment_sum(msg, row, num_segments=N)
    cnt = jax.ops.segment_sum(jnp.ones((msg.shape[0], 1), msg.dtype), row, num_segments=N)
    aggr = sums / jnp.maximum(cnt, 1.0)  # aggr='mean'
    return jnp.concatenate([h, aggr], axis=1) @ gW + gb

def reference(state_node, state_edge, edge_index, phi_W, phi_b, gam_W, gam_b):
    row = edge_index[0]
    col = edge_index[1]
    h = state_node
    for l in range(L - 1):
        h = h + _mpnn_layer(h, state_edge, row, col, phi_W[l], phi_b[l], gam_W[l], gam_b[l])
    h = _mpnn_layer(h, state_edge, row, col, phi_W[L - 1], phi_b[L - 1], gam_W[L - 1], gam_b[L - 1])
    return h

if __name__ == "__main__":
    import jax
    _d = setup_inputs()
    print(jax.jit(kernel)(*tuple(_d.values())))

</pallas_src>

<mosaic_0001>
#map = affine_map<(d0, d1) -> (0, 0)>
#map1 = affine_map<(d0, d1) -> (0, 0, 0)>
module attributes {stable_mosaic.version = 14 : i64} {
  func.func @sc_kernel(%arg0: i32, %arg1: i32, %arg2: memref<10240x128xf32, #tpu.memory_space<hbm>>, %arg3: memref<32x80x128xi32, #tpu.memory_space<hbm>>, %arg4: memref<32x80x128xi32, #tpu.memory_space<hbm>>, %arg5: memref<640x128xf32, #tpu.memory_space<hbm>>, %arg6: memref<2x10240x128xf32, #tpu.memory_space<hbm>>, %arg7: memref<40x128xi32, #tpu.memory_space<vmem>>, %arg8: memref<40x128xi32, #tpu.memory_space<vmem>>, %arg9: memref<128x128xf32, #tpu.memory_space<vmem>>, %arg10: memref<128x128xf32, #tpu.memory_space<vmem>>, %arg11: memref<10240x128xf32, #tpu.memory_space<vmem_shared>>, %arg12: memref<!tpu.dma_semaphore, #tpu.memory_space<semaphore_mem>>, %arg13: memref<!tpu.dma_semaphore, #tpu.memory_space<semaphore_mem>>) attributes {dimension_semantics = [#tpu.dimension_semantics<core_parallel>, #tpu.dimension_semantics<subcore_parallel>], iteration_bounds = array<i64: 2, 16>, scalar_prefetch = 0 : i64, scratch_operands = 7 : i64, tpu.core_type = #tpu.core_type<sc_vector_subcore>, window_params = [{transform_indices = #map}, {transform_indices = #map1}, {transform_indices = #map1}, {transform_indices = #map}, {transform_indices = #map1}]} {
    %mul3A = arith.constant 16 : i32
    %mul3A_0 = arith.muli %arg0, %mul3A : i32
    %add3A = arith.addi %mul3A_0, %arg1 : i32
    %mul3A_1 = arith.constant 640 : i32
    %mul3A_2 = arith.muli %arg1, %mul3A_1 : i32
    "tpu.region"() ({
      %run_scoped3A_68 = tpu.sem_alloc : memref<!tpu.dma_semaphore, #tpu.memory_space<semaphore_mem>>
      %dma_start3A_69 = arith.constant 0 : i32
      %dma_start3A_70 = tpu.memref_slice %arg11[%mul3A_2, %dma_start3A_69] : memref<10240x128xf32, #tpu.memory_space<vmem_shared>> -> memref<640x128xf32, #tpu.memory_space<vmem_shared>>
      tpu.enqueue_dma source(%arg5 : memref<640x128xf32, #tpu.memory_space<hbm>>) target(%dma_start3A_70 : memref<640x128xf32, #tpu.memory_space<vmem_shared>>) target_semaphore(%run_scoped3A_68 : memref<!tpu.dma_semaphore, #tpu.memory_space<semaphore_mem>>)
      %dma_wait3A_71 = arith.constant 0 : i32
      %dma_wait3A_72 = tpu.memref_slice %arg11[%mul3A_2, %dma_wait3A_71] : memref<10240x128xf32, #tpu.memory_space<vmem_shared>> -> memref<640x128xf32, #tpu.memory_space<vmem_shared>>
      tpu.wait_dma2 semaphore(%run_scoped3A_68 : memref<!tpu.dma_semaphore, #tpu.memory_space<semaphore_mem>>) src(%arg5 : memref<640x128xf32, #tpu.memory_space<hbm>>) dst(%dma_wait3A_72 : memref<640x128xf32, #tpu.memory_space<vmem_shared>>)
      tpu.yield
    }) : () -> ()
    %barrier3A = arith.constant 0 : index
    tpu.barrier barrier_id(%barrier3A)
    "tpu.region"() ({
      %run_scoped3A_68 = tpu.sem_alloc : memref<!tpu.dma_semaphore, #tpu.memory_space<semaphore_mem>>
      %dma_start3A_69 = arith.constant 0 : i32
      %dma_start3A_70 = arith.constant 0 : i32
      %dma_start3A_71 = tpu.memref_slice %arg3[%add3A, %dma_start3A_69, %dma_start3A_70] : memref<32x80x128xi32, #tpu.memory_space<hbm>> -> memref<1x40x128xi32, #tpu.memory_space<hbm>>
      %dma_start3A_72 = tpu.memref_squeeze %dma_start3A_71 : memref<1x40x128xi32, #tpu.memory_space<hbm>> -> memref<40x128xi32, #tpu.memory_space<hbm>>
      %dma_start3A_73 = arith.constant 0 : i32
      %dma_start3A_74 = arith.constant 0 : i32
      %dma_start3A_75 = tpu.memref_slice %arg3[%add3A, %dma_start3A_73, %dma_start3A_74] : memref<32x80x128xi32, #tpu.memory_space<hbm>> -> memref<1x40x128xi32, #tpu.memory_space<hbm>>
      %dma_start3A_76 = tpu.memref_squeeze %dma_start3A_75 : memref<1x40x128xi32, #tpu.memory_space<hbm>> -> memref<40x128xi32, #tpu.memory_space<hbm>>
      tpu.enqueue_dma source(%dma_start3A_76 : memref<40x128xi32, #tpu.memory_space<hbm>>) target(%arg7 : memref<40x128xi32, #tpu.memory_space<vmem>>) target_semaphore(%run_scoped3A_68 : memref<!tpu.dma_semaphore, #tpu.memory_space<semaphore_mem>>)
      %dma_wait3A_77 = arith.constant 0 : i32
      %dma_wait3A_78 = arith.constant 0 : i32
      %dma_wait3A_79 = tpu.memref_slice %arg3[%add3A, %dma_wait3A_77, %dma_wait3A_78] : memref<32x80x128xi32, #tpu.memory_space<hbm>> -> memref<1x40x128xi32, #tpu.memory_space<hbm>>
      %dma_wait3A_80 = tpu.memref_squeeze %dma_wait3A_79 : memref<1x40x128xi32, #tpu.memory_space<hbm>> -> memref<40x128xi32, #tpu.memory_space<hbm>>
      %dma_wait3A_81 = arith.constant 0 : i32
      %dma_wait3A_82 = arith.constant 0 : i32
      %dma_wait3A_83 = tpu.memref_slice %arg3[%add3A, %dma_wait3A_81, %dma_wait3A_82] : memref<32x80x128xi32, #tpu.memory_space<hbm>> -> memref<1x40x128xi32, #tpu.memory_space<hbm>>
      %dma_wait3A_84 = tpu.memref_squeeze %dma_wait3A_83 : memref<1x40x128xi32, #tpu.memory_space<hbm>> -> memref<40x128xi32, #tpu.memory_space<hbm>>
      tpu.wait_dma2 semaphore(%run_scoped3A_68 : memref<!tpu.dma_semaphore, #tpu.memory_space<semaphore_mem>>) src(%dma_wait3A_84 : memref<40x128xi32, #tpu.memory_space<hbm>>) dst(%arg7 : memref<40x128xi32, #tpu.memory_space<vmem>>)
      tpu.yield
    }) : () -> ()
    "tpu.region"() ({
      %run_scoped3A_68 = tpu.sem_alloc : memref<!tpu.dma_semaphore, #tpu.memory_space<semaphore_mem>>
      %dma_start3A_69 = arith.constant 0 : i32
      %dma_start3A_70 = arith.constant 0 : i32
      %dma_start3A_71 = tpu.memref_slice %arg4[%add3A, %dma_start3A_69, %dma_start3A_70] : memref<32x80x128xi32, #tpu.memory_space<hbm>> -> memref<1x40x128xi32, #tpu.memory_space<hbm>>
      %dma_start3A_72 = tpu.memref_squeeze %dma_start3A_71 : memref<1x40x128xi32, #tpu.memory_space<hbm>> -> memref<40x128xi32, #tpu.memory_space<hbm>>
      %dma_start3A_73 = arith.constant 0 : i32
      %dma_start3A_74 = arith.constant 0 : i32
      %dma_start3A_75 = tpu.memref_slice %arg4[%add3A, %dma_start3A_73, %dma_start3A_74] : memref<32x80x128xi32, #tpu.memory_space<hbm>> -> memref<1x40x128xi32, #tpu.memory_space<hbm>>
      %dma_start3A_76 = tpu.memref_squeeze %dma_start3A_75 : memref<1x40x128xi32, #tpu.memory_space<hbm>> -> memref<40x128xi32, #tpu.memory_space<hbm>>
      tpu.enqueue_dma source(%dma_start3A_76 : memref<40x128xi32, #tpu.memory_space<hbm>>) target(%arg8 : memref<40x128xi32, #tpu.memory_space<vmem>>) target_semaphore(%run_scoped3A_68 : memref<!tpu.dma_semaphore, #tpu.memory_space<semaphore_mem>>)
      %dma_wait3A_77 = arith.constant 0 : i32
      %dma_wait3A_78 = arith.constant 0 : i32
      %dma_wait3A_79 = tpu.memref_slice %arg4[%add3A, %dma_wait3A_77, %dma_wait3A_78] : memref<32x80x128xi32, #tpu.memory_space<hbm>> -> memref<1x40x128xi32, #tpu.memory_space<hbm>>
      %dma_wait3A_80 = tpu.memref_squeeze %dma_wait3A_79 : memref<1x40x128xi32, #tpu.memory_space<hbm>> -> memref<40x128xi32, #tpu.memory_space<hbm>>
      %dma_wait3A_81 = arith.constant 0 : i32
      %dma_wait3A_82 = arith.constant 0 : i32
      %dma_wait3A_83 = tpu.memref_slice %arg4[%add3A, %dma_wait3A_81, %dma_wait3A_82] : memref<32x80x128xi32, #tpu.memory_space<hbm>> -> memref<1x40x128xi32, #tpu.memory_space<hbm>>
      %dma_wait3A_84 = tpu.memref_squeeze %dma_wait3A_83 : memref<1x40x128xi32, #tpu.memory_space<hbm>> -> memref<40x128xi32, #tpu.memory_space<hbm>>
      tpu.wait_dma2 semaphore(%run_scoped3A_68 : memref<!tpu.dma_semaphore, #tpu.memory_space<semaphore_mem>>) src(%dma_wait3A_84 : memref<40x128xi32, #tpu.memory_space<hbm>>) dst(%arg8 : memref<40x128xi32, #tpu.memory_space<vmem>>)
      tpu.yield
    }) : () -> ()
    %dma_start3A = arith.constant 0 : i32
    %dma_start3A_3 = arith.constant 0 : i32
    %dma_start3A_4 = tpu.memref_slice %arg7[%dma_start3A, %dma_start3A_3] : memref<40x128xi32, #tpu.memory_space<vmem>> -> memref<1x128xi32, #tpu.memory_space<vmem>>
    %dma_start3A_5 = tpu.memref_squeeze %dma_start3A_4 : memref<1x128xi32, #tpu.memory_space<vmem>> -> memref<128xi32, #tpu.memory_space<vmem>>
    %dma_start3A_6 = arith.constant 0 : i32
    %dma_start3A_7 = arith.constant 0 : i32
    %dma_start3A_8 = tpu.memref_slice %arg2[%dma_start3A_6, %dma_start3A_7] : memref<10240x128xf32, #tpu.memory_space<hbm>> -> memref<10240x128xf32, #tpu.memory_space<hbm>>
    tpu.enqueue_indirect_dma source(%dma_start3A_8 : memref<10240x128xf32, #tpu.memory_space<hbm>>) target(%arg9 : memref<128x128xf32, #tpu.memory_space<vmem>>) offsets(%dma_start3A_5 : memref<128xi32, #tpu.memory_space<vmem>>) semaphore(%arg12 : memref<!tpu.dma_semaphore, #tpu.memory_space<semaphore_mem>>)
    %dma_start3A_9 = arith.constant 1 : i32
    %dma_start3A_10 = arith.constant 0 : i32
    %dma_start3A_11 = tpu.memref_slice %arg7[%dma_start3A_9, %dma_start3A_10] : memref<40x128xi32, #tpu.memory_space<vmem>> -> memref<1x128xi32, #tpu.memory_space<vmem>>
    %dma_start3A_12 = tpu.memref_squeeze %dma_start3A_11 : memref<1x128xi32, #tpu.memory_space<vmem>> -> memref<128xi32, #tpu.memory_space<vmem>>
    %dma_start3A_13 = arith.constant 0 : i32
    %dma_start3A_14 = arith.constant 0 : i32
    %dma_start3A_15 = tpu.memref_slice %arg2[%dma_start3A_13, %dma_start3A_14] : memref<10240x128xf32, #tpu.memory_space<hbm>> -> memref<10240x128xf32, #tpu.memory_space<hbm>>
    tpu.enqueue_indirect_dma source(%dma_start3A_15 : memref<10240x128xf32, #tpu.memory_space<hbm>>) target(%arg10 : memref<128x128xf32, #tpu.memory_space<vmem>>) offsets(%dma_start3A_12 : memref<128xi32, #tpu.memory_space<vmem>>) semaphore(%arg13 : memref<!tpu.dma_semaphore, #tpu.memory_space<semaphore_mem>>)
    %scan3A = arith.constant 0 : i32
    %scan3A_16 = arith.constant 0 : i32
    %scan3A_17 = arith.constant 19 : i32
    %scan3A_18 = arith.addi %scan3A_16, %scan3A_17 : i32
    %scan3A_19 = arith.constant 1 : i32
    scf.for %scan3A_68 = %scan3A_16 to %scan3A_18 step %scan3A_19  : i32 {
      %mul3A_69 = arith.constant 2 : i32
      %mul3A_70 = arith.muli %scan3A_68, %mul3A_69 : i32
      %dma_wait3A_71 = arith.constant 0 : i32
      %dma_wait3A_72 = arith.constant 0 : i32
      %dma_wait3A_73 = tpu.memref_slice %arg2[%dma_wait3A_71, %dma_wait3A_72] : memref<10240x128xf32, #tpu.memory_space<hbm>> -> memref<128x128xf32, #tpu.memory_space<hbm>>
      %dma_wait3A_74 = arith.constant 0 : i32
      %dma_wait3A_75 = arith.constant 0 : i32
      %dma_wait3A_76 = tpu.memref_slice %arg2[%dma_wait3A_74, %dma_wait3A_75] : memref<10240x128xf32, #tpu.memory_space<hbm>> -> memref<128x128xf32, #tpu.memory_space<hbm>>
      tpu.wait_dma2 semaphore(%arg12 : memref<!tpu.dma_semaphore, #tpu.memory_space<semaphore_mem>>) src(%dma_wait3A_76 : memref<128x128xf32, #tpu.memory_space<hbm>>) dst(%arg9 : memref<128x128xf32, #tpu.memory_space<vmem>>)
      %add3A_77 = arith.constant 0 : i32
      %add3A_78 = arith.addi %mul3A_70, %add3A_77 : i32
      "tpu.region"() ({
        %run_scoped3A_107 = tpu.sem_alloc : memref<!tpu.dma_semaphore, #tpu.memory_space<semaphore_mem>>
        %dma_start3A_108 = arith.constant 0 : i32
        %dma_start3A_109 = tpu.memref_slice %arg8[%add3A_78, %dma_start3A_108] : memref<40x128xi32, #tpu.memory_space<vmem>> -> memref<1x128xi32, #tpu.memory_space<vmem>>
        %dma_start3A_110 = tpu.memref_squeeze %dma_start3A_109 : memref<1x128xi32, #tpu.memory_space<vmem>> -> memref<128xi32, #tpu.memory_space<vmem>>
        %dma_start3A_111 = arith.constant 0 : i32
        %dma_start3A_112 = arith.constant 0 : i32
        %dma_start3A_113 = tpu.memref_slice %arg11[%dma_start3A_111, %dma_start3A_112] : memref<10240x128xf32, #tpu.memory_space<vmem_shared>> -> memref<10240x128xf32, #tpu.memory_space<vmem_shared>>
        tpu.enqueue_indirect_dma source(%arg9 : memref<128x128xf32, #tpu.memory_space<vmem>>) target(%dma_start3A_113 : memref<10240x128xf32, #tpu.memory_space<vmem_shared>>) offsets(%dma_start3A_110 : memref<128xi32, #tpu.memory_space<vmem>>) semaphore(%run_scoped3A_107 : memref<!tpu.dma_semaphore, #tpu.memory_space<semaphore_mem>>) {add = true}
        %dma_wait3A_114 = arith.constant 0 : i32
        %dma_wait3A_115 = tpu.memref_slice %arg8[%add3A_78, %dma_wait3A_114] : memref<40x128xi32, #tpu.memory_space<vmem>> -> memref<1x128xi32, #tpu.memory_space<vmem>>
        %dma_wait3A_116 = tpu.memref_squeeze %dma_wait3A_115 : memref<1x128xi32, #tpu.memory_space<vmem>> -> memref<128xi32, #tpu.memory_space<vmem>>
        %dma_wait3A_117 = arith.constant 0 : i32
        %dma_wait3A_118 = arith.constant 0 : i32
        %dma_wait3A_119 = tpu.memref_slice %arg11[%dma_wait3A_117, %dma_wait3A_118] : memref<10240x128xf32, #tpu.memory_space<vmem_shared>> -> memref<10240x128xf32, #tpu.memory_space<vmem_shared>>
        tpu.wait_indirect_dma semaphore(%run_scoped3A_107 : memref<!tpu.dma_semaphore, #tpu.memory_space<semaphore_mem>>) src(%arg9 : memref<128x128xf32, #tpu.memory_space<vmem>>) dst(%dma_wait3A_119 : memref<10240x128xf32, #tpu.memory_space<vmem_shared>>)
        tpu.yield
      }) : () -> ()
      %add3A_79 = arith.constant 2 : i32
      %add3A_80 = arith.addi %mul3A_70, %add3A_79 : i32
      %add3A_81 = arith.constant 0 : i32
      %add3A_82 = arith.addi %add3A_80, %add3A_81 : i32
      %dma_start3A_83 = arith.constant 0 : i32
      %dma_start3A_84 = tpu.memref_slice %arg7[%add3A_82, %dma_start3A_83] : memref<40x128xi32, #tpu.memory_space<vmem>> -> memref<1x128xi32, #tpu.memory_space<vmem>>
      %dma_start3A_85 = tpu.memref_squeeze %dma_start3A_84 : memref<1x128xi32, #tpu.memory_space<vmem>> -> memref<128xi32, #tpu.memory_space<vmem>>
      %dma_start3A_86 = arith.constant 0 : i32
      %dma_start3A_87 = arith.constant 0 : i32
      %dma_start3A_88 = tpu.memref_slice %arg2[%dma_start3A_86, %dma_start3A_87] : memref<10240x128xf32, #tpu.memory_space<hbm>> -> memref<10240x128xf32, #tpu.memory_space<hbm>>
      tpu.enqueue_indirect_dma source(%dma_start3A_88 : memref<10240x128xf32, #tpu.memory_space<hbm>>) target(%arg9 : memref<128x128xf32, #tpu.memory_space<vmem>>) offsets(%dma_start3A_85 : memref<128xi32, #tpu.memory_space<vmem>>) semaphore(%arg12 : memref<!tpu.dma_semaphore, #tpu.memory_space<semaphore_mem>>)
      %dma_wait3A_89 = arith.constant 0 : i32
      %dma_wait3A_90 = arith.constant 0 : i32
      %dma_wait3A_91 = tpu.memref_slice %arg2[%dma_wait3A_89, %dma_wait3A_90] : memref<10240x128xf32, #tpu.memory_space<hbm>> -> memref<128x128xf32, #tpu.memory_space<hbm>>
      %dma_wait3A_92 = arith.constant 0 : i32
      %dma_wait3A_93 = arith.constant 0 : i32
      %dma_wait3A_94 = tpu.memref_slice %arg2[%dma_wait3A_92, %dma_wait3A_93] : memref<10240x128xf32, #tpu.memory_space<hbm>> -> memref<128x128xf32, #tpu.memory_space<hbm>>
      tpu.wait_dma2 semaphore(%arg13 : memref<!tpu.dma_semaphore, #tpu.memory_space<semaphore_mem>>) src(%dma_wait3A_94 : memref<128x128xf32, #tpu.memory_space<hbm>>) dst(%arg10 : memref<128x128xf32, #tpu.memory_space<vmem>>)
      %add3A_95 = arith.constant 1 : i32
      %add3A_96 = arith.addi %mul3A_70, %add3A_95 : i32
      "tpu.region"() ({
        %run_scoped3A_107 = tpu.sem_alloc : memref<!tpu.dma_semaphore, #tpu.memory_space<semaphore_mem>>
        %dma_start3A_108 = arith.constant 0 : i32
        %dma_start3A_109 = tpu.memref_slice %arg8[%add3A_96, %dma_start3A_108] : memref<40x128xi32, #tpu.memory_space<vmem>> -> memref<1x128xi32, #tpu.memory_space<vmem>>
        %dma_start3A_110 = tpu.memref_squeeze %dma_start3A_109 : memref<1x128xi32, #tpu.memory_space<vmem>> -> memref<128xi32, #tpu.memory_space<vmem>>
        %dma_start3A_111 = arith.constant 0 : i32
        %dma_start3A_112 = arith.constant 0 : i32
        %dma_start3A_113 = tpu.memref_slice %arg11[%dma_start3A_111, %dma_start3A_112] : memref<10240x128xf32, #tpu.memory_space<vmem_shared>> -> memref<10240x128xf32, #tpu.memory_space<vmem_shared>>
        tpu.enqueue_indirect_dma source(%arg10 : memref<128x128xf32, #tpu.memory_space<vmem>>) target(%dma_start3A_113 : memref<10240x128xf32, #tpu.memory_space<vmem_shared>>) offsets(%dma_start3A_110 : memref<128xi32, #tpu.memory_space<vmem>>) semaphore(%run_scoped3A_107 : memref<!tpu.dma_semaphore, #tpu.memory_space<semaphore_mem>>) {add = true}
        %dma_wait3A_114 = arith.constant 0 : i32
        %dma_wait3A_115 = tpu.memref_slice %arg8[%add3A_96, %dma_wait3A_114] : memref<40x128xi32, #tpu.memory_space<vmem>> -> memref<1x128xi32, #tpu.memory_space<vmem>>
        %dma_wait3A_116 = tpu.memref_squeeze %dma_wait3A_115 : memref<1x128xi32, #tpu.memory_space<vmem>> -> memref<128xi32, #tpu.memory_space<vmem>>
        %dma_wait3A_117 = arith.constant 0 : i32
        %dma_wait3A_118 = arith.constant 0 : i32
        %dma_wait3A_119 = tpu.memref_slice %arg11[%dma_wait3A_117, %dma_wait3A_118] : memref<10240x128xf32, #tpu.memory_space<vmem_shared>> -> memref<10240x128xf32, #tpu.memory_space<vmem_shared>>
        tpu.wait_indirect_dma semaphore(%run_scoped3A_107 : memref<!tpu.dma_semaphore, #tpu.memory_space<semaphore_mem>>) src(%arg10 : memref<128x128xf32, #tpu.memory_space<vmem>>) dst(%dma_wait3A_119 : memref<10240x128xf32, #tpu.memory_space<vmem_shared>>)
        tpu.yield
      }) : () -> ()
      %add3A_97 = arith.constant 2 : i32
      %add3A_98 = arith.addi %mul3A_70, %add3A_97 : i32
      %add3A_99 = arith.constant 1 : i32
      %add3A_100 = arith.addi %add3A_98, %add3A_99 : i32
      %dma_start3A_101 = arith.constant 0 : i32
      %dma_start3A_102 = tpu.memref_slice %arg7[%add3A_100, %dma_start3A_101] : memref<40x128xi32, #tpu.memory_space<vmem>> -> memref<1x128xi32, #tpu.memory_space<vmem>>
      %dma_start3A_103 = tpu.memref_squeeze %dma_start3A_102 : memref<1x128xi32, #tpu.memory_space<vmem>> -> memref<128xi32, #tpu.memory_space<vmem>>
      %dma_start3A_104 = arith.constant 0 : i32
      %dma_start3A_105 = arith.constant 0 : i32
      %dma_start3A_106 = tpu.memref_slice %arg2[%dma_start3A_104, %dma_start3A_105] : memref<10240x128xf32, #tpu.memory_space<hbm>> -> memref<10240x128xf32, #tpu.memory_space<hbm>>
      tpu.enqueue_indirect_dma source(%dma_start3A_106 : memref<10240x128xf32, #tpu.memory_space<hbm>>) target(%arg10 : memref<128x128xf32, #tpu.memory_space<vmem>>) offsets(%dma_start3A_103 : memref<128xi32, #tpu.memory_space<vmem>>) semaphore(%arg13 : memref<!tpu.dma_semaphore, #tpu.memory_space<semaphore_mem>>)
    }
    %scan3A_20 = arith.constant 19 : i32
    %dma_wait3A = arith.constant 0 : i32
    %dma_wait3A_21 = arith.constant 0 : i32
    %dma_wait3A_22 = tpu.memref_slice %arg2[%dma_wait3A, %dma_wait3A_21] : memref<10240x128xf32, #tpu.memory_space<hbm>> -> memref<128x128xf32, #tpu.memory_space<hbm>>
    %dma_wait3A_23 = arith.constant 0 : i32
    %dma_wait3A_24 = arith.constant 0 : i32
    %dma_wait3A_25 = tpu.memref_slice %arg2[%dma_wait3A_23, %dma_wait3A_24] : memref<10240x128xf32, #tpu.memory_space<hbm>> -> memref<128x128xf32, #tpu.memory_space<hbm>>
    tpu.wait_dma2 semaphore(%arg12 : memref<!tpu.dma_semaphore, #tpu.memory_space<semaphore_mem>>) src(%dma_wait3A_25 : memref<128x128xf32, #tpu.memory_space<hbm>>) dst(%arg9 : memref<128x128xf32, #tpu.memory_space<vmem>>)
    %run_scoped3A = arith.constant 38 : i32
    "tpu.region"() ({
      %run_scoped3A_68 = tpu.sem_alloc : memref<!tpu.dma_semaphore, #tpu.memory_space<semaphore_mem>>
      %dma_start3A_69 = arith.constant 0 : i32
      %dma_start3A_70 = tpu.memref_slice %arg8[%run_scoped3A, %dma_start3A_69] : memref<40x128xi32, #tpu.memory_space<vmem>> -> memref<1x128xi32, #tpu.memory_space<vmem>>
      %dma_start3A_71 = tpu.memref_squeeze %dma_start3A_70 : memref<1x128xi32, #tpu.memory_space<vmem>> -> memref<128xi32, #tpu.memory_space<vmem>>
      %dma_start3A_72 = arith.constant 0 : i32
      %dma_start3A_73 = arith.constant 0 : i32
      %dma_start3A_74 = tpu.memref_slice %arg11[%dma_start3A_72, %dma_start3A_73] : memref<10240x128xf32, #tpu.memory_space<vmem_shared>> -> memref<10240x128xf32, #tpu.memory_space<vmem_shared>>
      tpu.enqueue_indirect_dma source(%arg9 : memref<128x128xf32, #tpu.memory_space<vmem>>) target(%dma_start3A_74 : memref<10240x128xf32, #tpu.memory_space<vmem_shared>>) offsets(%dma_start3A_71 : memref<128xi32, #tpu.memory_space<vmem>>) semaphore(%run_scoped3A_68 : memref<!tpu.dma_semaphore, #tpu.memory_space<semaphore_mem>>) {add = true}
      %dma_wait3A_75 = arith.constant 0 : i32
      %dma_wait3A_76 = tpu.memref_slice %arg8[%run_scoped3A, %dma_wait3A_75] : memref<40x128xi32, #tpu.memory_space<vmem>> -> memref<1x128xi32, #tpu.memory_space<vmem>>
      %dma_wait3A_77 = tpu.memref_squeeze %dma_wait3A_76 : memref<1x128xi32, #tpu.memory_space<vmem>> -> memref<128xi32, #tpu.memory_space<vmem>>
      %dma_wait3A_78 = arith.constant 0 : i32
      %dma_wait3A_79 = arith.constant 0 : i32
      %dma_wait3A_80 = tpu.memref_slice %arg11[%dma_wait3A_78, %dma_wait3A_79] : memref<10240x128xf32, #tpu.memory_space<vmem_shared>> -> memref<10240x128xf32, #tpu.memory_space<vmem_shared>>
      tpu.wait_indirect_dma semaphore(%run_scoped3A_68 : memref<!tpu.dma_semaphore, #tpu.memory_space<semaphore_mem>>) src(%arg9 : memref<128x128xf32, #tpu.memory_space<vmem>>) dst(%dma_wait3A_80 : memref<10240x128xf32, #tpu.memory_space<vmem_shared>>)
      tpu.yield
    }) : () -> ()
    %dma_wait3A_26 = arith.constant 0 : i32
    %dma_wait3A_27 = arith.constant 0 : i32
    %dma_wait3A_28 = tpu.memref_slice %arg2[%dma_wait3A_26, %dma_wait3A_27] : memref<10240x128xf32, #tpu.memory_space<hbm>> -> memref<128x128xf32, #tpu.memory_space<hbm>>
    %dma_wait3A_29 = arith.constant 0 : i32
    %dma_wait3A_30 = arith.constant 0 : i32
    %dma_wait3A_31 = tpu.memref_slice %arg2[%dma_wait3A_29, %dma_wait3A_30] : memref<10240x128xf32, #tpu.memory_space<hbm>> -> memref<128x128xf32, #tpu.memory_space<hbm>>
    tpu.wait_dma2 semaphore(%arg13 : memref<!tpu.dma_semaphore, #tpu.memory_space<semaphore_mem>>) src(%dma_wait3A_31 : memref<128x128xf32, #tpu.memory_space<hbm>>) dst(%arg10 : memref<128x128xf32, #tpu.memory_space<vmem>>)
    %run_scoped3A_32 = arith.constant 39 : i32
    "tpu.region"() ({
      %run_scoped3A_68 = tpu.sem_alloc : memref<!tpu.dma_semaphore, #tpu.memory_space<semaphore_mem>>
      %dma_start3A_69 = arith.constant 0 : i32
      %dma_start3A_70 = tpu.memref_slice %arg8[%run_scoped3A_32, %dma_start3A_69] : memref<40x128xi32, #tpu.memory_space<vmem>> -> memref<1x128xi32, #tpu.memory_space<vmem>>
      %dma_start3A_71 = tpu.memref_squeeze %dma_start3A_70 : memref<1x128xi32, #tpu.memory_space<vmem>> -> memref<128xi32, #tpu.memory_space<vmem>>
      %dma_start3A_72 = arith.constant 0 : i32
      %dma_start3A_73 = arith.constant 0 : i32
      %dma_start3A_74 = tpu.memref_slice %arg11[%dma_start3A_72, %dma_start3A_73] : memref<10240x128xf32, #tpu.memory_space<vmem_shared>> -> memref<10240x128xf32, #tpu.memory_space<vmem_shared>>
      tpu.enqueue_indirect_dma source(%arg10 : memref<128x128xf32, #tpu.memory_space<vmem>>) target(%dma_start3A_74 : memref<10240x128xf32, #tpu.memory_space<vmem_shared>>) offsets(%dma_start3A_71 : memref<128xi32, #tpu.memory_space<vmem>>) semaphore(%run_scoped3A_68 : memref<!tpu.dma_semaphore, #tpu.memory_space<semaphore_mem>>) {add = true}
      %dma_wait3A_75 = arith.constant 0 : i32
      %dma_wait3A_76 = tpu.memref_slice %arg8[%run_scoped3A_32, %dma_wait3A_75] : memref<40x128xi32, #tpu.memory_space<vmem>> -> memref<1x128xi32, #tpu.memory_space<vmem>>
      %dma_wait3A_77 = tpu.memref_squeeze %dma_wait3A_76 : memref<1x128xi32, #tpu.memory_space<vmem>> -> memref<128xi32, #tpu.memory_space<vmem>>
      %dma_wait3A_78 = arith.constant 0 : i32
      %dma_wait3A_79 = arith.constant 0 : i32
      %dma_wait3A_80 = tpu.memref_slice %arg11[%dma_wait3A_78, %dma_wait3A_79] : memref<10240x128xf32, #tpu.memory_space<vmem_shared>> -> memref<10240x128xf32, #tpu.memory_space<vmem_shared>>
      tpu.wait_indirect_dma semaphore(%run_scoped3A_68 : memref<!tpu.dma_semaphore, #tpu.memory_space<semaphore_mem>>) src(%arg10 : memref<128x128xf32, #tpu.memory_space<vmem>>) dst(%dma_wait3A_80 : memref<10240x128xf32, #tpu.memory_space<vmem_shared>>)
      tpu.yield
    }) : () -> ()
    "tpu.region"() ({
      %run_scoped3A_68 = tpu.sem_alloc : memref<!tpu.dma_semaphore, #tpu.memory_space<semaphore_mem>>
      %dma_start3A_69 = arith.constant 40 : i32
      %dma_start3A_70 = arith.constant 0 : i32
      %dma_start3A_71 = tpu.memref_slice %arg3[%add3A, %dma_start3A_69, %dma_start3A_70] : memref<32x80x128xi32, #tpu.memory_space<hbm>> -> memref<1x40x128xi32, #tpu.memory_space<hbm>>
      %dma_start3A_72 = tpu.memref_squeeze %dma_start3A_71 : memref<1x40x128xi32, #tpu.memory_space<hbm>> -> memref<40x128xi32, #tpu.memory_space<hbm>>
      %dma_start3A_73 = arith.constant 40 : i32
      %dma_start3A_74 = arith.constant 0 : i32
      %dma_start3A_75 = tpu.memref_slice %arg3[%add3A, %dma_start3A_73, %dma_start3A_74] : memref<32x80x128xi32, #tpu.memory_space<hbm>> -> memref<1x40x128xi32, #tpu.memory_space<hbm>>
      %dma_start3A_76 = tpu.memref_squeeze %dma_start3A_75 : memref<1x40x128xi32, #tpu.memory_space<hbm>> -> memref<40x128xi32, #tpu.memory_space<hbm>>
      tpu.enqueue_dma source(%dma_start3A_76 : memref<40x128xi32, #tpu.memory_space<hbm>>) target(%arg7 : memref<40x128xi32, #tpu.memory_space<vmem>>) target_semaphore(%run_scoped3A_68 : memref<!tpu.dma_semaphore, #tpu.memory_space<semaphore_mem>>)
      %dma_wait3A_77 = arith.constant 40 : i32
      %dma_wait3A_78 = arith.constant 0 : i32
      %dma_wait3A_79 = tpu.memref_slice %arg3[%add3A, %dma_wait3A_77, %dma_wait3A_78] : memref<32x80x128xi32, #tpu.memory_space<hbm>> -> memref<1x40x128xi32, #tpu.memory_space<hbm>>
      %dma_wait3A_80 = tpu.memref_squeeze %dma_wait3A_79 : memref<1x40x128xi32, #tpu.memory_space<hbm>> -> memref<40x128xi32, #tpu.memory_space<hbm>>
      %dma_wait3A_81 = arith.constant 40 : i32
      %dma_wait3A_82 = arith.constant 0 : i32
      %dma_wait3A_83 = tpu.memref_slice %arg3[%add3A, %dma_wait3A_81, %dma_wait3A_82] : memref<32x80x128xi32, #tpu.memory_space<hbm>> -> memref<1x40x128xi32, #tpu.memory_space<hbm>>
      %dma_wait3A_84 = tpu.memref_squeeze %dma_wait3A_83 : memref<1x40x128xi32, #tpu.memory_space<hbm>> -> memref<40x128xi32, #tpu.memory_space<hbm>>
      tpu.wait_dma2 semaphore(%run_scoped3A_68 : memref<!tpu.dma_semaphore, #tpu.memory_space<semaphore_mem>>) src(%dma_wait3A_84 : memref<40x128xi32, #tpu.memory_space<hbm>>) dst(%arg7 : memref<40x128xi32, #tpu.memory_space<vmem>>)
      tpu.yield
    }) : () -> ()
    "tpu.region"() ({
      %run_scoped3A_68 = tpu.sem_alloc : memref<!tpu.dma_semaphore, #tpu.memory_space<semaphore_mem>>
      %dma_start3A_69 = arith.constant 40 : i32
      %dma_start3A_70 = arith.constant 0 : i32
      %dma_start3A_71 = tpu.memref_slice %arg4[%add3A, %dma_start3A_69, %dma_start3A_70] : memref<32x80x128xi32, #tpu.memory_space<hbm>> -> memref<1x40x128xi32, #tpu.memory_space<hbm>>
      %dma_start3A_72 = tpu.memref_squeeze %dma_start3A_71 : memref<1x40x128xi32, #tpu.memory_space<hbm>> -> memref<40x128xi32, #tpu.memory_space<hbm>>
      %dma_start3A_73 = arith.constant 40 : i32
      %dma_start3A_74 = arith.constant 0 : i32
      %dma_start3A_75 = tpu.memref_slice %arg4[%add3A, %dma_start3A_73, %dma_start3A_74] : memref<32x80x128xi32, #tpu.memory_space<hbm>> -> memref<1x40x128xi32, #tpu.memory_space<hbm>>
      %dma_start3A_76 = tpu.memref_squeeze %dma_start3A_75 : memref<1x40x128xi32, #tpu.memory_space<hbm>> -> memref<40x128xi32, #tpu.memory_space<hbm>>
      tpu.enqueue_dma source(%dma_start3A_76 : memref<40x128xi32, #tpu.memory_space<hbm>>) target(%arg8 : memref<40x128xi32, #tpu.memory_space<vmem>>) target_semaphore(%run_scoped3A_68 : memref<!tpu.dma_semaphore, #tpu.memory_space<semaphore_mem>>)
      %dma_wait3A_77 = arith.constant 40 : i32
      %dma_wait3A_78 = arith.constant 0 : i32
      %dma_wait3A_79 = tpu.memref_slice %arg4[%add3A, %dma_wait3A_77, %dma_wait3A_78] : memref<32x80x128xi32, #tpu.memory_space<hbm>> -> memref<1x40x128xi32, #tpu.memory_space<hbm>>
      %dma_wait3A_80 = tpu.memref_squeeze %dma_wait3A_79 : memref<1x40x128xi32, #tpu.memory_space<hbm>> -> memref<40x128xi32, #tpu.memory_space<hbm>>
      %dma_wait3A_81 = arith.constant 40 : i32
      %dma_wait3A_82 = arith.constant 0 : i32
      %dma_wait3A_83 = tpu.memref_slice %arg4[%add3A, %dma_wait3A_81, %dma_wait3A_82] : memref<32x80x128xi32, #tpu.memory_space<hbm>> -> memref<1x40x128xi32, #tpu.memory_space<hbm>>
      %dma_wait3A_84 = tpu.memref_squeeze %dma_wait3A_83 : memref<1x40x128xi32, #tpu.memory_space<hbm>> -> memref<40x128xi32, #tpu.memory_space<hbm>>
      tpu.wait_dma2 semaphore(%run_scoped3A_68 : memref<!tpu.dma_semaphore, #tpu.memory_space<semaphore_mem>>) src(%dma_wait3A_84 : memref<40x128xi32, #tpu.memory_space<hbm>>) dst(%arg8 : memref<40x128xi32, #tpu.memory_space<vmem>>)
      tpu.yield
    }) : () -> ()
    %dma_start3A_33 = arith.constant 0 : i32
    %dma_start3A_34 = arith.constant 0 : i32
    %dma_start3A_35 = tpu.memref_slice %arg7[%dma_start3A_33, %dma_start3A_34] : memref<40x128xi32, #tpu.memory_space<vmem>> -> memref<1x128xi32, #tpu.memory_space<vmem>>
    %dma_start3A_36 = tpu.memref_squeeze %dma_start3A_35 : memref<1x128xi32, #tpu.memory_space<vmem>> -> memref<128xi32, #tpu.memory_space<vmem>>
    %dma_start3A_37 = arith.constant 0 : i32
    %dma_start3A_38 = arith.constant 0 : i32
    %dma_start3A_39 = tpu.memref_slice %arg2[%dma_start3A_37, %dma_start3A_38] : memref<10240x128xf32, #tpu.memory_space<hbm>> -> memref<10240x128xf32, #tpu.memory_space<hbm>>
    tpu.enqueue_indirect_dma source(%dma_start3A_39 : memref<10240x128xf32, #tpu.memory_space<hbm>>) target(%arg9 : memref<128x128xf32, #tpu.memory_space<vmem>>) offsets(%dma_start3A_36 : memref<128xi32, #tpu.memory_space<vmem>>) semaphore(%arg12 : memref<!tpu.dma_semaphore, #tpu.memory_space<semaphore_mem>>)
    %dma_start3A_40 = arith.constant 1 : i32
    %dma_start3A_41 = arith.constant 0 : i32
    %dma_start3A_42 = tpu.memref_slice %arg7[%dma_start3A_40, %dma_start3A_41] : memref<40x128xi32, #tpu.memory_space<vmem>> -> memref<1x128xi32, #tpu.memory_space<vmem>>
    %dma_start3A_43 = tpu.memref_squeeze %dma_start3A_42 : memref<1x128xi32, #tpu.memory_space<vmem>> -> memref<128xi32, #tpu.memory_space<vmem>>
    %dma_start3A_44 = arith.constant 0 : i32
    %dma_start3A_45 = arith.constant 0 : i32
    %dma_start3A_46 = tpu.memref_slice %arg2[%dma_start3A_44, %dma_start3A_45] : memref<10240x128xf32, #tpu.memory_space<hbm>> -> memref<10240x128xf32, #tpu.memory_space<hbm>>
    tpu.enqueue_indirect_dma source(%dma_start3A_46 : memref<10240x128xf32, #tpu.memory_space<hbm>>) target(%arg10 : memref<128x128xf32, #tpu.memory_space<vmem>>) offsets(%dma_start3A_43 : memref<128xi32, #tpu.memory_space<vmem>>) semaphore(%arg13 : memref<!tpu.dma_semaphore, #tpu.memory_space<semaphore_mem>>)
    %scan3A_47 = arith.constant 0 : i32
    %scan3A_48 = arith.constant 0 : i32
    %scan3A_49 = arith.constant 19 : i32
    %scan3A_50 = arith.addi %scan3A_48, %scan3A_49 : i32
    %scan3A_51 = arith.constant 1 : i32
    scf.for %scan3A_68 = %scan3A_48 to %scan3A_50 step %scan3A_51  : i32 {
      %mul3A_69 = arith.constant 2 : i32
      %mul3A_70 = arith.muli %scan3A_68, %mul3A_69 : i32
      %dma_wait3A_71 = arith.constant 0 : i32
      %dma_wait3A_72 = arith.constant 0 : i32
      %dma_wait3A_73 = tpu.memref_slice %arg2[%dma_wait3A_71, %dma_wait3A_72] : memref<10240x128xf32, #tpu.memory_space<hbm>> -> memref<128x128xf32, #tpu.memory_space<hbm>>
      %dma_wait3A_74 = arith.constant 0 : i32
      %dma_wait3A_75 = arith.constant 0 : i32
      %dma_wait3A_76 = tpu.memref_slice %arg2[%dma_wait3A_74, %dma_wait3A_75] : memref<10240x128xf32, #tpu.memory_space<hbm>> -> memref<128x128xf32, #tpu.memory_space<hbm>>
      tpu.wait_dma2 semaphore(%arg12 : memref<!tpu.dma_semaphore, #tpu.memory_space<semaphore_mem>>) src(%dma_wait3A_76 : memref<128x128xf32, #tpu.memory_space<hbm>>) dst(%arg9 : memref<128x128xf32, #tpu.memory_space<vmem>>)
      %add3A_77 = arith.constant 0 : i32
      %add3A_78 = arith.addi %mul3A_70, %add3A_77 : i32
      "tpu.region"() ({
        %run_scoped3A_107 = tpu.sem_alloc : memref<!tpu.dma_semaphore, #tpu.memory_space<semaphore_mem>>
        %dma_start3A_108 = arith.constant 0 : i32
        %dma_start3A_109 = tpu.memref_slice %arg8[%add3A_78, %dma_start3A_108] : memref<40x128xi32, #tpu.memory_space<vmem>> -> memref<1x128xi32, #tpu.memory_space<vmem>>
        %dma_start3A_110 = tpu.memref_squeeze %dma_start3A_109 : memref<1x128xi32, #tpu.memory_space<vmem>> -> memref<128xi32, #tpu.memory_space<vmem>>
        %dma_start3A_111 = arith.constant 0 : i32
        %dma_start3A_112 = arith.constant 0 : i32
        %dma_start3A_113 = tpu.memref_slice %arg11[%dma_start3A_111, %dma_start3A_112] : memref<10240x128xf32, #tpu.memory_space<vmem_shared>> -> memref<10240x128xf32, #tpu.memory_space<vmem_shared>>
        tpu.enqueue_indirect_dma source(%arg9 : memref<128x128xf32, #tpu.memory_space<vmem>>) target(%dma_start3A_113 : memref<10240x128xf32, #tpu.memory_space<vmem_shared>>) offsets(%dma_start3A_110 : memref<128xi32, #tpu.memory_space<vmem>>) semaphore(%run_scoped3A_107 : memref<!tpu.dma_semaphore, #tpu.memory_space<semaphore_mem>>) {add = true}
        %dma_wait3A_114 = arith.constant 0 : i32
        %dma_wait3A_115 = tpu.memref_slice %arg8[%add3A_78, %dma_wait3A_114] : memref<40x128xi32, #tpu.memory_space<vmem>> -> memref<1x128xi32, #tpu.memory_space<vmem>>
        %dma_wait3A_116 = tpu.memref_squeeze %dma_wait3A_115 : memref<1x128xi32, #tpu.memory_space<vmem>> -> memref<128xi32, #tpu.memory_space<vmem>>
        %dma_wait3A_117 = arith.constant 0 : i32
        %dma_wait3A_118 = arith.constant 0 : i32
        %dma_wait3A_119 = tpu.memref_slice %arg11[%dma_wait3A_117, %dma_wait3A_118] : memref<10240x128xf32, #tpu.memory_space<vmem_shared>> -> memref<10240x128xf32, #tpu.memory_space<vmem_shared>>
        tpu.wait_indirect_dma semaphore(%run_scoped3A_107 : memref<!tpu.dma_semaphore, #tpu.memory_space<semaphore_mem>>) src(%arg9 : memref<128x128xf32, #tpu.memory_space<vmem>>) dst(%dma_wait3A_119 : memref<10240x128xf32, #tpu.memory_space<vmem_shared>>)
        tpu.yield
      }) : () -> ()
      %add3A_79 = arith.constant 2 : i32
      %add3A_80 = arith.addi %mul3A_70, %add3A_79 : i32
      %add3A_81 = arith.constant 0 : i32
      %add3A_82 = arith.addi %add3A_80, %add3A_81 : i32
      %dma_start3A_83 = arith.constant 0 : i32
      %dma_start3A_84 = tpu.memref_slice %arg7[%add3A_82, %dma_start3A_83] : memref<40x128xi32, #tpu.memory_space<vmem>> -> memref<1x128xi32, #tpu.memory_space<vmem>>
      %dma_start3A_85 = tpu.memref_squeeze %dma_start3A_84 : memref<1x128xi32, #tpu.memory_space<vmem>> -> memref<128xi32, #tpu.memory_space<vmem>>
      %dma_start3A_86 = arith.constant 0 : i32
      %dma_start3A_87 = arith.constant 0 : i32
      %dma_start3A_88 = tpu.memref_slice %arg2[%dma_start3A_86, %dma_start3A_87] : memref<10240x128xf32, #tpu.memory_space<hbm>> -> memref<10240x128xf32, #tpu.memory_space<hbm>>
      tpu.enqueue_indirect_dma source(%dma_start3A_88 : memref<10240x128xf32, #tpu.memory_space<hbm>>) target(%arg9 : memref<128x128xf32, #tpu.memory_space<vmem>>) offsets(%dma_start3A_85 : memref<128xi32, #tpu.memory_space<vmem>>) semaphore(%arg12 : memref<!tpu.dma_semaphore, #tpu.memory_space<semaphore_mem>>)
      %dma_wait3A_89 = arith.constant 0 : i32
      %dma_wait3A_90 = arith.constant 0 : i32
      %dma_wait3A_91 = tpu.memref_slice %arg2[%dma_wait3A_89, %dma_wait3A_90] : memref<10240x128xf32, #tpu.memory_space<hbm>> -> memref<128x128xf32, #tpu.memory_space<hbm>>
      %dma_wait3A_92 = arith.constant 0 : i32
      %dma_wait3A_93 = arith.constant 0 : i32
      %dma_wait3A_94 = tpu.memref_slice %arg2[%dma_wait3A_92, %dma_wait3A_93] : memref<10240x128xf32, #tpu.memory_space<hbm>> -> memref<128x128xf32, #tpu.memory_space<hbm>>
      tpu.wait_dma2 semaphore(%arg13 : memref<!tpu.dma_semaphore, #tpu.memory_space<semaphore_mem>>) src(%dma_wait3A_94 : memref<128x128xf32, #tpu.memory_space<hbm>>) dst(%arg10 : memref<128x128xf32, #tpu.memory_space<vmem>>)
      %add3A_95 = arith.constant 1 : i32
      %add3A_96 = arith.addi %mul3A_70, %add3A_95 : i32
      "tpu.region"() ({
        %run_scoped3A_107 = tpu.sem_alloc : memref<!tpu.dma_semaphore, #tpu.memory_space<semaphore_mem>>
        %dma_start3A_108 = arith.constant 0 : i32
        %dma_start3A_109 = tpu.memref_slice %arg8[%add3A_96, %dma_start3A_108] : memref<40x128xi32, #tpu.memory_space<vmem>> -> memref<1x128xi32, #tpu.memory_space<vmem>>
        %dma_start3A_110 = tpu.memref_squeeze %dma_start3A_109 : memref<1x128xi32, #tpu.memory_space<vmem>> -> memref<128xi32, #tpu.memory_space<vmem>>
        %dma_start3A_111 = arith.constant 0 : i32
        %dma_start3A_112 = arith.constant 0 : i32
        %dma_start3A_113 = tpu.memref_slice %arg11[%dma_start3A_111, %dma_start3A_112] : memref<10240x128xf32, #tpu.memory_space<vmem_shared>> -> memref<10240x128xf32, #tpu.memory_space<vmem_shared>>
        tpu.enqueue_indirect_dma source(%arg10 : memref<128x128xf32, #tpu.memory_space<vmem>>) target(%dma_start3A_113 : memref<10240x128xf32, #tpu.memory_space<vmem_shared>>) offsets(%dma_start3A_110 : memref<128xi32, #tpu.memory_space<vmem>>) semaphore(%run_scoped3A_107 : memref<!tpu.dma_semaphore, #tpu.memory_space<semaphore_mem>>) {add = true}
        %dma_wait3A_114 = arith.constant 0 : i32
        %dma_wait3A_115 = tpu.memref_slice %arg8[%add3A_96, %dma_wait3A_114] : memref<40x128xi32, #tpu.memory_space<vmem>> -> memref<1x128xi32, #tpu.memory_space<vmem>>
        %dma_wait3A_116 = tpu.memref_squeeze %dma_wait3A_115 : memref<1x128xi32, #tpu.memory_space<vmem>> -> memref<128xi32, #tpu.memory_space<vmem>>
        %dma_wait3A_117 = arith.constant 0 : i32
        %dma_wait3A_118 = arith.constant 0 : i32
        %dma_wait3A_119 = tpu.memref_slice %arg11[%dma_wait3A_117, %dma_wait3A_118] : memref<10240x128xf32, #tpu.memory_space<vmem_shared>> -> memref<10240x128xf32, #tpu.memory_space<vmem_shared>>
        tpu.wait_indirect_dma semaphore(%run_scoped3A_107 : memref<!tpu.dma_semaphore, #tpu.memory_space<semaphore_mem>>) src(%arg10 : memref<128x128xf32, #tpu.memory_space<vmem>>) dst(%dma_wait3A_119 : memref<10240x128xf32, #tpu.memory_space<vmem_shared>>)
        tpu.yield
      }) : () -> ()
      %add3A_97 = arith.constant 2 : i32
      %add3A_98 = arith.addi %mul3A_70, %add3A_97 : i32
      %add3A_99 = arith.constant 1 : i32
      %add3A_100 = arith.addi %add3A_98, %add3A_99 : i32
      %dma_start3A_101 = arith.constant 0 : i32
      %dma_start3A_102 = tpu.memref_slice %arg7[%add3A_100, %dma_start3A_101] : memref<40x128xi32, #tpu.memory_space<vmem>> -> memref<1x128xi32, #tpu.memory_space<vmem>>
      %dma_start3A_103 = tpu.memref_squeeze %dma_start3A_102 : memref<1x128xi32, #tpu.memory_space<vmem>> -> memref<128xi32, #tpu.memory_space<vmem>>
      %dma_start3A_104 = arith.constant 0 : i32
      %dma_start3A_105 = arith.constant 0 : i32
      %dma_start3A_106 = tpu.memref_slice %arg2[%dma_start3A_104, %dma_start3A_105] : memref<10240x128xf32, #tpu.memory_space<hbm>> -> memref<10240x128xf32, #tpu.memory_space<hbm>>
      tpu.enqueue_indirect_dma source(%dma_start3A_106 : memref<10240x128xf32, #tpu.memory_space<hbm>>) target(%arg10 : memref<128x128xf32, #tpu.memory_space<vmem>>) offsets(%dma_start3A_103 : memref<128xi32, #tpu.memory_space<vmem>>) semaphore(%arg13 : memref<!tpu.dma_semaphore, #tpu.memory_space<semaphore_mem>>)
    }
    %scan3A_52 = arith.constant 19 : i32
    %dma_wait3A_53 = arith.constant 0 : i32
    %dma_wait3A_54 = arith.constant 0 : i32
    %dma_wait3A_55 = tpu.memref_slice %arg2[%dma_wait3A_53, %dma_wait3A_54] : memref<10240x128xf32, #tpu.memory_space<hbm>> -> memref<128x128xf32, #tpu.memory_space<hbm>>
    %dma_wait3A_56 = arith.constant 0 : i32
    %dma_wait3A_57 = arith.constant 0 : i32
    %dma_wait3A_58 = tpu.memref_slice %arg2[%dma_wait3A_56, %dma_wait3A_57] : memref<10240x128xf32, #tpu.memory_space<hbm>> -> memref<128x128xf32, #tpu.memory_space<hbm>>
    tpu.wait_dma2 semaphore(%arg12 : memref<!tpu.dma_semaphore, #tpu.memory_space<semaphore_mem>>) src(%dma_wait3A_58 : memref<128x128xf32, #tpu.memory_space<hbm>>) dst(%arg9 : memref<128x128xf32, #tpu.memory_space<vmem>>)
    %run_scoped3A_59 = arith.constant 38 : i32
    "tpu.region"() ({
      %run_scoped3A_68 = tpu.sem_alloc : memref<!tpu.dma_semaphore, #tpu.memory_space<semaphore_mem>>
      %dma_start3A_69 = arith.constant 0 : i32
      %dma_start3A_70 = tpu.memref_slice %arg8[%run_scoped3A_59, %dma_start3A_69] : memref<40x128xi32, #tpu.memory_space<vmem>> -> memref<1x128xi32, #tpu.memory_space<vmem>>
      %dma_start3A_71 = tpu.memref_squeeze %dma_start3A_70 : memref<1x128xi32, #tpu.memory_space<vmem>> -> memref<128xi32, #tpu.memory_space<vmem>>
      %dma_start3A_72 = arith.constant 0 : i32
      %dma_start3A_73 = arith.constant 0 : i32
      %dma_start3A_74 = tpu.memref_slice %arg11[%dma_start3A_72, %dma_start3A_73] : memref<10240x128xf32, #tpu.memory_space<vmem_shared>> -> memref<10240x128xf32, #tpu.memory_space<vmem_shared>>
      tpu.enqueue_indirect_dma source(%arg9 : memref<128x128xf32, #tpu.memory_space<vmem>>) target(%dma_start3A_74 : memref<10240x128xf32, #tpu.memory_space<vmem_shared>>) offsets(%dma_start3A_71 : memref<128xi32, #tpu.memory_space<vmem>>) semaphore(%run_scoped3A_68 : memref<!tpu.dma_semaphore, #tpu.memory_space<semaphore_mem>>) {add = true}
      %dma_wait3A_75 = arith.constant 0 : i32
      %dma_wait3A_76 = tpu.memref_slice %arg8[%run_scoped3A_59, %dma_wait3A_75] : memref<40x128xi32, #tpu.memory_space<vmem>> -> memref<1x128xi32, #tpu.memory_space<vmem>>
      %dma_wait3A_77 = tpu.memref_squeeze %dma_wait3A_76 : memref<1x128xi32, #tpu.memory_space<vmem>> -> memref<128xi32, #tpu.memory_space<vmem>>
      %dma_wait3A_78 = arith.constant 0 : i32
      %dma_wait3A_79 = arith.constant 0 : i32
      %dma_wait3A_80 = tpu.memref_slice %arg11[%dma_wait3A_78, %dma_wait3A_79] : memref<10240x128xf32, #tpu.memory_space<vmem_shared>> -> memref<10240x128xf32, #tpu.memory_space<vmem_shared>>
      tpu.wait_indirect_dma semaphore(%run_scoped3A_68 : memref<!tpu.dma_semaphore, #tpu.memory_space<semaphore_mem>>) src(%arg9 : memref<128x128xf32, #tpu.memory_space<vmem>>) dst(%dma_wait3A_80 : memref<10240x128xf32, #tpu.memory_space<vmem_shared>>)
      tpu.yield
    }) : () -> ()
    %dma_wait3A_60 = arith.constant 0 : i32
    %dma_wait3A_61 = arith.constant 0 : i32
    %dma_wait3A_62 = tpu.memref_slice %arg2[%dma_wait3A_60, %dma_wait3A_61] : memref<10240x128xf32, #tpu.memory_space<hbm>> -> memref<128x128xf32, #tpu.memory_space<hbm>>
    %dma_wait3A_63 = arith.constant 0 : i32
    %dma_wait3A_64 = arith.constant 0 : i32
    %dma_wait3A_65 = tpu.memref_slice %arg2[%dma_wait3A_63, %dma_wait3A_64] : memref<10240x128xf32, #tpu.memory_space<hbm>> -> memref<128x128xf32, #tpu.memory_space<hbm>>
    tpu.wait_dma2 semaphore(%arg13 : memref<!tpu.dma_semaphore, #tpu.memory_space<semaphore_mem>>) src(%dma_wait3A_65 : memref<128x128xf32, #tpu.memory_space<hbm>>) dst(%arg10 : memref<128x128xf32, #tpu.memory_space<vmem>>)
    %run_scoped3A_66 = arith.constant 39 : i32
    "tpu.region"() ({
      %run_scoped3A_68 = tpu.sem_alloc : memref<!tpu.dma_semaphore, #tpu.memory_space<semaphore_mem>>
      %dma_start3A_69 = arith.constant 0 : i32
      %dma_start3A_70 = tpu.memref_slice %arg8[%run_scoped3A_66, %dma_start3A_69] : memref<40x128xi32, #tpu.memory_space<vmem>> -> memref<1x128xi32, #tpu.memory_space<vmem>>
      %dma_start3A_71 = tpu.memref_squeeze %dma_start3A_70 : memref<1x128xi32, #tpu.memory_space<vmem>> -> memref<128xi32, #tpu.memory_space<vmem>>
      %dma_start3A_72 = arith.constant 0 : i32
      %dma_start3A_73 = arith.constant 0 : i32
      %dma_start3A_74 = tpu.memref_slice %arg11[%dma_start3A_72, %dma_start3A_73] : memref<10240x128xf32, #tpu.memory_space<vmem_shared>> -> memref<10240x128xf32, #tpu.memory_space<vmem_shared>>
      tpu.enqueue_indirect_dma source(%arg10 : memref<128x128xf32, #tpu.memory_space<vmem>>) target(%dma_start3A_74 : memref<10240x128xf32, #tpu.memory_space<vmem_shared>>) offsets(%dma_start3A_71 : memref<128xi32, #tpu.memory_space<vmem>>) semaphore(%run_scoped3A_68 : memref<!tpu.dma_semaphore, #tpu.memory_space<semaphore_mem>>) {add = true}
      %dma_wait3A_75 = arith.constant 0 : i32
      %dma_wait3A_76 = tpu.memref_slice %arg8[%run_scoped3A_66, %dma_wait3A_75] : memref<40x128xi32, #tpu.memory_space<vmem>> -> memref<1x128xi32, #tpu.memory_space<vmem>>
      %dma_wait3A_77 = tpu.memref_squeeze %dma_wait3A_76 : memref<1x128xi32, #tpu.memory_space<vmem>> -> memref<128xi32, #tpu.memory_space<vmem>>
      %dma_wait3A_78 = arith.constant 0 : i32
      %dma_wait3A_79 = arith.constant 0 : i32
      %dma_wait3A_80 = tpu.memref_slice %arg11[%dma_wait3A_78, %dma_wait3A_79] : memref<10240x128xf32, #tpu.memory_space<vmem_shared>> -> memref<10240x128xf32, #tpu.memory_space<vmem_shared>>
      tpu.wait_indirect_dma semaphore(%run_scoped3A_68 : memref<!tpu.dma_semaphore, #tpu.memory_space<semaphore_mem>>) src(%arg10 : memref<128x128xf32, #tpu.memory_space<vmem>>) dst(%dma_wait3A_80 : memref<10240x128xf32, #tpu.memory_space<vmem_shared>>)
      tpu.yield
    }) : () -> ()
    %barrier3A_67 = arith.constant 0 : index
    tpu.barrier barrier_id(%barrier3A_67)
    "tpu.region"() ({
      %run_scoped3A_68 = tpu.sem_alloc : memref<!tpu.dma_semaphore, #tpu.memory_space<semaphore_mem>>
      %dma_start3A_69 = arith.constant 0 : i32
      %dma_start3A_70 = tpu.memref_slice %arg6[%arg0, %mul3A_2, %dma_start3A_69] : memref<2x10240x128xf32, #tpu.memory_space<hbm>> -> memref<1x640x128xf32, #tpu.memory_space<hbm>>
      %dma_start3A_71 = tpu.memref_squeeze %dma_start3A_70 : memref<1x640x128xf32, #tpu.memory_space<hbm>> -> memref<640x128xf32, #tpu.memory_space<hbm>>
      %dma_start3A_72 = arith.constant 0 : i32
      %dma_start3A_73 = tpu.memref_slice %arg11[%mul3A_2, %dma_start3A_72] : memref<10240x128xf32, #tpu.memory_space<vmem_shared>> -> memref<640x128xf32, #tpu.memory_space<vmem_shared>>
      tpu.enqueue_dma source(%dma_start3A_73 : memref<640x128xf32, #tpu.memory_space<vmem_shared>>) target(%dma_start3A_71 : memref<640x128xf32, #tpu.memory_space<hbm>>) target_semaphore(%run_scoped3A_68 : memref<!tpu.dma_semaphore, #tpu.memory_space<semaphore_mem>>)
      %dma_wait3A_74 = arith.constant 0 : i32
      %dma_wait3A_75 = tpu.memref_slice %arg6[%arg0, %mul3A_2, %dma_wait3A_74] : memref<2x10240x128xf32, #tpu.memory_space<hbm>> -> memref<1x640x128xf32, #tpu.memory_space<hbm>>
      %dma_wait3A_76 = tpu.memref_squeeze %dma_wait3A_75 : memref<1x640x128xf32, #tpu.memory_space<hbm>> -> memref<640x128xf32, #tpu.memory_space<hbm>>
      %dma_wait3A_77 = arith.constant 0 : i32
      %dma_wait3A_78 = tpu.memref_slice %arg11[%mul3A_2, %dma_wait3A_77] : memref<10240x128xf32, #tpu.memory_space<vmem_shared>> -> memref<640x128xf32, #tpu.memory_space<vmem_shared>>
      tpu.wait_dma2 semaphore(%run_scoped3A_68 : memref<!tpu.dma_semaphore, #tpu.memory_space<semaphore_mem>>) src(%dma_wait3A_78 : memref<640x128xf32, #tpu.memory_space<vmem_shared>>) dst(%dma_wait3A_76 : memref<640x128xf32, #tpu.memory_space<hbm>>)
      tpu.yield
    }) : () -> ()
    return
  }
}

#map = affine_map<(d0, d1) -> (0, 0)>
#map1 = affine_map<(d0, d1) -> (0, 0, 0)>
module attributes {stable_mosaic.version = 14 : i64} {
  func.func @sc_kernel(%arg0: i32, %arg1: i32, %arg2: memref<10240x128xf32, #tpu.memory_space<hbm>>, %arg3: memref<32x80x128xi32, #tpu.memory_space<hbm>>, %arg4: memref<32x80x128xi32, #tpu.memory_space<hbm>>, %arg5: memref<640x128xf32, #tpu.memory_space<hbm>>, %arg6: memref<2x10240x128xf32, #tpu.memory_space<hbm>>, %arg7: memref<40x128xi32, #tpu.memory_space<vmem>>, %arg8: memref<40x128xi32, #tpu.memory_space<vmem>>, %arg9: memref<128x128xf32, #tpu.memory_space<vmem>>, %arg10: memref<128x128xf32, #tpu.memory_space<vmem>>, %arg11: memref<10240x128xf32, #tpu.memory_space<vmem_shared>>, %arg12: memref<!tpu.dma_semaphore, #tpu.memory_space<semaphore_mem>>, %arg13: memref<!tpu.dma_semaphore, #tpu.memory_space<semaphore_mem>>) attributes {dimension_semantics = [#tpu.dimension_semantics<core_parallel>, #tpu.dimension_semantics<subcore_parallel>], iteration_bounds = array<i64: 2, 16>, scalar_prefetch = 0 : i64, scratch_operands = 7 : i64, tpu.core_type = #tpu.core_type<sc_vector_subcore>, window_params = [{transform_indices = #map}, {transform_indices = #map1}, {transform_indices = #map1}, {transform_indices = #map}, {transform_indices = #map1}]} {
    %mul3A = arith.constant 16 : i32
    %mul3A_0 = arith.muli %arg0, %mul3A : i32
    %add3A = arith.addi %mul3A_0, %arg1 : i32
    %mul3A_1 = arith.constant 640 : i32
    %mul3A_2 = arith.muli %arg1, %mul3A_1 : i32
    "tpu.region"() ({
      %run_scoped3A_68 = tpu.sem_alloc : memref<!tpu.dma_semaphore, #tpu.memory_space<semaphore_mem>>
      %dma_start3A_69 = arith.constant 0 : i32
      %dma_start3A_70 = tpu.memref_slice %arg11[%mul3A_2, %dma_start3A_69] : memref<10240x128xf32, #tpu.memory_space<vmem_shared>> -> memref<640x128xf32, #tpu.memory_space<vmem_shared>>
      tpu.enqueue_dma source(%arg5 : memref<640x128xf32, #tpu.memory_space<hbm>>) target(%dma_start3A_70 : memref<640x128xf32, #tpu.memory_space<vmem_shared>>) target_semaphore(%run_scoped3A_68 : memref<!tpu.dma_semaphore, #tpu.memory_space<semaphore_mem>>)
      %dma_wait3A_71 = arith.constant 0 : i32
      %dma_wait3A_72 = tpu.memref_slice %arg11[%mul3A_2, %dma_wait3A_71] : memref<10240x128xf32, #tpu.memory_space<vmem_shared>> -> memref<640x128xf32, #tpu.memory_space<vmem_shared>>
      tpu.wait_dma2 semaphore(%run_scoped3A_68 : memref<!tpu.dma_semaphore, #tpu.memory_space<semaphore_mem>>) src(%arg5 : memref<640x128xf32, #tpu.memory_space<hbm>>) dst(%dma_wait3A_72 : memref<640x128xf32, #tpu.memory_space<vmem_shared>>)
      tpu.yield
    }) : () -> ()
    %barrier3A = arith.constant 0 : index
    tpu.barrier barrier_id(%barrier3A)
    "tpu.region"() ({
      %run_scoped3A_68 = tpu.sem_alloc : memref<!tpu.dma_semaphore, #tpu.memory_space<semaphore_mem>>
      %dma_start3A_69 = arith.constant 0 : i32
      %dma_start3A_70 = arith.constant 0 : i32
      %dma_start3A_71 = tpu.memref_slice %arg3[%add3A, %dma_start3A_69, %dma_start3A_70] : memref<32x80x128xi32, #tpu.memory_space<hbm>> -> memref<1x40x128xi32, #tpu.memory_space<hbm>>
      %dma_start3A_72 = tpu.memref_squeeze %dma_start3A_71 : memref<1x40x128xi32, #tpu.memory_space<hbm>> -> memref<40x128xi32, #tpu.memory_space<hbm>>
      %dma_start3A_73 = arith.constant 0 : i32
      %dma_start3A_74 = arith.constant 0 : i32
      %dma_start3A_75 = tpu.memref_slice %arg3[%add3A, %dma_start3A_73, %dma_start3A_74] : memref<32x80x128xi32, #tpu.memory_space<hbm>> -> memref<1x40x128xi32, #tpu.memory_space<hbm>>
      %dma_start3A_76 = tpu.memref_squeeze %dma_start3A_75 : memref<1x40x128xi32, #tpu.memory_space<hbm>> -> memref<40x128xi32, #tpu.memory_space<hbm>>
      tpu.enqueue_dma source(%dma_start3A_76 : memref<40x128xi32, #tpu.memory_space<hbm>>) target(%arg7 : memref<40x128xi32, #tpu.memory_space<vmem>>) target_semaphore(%run_scoped3A_68 : memref<!tpu.dma_semaphore, #tpu.memory_space<semaphore_mem>>)
      %dma_wait3A_77 = arith.constant 0 : i32
      %dma_wait3A_78 = arith.constant 0 : i32
      %dma_wait3A_79 = tpu.memref_slice %arg3[%add3A, %dma_wait3A_77, %dma_wait3A_78] : memref<32x80x128xi32, #tpu.memory_space<hbm>> -> memref<1x40x128xi32, #tpu.memory_space<hbm>>
      %dma_wait3A_80 = tpu.memref_squeeze %dma_wait3A_79 : memref<1x40x128xi32, #tpu.memory_space<hbm>> -> memref<40x128xi32, #tpu.memory_space<hbm>>
      %dma_wait3A_81 = arith.constant 0 : i32
      %dma_wait3A_82 = arith.constant 0 : i32
      %dma_wait3A_83 = tpu.memref_slice %arg3[%add3A, %dma_wait3A_81, %dma_wait3A_82] : memref<32x80x128xi32, #tpu.memory_space<hbm>> -> memref<1x40x128xi32, #tpu.memory_space<hbm>>
      %dma_wait3A_84 = tpu.memref_squeeze %dma_wait3A_83 : memref<1x40x128xi32, #tpu.memory_space<hbm>> -> memref<40x128xi32, #tpu.memory_space<hbm>>
      tpu.wait_dma2 semaphore(%run_scoped3A_68 : memref<!tpu.dma_semaphore, #tpu.memory_space<semaphore_mem>>) src(%dma_wait3A_84 : memref<40x128xi32, #tpu.memory_space<hbm>>) dst(%arg7 : memref<40x128xi32, #tpu.memory_space<vmem>>)
      tpu.yield
    }) : () -> ()
    "tpu.region"() ({
      %run_scoped3A_68 = tpu.sem_alloc : memref<!tpu.dma_semaphore, #tpu.memory_space<semaphore_mem>>
      %dma_start3A_69 = arith.constant 0 : i32
      %dma_start3A_70 = arith.constant 0 : i32
      %dma_start3A_71 = tpu.memref_slice %arg4[%add3A, %dma_start3A_69, %dma_start3A_70] : memref<32x80x128xi32, #tpu.memory_space<hbm>> -> memref<1x40x128xi32, #tpu.memory_space<hbm>>
      %dma_start3A_72 = tpu.memref_squeeze %dma_start3A_71 : memref<1x40x128xi32, #tpu.memory_space<hbm>> -> memref<40x128xi32, #tpu.memory_space<hbm>>
      %dma_start3A_73 = arith.constant 0 : i32
      %dma_start3A_74 = arith.constant 0 : i32
      %dma_start3A_75 = tpu.memref_slice %arg4[%add3A, %dma_start3A_73, %dma_start3A_74] : memref<32x80x128xi32, #tpu.memory_space<hbm>> -> memref<1x40x128xi32, #tpu.memory_space<hbm>>
      %dma_start3A_76 = tpu.memref_squeeze %dma_start3A_75 : memref<1x40x128xi32, #tpu.memory_space<hbm>> -> memref<40x128xi32, #tpu.memory_space<hbm>>
      tpu.enqueue_dma source(%dma_start3A_76 : memref<40x128xi32, #tpu.memory_space<hbm>>) target(%arg8 : memref<40x128xi32, #tpu.memory_space<vmem>>) target_semaphore(%run_scoped3A_68 : memref<!tpu.dma_semaphore, #tpu.memory_space<semaphore_mem>>)
      %dma_wait3A_77 = arith.constant 0 : i32
      %dma_wait3A_78 = arith.constant 0 : i32
      %dma_wait3A_79 = tpu.memref_slice %arg4[%add3A, %dma_wait3A_77, %dma_wait3A_78] : memref<32x80x128xi32, #tpu.memory_space<hbm>> -> memref<1x40x128xi32, #tpu.memory_space<hbm>>
      %dma_wait3A_80 = tpu.memref_squeeze %dma_wait3A_79 : memref<1x40x128xi32, #tpu.memory_space<hbm>> -> memref<40x128xi32, #tpu.memory_space<hbm>>
      %dma_wait3A_81 = arith.constant 0 : i32
      %dma_wait3A_82 = arith.constant 0 : i32
      %dma_wait3A_83 = tpu.memref_slice %arg4[%add3A, %dma_wait3A_81, %dma_wait3A_82] : memref<32x80x128xi32, #tpu.memory_space<hbm>> -> memref<1x40x128xi32, #tpu.memory_space<hbm>>
      %dma_wait3A_84 = tpu.memref_squeeze %dma_wait3A_83 : memref<1x40x128xi32, #tpu.memory_space<hbm>> -> memref<40x128xi32, #tpu.memory_space<hbm>>
      tpu.wait_dma2 semaphore(%run_scoped3A_68 : memref<!tpu.dma_semaphore, #tpu.memory_space<semaphore_mem>>) src(%dma_wait3A_84 : memref<40x128xi32, #tpu.memory_space<hbm>>) dst(%arg8 : memref<40x128xi32, #tpu.memory_space<vmem>>)
      tpu.yield
    }) : () -> ()
    %dma_start3A = arith.constant 0 : i32
    %dma_start3A_3 = arith.constant 0 : i32
    %dma_start3A_4 = tpu.memref_slice %arg7[%dma_start3A, %dma_start3A_3] : memref<40x128xi32, #tpu.memory_space<vmem>> -> memref<1x128xi32, #tpu.memory_space<vmem>>
    %dma_start3A_5 = tpu.memref_squeeze %dma_start3A_4 : memref<1x128xi32, #tpu.memory_space<vmem>> -> memref<128xi32, #tpu.memory_space<vmem>>
    %dma_start3A_6 = arith.constant 0 : i32
    %dma_start3A_7 = arith.constant 0 : i32
    %dma_start3A_8 = tpu.memref_slice %arg2[%dma_start3A_6, %dma_start3A_7] : memref<10240x128xf32, #tpu.memory_space<hbm>> -> memref<10240x128xf32, #tpu.memory_space<hbm>>
    tpu.enqueue_indirect_dma source(%dma_start3A_8 : memref<10240x128xf32, #tpu.memory_space<hbm>>) target(%arg9 : memref<128x128xf32, #tpu.memory_space<vmem>>) offsets(%dma_start3A_5 : memref<128xi32, #tpu.memory_space<vmem>>) semaphore(%arg12 : memref<!tpu.dma_semaphore, #tpu.memory_space<semaphore_mem>>)
    %dma_start3A_9 = arith.constant 1 : i32
    %dma_start3A_10 = arith.constant 0 : i32
    %dma_start3A_11 = tpu.memref_slice %arg7[%dma_start3A_9, %dma_start3A_10] : memref<40x128xi32, #tpu.memory_space<vmem>> -> memref<1x128xi32, #tpu.memory_space<vmem>>
    %dma_start3A_12 = tpu.memref_squeeze %dma_start3A_11 : memref<1x128xi32, #tpu.memory_space<vmem>> -> memref<128xi32, #tpu.memory_space<vmem>>
    %dma_start3A_13 = arith.constant 0 : i32
    %dma_start3A_14 = arith.constant 0 : i32
    %dma_start3A_15 = tpu.memref_slice %arg2[%dma_start3A_13, %dma_start3A_14] : memref<10240x128xf32, #tpu.memory_space<hbm>> -> memref<10240x128xf32, #tpu.memory_space<hbm>>
    tpu.enqueue_indirect_dma source(%dma_start3A_15 : memref<10240x128xf32, #tpu.memory_space<hbm>>) target(%arg10 : memref<128x128xf32, #tpu.memory_space<vmem>>) offsets(%dma_start3A_12 : memref<128xi32, #tpu.memory_space<vmem>>) semaphore(%arg13 : memref<!tpu.dma_semaphore, #tpu.memory_space<semaphore_mem>>)
    %scan3A = arith.constant 0 : i32
    %scan3A_16 = arith.constant 0 : i32
    %scan3A_17 = arith.constant 19 : i32
    %scan3A_18 = arith.addi %scan3A_16, %scan3A_17 : i32
    %scan3A_19 = arith.constant 1 : i32
    scf.for %scan3A_68 = %scan3A_16 to %scan3A_18 step %scan3A_19  : i32 {
      %mul3A_69 = arith.constant 2 : i32
      %mul3A_70 = arith.muli %scan3A_68, %mul3A_69 : i32
      %dma_wait3A_71 = arith.constant 0 : i32
      %dma_wait3A_72 = arith.constant 0 : i32
      %dma_wait3A_73 = tpu.memref_slice %arg2[%dma_wait3A_71, %dma_wait3A_72] : memref<10240x128xf32, #tpu.memory_space<hbm>> -> memref<128x128xf32, #tpu.memory_space<hbm>>
      %dma_wait3A_74 = arith.constant 0 : i32
      %dma_wait3A_75 = arith.constant 0 : i32
      %dma_wait3A_76 = tpu.memref_slice %arg2[%dma_wait3A_74, %dma_wait3A_75] : memref<10240x128xf32, #tpu.memory_space<hbm>> -> memref<128x128xf32, #tpu.memory_space<hbm>>
      tpu.wait_dma2 semaphore(%arg12 : memref<!tpu.dma_semaphore, #tpu.memory_space<semaphore_mem>>) src(%dma_wait3A_76 : memref<128x128xf32, #tpu.memory_space<hbm>>) dst(%arg9 : memref<128x128xf32, #tpu.memory_space<vmem>>)
      %add3A_77 = arith.constant 0 : i32
      %add3A_78 = arith.addi %mul3A_70, %add3A_77 : i32
      "tpu.region"() ({
        %run_scoped3A_107 = tpu.sem_alloc : memref<!tpu.dma_semaphore, #tpu.memory_space<semaphore_mem>>
        %dma_start3A_108 = arith.constant 0 : i32
        %dma_start3A_109 = tpu.memref_slice %arg8[%add3A_78, %dma_start3A_108] : memref<40x128xi32, #tpu.memory_space<vmem>> -> memref<1x128xi32, #tpu.memory_space<vmem>>
        %dma_start3A_110 = tpu.memref_squeeze %dma_start3A_109 : memref<1x128xi32, #tpu.memory_space<vmem>> -> memref<128xi32, #tpu.memory_space<vmem>>
        %dma_start3A_111 = arith.constant 0 : i32
        %dma_start3A_112 = arith.constant 0 : i32
        %dma_start3A_113 = tpu.memref_slice %arg11[%dma_start3A_111, %dma_start3A_112] : memref<10240x128xf32, #tpu.memory_space<vmem_shared>> -> memref<10240x128xf32, #tpu.memory_space<vmem_shared>>
        tpu.enqueue_indirect_dma source(%arg9 : memref<128x128xf32, #tpu.memory_space<vmem>>) target(%dma_start3A_113 : memref<10240x128xf32, #tpu.memory_space<vmem_shared>>) offsets(%dma_start3A_110 : memref<128xi32, #tpu.memory_space<vmem>>) semaphore(%run_scoped3A_107 : memref<!tpu.dma_semaphore, #tpu.memory_space<semaphore_mem>>) {add = true}
        %dma_wait3A_114 = arith.constant 0 : i32
        %dma_wait3A_115 = tpu.memref_slice %arg8[%add3A_78, %dma_wait3A_114] : memref<40x128xi32, #tpu.memory_space<vmem>> -> memref<1x128xi32, #tpu.memory_space<vmem>>
        %dma_wait3A_116 = tpu.memref_squeeze %dma_wait3A_115 : memref<1x128xi32, #tpu.memory_space<vmem>> -> memref<128xi32, #tpu.memory_space<vmem>>
        %dma_wait3A_117 = arith.constant 0 : i32
        %dma_wait3A_118 = arith.constant 0 : i32
        %dma_wait3A_119 = tpu.memref_slice %arg11[%dma_wait3A_117, %dma_wait3A_118] : memref<10240x128xf32, #tpu.memory_space<vmem_shared>> -> memref<10240x128xf32, #tpu.memory_space<vmem_shared>>
        tpu.wait_indirect_dma semaphore(%run_scoped3A_107 : memref<!tpu.dma_semaphore, #tpu.memory_space<semaphore_mem>>) src(%arg9 : memref<128x128xf32, #tpu.memory_space<vmem>>) dst(%dma_wait3A_119 : memref<10240x128xf32, #tpu.memory_space<vmem_shared>>)
        tpu.yield
      }) : () -> ()
      %add3A_79 = arith.constant 2 : i32
      %add3A_80 = arith.addi %mul3A_70, %add3A_79 : i32
      %add3A_81 = arith.constant 0 : i32
      %add3A_82 = arith.addi %add3A_80, %add3A_81 : i32
      %dma_start3A_83 = arith.constant 0 : i32
      %dma_start3A_84 = tpu.memref_slice %arg7[%add3A_82, %dma_start3A_83] : memref<40x128xi32, #tpu.memory_space<vmem>> -> memref<1x128xi32, #tpu.memory_space<vmem>>
      %dma_start3A_85 = tpu.memref_squeeze %dma_start3A_84 : memref<1x128xi32, #tpu.memory_space<vmem>> -> memref<128xi32, #tpu.memory_space<vmem>>
      %dma_start3A_86 = arith.constant 0 : i32
      %dma_start3A_87 = arith.constant 0 : i32
      %dma_start3A_88 = tpu.memref_slice %arg2[%dma_start3A_86, %dma_start3A_87] : memref<10240x128xf32, #tpu.memory_space<hbm>> -> memref<10240x128xf32, #tpu.memory_space<hbm>>
      tpu.enqueue_indirect_dma source(%dma_start3A_88 : memref<10240x128xf32, #tpu.memory_space<hbm>>) target(%arg9 : memref<128x128xf32, #tpu.memory_space<vmem>>) offsets(%dma_start3A_85 : memref<128xi32, #tpu.memory_space<vmem>>) semaphore(%arg12 : memref<!tpu.dma_semaphore, #tpu.memory_space<semaphore_mem>>)
      %dma_wait3A_89 = arith.constant 0 : i32
      %dma_wait3A_90 = arith.constant 0 : i32
      %dma_wait3A_91 = tpu.memref_slice %arg2[%dma_wait3A_89, %dma_wait3A_90] : memref<10240x128xf32, #tpu.memory_space<hbm>> -> memref<128x128xf32, #tpu.memory_space<hbm>>
      %dma_wait3A_92 = arith.constant 0 : i32
      %dma_wait3A_93 = arith.constant 0 : i32
      %dma_wait3A_94 = tpu.memref_slice %arg2[%dma_wait3A_92, %dma_wait3A_93] : memref<10240x128xf32, #tpu.memory_space<hbm>> -> memref<128x128xf32, #tpu.memory_space<hbm>>
      tpu.wait_dma2 semaphore(%arg13 : memref<!tpu.dma_semaphore, #tpu.memory_space<semaphore_mem>>) src(%dma_wait3A_94 : memref<128x128xf32, #tpu.memory_space<hbm>>) dst(%arg10 : memref<128x128xf32, #tpu.memory_space<vmem>>)
      %add3A_95 = arith.constant 1 : i32
      %add3A_96 = arith.addi %mul3A_70, %add3A_95 : i32
      "tpu.region"() ({
        %run_scoped3A_107 = tpu.sem_alloc : memref<!tpu.dma_semaphore, #tpu.memory_space<semaphore_mem>>
        %dma_start3A_108 = arith.constant 0 : i32
        %dma_start3A_109 = tpu.memref_slice %arg8[%add3A_96, %dma_start3A_108] : memref<40x128xi32, #tpu.memory_space<vmem>> -> memref<1x128xi32, #tpu.memory_space<vmem>>
        %dma_start3A_110 = tpu.memref_squeeze %dma_start3A_109 : memref<1x128xi32, #tpu.memory_space<vmem>> -> memref<128xi32, #tpu.memory_space<vmem>>
        %dma_start3A_111 = arith.constant 0 : i32
        %dma_start3A_112 = arith.constant 0 : i32
        %dma_start3A_113 = tpu.memref_slice %arg11[%dma_start3A_111, %dma_start3A_112] : memref<10240x128xf32, #tpu.memory_space<vmem_shared>> -> memref<10240x128xf32, #tpu.memory_space<vmem_shared>>
        tpu.enqueue_indirect_dma source(%arg10 : memref<128x128xf32, #tpu.memory_space<vmem>>) target(%dma_start3A_113 : memref<10240x128xf32, #tpu.memory_space<vmem_shared>>) offsets(%dma_start3A_110 : memref<128xi32, #tpu.memory_space<vmem>>) semaphore(%run_scoped3A_107 : memref<!tpu.dma_semaphore, #tpu.memory_space<semaphore_mem>>) {add = true}
        %dma_wait3A_114 = arith.constant 0 : i32
        %dma_wait3A_115 = tpu.memref_slice %arg8[%add3A_96, %dma_wait3A_114] : memref<40x128xi32, #tpu.memory_space<vmem>> -> memref<1x128xi32, #tpu.memory_space<vmem>>
        %dma_wait3A_116 = tpu.memref_squeeze %dma_wait3A_115 : memref<1x128xi32, #tpu.memory_space<vmem>> -> memref<128xi32, #tpu.memory_space<vmem>>
        %dma_wait3A_117 = arith.constant 0 : i32
        %dma_wait3A_118 = arith.constant 0 : i32
        %dma_wait3A_119 = tpu.memref_slice %arg11[%dma_wait3A_117, %dma_wait3A_118] : memref<10240x128xf32, #tpu.memory_space<vmem_shared>> -> memref<10240x128xf32, #tpu.memory_space<vmem_shared>>
        tpu.wait_indirect_dma semaphore(%run_scoped3A_107 : memref<!tpu.dma_semaphore, #tpu.memory_space<semaphore_mem>>) src(%arg10 : memref<128x128xf32, #tpu.memory_space<vmem>>) dst(%dma_wait3A_119 : memref<10240x128xf32, #tpu.memory_space<vmem_shared>>)
        tpu.yield
      }) : () -> ()
      %add3A_97 = arith.constant 2 : i32
      %add3A_98 = arith.addi %mul3A_70, %add3A_97 : i32
      %add3A_99 = arith.constant 1 : i32
      %add3A_100 = arith.addi %add3A_98, %add3A_99 : i32
      %dma_start3A_101 = arith.constant 0 : i32
      %dma_start3A_102 = tpu.memref_slice %arg7[%add3A_100, %dma_start3A_101] : memref<40x128xi32, #tpu.memory_space<vmem>> -> memref<1x128xi32, #tpu.memory_space<vmem>>
      %dma_start3A_103 = tpu.memref_squeeze %dma_start3A_102 : memref<1x128xi32, #tpu.memory_space<vmem>> -> memref<128xi32, #tpu.memory_space<vmem>>
      %dma_start3A_104 = arith.constant 0 : i32
      %dma_start3A_105 = arith.constant 0 : i32
      %dma_start3A_106 = tpu.memref_slice %arg2[%dma_start3A_104, %dma_start3A_105] : memref<10240x128xf32, #tpu.memory_space<hbm>> -> memref<10240x128xf32, #tpu.memory_space<hbm>>
      tpu.enqueue_indirect_dma source(%dma_start3A_106 : memref<10240x128xf32, #tpu.memory_space<hbm>>) target(%arg10 : memref<128x128xf32, #tpu.memory_space<vmem>>) offsets(%dma_start3A_103 : memref<128xi32, #tpu.memory_space<vmem>>) semaphore(%arg13 : memref<!tpu.dma_semaphore, #tpu.memory_space<semaphore_mem>>)
    }
    %scan3A_20 = arith.constant 19 : i32
    %dma_wait3A = arith.constant 0 : i32
    %dma_wait3A_21 = arith.constant 0 : i32
    %dma_wait3A_22 = tpu.memref_slice %arg2[%dma_wait3A, %dma_wait3A_21] : memref<10240x128xf32, #tpu.memory_space<hbm>> -> memref<128x128xf32, #tpu.memory_space<hbm>>
    %dma_wait3A_23 = arith.constant 0 : i32
    %dma_wait3A_24 = arith.constant 0 : i32
    %dma_wait3A_25 = tpu.memref_slice %arg2[%dma_wait3A_23, %dma_wait3A_24] : memref<10240x128xf32, #tpu.memory_space<hbm>> -> memref<128x128xf32, #tpu.memory_space<hbm>>
    tpu.wait_dma2 semaphore(%arg12 : memref<!tpu.dma_semaphore, #tpu.memory_space<semaphore_mem>>) src(%dma_wait3A_25 : memref<128x128xf32, #tpu.memory_space<hbm>>) dst(%arg9 : memref<128x128xf32, #tpu.memory_space<vmem>>)
    %run_scoped3A = arith.constant 38 : i32
    "tpu.region"() ({
      %run_scoped3A_68 = tpu.sem_alloc : memref<!tpu.dma_semaphore, #tpu.memory_space<semaphore_mem>>
      %dma_start3A_69 = arith.constant 0 : i32
      %dma_start3A_70 = tpu.memref_slice %arg8[%run_scoped3A, %dma_start3A_69] : memref<40x128xi32, #tpu.memory_space<vmem>> -> memref<1x128xi32, #tpu.memory_space<vmem>>
      %dma_start3A_71 = tpu.memref_squeeze %dma_start3A_70 : memref<1x128xi32, #tpu.memory_space<vmem>> -> memref<128xi32, #tpu.memory_space<vmem>>
      %dma_start3A_72 = arith.constant 0 : i32
      %dma_start3A_73 = arith.constant 0 : i32
      %dma_start3A_74 = tpu.memref_slice %arg11[%dma_start3A_72, %dma_start3A_73] : memref<10240x128xf32, #tpu.memory_space<vmem_shared>> -> memref<10240x128xf32, #tpu.memory_space<vmem_shared>>
      tpu.enqueue_indirect_dma source(%arg9 : memref<128x128xf32, #tpu.memory_space<vmem>>) target(%dma_start3A_74 : memref<10240x128xf32, #tpu.memory_space<vmem_shared>>) offsets(%dma_start3A_71 : memref<128xi32, #tpu.memory_space<vmem>>) semaphore(%run_scoped3A_68 : memref<!tpu.dma_semaphore, #tpu.memory_space<semaphore_mem>>) {add = true}
      %dma_wait3A_75 = arith.constant 0 : i32
      %dma_wait3A_76 = tpu.memref_slice %arg8[%run_scoped3A, %dma_wait3A_75] : memref<40x128xi32, #tpu.memory_space<vmem>> -> memref<1x128xi32, #tpu.memory_space<vmem>>
      %dma_wait3A_77 = tpu.memref_squeeze %dma_wait3A_76 : memref<1x128xi32, #tpu.memory_space<vmem>> -> memref<128xi32, #tpu.memory_space<vmem>>
      %dma_wait3A_78 = arith.constant 0 : i32
      %dma_wait3A_79 = arith.constant 0 : i32
      %dma_wait3A_80 = tpu.memref_slice %arg11[%dma_wait3A_78, %dma_wait3A_79] : memref<10240x128xf32, #tpu.memory_space<vmem_shared>> -> memref<10240x128xf32, #tpu.memory_space<vmem_shared>>
      tpu.wait_indirect_dma semaphore(%run_scoped3A_68 : memref<!tpu.dma_semaphore, #tpu.memory_space<semaphore_mem>>) src(%arg9 : memref<128x128xf32, #tpu.memory_space<vmem>>) dst(%dma_wait3A_80 : memref<10240x128xf32, #tpu.memory_space<vmem_shared>>)
      tpu.yield
    }) : () -> ()
    %dma_wait3A_26 = arith.constant 0 : i32
    %dma_wait3A_27 = arith.constant 0 : i32
    %dma_wait3A_28 = tpu.memref_slice %arg2[%dma_wait3A_26, %dma_wait3A_27] : memref<10240x128xf32, #tpu.memory_space<hbm>> -> memref<128x128xf32, #tpu.memory_space<hbm>>
    %dma_wait3A_29 = arith.constant 0 : i32
    %dma_wait3A_30 = arith.constant 0 : i32
    %dma_wait3A_31 = tpu.memref_slice %arg2[%dma_wait3A_29, %dma_wait3A_30] : memref<10240x128xf32, #tpu.memory_space<hbm>> -> memref<128x128xf32, #tpu.memory_space<hbm>>
    tpu.wait_dma2 semaphore(%arg13 : memref<!tpu.dma_semaphore, #tpu.memory_space<semaphore_mem>>) src(%dma_wait3A_31 : memref<128x128xf32, #tpu.memory_space<hbm>>) dst(%arg10 : memref<128x128xf32, #tpu.memory_space<vmem>>)
    %run_scoped3A_32 = arith.constant 39 : i32
    "tpu.region"() ({
      %run_scoped3A_68 = tpu.sem_alloc : memref<!tpu.dma_semaphore, #tpu.memory_space<semaphore_mem>>
      %dma_start3A_69 = arith.constant 0 : i32
      %dma_start3A_70 = tpu.memref_slice %arg8[%run_scoped3A_32, %dma_start3A_69] : memref<40x128xi32, #tpu.memory_space<vmem>> -> memref<1x128xi32, #tpu.memory_space<vmem>>
      %dma_start3A_71 = tpu.memref_squeeze %dma_start3A_70 : memref<1x128xi32, #tpu.memory_space<vmem>> -> memref<128xi32, #tpu.memory_space<vmem>>
      %dma_start3A_72 = arith.constant 0 : i32
      %dma_start3A_73 = arith.constant 0 : i32
      %dma_start3A_74 = tpu.memref_slice %arg11[%dma_start3A_72, %dma_start3A_73] : memref<10240x128xf32, #tpu.memory_space<vmem_shared>> -> memref<10240x128xf32, #tpu.memory_space<vmem_shared>>
      tpu.enqueue_indirect_dma source(%arg10 : memref<128x128xf32, #tpu.memory_space<vmem>>) target(%dma_start3A_74 : memref<10240x128xf32, #tpu.memory_space<vmem_shared>>) offsets(%dma_start3A_71 : memref<128xi32, #tpu.memory_space<vmem>>) semaphore(%run_scoped3A_68 : memref<!tpu.dma_semaphore, #tpu.memory_space<semaphore_mem>>) {add = true}
      %dma_wait3A_75 = arith.constant 0 : i32
      %dma_wait3A_76 = tpu.memref_slice %arg8[%run_scoped3A_32, %dma_wait3A_75] : memref<40x128xi32, #tpu.memory_space<vmem>> -> memref<1x128xi32, #tpu.memory_space<vmem>>
      %dma_wait3A_77 = tpu.memref_squeeze %dma_wait3A_76 : memref<1x128xi32, #tpu.memory_space<vmem>> -> memref<128xi32, #tpu.memory_space<vmem>>
      %dma_wait3A_78 = arith.constant 0 : i32
      %dma_wait3A_79 = arith.constant 0 : i32
      %dma_wait3A_80 = tpu.memref_slice %arg11[%dma_wait3A_78, %dma_wait3A_79] : memref<10240x128xf32, #tpu.memory_space<vmem_shared>> -> memref<10240x128xf32, #tpu.memory_space<vmem_shared>>
      tpu.wait_indirect_dma semaphore(%run_scoped3A_68 : memref<!tpu.dma_semaphore, #tpu.memory_space<semaphore_mem>>) src(%arg10 : memref<128x128xf32, #tpu.memory_space<vmem>>) dst(%dma_wait3A_80 : memref<10240x128xf32, #tpu.memory_space<vmem_shared>>)
      tpu.yield
    }) : () -> ()
    "tpu.region"() ({
      %run_scoped3A_68 = tpu.sem_alloc : memref<!tpu.dma_semaphore, #tpu.memory_space<semaphore_mem>>
      %dma_start3A_69 = arith.constant 40 : i32
      %dma_start3A_70 = arith.constant 0 : i32
      %dma_start3A_71 = tpu.memref_slice %arg3[%add3A, %dma_start3A_69, %dma_start3A_70] : memref<32x80x128xi32, #tpu.memory_space<hbm>> -> memref<1x40x128xi32, #tpu.memory_space<hbm>>
      %dma_start3A_72 = tpu.memref_squeeze %dma_start3A_71 : memref<1x40x128xi32, #tpu.memory_space<hbm>> -> memref<40x128xi32, #tpu.memory_space<hbm>>
      %dma_start3A_73 = arith.constant 40 : i32
      %dma_start3A_74 = arith.constant 0 : i32
      %dma_start3A_75 = tpu.memref_slice %arg3[%add3A, %dma_start3A_73, %dma_start3A_74] : memref<32x80x128xi32, #tpu.memory_space<hbm>> -> memref<1x40x128xi32, #tpu.memory_space<hbm>>
      %dma_start3A_76 = tpu.memref_squeeze %dma_start3A_75 : memref<1x40x128xi32, #tpu.memory_space<hbm>> -> memref<40x128xi32, #tpu.memory_space<hbm>>
      tpu.enqueue_dma source(%dma_start3A_76 : memref<40x128xi32, #tpu.memory_space<hbm>>) target(%arg7 : memref<40x128xi32, #tpu.memory_space<vmem>>) target_semaphore(%run_scoped3A_68 : memref<!tpu.dma_semaphore, #tpu.memory_space<semaphore_mem>>)
      %dma_wait3A_77 = arith.constant 40 : i32
      %dma_wait3A_78 = arith.constant 0 : i32
      %dma_wait3A_79 = tpu.memref_slice %arg3[%add3A, %dma_wait3A_77, %dma_wait3A_78] : memref<32x80x128xi32, #tpu.memory_space<hbm>> -> memref<1x40x128xi32, #tpu.memory_space<hbm>>
      %dma_wait3A_80 = tpu.memref_squeeze %dma_wait3A_79 : memref<1x40x128xi32, #tpu.memory_space<hbm>> -> memref<40x128xi32, #tpu.memory_space<hbm>>
      %dma_wait3A_81 = arith.constant 40 : i32
      %dma_wait3A_82 = arith.constant 0 : i32
      %dma_wait3A_83 = tpu.memref_slice %arg3[%add3A, %dma_wait3A_81, %dma_wait3A_82] : memref<32x80x128xi32, #tpu.memory_space<hbm>> -> memref<1x40x128xi32, #tpu.memory_space<hbm>>
      %dma_wait3A_84 = tpu.memref_squeeze %dma_wait3A_83 : memref<1x40x128xi32, #tpu.memory_space<hbm>> -> memref<40x128xi32, #tpu.memory_space<hbm>>
      tpu.wait_dma2 semaphore(%run_scoped3A_68 : memref<!tpu.dma_semaphore, #tpu.memory_space<semaphore_mem>>) src(%dma_wait3A_84 : memref<40x128xi32, #tpu.memory_space<hbm>>) dst(%arg7 : memref<40x128xi32, #tpu.memory_space<vmem>>)
      tpu.yield
    }) : () -> ()
    "tpu.region"() ({
      %run_scoped3A_68 = tpu.sem_alloc : memref<!tpu.dma_semaphore, #tpu.memory_space<semaphore_mem>>
      %dma_start3A_69 = arith.constant 40 : i32
      %dma_start3A_70 = arith.constant 0 : i32
      %dma_start3A_71 = tpu.memref_slice %arg4[%add3A, %dma_start3A_69, %dma_start3A_70] : memref<32x80x128xi32, #tpu.memory_space<hbm>> -> memref<1x40x128xi32, #tpu.memory_space<hbm>>
      %dma_start3A_72 = tpu.memref_squeeze %dma_start3A_71 : memref<1x40x128xi32, #tpu.memory_space<hbm>> -> memref<40x128xi32, #tpu.memory_space<hbm>>
      %dma_start3A_73 = arith.constant 40 : i32
      %dma_start3A_74 = arith.constant 0 : i32
      %dma_start3A_75 = tpu.memref_slice %arg4[%add3A, %dma_start3A_73, %dma_start3A_74] : memref<32x80x128xi32, #tpu.memory_space<hbm>> -> memref<1x40x128xi32, #tpu.memory_space<hbm>>
      %dma_start3A_76 = tpu.memref_squeeze %dma_start3A_75 : memref<1x40x128xi32, #tpu.memory_space<hbm>> -> memref<40x128xi32, #tpu.memory_space<hbm>>
      tpu.enqueue_dma source(%dma_start3A_76 : memref<40x128xi32, #tpu.memory_space<hbm>>) target(%arg8 : memref<40x128xi32, #tpu.memory_space<vmem>>) target_semaphore(%run_scoped3A_68 : memref<!tpu.dma_semaphore, #tpu.memory_space<semaphore_mem>>)
      %dma_wait3A_77 = arith.constant 40 : i32
      %dma_wait3A_78 = arith.constant 0 : i32
      %dma_wait3A_79 = tpu.memref_slice %arg4[%add3A, %dma_wait3A_77, %dma_wait3A_78] : memref<32x80x128xi32, #tpu.memory_space<hbm>> -> memref<1x40x128xi32, #tpu.memory_space<hbm>>
      %dma_wait3A_80 = tpu.memref_squeeze %dma_wait3A_79 : memref<1x40x128xi32, #tpu.memory_space<hbm>> -> memref<40x128xi32, #tpu.memory_space<hbm>>
      %dma_wait3A_81 = arith.constant 40 : i32
      %dma_wait3A_82 = arith.constant 0 : i32
      %dma_wait3A_83 = tpu.memref_slice %arg4[%add3A, %dma_wait3A_81, %dma_wait3A_82] : memref<32x80x128xi32, #tpu.memory_space<hbm>> -> memref<1x40x128xi32, #tpu.memory_space<hbm>>
      %dma_wait3A_84 = tpu.memref_squeeze %dma_wait3A_83 : memref<1x40x128xi32, #tpu.memory_space<hbm>> -> memref<40x128xi32, #tpu.memory_space<hbm>>
      tpu.wait_dma2 semaphore(%run_scoped3A_68 : memref<!tpu.dma_semaphore, #tpu.memory_space<semaphore_mem>>) src(%dma_wait3A_84 : memref<40x128xi32, #tpu.memory_space<hbm>>) dst(%arg8 : memref<40x128xi32, #tpu.memory_space<vmem>>)
      tpu.yield
    }) : () -> ()
    %dma_start3A_33 = arith.constant 0 : i32
    %dma_start3A_34 = arith.constant 0 : i32
    %dma_start3A_35 = tpu.memref_slice %arg7[%dma_start3A_33, %dma_start3A_34] : memref<40x128xi32, #tpu.memory_space<vmem>> -> memref<1x128xi32, #tpu.memory_space<vmem>>
    %dma_start3A_36 = tpu.memref_squeeze %dma_start3A_35 : memref<1x128xi32, #tpu.memory_space<vmem>> -> memref<128xi32, #tpu.memory_space<vmem>>
    %dma_start3A_37 = arith.constant 0 : i32
    %dma_start3A_38 = arith.constant 0 : i32
    %dma_start3A_39 = tpu.memref_slice %arg2[%dma_start3A_37, %dma_start3A_38] : memref<10240x128xf32, #tpu.memory_space<hbm>> -> memref<10240x128xf32, #tpu.memory_space<hbm>>
    tpu.enqueue_indirect_dma source(%dma_start3A_39 : memref<10240x128xf32, #tpu.memory_space<hbm>>) target(%arg9 : memref<128x128xf32, #tpu.memory_space<vmem>>) offsets(%dma_start3A_36 : memref<128xi32, #tpu.memory_space<vmem>>) semaphore(%arg12 : memref<!tpu.dma_semaphore, #tpu.memory_space<semaphore_mem>>)
    %dma_start3A_40 = arith.constant 1 : i32
    %dma_start3A_41 = arith.constant 0 : i32
    %dma_start3A_42 = tpu.memref_slice %arg7[%dma_start3A_40, %dma_start3A_41] : memref<40x128xi32, #tpu.memory_space<vmem>> -> memref<1x128xi32, #tpu.memory_space<vmem>>
    %dma_start3A_43 = tpu.memref_squeeze %dma_start3A_42 : memref<1x128xi32, #tpu.memory_space<vmem>> -> memref<128xi32, #tpu.memory_space<vmem>>
    %dma_start3A_44 = arith.constant 0 : i32
    %dma_start3A_45 = arith.constant 0 : i32
    %dma_start3A_46 = tpu.memref_slice %arg2[%dma_start3A_44, %dma_start3A_45] : memref<10240x128xf32, #tpu.memory_space<hbm>> -> memref<10240x128xf32, #tpu.memory_space<hbm>>
    tpu.enqueue_indirect_dma source(%dma_start3A_46 : memref<10240x128xf32, #tpu.memory_space<hbm>>) target(%arg10 : memref<128x128xf32, #tpu.memory_space<vmem>>) offsets(%dma_start3A_43 : memref<128xi32, #tpu.memory_space<vmem>>) semaphore(%arg13 : memref<!tpu.dma_semaphore, #tpu.memory_space<semaphore_mem>>)
    %scan3A_47 = arith.constant 0 : i32
    %scan3A_48 = arith.constant 0 : i32
    %scan3A_49 = arith.constant 19 : i32
    %scan3A_50 = arith.addi %scan3A_48, %scan3A_49 : i32
    %scan3A_51 = arith.constant 1 : i32
    scf.for %scan3A_68 = %scan3A_48 to %scan3A_50 step %scan3A_51  : i32 {
      %mul3A_69 = arith.constant 2 : i32
      %mul3A_70 = arith.muli %scan3A_68, %mul3A_69 : i32
      %dma_wait3A_71 = arith.constant 0 : i32
      %dma_wait3A_72 = arith.constant 0 : i32
      %dma_wait3A_73 = tpu.memref_slice %arg2[%dma_wait3A_71, %dma_wait3A_72] : memref<10240x128xf32, #tpu.memory_space<hbm>> -> memref<128x128xf32, #tpu.memory_space<hbm>>
      %dma_wait3A_74 = arith.constant 0 : i32
      %dma_wait3A_75 = arith.constant 0 : i32
      %dma_wait3A_76 = tpu.memref_slice %arg2[%dma_wait3A_74, %dma_wait3A_75] : memref<10240x128xf32, #tpu.memory_space<hbm>> -> memref<128x128xf32, #tpu.memory_space<hbm>>
      tpu.wait_dma2 semaphore(%arg12 : memref<!tpu.dma_semaphore, #tpu.memory_space<semaphore_mem>>) src(%dma_wait3A_76 : memref<128x128xf32, #tpu.memory_space<hbm>>) dst(%arg9 : memref<128x128xf32, #tpu.memory_space<vmem>>)
      %add3A_77 = arith.constant 0 : i32
      %add3A_78 = arith.addi %mul3A_70, %add3A_77 : i32
      "tpu.region"() ({
        %run_scoped3A_107 = tpu.sem_alloc : memref<!tpu.dma_semaphore, #tpu.memory_space<semaphore_mem>>
        %dma_start3A_108 = arith.constant 0 : i32
        %dma_start3A_109 = tpu.memref_slice %arg8[%add3A_78, %dma_start3A_108] : memref<40x128xi32, #tpu.memory_space<vmem>> -> memref<1x128xi32, #tpu.memory_space<vmem>>
        %dma_start3A_110 = tpu.memref_squeeze %dma_start3A_109 : memref<1x128xi32, #tpu.memory_space<vmem>> -> memref<128xi32, #tpu.memory_space<vmem>>
        %dma_start3A_111 = arith.constant 0 : i32
        %dma_start3A_112 = arith.constant 0 : i32
        %dma_start3A_113 = tpu.memref_slice %arg11[%dma_start3A_111, %dma_start3A_112] : memref<10240x128xf32, #tpu.memory_space<vmem_shared>> -> memref<10240x128xf32, #tpu.memory_space<vmem_shared>>
        tpu.enqueue_indirect_dma source(%arg9 : memref<128x128xf32, #tpu.memory_space<vmem>>) target(%dma_start3A_113 : memref<10240x128xf32, #tpu.memory_space<vmem_shared>>) offsets(%dma_start3A_110 : memref<128xi32, #tpu.memory_space<vmem>>) semaphore(%run_scoped3A_107 : memref<!tpu.dma_semaphore, #tpu.memory_space<semaphore_mem>>) {add = true}
        %dma_wait3A_114 = arith.constant 0 : i32
        %dma_wait3A_115 = tpu.memref_slice %arg8[%add3A_78, %dma_wait3A_114] : memref<40x128xi32, #tpu.memory_space<vmem>> -> memref<1x128xi32, #tpu.memory_space<vmem>>
        %dma_wait3A_116 = tpu.memref_squeeze %dma_wait3A_115 : memref<1x128xi32, #tpu.memory_space<vmem>> -> memref<128xi32, #tpu.memory_space<vmem>>
        %dma_wait3A_117 = arith.constant 0 : i32
        %dma_wait3A_118 = arith.constant 0 : i32
        %dma_wait3A_119 = tpu.memref_slice %arg11[%dma_wait3A_117, %dma_wait3A_118] : memref<10240x128xf32, #tpu.memory_space<vmem_shared>> -> memref<10240x128xf32, #tpu.memory_space<vmem_shared>>
        tpu.wait_indirect_dma semaphore(%run_scoped3A_107 : memref<!tpu.dma_semaphore, #tpu.memory_space<semaphore_mem>>) src(%arg9 : memref<128x128xf32, #tpu.memory_space<vmem>>) dst(%dma_wait3A_119 : memref<10240x128xf32, #tpu.memory_space<vmem_shared>>)
        tpu.yield
      }) : () -> ()
      %add3A_79 = arith.constant 2 : i32
      %add3A_80 = arith.addi %mul3A_70, %add3A_79 : i32
      %add3A_81 = arith.constant 0 : i32
      %add3A_82 = arith.addi %add3A_80, %add3A_81 : i32
      %dma_start3A_83 = arith.constant 0 : i32
      %dma_start3A_84 = tpu.memref_slice %arg7[%add3A_82, %dma_start3A_83] : memref<40x128xi32, #tpu.memory_space<vmem>> -> memref<1x128xi32, #tpu.memory_space<vmem>>
      %dma_start3A_85 = tpu.memref_squeeze %dma_start3A_84 : memref<1x128xi32, #tpu.memory_space<vmem>> -> memref<128xi32, #tpu.memory_space<vmem>>
      %dma_start3A_86 = arith.constant 0 : i32
      %dma_start3A_87 = arith.constant 0 : i32
      %dma_start3A_88 = tpu.memref_slice %arg2[%dma_start3A_86, %dma_start3A_87] : memref<10240x128xf32, #tpu.memory_space<hbm>> -> memref<10240x128xf32, #tpu.memory_space<hbm>>
      tpu.enqueue_indirect_dma source(%dma_start3A_88 : memref<10240x128xf32, #tpu.memory_space<hbm>>) target(%arg9 : memref<128x128xf32, #tpu.memory_space<vmem>>) offsets(%dma_start3A_85 : memref<128xi32, #tpu.memory_space<vmem>>) semaphore(%arg12 : memref<!tpu.dma_semaphore, #tpu.memory_space<semaphore_mem>>)
      %dma_wait3A_89 = arith.constant 0 : i32
      %dma_wait3A_90 = arith.constant 0 : i32
      %dma_wait3A_91 = tpu.memref_slice %arg2[%dma_wait3A_89, %dma_wait3A_90] : memref<10240x128xf32, #tpu.memory_space<hbm>> -> memref<128x128xf32, #tpu.memory_space<hbm>>
      %dma_wait3A_92 = arith.constant 0 : i32
      %dma_wait3A_93 = arith.constant 0 : i32
      %dma_wait3A_94 = tpu.memref_slice %arg2[%dma_wait3A_92, %dma_wait3A_93] : memref<10240x128xf32, #tpu.memory_space<hbm>> -> memref<128x128xf32, #tpu.memory_space<hbm>>
      tpu.wait_dma2 semaphore(%arg13 : memref<!tpu.dma_semaphore, #tpu.memory_space<semaphore_mem>>) src(%dma_wait3A_94 : memref<128x128xf32, #tpu.memory_space<hbm>>) dst(%arg10 : memref<128x128xf32, #tpu.memory_space<vmem>>)
      %add3A_95 = arith.constant 1 : i32
      %add3A_96 = arith.addi %mul3A_70, %add3A_95 : i32
      "tpu.region"() ({
        %run_scoped3A_107 = tpu.sem_alloc : memref<!tpu.dma_semaphore, #tpu.memory_space<semaphore_mem>>
        %dma_start3A_108 = arith.constant 0 : i32
        %dma_start3A_109 = tpu.memref_slice %arg8[%add3A_96, %dma_start3A_108] : memref<40x128xi32, #tpu.memory_space<vmem>> -> memref<1x128xi32, #tpu.memory_space<vmem>>
        %dma_start3A_110 = tpu.memref_squeeze %dma_start3A_109 : memref<1x128xi32, #tpu.memory_space<vmem>> -> memref<128xi32, #tpu.memory_space<vmem>>
        %dma_start3A_111 = arith.constant 0 : i32
        %dma_start3A_112 = arith.constant 0 : i32
        %dma_start3A_113 = tpu.memref_slice %arg11[%dma_start3A_111, %dma_start3A_112] : memref<10240x128xf32, #tpu.memory_space<vmem_shared>> -> memref<10240x128xf32, #tpu.memory_space<vmem_shared>>
        tpu.enqueue_indirect_dma source(%arg10 : memref<128x128xf32, #tpu.memory_space<vmem>>) target(%dma_start3A_113 : memref<10240x128xf32, #tpu.memory_space<vmem_shared>>) offsets(%dma_start3A_110 : memref<128xi32, #tpu.memory_space<vmem>>) semaphore(%run_scoped3A_107 : memref<!tpu.dma_semaphore, #tpu.memory_space<semaphore_mem>>) {add = true}
        %dma_wait3A_114 = arith.constant 0 : i32
        %dma_wait3A_115 = tpu.memref_slice %arg8[%add3A_96, %dma_wait3A_114] : memref<40x128xi32, #tpu.memory_space<vmem>> -> memref<1x128xi32, #tpu.memory_space<vmem>>
        %dma_wait3A_116 = tpu.memref_squeeze %dma_wait3A_115 : memref<1x128xi32, #tpu.memory_space<vmem>> -> memref<128xi32, #tpu.memory_space<vmem>>
        %dma_wait3A_117 = arith.constant 0 : i32
        %dma_wait3A_118 = arith.constant 0 : i32
        %dma_wait3A_119 = tpu.memref_slice %arg11[%dma_wait3A_117, %dma_wait3A_118] : memref<10240x128xf32, #tpu.memory_space<vmem_shared>> -> memref<10240x128xf32, #tpu.memory_space<vmem_shared>>
        tpu.wait_indirect_dma semaphore(%run_scoped3A_107 : memref<!tpu.dma_semaphore, #tpu.memory_space<semaphore_mem>>) src(%arg10 : memref<128x128xf32, #tpu.memory_space<vmem>>) dst(%dma_wait3A_119 : memref<10240x128xf32, #tpu.memory_space<vmem_shared>>)
        tpu.yield
      }) : () -> ()
      %add3A_97 = arith.constant 2 : i32
      %add3A_98 = arith.addi %mul3A_70, %add3A_97 : i32
      %add3A_99 = arith.constant 1 : i32
      %add3A_100 = arith.addi %add3A_98, %add3A_99 : i32
      %dma_start3A_101 = arith.constant 0 : i32
      %dma_start3A_102 = tpu.memref_slice %arg7[%add3A_100, %dma_start3A_101] : memref<40x128xi32, #tpu.memory_space<vmem>> -> memref<1x128xi32, #tpu.memory_space<vmem>>
      %dma_start3A_103 = tpu.memref_squeeze %dma_start3A_102 : memref<1x128xi32, #tpu.memory_space<vmem>> -> memref<128xi32, #tpu.memory_space<vmem>>
      %dma_start3A_104 = arith.constant 0 : i32
      %dma_start3A_105 = arith.constant 0 : i32
      %dma_start3A_106 = tpu.memref_slice %arg2[%dma_start3A_104, %dma_start3A_105] : memref<10240x128xf32, #tpu.memory_space<hbm>> -> memref<10240x128xf32, #tpu.memory_space<hbm>>
      tpu.enqueue_indirect_dma source(%dma_start3A_106 : memref<10240x128xf32, #tpu.memory_space<hbm>>) target(%arg10 : memref<128x128xf32, #tpu.memory_space<vmem>>) offsets(%dma_start3A_103 : memref<128xi32, #tpu.memory_space<vmem>>) semaphore(%arg13 : memref<!tpu.dma_semaphore, #tpu.memory_space<semaphore_mem>>)
    }
    %scan3A_52 = arith.constant 19 : i32
    %dma_wait3A_53 = arith.constant 0 : i32
    %dma_wait3A_54 = arith.constant 0 : i32
    %dma_wait3A_55 = tpu.memref_slice %arg2[%dma_wait3A_53, %dma_wait3A_54] : memref<10240x128xf32, #tpu.memory_space<hbm>> -> memref<128x128xf32, #tpu.memory_space<hbm>>
    %dma_wait3A_56 = arith.constant 0 : i32
    %dma_wait3A_57 = arith.constant 0 : i32
    %dma_wait3A_58 = tpu.memref_slice %arg2[%dma_wait3A_56, %dma_wait3A_57] : memref<10240x128xf32, #tpu.memory_space<hbm>> -> memref<128x128xf32, #tpu.memory_space<hbm>>
    tpu.wait_dma2 semaphore(%arg12 : memref<!tpu.dma_semaphore, #tpu.memory_space<semaphore_mem>>) src(%dma_wait3A_58 : memref<128x128xf32, #tpu.memory_space<hbm>>) dst(%arg9 : memref<128x128xf32, #tpu.memory_space<vmem>>)
    %run_scoped3A_59 = arith.constant 38 : i32
    "tpu.region"() ({
      %run_scoped3A_68 = tpu.sem_alloc : memref<!tpu.dma_semaphore, #tpu.memory_space<semaphore_mem>>
      %dma_start3A_69 = arith.constant 0 : i32
      %dma_start3A_70 = tpu.memref_slice %arg8[%run_scoped3A_59, %dma_start3A_69] : memref<40x128xi32, #tpu.memory_space<vmem>> -> memref<1x128xi32, #tpu.memory_space<vmem>>
      %dma_start3A_71 = tpu.memref_squeeze %dma_start3A_70 : memref<1x128xi32, #tpu.memory_space<vmem>> -> memref<128xi32, #tpu.memory_space<vmem>>
      %dma_start3A_72 = arith.constant 0 : i32
      %dma_start3A_73 = arith.constant 0 : i32
      %dma_start3A_74 = tpu.memref_slice %arg11[%dma_start3A_72, %dma_start3A_73] : memref<10240x128xf32, #tpu.memory_space<vmem_shared>> -> memref<10240x128xf32, #tpu.memory_space<vmem_shared>>
      tpu.enqueue_indirect_dma source(%arg9 : memref<128x128xf32, #tpu.memory_space<vmem>>) target(%dma_start3A_74 : memref<10240x128xf32, #tpu.memory_space<vmem_shared>>) offsets(%dma_start3A_71 : memref<128xi32, #tpu.memory_space<vmem>>) semaphore(%run_scoped3A_68 : memref<!tpu.dma_semaphore, #tpu.memory_space<semaphore_mem>>) {add = true}
      %dma_wait3A_75 = arith.constant 0 : i32
      %dma_wait3A_76 = tpu.memref_slice %arg8[%run_scoped3A_59, %dma_wait3A_75] : memref<40x128xi32, #tpu.memory_space<vmem>> -> memref<1x128xi32, #tpu.memory_space<vmem>>
      %dma_wait3A_77 = tpu.memref_squeeze %dma_wait3A_76 : memref<1x128xi32, #tpu.memory_space<vmem>> -> memref<128xi32, #tpu.memory_space<vmem>>
      %dma_wait3A_78 = arith.constant 0 : i32
      %dma_wait3A_79 = arith.constant 0 : i32
      %dma_wait3A_80 = tpu.memref_slice %arg11[%dma_wait3A_78, %dma_wait3A_79] : memref<10240x128xf32, #tpu.memory_space<vmem_shared>> -> memref<10240x128xf32, #tpu.memory_space<vmem_shared>>
      tpu.wait_indirect_dma semaphore(%run_scoped3A_68 : memref<!tpu.dma_semaphore, #tpu.memory_space<semaphore_mem>>) src(%arg9 : memref<128x128xf32, #tpu.memory_space<vmem>>) dst(%dma_wait3A_80 : memref<10240x128xf32, #tpu.memory_space<vmem_shared>>)
      tpu.yield
    }) : () -> ()
    %dma_wait3A_60 = arith.constant 0 : i32
    %dma_wait3A_61 = arith.constant 0 : i32
    %dma_wait3A_62 = tpu.memref_slice %arg2[%dma_wait3A_60, %dma_wait3A_61] : memref<10240x128xf32, #tpu.memory_space<hbm>> -> memref<128x128xf32, #tpu.memory_space<hbm>>
    %dma_wait3A_63 = arith.constant 0 : i32
    %dma_wait3A_64 = arith.constant 0 : i32
    %dma_wait3A_65 = tpu.memref_slice %arg2[%dma_wait3A_63, %dma_wait3A_64] : memref<10240x128xf32, #tpu.memory_space<hbm>> -> memref<128x128xf32, #tpu.memory_space<hbm>>
    tpu.wait_dma2 semaphore(%arg13 : memref<!tpu.dma_semaphore, #tpu.memory_space<semaphore_mem>>) src(%dma_wait3A_65 : memref<128x128xf32, #tpu.memory_space<hbm>>) dst(%arg10 : memref<128x128xf32, #tpu.memory_space<vmem>>)
    %run_scoped3A_66 = arith.constant 39 : i32
    "tpu.region"() ({
      %run_scoped3A_68 = tpu.sem_alloc : memref<!tpu.dma_semaphore, #tpu.memory_space<semaphore_mem>>
      %dma_start3A_69 = arith.constant 0 : i32
      %dma_start3A_70 = tpu.memref_slice %arg8[%run_scoped3A_66, %dma_start3A_69] : memref<40x128xi32, #tpu.memory_space<vmem>> -> memref<1x128xi32, #tpu.memory_space<vmem>>
      %dma_start3A_71 = tpu.memref_squeeze %dma_start3A_70 : memref<1x128xi32, #tpu.memory_space<vmem>> -> memref<128xi32, #tpu.memory_space<vmem>>
      %dma_start3A_72 = arith.constant 0 : i32
      %dma_start3A_73 = arith.constant 0 : i32
      %dma_start3A_74 = tpu.memref_slice %arg11[%dma_start3A_72, %dma_start3A_73] : memref<10240x128xf32, #tpu.memory_space<vmem_shared>> -> memref<10240x128xf32, #tpu.memory_space<vmem_shared>>
      tpu.enqueue_indirect_dma source(%arg10 : memref<128x128xf32, #tpu.memory_space<vmem>>) target(%dma_start3A_74 : memref<10240x128xf32, #tpu.memory_space<vmem_shared>>) offsets(%dma_start3A_71 : memref<128xi32, #tpu.memory_space<vmem>>) semaphore(%run_scoped3A_68 : memref<!tpu.dma_semaphore, #tpu.memory_space<semaphore_mem>>) {add = true}
      %dma_wait3A_75 = arith.constant 0 : i32
      %dma_wait3A_76 = tpu.memref_slice %arg8[%run_scoped3A_66, %dma_wait3A_75] : memref<40x128xi32, #tpu.memory_space<vmem>> -> memref<1x128xi32, #tpu.memory_space<vmem>>
      %dma_wait3A_77 = tpu.memref_squeeze %dma_wait3A_76 : memref<1x128xi32, #tpu.memory_space<vmem>> -> memref<128xi32, #tpu.memory_space<vmem>>
      %dma_wait3A_78 = arith.constant 0 : i32
      %dma_wait3A_79 = arith.constant 0 : i32
      %dma_wait3A_80 = tpu.memref_slice %arg11[%dma_wait3A_78, %dma_wait3A_79] : memref<10240x128xf32, #tpu.memory_space<vmem_shared>> -> memref<10240x128xf32, #tpu.memory_space<vmem_shared>>
      tpu.wait_indirect_dma semaphore(%run_scoped3A_68 : memref<!tpu.dma_semaphore, #tpu.memory_space<semaphore_mem>>) src(%arg10 : memref<128x128xf32, #tpu.memory_space<vmem>>) dst(%dma_wait3A_80 : memref<10240x128xf32, #tpu.memory_space<vmem_shared>>)
      tpu.yield
    }) : () -> ()
    %barrier3A_67 = arith.constant 0 : index
    tpu.barrier barrier_id(%barrier3A_67)
    "tpu.region"() ({
      %run_scoped3A_68 = tpu.sem_alloc : memref<!tpu.dma_semaphore, #tpu.memory_space<semaphore_mem>>
      %dma_start3A_69 = arith.constant 0 : i32
      %dma_start3A_70 = tpu.memref_slice %arg6[%arg0, %mul3A_2, %dma_start3A_69] : memref<2x10240x128xf32, #tpu.memory_space<hbm>> -> memref<1x640x128xf32, #tpu.memory_space<hbm>>
      %dma_start3A_71 = tpu.memref_squeeze %dma_start3A_70 : memref<1x640x128xf32, #tpu.memory_space<hbm>> -> memref<640x128xf32, #tpu.memory_space<hbm>>
      %dma_start3A_72 = arith.constant 0 : i32
      %dma_start3A_73 = tpu.memref_slice %arg11[%mul3A_2, %dma_start3A_72] : memref<10240x128xf32, #tpu.memory_space<vmem_shared>> -> memref<640x128xf32, #tpu.memory_space<vmem_shared>>
      tpu.enqueue_dma source(%dma_start3A_73 : memref<640x128xf32, #tpu.memory_space<vmem_shared>>) target(%dma_start3A_71 : memref<640x128xf32, #tpu.memory_space<hbm>>) target_semaphore(%run_scoped3A_68 : memref<!tpu.dma_semaphore, #tpu.memory_space<semaphore_mem>>)
      %dma_wait3A_74 = arith.constant 0 : i32
      %dma_wait3A_75 = tpu.memref_slice %arg6[%arg0, %mul3A_2, %dma_wait3A_74] : memref<2x10240x128xf32, #tpu.memory_space<hbm>> -> memref<1x640x128xf32, #tpu.memory_space<hbm>>
      %dma_wait3A_76 = tpu.memref_squeeze %dma_wait3A_75 : memref<1x640x128xf32, #tpu.memory_space<hbm>> -> memref<640x128xf32, #tpu.memory_space<hbm>>
      %dma_wait3A_77 = arith.constant 0 : i32
      %dma_wait3A_78 = tpu.memref_slice %arg11[%mul3A_2, %dma_wait3A_77] : memref<10240x128xf32, #tpu.memory_space<vmem_shared>> -> memref<640x128xf32, #tpu.memory_space<vmem_shared>>
      tpu.wait_dma2 semaphore(%run_scoped3A_68 : memref<!tpu.dma_semaphore, #tpu.memory_space<semaphore_mem>>) src(%dma_wait3A_78 : memref<640x128xf32, #tpu.memory_space<vmem_shared>>) dst(%dma_wait3A_76 : memref<640x128xf32, #tpu.memory_space<hbm>>)
      tpu.yield
    }) : () -> ()
    return
  }
}

#map = affine_map<(d0, d1) -> (0, 0)>
#map1 = affine_map<(d0, d1) -> (0, 0, 0)>
module attributes {stable_mosaic.version = 14 : i64} {
  func.func @sc_kernel(%arg0: i32, %arg1: i32, %arg2: memref<10240x128xf32, #tpu.memory_space<hbm>>, %arg3: memref<320000x128xf32, #tpu.memory_space<hbm>>, %arg4: memref<32x80x128xi32, #tpu.memory_space<hbm>>, %arg5: memref<32x80x128xi32, #tpu.memory_space<hbm>>, %arg6: memref<32x80x128xi32, #tpu.memory_space<hbm>>, %arg7: memref<640x128xf32, #tpu.memory_space<hbm>>, %arg8: memref<2x10240x128xf32, #tpu.memory_space<hbm>>, %arg9: memref<40x128xi32, #tpu.memory_space<vmem>>, %arg10: memref<40x128xi32, #tpu.memory_space<vmem>>, %arg11: memref<128x128xf32, #tpu.memory_space<vmem>>, %arg12: memref<128x128xf32, #tpu.memory_space<vmem>>, %arg13: memref<10240x128xf32, #tpu.memory_space<vmem_shared>>, %arg14: memref<!tpu.dma_semaphore, #tpu.memory_space<semaphore_mem>>, %arg15: memref<!tpu.dma_semaphore, #tpu.memory_space<semaphore_mem>>) attributes {dimension_semantics = [#tpu.dimension_semantics<core_parallel>, #tpu.dimension_semantics<subcore_parallel>], iteration_bounds = array<i64: 2, 16>, scalar_prefetch = 0 : i64, scratch_operands = 7 : i64, tpu.core_type = #tpu.core_type<sc_vector_subcore>, window_params = [{transform_indices = #map}, {transform_indices = #map}, {transform_indices = #map1}, {transform_indices = #map1}, {transform_indices = #map1}, {transform_indices = #map}, {transform_indices = #map1}]} {
    %mul3A = arith.constant 640 : i32
    %mul3A_0 = arith.muli %arg1, %mul3A : i32
    "tpu.region"() ({
      %run_scoped3A = tpu.sem_alloc : memref<!tpu.dma_semaphore, #tpu.memory_space<semaphore_mem>>
      %dma_start3A = arith.constant 0 : i32
      %dma_start3A_9 = tpu.memref_slice %arg13[%mul3A_0, %dma_start3A] : memref<10240x128xf32, #tpu.memory_space<vmem_shared>> -> memref<640x128xf32, #tpu.memory_space<vmem_shared>>
      tpu.enqueue_dma source(%arg7 : memref<640x128xf32, #tpu.memory_space<hbm>>) target(%dma_start3A_9 : memref<640x128xf32, #tpu.memory_space<vmem_shared>>) target_semaphore(%run_scoped3A : memref<!tpu.dma_semaphore, #tpu.memory_space<semaphore_mem>>)
      %dma_wait3A = arith.constant 0 : i32
      %dma_wait3A_10 = tpu.memref_slice %arg13[%mul3A_0, %dma_wait3A] : memref<10240x128xf32, #tpu.memory_space<vmem_shared>> -> memref<640x128xf32, #tpu.memory_space<vmem_shared>>
      tpu.wait_dma2 semaphore(%run_scoped3A : memref<!tpu.dma_semaphore, #tpu.memory_space<semaphore_mem>>) src(%arg7 : memref<640x128xf32, #tpu.memory_space<hbm>>) dst(%dma_wait3A_10 : memref<640x128xf32, #tpu.memory_space<vmem_shared>>)
      tpu.yield
    }) : () -> ()
    %barrier3A = arith.constant 0 : index
    tpu.barrier barrier_id(%barrier3A)
    %eq3A = arith.constant 0 : i32
    %eq3A_1 = arith.cmpi eq, %arg0, %eq3A : i32
    %convert_element_type3A = arith.extui %eq3A_1 : i1 to i32
    %cond3A = arith.constant 0 : i32
    %cond3A_2 = arith.cmpi ne, %convert_element_type3A, %cond3A : i32
    scf.if %cond3A_2 {
      %mul3A_9 = arith.constant 2 : i32
      %mul3A_10 = arith.muli %mul3A_9, %arg1 : i32
      %add3A = arith.constant 0 : i32
      %add3A_11 = arith.addi %mul3A_10, %add3A : i32
      "tpu.region"() ({
        %run_scoped3A_156 = tpu.sem_alloc : memref<!tpu.dma_semaphore, #tpu.memory_space<semaphore_mem>>
        %dma_start3A_157 = arith.constant 0 : i32
        %dma_start3A_158 = arith.constant 0 : i32
        %dma_start3A_159 = tpu.memref_slice %arg4[%add3A_11, %dma_start3A_157, %dma_start3A_158] : memref<32x80x128xi32, #tpu.memory_space<hbm>> -> memref<1x40x128xi32, #tpu.memory_space<hbm>>
        %dma_start3A_160 = tpu.memref_squeeze %dma_start3A_159 : memref<1x40x128xi32, #tpu.memory_space<hbm>> -> memref<40x128xi32, #tpu.memory_space<hbm>>
        %dma_start3A_161 = arith.constant 0 : i32
        %dma_start3A_162 = arith.constant 0 : i32
        %dma_start3A_163 = tpu.memref_slice %arg4[%add3A_11, %dma_start3A_161, %dma_start3A_162] : memref<32x80x128xi32, #tpu.memory_space<hbm>> -> memref<1x40x128xi32, #tpu.memory_space<hbm>>
        %dma_start3A_164 = tpu.memref_squeeze %dma_start3A_163 : memref<1x40x128xi32, #tpu.memory_space<hbm>> -> memref<40x128xi32, #tpu.memory_space<hbm>>
        tpu.enqueue_dma source(%dma_start3A_164 : memref<40x128xi32, #tpu.memory_space<hbm>>) target(%arg9 : memref<40x128xi32, #tpu.memory_space<vmem>>) target_semaphore(%run_scoped3A_156 : memref<!tpu.dma_semaphore, #tpu.memory_space<semaphore_mem>>)
        %dma_wait3A_165 = arith.constant 0 : i32
        %dma_wait3A_166 = arith.constant 0 : i32
        %dma_wait3A_167 = tpu.memref_slice %arg4[%add3A_11, %dma_wait3A_165, %dma_wait3A_166] : memref<32x80x128xi32, #tpu.memory_space<hbm>> -> memref<1x40x128xi32, #tpu.memory_space<hbm>>
        %dma_wait3A_168 = tpu.memref_squeeze %dma_wait3A_167 : memref<1x40x128xi32, #tpu.memory_space<hbm>> -> memref<40x128xi32, #tpu.memory_space<hbm>>
        %dma_wait3A_169 = arith.constant 0 : i32
        %dma_wait3A_170 = arith.constant 0 : i32
        %dma_wait3A_171 = tpu.memref_slice %arg4[%add3A_11, %dma_wait3A_169, %dma_wait3A_170] : memref<32x80x128xi32, #tpu.memory_space<hbm>> -> memref<1x40x128xi32, #tpu.memory_space<hbm>>
        %dma_wait3A_172 = tpu.memref_squeeze %dma_wait3A_171 : memref<1x40x128xi32, #tpu.memory_space<hbm>> -> memref<40x128xi32, #tpu.memory_space<hbm>>
        tpu.wait_dma2 semaphore(%run_scoped3A_156 : memref<!tpu.dma_semaphore, #tpu.memory_space<semaphore_mem>>) src(%dma_wait3A_172 : memref<40x128xi32, #tpu.memory_space<hbm>>) dst(%arg9 : memref<40x128xi32, #tpu.memory_space<vmem>>)
        tpu.yield
      }) : () -> ()
      "tpu.region"() ({
        %run_scoped3A_156 = tpu.sem_alloc : memref<!tpu.dma_semaphore, #tpu.memory_space<semaphore_mem>>
        %dma_start3A_157 = arith.constant 0 : i32
        %dma_start3A_158 = arith.constant 0 : i32
        %dma_start3A_159 = tpu.memref_slice %arg6[%add3A_11, %dma_start3A_157, %dma_start3A_158] : memref<32x80x128xi32, #tpu.memory_space<hbm>> -> memref<1x40x128xi32, #tpu.memory_space<hbm>>
        %dma_start3A_160 = tpu.memref_squeeze %dma_start3A_159 : memref<1x40x128xi32, #tpu.memory_space<hbm>> -> memref<40x128xi32, #tpu.memory_space<hbm>>
        %dma_start3A_161 = arith.constant 0 : i32
        %dma_start3A_162 = arith.constant 0 : i32
        %dma_start3A_163 = tpu.memref_slice %arg6[%add3A_11, %dma_start3A_161, %dma_start3A_162] : memref<32x80x128xi32, #tpu.memory_space<hbm>> -> memref<1x40x128xi32, #tpu.memory_space<hbm>>
        %dma_start3A_164 = tpu.memref_squeeze %dma_start3A_163 : memref<1x40x128xi32, #tpu.memory_space<hbm>> -> memref<40x128xi32, #tpu.memory_space<hbm>>
        tpu.enqueue_dma source(%dma_start3A_164 : memref<40x128xi32, #tpu.memory_space<hbm>>) target(%arg10 : memref<40x128xi32, #tpu.memory_space<vmem>>) target_semaphore(%run_scoped3A_156 : memref<!tpu.dma_semaphore, #tpu.memory_space<semaphore_mem>>)
        %dma_wait3A_165 = arith.constant 0 : i32
        %dma_wait3A_166 = arith.constant 0 : i32
        %dma_wait3A_167 = tpu.memref_slice %arg6[%add3A_11, %dma_wait3A_165, %dma_wait3A_166] : memref<32x80x128xi32, #tpu.memory_space<hbm>> -> memref<1x40x128xi32, #tpu.memory_space<hbm>>
        %dma_wait3A_168 = tpu.memref_squeeze %dma_wait3A_167 : memref<1x40x128xi32, #tpu.memory_space<hbm>> -> memref<40x128xi32, #tpu.memory_space<hbm>>
        %dma_wait3A_169 = arith.constant 0 : i32
        %dma_wait3A_170 = arith.constant 0 : i32
        %dma_wait3A_171 = tpu.memref_slice %arg6[%add3A_11, %dma_wait3A_169, %dma_wait3A_170] : memref<32x80x128xi32, #tpu.memory_space<hbm>> -> memref<1x40x128xi32, #tpu.memory_space<hbm>>
        %dma_wait3A_172 = tpu.memref_squeeze %dma_wait3A_171 : memref<1x40x128xi32, #tpu.memory_space<hbm>> -> memref<40x128xi32, #tpu.memory_space<hbm>>
        tpu.wait_dma2 semaphore(%run_scoped3A_156 : memref<!tpu.dma_semaphore, #tpu.memory_space<semaphore_mem>>) src(%dma_wait3A_172 : memref<40x128xi32, #tpu.memory_space<hbm>>) dst(%arg10 : memref<40x128xi32, #tpu.memory_space<vmem>>)
        tpu.yield
      }) : () -> ()
      %dma_start3A = arith.constant 0 : i32
      %dma_start3A_12 = arith.constant 0 : i32
      %dma_start3A_13 = tpu.memref_slice %arg9[%dma_start3A, %dma_start3A_12] : memref<40x128xi32, #tpu.memory_space<vmem>> -> memref<1x128xi32, #tpu.memory_space<vmem>>
      %dma_start3A_14 = tpu.memref_squeeze %dma_start3A_13 : memref<1x128xi32, #tpu.memory_space<vmem>> -> memref<128xi32, #tpu.memory_space<vmem>>
      %dma_start3A_15 = arith.constant 0 : i32
      %dma_start3A_16 = arith.constant 0 : i32
      %dma_start3A_17 = tpu.memref_slice %arg2[%dma_start3A_15, %dma_start3A_16] : memref<10240x128xf32, #tpu.memory_space<hbm>> -> memref<10240x128xf32, #tpu.memory_space<hbm>>
      tpu.enqueue_indirect_dma source(%dma_start3A_17 : memref<10240x128xf32, #tpu.memory_space<hbm>>) target(%arg11 : memref<128x128xf32, #tpu.memory_space<vmem>>) offsets(%dma_start3A_14 : memref<128xi32, #tpu.memory_space<vmem>>) semaphore(%arg14 : memref<!tpu.dma_semaphore, #tpu.memory_space<semaphore_mem>>)
      %dma_start3A_18 = arith.constant 1 : i32
      %dma_start3A_19 = arith.constant 0 : i32
      %dma_start3A_20 = tpu.memref_slice %arg9[%dma_start3A_18, %dma_start3A_19] : memref<40x128xi32, #tpu.memory_space<vmem>> -> memref<1x128xi32, #tpu.memory_space<vmem>>
      %dma_start3A_21 = tpu.memref_squeeze %dma_start3A_20 : memref<1x128xi32, #tpu.memory_space<vmem>> -> memref<128xi32, #tpu.memory_space<vmem>>
      %dma_start3A_22 = arith.constant 0 : i32
      %dma_start3A_23 = arith.constant 0 : i32
      %dma_start3A_24 = tpu.memref_slice %arg2[%dma_start3A_22, %dma_start3A_23] : memref<10240x128xf32, #tpu.memory_space<hbm>> -> memref<10240x128xf32, #tpu.memory_space<hbm>>
      tpu.enqueue_indirect_dma source(%dma_start3A_24 : memref<10240x128xf32, #tpu.memory_space<hbm>>) target(%arg12 : memref<128x128xf32, #tpu.memory_space<vmem>>) offsets(%dma_start3A_21 : memref<128xi32, #tpu.memory_space<vmem>>) semaphore(%arg15 : memref<!tpu.dma_semaphore, #tpu.memory_space<semaphore_mem>>)
      %scan3A = arith.constant 0 : i32
      %scan3A_25 = arith.constant 0 : i32
      %scan3A_26 = arith.constant 19 : i32
      %scan3A_27 = arith.addi %scan3A_25, %scan3A_26 : i32
      %scan3A_28 = arith.constant 1 : i32
      scf.for %scan3A_156 = %scan3A_25 to %scan3A_27 step %scan3A_28  : i32 {
        %mul3A_157 = arith.constant 2 : i32
        %mul3A_158 = arith.muli %scan3A_156, %mul3A_157 : i32
        %dma_wait3A_159 = arith.constant 0 : i32
        %dma_wait3A_160 = arith.constant 0 : i32
        %dma_wait3A_161 = tpu.memref_slice %arg2[%dma_wait3A_159, %dma_wait3A_160] : memref<10240x128xf32, #tpu.memory_space<hbm>> -> memref<128x128xf32, #tpu.memory_space<hbm>>
        %dma_wait3A_162 = arith.constant 0 : i32
        %dma_wait3A_163 = arith.constant 0 : i32
        %dma_wait3A_164 = tpu.memref_slice %arg2[%dma_wait3A_162, %dma_wait3A_163] : memref<10240x128xf32, #tpu.memory_space<hbm>> -> memref<128x128xf32, #tpu.memory_space<hbm>>
        tpu.wait_dma2 semaphore(%arg14 : memref<!tpu.dma_semaphore, #tpu.memory_space<semaphore_mem>>) src(%dma_wait3A_164 : memref<128x128xf32, #tpu.memory_space<hbm>>) dst(%arg11 : memref<128x128xf32, #tpu.memory_space<vmem>>)
        %add3A_165 = arith.constant 0 : i32
        %add3A_166 = arith.addi %mul3A_158, %add3A_165 : i32
        "tpu.region"() ({
          %run_scoped3A_195 = tpu.sem_alloc : memref<!tpu.dma_semaphore, #tpu.memory_space<semaphore_mem>>
          %dma_start3A_196 = arith.constant 0 : i32
          %dma_start3A_197 = tpu.memref_slice %arg10[%add3A_166, %dma_start3A_196] : memref<40x128xi32, #tpu.memory_space<vmem>> -> memref<1x128xi32, #tpu.memory_space<vmem>>
          %dma_start3A_198 = tpu.memref_squeeze %dma_start3A_197 : memref<1x128xi32, #tpu.memory_space<vmem>> -> memref<128xi32, #tpu.memory_space<vmem>>
          %dma_start3A_199 = arith.constant 0 : i32
          %dma_start3A_200 = arith.constant 0 : i32
          %dma_start3A_201 = tpu.memref_slice %arg13[%dma_start3A_199, %dma_start3A_200] : memref<10240x128xf32, #tpu.memory_space<vmem_shared>> -> memref<10240x128xf32, #tpu.memory_space<vmem_shared>>
          tpu.enqueue_indirect_dma source(%arg11 : memref<128x128xf32, #tpu.memory_space<vmem>>) target(%dma_start3A_201 : memref<10240x128xf32, #tpu.memory_space<vmem_shared>>) offsets(%dma_start3A_198 : memref<128xi32, #tpu.memory_space<vmem>>) semaphore(%run_scoped3A_195 : memref<!tpu.dma_semaphore, #tpu.memory_space<semaphore_mem>>) {add = true}
          %dma_wait3A_202 = arith.constant 0 : i32
          %dma_wait3A_203 = tpu.memref_slice %arg10[%add3A_166, %dma_wait3A_202] : memref<40x128xi32, #tpu.memory_space<vmem>> -> memref<1x128xi32, #tpu.memory_space<vmem>>
          %dma_wait3A_204 = tpu.memref_squeeze %dma_wait3A_203 : memref<1x128xi32, #tpu.memory_space<vmem>> -> memref<128xi32, #tpu.memory_space<vmem>>
          %dma_wait3A_205 = arith.constant 0 : i32
          %dma_wait3A_206 = arith.constant 0 : i32
          %dma_wait3A_207 = tpu.memref_slice %arg13[%dma_wait3A_205, %dma_wait3A_206] : memref<10240x128xf32, #tpu.memory_space<vmem_shared>> -> memref<10240x128xf32, #tpu.memory_space<vmem_shared>>
          tpu.wait_indirect_dma semaphore(%run_scoped3A_195 : memref<!tpu.dma_semaphore, #tpu.memory_space<semaphore_mem>>) src(%arg11 : memref<128x128xf32, #tpu.memory_space<vmem>>) dst(%dma_wait3A_207 : memref<10240x128xf32, #tpu.memory_space<vmem_shared>>)
          tpu.yield
        }) : () -> ()
        %add3A_167 = arith.constant 2 : i32
        %add3A_168 = arith.addi %mul3A_158, %add3A_167 : i32
        %add3A_169 = arith.constant 0 : i32
        %add3A_170 = arith.addi %add3A_168, %add3A_169 : i32
        %dma_start3A_171 = arith.constant 0 : i32
        %dma_start3A_172 = tpu.memref_slice %arg9[%add3A_170, %dma_start3A_171] : memref<40x128xi32, #tpu.memory_space<vmem>> -> memref<1x128xi32, #tpu.memory_space<vmem>>
        %dma_start3A_173 = tpu.memref_squeeze %dma_start3A_172 : memref<1x128xi32, #tpu.memory_space<vmem>> -> memref<128xi32, #tpu.memory_space<vmem>>
        %dma_start3A_174 = arith.constant 0 : i32
        %dma_start3A_175 = arith.constant 0 : i32
        %dma_start3A_176 = tpu.memref_slice %arg2[%dma_start3A_174, %dma_start3A_175] : memref<10240x128xf32, #tpu.memory_space<hbm>> -> memref<10240x128xf32, #tpu.memory_space<hbm>>
        tpu.enqueue_indirect_dma source(%dma_start3A_176 : memref<10240x128xf32, #tpu.memory_space<hbm>>) target(%arg11 : memref<128x128xf32, #tpu.memory_space<vmem>>) offsets(%dma_start3A_173 : memref<128xi32, #tpu.memory_space<vmem>>) semaphore(%arg14 : memref<!tpu.dma_semaphore, #tpu.memory_space<semaphore_mem>>)
        %dma_wait3A_177 = arith.constant 0 : i32
        %dma_wait3A_178 = arith.constant 0 : i32
        %dma_wait3A_179 = tpu.memref_slice %arg2[%dma_wait3A_177, %dma_wait3A_178] : memref<10240x128xf32, #tpu.memory_space<hbm>> -> memref<128x128xf32, #tpu.memory_space<hbm>>
        %dma_wait3A_180 = arith.constant 0 : i32
        %dma_wait3A_181 = arith.constant 0 : i32
        %dma_wait3A_182 = tpu.memref_slice %arg2[%dma_wait3A_180, %dma_wait3A_181] : memref<10240x128xf32, #tpu.memory_space<hbm>> -> memref<128x128xf32, #tpu.memory_space<hbm>>
        tpu.wait_dma2 semaphore(%arg15 : memref<!tpu.dma_semaphore, #tpu.memory_space<semaphore_mem>>) src(%dma_wait3A_182 : memref<128x128xf32, #tpu.memory_space<hbm>>) dst(%arg12 : memref<128x128xf32, #tpu.memory_space<vmem>>)
        %add3A_183 = arith.constant 1 : i32
        %add3A_184 = arith.addi %mul3A_158, %add3A_183 : i32
        "tpu.region"() ({
          %run_scoped3A_195 = tpu.sem_alloc : memref<!tpu.dma_semaphore, #tpu.memory_space<semaphore_mem>>
          %dma_start3A_196 = arith.constant 0 : i32
          %dma_start3A_197 = tpu.memref_slice %arg10[%add3A_184, %dma_start3A_196] : memref<40x128xi32, #tpu.memory_space<vmem>> -> memref<1x128xi32, #tpu.memory_space<vmem>>
          %dma_start3A_198 = tpu.memref_squeeze %dma_start3A_197 : memref<1x128xi32, #tpu.memory_space<vmem>> -> memref<128xi32, #tpu.memory_space<vmem>>
          %dma_start3A_199 = arith.constant 0 : i32
          %dma_start3A_200 = arith.constant 0 : i32
          %dma_start3A_201 = tpu.memref_slice %arg13[%dma_start3A_199, %dma_start3A_200] : memref<10240x128xf32, #tpu.memory_space<vmem_shared>> -> memref<10240x128xf32, #tpu.memory_space<vmem_shared>>
          tpu.enqueue_indirect_dma source(%arg12 : memref<128x128xf32, #tpu.memory_space<vmem>>) target(%dma_start3A_201 : memref<10240x128xf32, #tpu.memory_space<vmem_shared>>) offsets(%dma_start3A_198 : memref<128xi32, #tpu.memory_space<vmem>>) semaphore(%run_scoped3A_195 : memref<!tpu.dma_semaphore, #tpu.memory_space<semaphore_mem>>) {add = true}
          %dma_wait3A_202 = arith.constant 0 : i32
          %dma_wait3A_203 = tpu.memref_slice %arg10[%add3A_184, %dma_wait3A_202] : memref<40x128xi32, #tpu.memory_space<vmem>> -> memref<1x128xi32, #tpu.memory_space<vmem>>
          %dma_wait3A_204 = tpu.memref_squeeze %dma_wait3A_203 : memref<1x128xi32, #tpu.memory_space<vmem>> -> memref<128xi32, #tpu.memory_space<vmem>>
          %dma_wait3A_205 = arith.constant 0 : i32
          %dma_wait3A_206 = arith.constant 0 : i32
          %dma_wait3A_207 = tpu.memref_slice %arg13[%dma_wait3A_205, %dma_wait3A_206] : memref<10240x128xf32, #tpu.memory_space<vmem_shared>> -> memref<10240x128xf32, #tpu.memory_space<vmem_shared>>
          tpu.wait_indirect_dma semaphore(%run_scoped3A_195 : memref<!tpu.dma_semaphore, #tpu.memory_space<semaphore_mem>>) src(%arg12 : memref<128x128xf32, #tpu.memory_space<vmem>>) dst(%dma_wait3A_207 : memref<10240x128xf32, #tpu.memory_space<vmem_shared>>)
          tpu.yield
        }) : () -> ()
        %add3A_185 = arith.constant 2 : i32
        %add3A_186 = arith.addi %mul3A_158, %add3A_185 : i32
        %add3A_187 = arith.constant 1 : i32
        %add3A_188 = arith.addi %add3A_186, %add3A_187 : i32
        %dma_start3A_189 = arith.constant 0 : i32
        %dma_start3A_190 = tpu.memref_slice %arg9[%add3A_188, %dma_start3A_189] : memref<40x128xi32, #tpu.memory_space<vmem>> -> memref<1x128xi32, #tpu.memory_space<vmem>>
        %dma_start3A_191 = tpu.memref_squeeze %dma_start3A_190 : memref<1x128xi32, #tpu.memory_space<vmem>> -> memref<128xi32, #tpu.memory_space<vmem>>
        %dma_start3A_192 = arith.constant 0 : i32
        %dma_start3A_193 = arith.constant 0 : i32
        %dma_start3A_194 = tpu.memref_slice %arg2[%dma_start3A_192, %dma_start3A_193] : memref<10240x128xf32, #tpu.memory_space<hbm>> -> memref<10240x128xf32, #tpu.memory_space<hbm>>
        tpu.enqueue_indirect_dma source(%dma_start3A_194 : memref<10240x128xf32, #tpu.memory_space<hbm>>) target(%arg12 : memref<128x128xf32, #tpu.memory_space<vmem>>) offsets(%dma_start3A_191 : memref<128xi32, #tpu.memory_space<vmem>>) semaphore(%arg15 : memref<!tpu.dma_semaphore, #tpu.memory_space<semaphore_mem>>)
      }
      %scan3A_29 = arith.constant 19 : i32
      %dma_wait3A = arith.constant 0 : i32
      %dma_wait3A_30 = arith.constant 0 : i32
      %dma_wait3A_31 = tpu.memref_slice %arg2[%dma_wait3A, %dma_wait3A_30] : memref<10240x128xf32, #tpu.memory_space<hbm>> -> memref<128x128xf32, #tpu.memory_space<hbm>>
      %dma_wait3A_32 = arith.constant 0 : i32
      %dma_wait3A_33 = arith.constant 0 : i32
      %dma_wait3A_34 = tpu.memref_slice %arg2[%dma_wait3A_32, %dma_wait3A_33] : memref<10240x128xf32, #tpu.memory_space<hbm>> -> memref<128x128xf32, #tpu.memory_space<hbm>>
      tpu.wait_dma2 semaphore(%arg14 : memref<!tpu.dma_semaphore, #tpu.memory_space<semaphore_mem>>) src(%dma_wait3A_34 : memref<128x128xf32, #tpu.memory_space<hbm>>) dst(%arg11 : memref<128x128xf32, #tpu.memory_space<vmem>>)
      %run_scoped3A = arith.constant 38 : i32
      "tpu.region"() ({
        %run_scoped3A_156 = tpu.sem_alloc : memref<!tpu.dma_semaphore, #tpu.memory_space<semaphore_mem>>
        %dma_start3A_157 = arith.constant 0 : i32
        %dma_start3A_158 = tpu.memref_slice %arg10[%run_scoped3A, %dma_start3A_157] : memref<40x128xi32, #tpu.memory_space<vmem>> -> memref<1x128xi32, #tpu.memory_space<vmem>>
        %dma_start3A_159 = tpu.memref_squeeze %dma_start3A_158 : memref<1x128xi32, #tpu.memory_space<vmem>> -> memref<128xi32, #tpu.memory_space<vmem>>
        %dma_start3A_160 = arith.constant 0 : i32
        %dma_start3A_161 = arith.constant 0 : i32
        %dma_start3A_162 = tpu.memref_slice %arg13[%dma_start3A_160, %dma_start3A_161] : memref<10240x128xf32, #tpu.memory_space<vmem_shared>> -> memref<10240x128xf32, #tpu.memory_space<vmem_shared>>
        tpu.enqueue_indirect_dma source(%arg11 : memref<128x128xf32, #tpu.memory_space<vmem>>) target(%dma_start3A_162 : memref<10240x128xf32, #tpu.memory_space<vmem_shared>>) offsets(%dma_start3A_159 : memref<128xi32, #tpu.memory_space<vmem>>) semaphore(%run_scoped3A_156 : memref<!tpu.dma_semaphore, #tpu.memory_space<semaphore_mem>>) {add = true}
        %dma_wait3A_163 = arith.constant 0 : i32
        %dma_wait3A_164 = tpu.memref_slice %arg10[%run_scoped3A, %dma_wait3A_163] : memref<40x128xi32, #tpu.memory_space<vmem>> -> memref<1x128xi32, #tpu.memory_space<vmem>>
        %dma_wait3A_165 = tpu.memref_squeeze %dma_wait3A_164 : memref<1x128xi32, #tpu.memory_space<vmem>> -> memref<128xi32, #tpu.memory_space<vmem>>
        %dma_wait3A_166 = arith.constant 0 : i32
        %dma_wait3A_167 = arith.constant 0 : i32
        %dma_wait3A_168 = tpu.memref_slice %arg13[%dma_wait3A_166, %dma_wait3A_167] : memref<10240x128xf32, #tpu.memory_space<vmem_shared>> -> memref<10240x128xf32, #tpu.memory_space<vmem_shared>>
        tpu.wait_indirect_dma semaphore(%run_scoped3A_156 : memref<!tpu.dma_semaphore, #tpu.memory_space<semaphore_mem>>) src(%arg11 : memref<128x128xf32, #tpu.memory_space<vmem>>) dst(%dma_wait3A_168 : memref<10240x128xf32, #tpu.memory_space<vmem_shared>>)
        tpu.yield
      }) : () -> ()
      %dma_wait3A_35 = arith.constant 0 : i32
      %dma_wait3A_36 = arith.constant 0 : i32
      %dma_wait3A_37 = tpu.memref_slice %arg2[%dma_wait3A_35, %dma_wait3A_36] : memref<10240x128xf32, #tpu.memory_space<hbm>> -> memref<128x128xf32, #tpu.memory_space<hbm>>
      %dma_wait3A_38 = arith.constant 0 : i32
      %dma_wait3A_39 = arith.constant 0 : i32
      %dma_wait3A_40 = tpu.memref_slice %arg2[%dma_wait3A_38, %dma_wait3A_39] : memref<10240x128xf32, #tpu.memory_space<hbm>> -> memref<128x128xf32, #tpu.memory_space<hbm>>
      tpu.wait_dma2 semaphore(%arg15 : memref<!tpu.dma_semaphore, #tpu.memory_space<semaphore_mem>>) src(%dma_wait3A_40 : memref<128x128xf32, #tpu.memory_space<hbm>>) dst(%arg12 : memref<128x128xf32, #tpu.memory_space<vmem>>)
      %run_scoped3A_41 = arith.constant 39 : i32
      "tpu.region"() ({
        %run_scoped3A_156 = tpu.sem_alloc : memref<!tpu.dma_semaphore, #tpu.memory_space<semaphore_mem>>
        %dma_start3A_157 = arith.constant 0 : i32
        %dma_start3A_158 = tpu.memref_slice %arg10[%run_scoped3A_41, %dma_start3A_157] : memref<40x128xi32, #tpu.memory_space<vmem>> -> memref<1x128xi32, #tpu.memory_space<vmem>>
        %dma_start3A_159 = tpu.memref_squeeze %dma_start3A_158 : memref<1x128xi32, #tpu.memory_space<vmem>> -> memref<128xi32, #tpu.memory_space<vmem>>
        %dma_start3A_160 = arith.constant 0 : i32
        %dma_start3A_161 = arith.constant 0 : i32
        %dma_start3A_162 = tpu.memref_slice %arg13[%dma_start3A_160, %dma_start3A_161] : memref<10240x128xf32, #tpu.memory_space<vmem_shared>> -> memref<10240x128xf32, #tpu.memory_space<vmem_shared>>
        tpu.enqueue_indirect_dma source(%arg12 : memref<128x128xf32, #tpu.memory_space<vmem>>) target(%dma_start3A_162 : memref<10240x128xf32, #tpu.memory_space<vmem_shared>>) offsets(%dma_start3A_159 : memref<128xi32, #tpu.memory_space<vmem>>) semaphore(%run_scoped3A_156 : memref<!tpu.dma_semaphore, #tpu.memory_space<semaphore_mem>>) {add = true}
        %dma_wait3A_163 = arith.constant 0 : i32
        %dma_wait3A_164 = tpu.memref_slice %arg10[%run_scoped3A_41, %dma_wait3A_163] : memref<40x128xi32, #tpu.memory_space<vmem>> -> memref<1x128xi32, #tpu.memory_space<vmem>>
        %dma_wait3A_165 = tpu.memref_squeeze %dma_wait3A_164 : memref<1x128xi32, #tpu.memory_space<vmem>> -> memref<128xi32, #tpu.memory_space<vmem>>
        %dma_wait3A_166 = arith.constant 0 : i32
        %dma_wait3A_167 = arith.constant 0 : i32
        %dma_wait3A_168 = tpu.memref_slice %arg13[%dma_wait3A_166, %dma_wait3A_167] : memref<10240x128xf32, #tpu.memory_space<vmem_shared>> -> memref<10240x128xf32, #tpu.memory_space<vmem_shared>>
        tpu.wait_indirect_dma semaphore(%run_scoped3A_156 : memref<!tpu.dma_semaphore, #tpu.memory_space<semaphore_mem>>) src(%arg12 : memref<128x128xf32, #tpu.memory_space<vmem>>) dst(%dma_wait3A_168 : memref<10240x128xf32, #tpu.memory_space<vmem_shared>>)
        tpu.yield
      }) : () -> ()
      %mul3A_42 = arith.constant 2 : i32
      %mul3A_43 = arith.muli %mul3A_42, %arg1 : i32
      %add3A_44 = arith.constant 0 : i32
      %add3A_45 = arith.addi %mul3A_43, %add3A_44 : i32
      "tpu.region"() ({
        %run_scoped3A_156 = tpu.sem_alloc : memref<!tpu.dma_semaphore, #tpu.memory_space<semaphore_mem>>
        %dma_start3A_157 = arith.constant 40 : i32
        %dma_start3A_158 = arith.constant 0 : i32
        %dma_start3A_159 = tpu.memref_slice %arg4[%add3A_45, %dma_start3A_157, %dma_start3A_158] : memref<32x80x128xi32, #tpu.memory_space<hbm>> -> memref<1x40x128xi32, #tpu.memory_space<hbm>>
        %dma_start3A_160 = tpu.memref_squeeze %dma_start3A_159 : memref<1x40x128xi32, #tpu.memory_space<hbm>> -> memref<40x128xi32, #tpu.memory_space<hbm>>
        %dma_start3A_161 = arith.constant 40 : i32
        %dma_start3A_162 = arith.constant 0 : i32
        %dma_start3A_163 = tpu.memref_slice %arg4[%add3A_45, %dma_start3A_161, %dma_start3A_162] : memref<32x80x128xi32, #tpu.memory_space<hbm>> -> memref<1x40x128xi32, #tpu.memory_space<hbm>>
        %dma_start3A_164 = tpu.memref_squeeze %dma_start3A_163 : memref<1x40x128xi32, #tpu.memory_space<hbm>> -> memref<40x128xi32, #tpu.memory_space<hbm>>
        tpu.enqueue_dma source(%dma_start3A_164 : memref<40x128xi32, #tpu.memory_space<hbm>>) target(%arg9 : memref<40x128xi32, #tpu.memory_space<vmem>>) target_semaphore(%run_scoped3A_156 : memref<!tpu.dma_semaphore, #tpu.memory_space<semaphore_mem>>)
        %dma_wait3A_165 = arith.constant 40 : i32
        %dma_wait3A_166 = arith.constant 0 : i32
        %dma_wait3A_167 = tpu.memref_slice %arg4[%add3A_45, %dma_wait3A_165, %dma_wait3A_166] : memref<32x80x128xi32, #tpu.memory_space<hbm>> -> memref<1x40x128xi32, #tpu.memory_space<hbm>>
        %dma_wait3A_168 = tpu.memref_squeeze %dma_wait3A_167 : memref<1x40x128xi32, #tpu.memory_space<hbm>> -> memref<40x128xi32, #tpu.memory_space<hbm>>
        %dma_wait3A_169 = arith.constant 40 : i32
        %dma_wait3A_170 = arith.constant 0 : i32
        %dma_wait3A_171 = tpu.memref_slice %arg4[%add3A_45, %dma_wait3A_169, %dma_wait3A_170] : memref<32x80x128xi32, #tpu.memory_space<hbm>> -> memref<1x40x128xi32, #tpu.memory_space<hbm>>
        %dma_wait3A_172 = tpu.memref_squeeze %dma_wait3A_171 : memref<1x40x128xi32, #tpu.memory_space<hbm>> -> memref<40x128xi32, #tpu.memory_space<hbm>>
        tpu.wait_dma2 semaphore(%run_scoped3A_156 : memref<!tpu.dma_semaphore, #tpu.memory_space<semaphore_mem>>) src(%dma_wait3A_172 : memref<40x128xi32, #tpu.memory_space<hbm>>) dst(%arg9 : memref<40x128xi32, #tpu.memory_space<vmem>>)
        tpu.yield
      }) : () -> ()
      "tpu.region"() ({
        %run_scoped3A_156 = tpu.sem_alloc : memref<!tpu.dma_semaphore, #tpu.memory_space<semaphore_mem>>
        %dma_start3A_157 = arith.constant 40 : i32
        %dma_start3A_158 = arith.constant 0 : i32
        %dma_start3A_159 = tpu.memref_slice %arg6[%add3A_45, %dma_start3A_157, %dma_start3A_158] : memref<32x80x128xi32, #tpu.memory_space<hbm>> -> memref<1x40x128xi32, #tpu.memory_space<hbm>>
        %dma_start3A_160 = tpu.memref_squeeze %dma_start3A_159 : memref<1x40x128xi32, #tpu.memory_space<hbm>> -> memref<40x128xi32, #tpu.memory_space<hbm>>
        %dma_start3A_161 = arith.constant 40 : i32
        %dma_start3A_162 = arith.constant 0 : i32
        %dma_start3A_163 = tpu.memref_slice %arg6[%add3A_45, %dma_start3A_161, %dma_start3A_162] : memref<32x80x128xi32, #tpu.memory_space<hbm>> -> memref<1x40x128xi32, #tpu.memory_space<hbm>>
        %dma_start3A_164 = tpu.memref_squeeze %dma_start3A_163 : memref<1x40x128xi32, #tpu.memory_space<hbm>> -> memref<40x128xi32, #tpu.memory_space<hbm>>
        tpu.enqueue_dma source(%dma_start3A_164 : memref<40x128xi32, #tpu.memory_space<hbm>>) target(%arg10 : memref<40x128xi32, #tpu.memory_space<vmem>>) target_semaphore(%run_scoped3A_156 : memref<!tpu.dma_semaphore, #tpu.memory_space<semaphore_mem>>)
        %dma_wait3A_165 = arith.constant 40 : i32
        %dma_wait3A_166 = arith.constant 0 : i32
        %dma_wait3A_167 = tpu.memref_slice %arg6[%add3A_45, %dma_wait3A_165, %dma_wait3A_166] : memref<32x80x128xi32, #tpu.memory_space<hbm>> -> memref<1x40x128xi32, #tpu.memory_space<hbm>>
        %dma_wait3A_168 = tpu.memref_squeeze %dma_wait3A_167 : memref<1x40x128xi32, #tpu.memory_space<hbm>> -> memref<40x128xi32, #tpu.memory_space<hbm>>
        %dma_wait3A_169 = arith.constant 40 : i32
        %dma_wait3A_170 = arith.constant 0 : i32
        %dma_wait3A_171 = tpu.memref_slice %arg6[%add3A_45, %dma_wait3A_169, %dma_wait3A_170] : memref<32x80x128xi32, #tpu.memory_space<hbm>> -> memref<1x40x128xi32, #tpu.memory_space<hbm>>
        %dma_wait3A_172 = tpu.memref_squeeze %dma_wait3A_171 : memref<1x40x128xi32, #tpu.memory_space<hbm>> -> memref<40x128xi32, #tpu.memory_space<hbm>>
        tpu.wait_dma2 semaphore(%run_scoped3A_156 : memref<!tpu.dma_semaphore, #tpu.memory_space<semaphore_mem>>) src(%dma_wait3A_172 : memref<40x128xi32, #tpu.memory_space<hbm>>) dst(%arg10 : memref<40x128xi32, #tpu.memory_space<vmem>>)
        tpu.yield
      }) : () -> ()
      %dma_start3A_46 = arith.constant 0 : i32
      %dma_start3A_47 = arith.constant 0 : i32
      %dma_start3A_48 = tpu.memref_slice %arg9[%dma_start3A_46, %dma_start3A_47] : memref<40x128xi32, #tpu.memory_space<vmem>> -> memref<1x128xi32, #tpu.memory_space<vmem>>
      %dma_start3A_49 = tpu.memref_squeeze %dma_start3A_48 : memref<1x128xi32, #tpu.memory_space<vmem>> -> memref<128xi32, #tpu.memory_space<vmem>>
      %dma_start3A_50 = arith.constant 0 : i32
      %dma_start3A_51 = arith.constant 0 : i32
      %dma_start3A_52 = tpu.memref_slice %arg2[%dma_start3A_50, %dma_start3A_51] : memref<10240x128xf32, #tpu.memory_space<hbm>> -> memref<10240x128xf32, #tpu.memory_space<hbm>>
      tpu.enqueue_indirect_dma source(%dma_start3A_52 : memref<10240x128xf32, #tpu.memory_space<hbm>>) target(%arg11 : memref<128x128xf32, #tpu.memory_space<vmem>>) offsets(%dma_start3A_49 : memref<128xi32, #tpu.memory_space<vmem>>) semaphore(%arg14 : memref<!tpu.dma_semaphore, #tpu.memory_space<semaphore_mem>>)
      %dma_start3A_53 = arith.constant 1 : i32
      %dma_start3A_54 = arith.constant 0 : i32
      %dma_start3A_55 = tpu.memref_slice %arg9[%dma_start3A_53, %dma_start3A_54] : memref<40x128xi32, #tpu.memory_space<vmem>> -> memref<1x128xi32, #tpu.memory_space<vmem>>
      %dma_start3A_56 = tpu.memref_squeeze %dma_start3A_55 : memref<1x128xi32, #tpu.memory_space<vmem>> -> memref<128xi32, #tpu.memory_space<vmem>>
      %dma_start3A_57 = arith.constant 0 : i32
      %dma_start3A_58 = arith.constant 0 : i32
      %dma_start3A_59 = tpu.memref_slice %arg2[%dma_start3A_57, %dma_start3A_58] : memref<10240x128xf32, #tpu.memory_space<hbm>> -> memref<10240x128xf32, #tpu.memory_space<hbm>>
      tpu.enqueue_indirect_dma source(%dma_start3A_59 : memref<10240x128xf32, #tpu.memory_space<hbm>>) target(%arg12 : memref<128x128xf32, #tpu.memory_space<vmem>>) offsets(%dma_start3A_56 : memref<128xi32, #tpu.memory_space<vmem>>) semaphore(%arg15 : memref<!tpu.dma_semaphore, #tpu.memory_space<semaphore_mem>>)
      %scan3A_60 = arith.constant 0 : i32
      %scan3A_61 = arith.constant 0 : i32
      %scan3A_62 = arith.constant 19 : i32
      %scan3A_63 = arith.addi %scan3A_61, %scan3A_62 : i32
      %scan3A_64 = arith.constant 1 : i32
      scf.for %scan3A_156 = %scan3A_61 to %scan3A_63 step %scan3A_64  : i32 {
        %mul3A_157 = arith.constant 2 : i32
        %mul3A_158 = arith.muli %scan3A_156, %mul3A_157 : i32
        %dma_wait3A_159 = arith.constant 0 : i32
        %dma_wait3A_160 = arith.constant 0 : i32
        %dma_wait3A_161 = tpu.memref_slice %arg2[%dma_wait3A_159, %dma_wait3A_160] : memref<10240x128xf32, #tpu.memory_space<hbm>> -> memref<128x128xf32, #tpu.memory_space<hbm>>
        %dma_wait3A_162 = arith.constant 0 : i32
        %dma_wait3A_163 = arith.constant 0 : i32
        %dma_wait3A_164 = tpu.memref_slice %arg2[%dma_wait3A_162, %dma_wait3A_163] : memref<10240x128xf32, #tpu.memory_space<hbm>> -> memref<128x128xf32, #tpu.memory_space<hbm>>
        tpu.wait_dma2 semaphore(%arg14 : memref<!tpu.dma_semaphore, #tpu.memory_space<semaphore_mem>>) src(%dma_wait3A_164 : memref<128x128xf32, #tpu.memory_space<hbm>>) dst(%arg11 : memref<128x128xf32, #tpu.memory_space<vmem>>)
        %add3A_165 = arith.constant 0 : i32
        %add3A_166 = arith.addi %mul3A_158, %add3A_165 : i32
        "tpu.region"() ({
          %run_scoped3A_195 = tpu.sem_alloc : memref<!tpu.dma_semaphore, #tpu.memory_space<semaphore_mem>>
          %dma_start3A_196 = arith.constant 0 : i32
          %dma_start3A_197 = tpu.memref_slice %arg10[%add3A_166, %dma_start3A_196] : memref<40x128xi32, #tpu.memory_space<vmem>> -> memref<1x128xi32, #tpu.memory_space<vmem>>
          %dma_start3A_198 = tpu.memref_squeeze %dma_start3A_197 : memref<1x128xi32, #tpu.memory_space<vmem>> -> memref<128xi32, #tpu.memory_space<vmem>>
          %dma_start3A_199 = arith.constant 0 : i32
          %dma_start3A_200 = arith.constant 0 : i32
          %dma_start3A_201 = tpu.memref_slice %arg13[%dma_start3A_199, %dma_start3A_200] : memref<10240x128xf32, #tpu.memory_space<vmem_shared>> -> memref<10240x128xf32, #tpu.memory_space<vmem_shared>>
          tpu.enqueue_indirect_dma source(%arg11 : memref<128x128xf32, #tpu.memory_space<vmem>>) target(%dma_start3A_201 : memref<10240x128xf32, #tpu.memory_space<vmem_shared>>) offsets(%dma_start3A_198 : memref<128xi32, #tpu.memory_space<vmem>>) semaphore(%run_scoped3A_195 : memref<!tpu.dma_semaphore, #tpu.memory_space<semaphore_mem>>) {add = true}
          %dma_wait3A_202 = arith.constant 0 : i32
          %dma_wait3A_203 = tpu.memref_slice %arg10[%add3A_166, %dma_wait3A_202] : memref<40x128xi32, #tpu.memory_space<vmem>> -> memref<1x128xi32, #tpu.memory_space<vmem>>
          %dma_wait3A_204 = tpu.memref_squeeze %dma_wait3A_203 : memref<1x128xi32, #tpu.memory_space<vmem>> -> memref<128xi32, #tpu.memory_space<vmem>>
          %dma_wait3A_205 = arith.constant 0 : i32
          %dma_wait3A_206 = arith.constant 0 : i32
          %dma_wait3A_207 = tpu.memref_slice %arg13[%dma_wait3A_205, %dma_wait3A_206] : memref<10240x128xf32, #tpu.memory_space<vmem_shared>> -> memref<10240x128xf32, #tpu.memory_space<vmem_shared>>
          tpu.wait_indirect_dma semaphore(%run_scoped3A_195 : memref<!tpu.dma_semaphore, #tpu.memory_space<semaphore_mem>>) src(%arg11 : memref<128x128xf32, #tpu.memory_space<vmem>>) dst(%dma_wait3A_207 : memref<10240x128xf32, #tpu.memory_space<vmem_shared>>)
          tpu.yield
        }) : () -> ()
        %add3A_167 = arith.constant 2 : i32
        %add3A_168 = arith.addi %mul3A_158, %add3A_167 : i32
        %add3A_169 = arith.constant 0 : i32
        %add3A_170 = arith.addi %add3A_168, %add3A_169 : i32
        %dma_start3A_171 = arith.constant 0 : i32
        %dma_start3A_172 = tpu.memref_slice %arg9[%add3A_170, %dma_start3A_171] : memref<40x128xi32, #tpu.memory_space<vmem>> -> memref<1x128xi32, #tpu.memory_space<vmem>>
        %dma_start3A_173 = tpu.memref_squeeze %dma_start3A_172 : memref<1x128xi32, #tpu.memory_space<vmem>> -> memref<128xi32, #tpu.memory_space<vmem>>
        %dma_start3A_174 = arith.constant 0 : i32
        %dma_start3A_175 = arith.constant 0 : i32
        %dma_start3A_176 = tpu.memref_slice %arg2[%dma_start3A_174, %dma_start3A_175] : memref<10240x128xf32, #tpu.memory_space<hbm>> -> memref<10240x128xf32, #tpu.memory_space<hbm>>
        tpu.enqueue_indirect_dma source(%dma_start3A_176 : memref<10240x128xf32, #tpu.memory_space<hbm>>) target(%arg11 : memref<128x128xf32, #tpu.memory_space<vmem>>) offsets(%dma_start3A_173 : memref<128xi32, #tpu.memory_space<vmem>>) semaphore(%arg14 : memref<!tpu.dma_semaphore, #tpu.memory_space<semaphore_mem>>)
        %dma_wait3A_177 = arith.constant 0 : i32
        %dma_wait3A_178 = arith.constant 0 : i32
        %dma_wait3A_179 = tpu.memref_slice %arg2[%dma_wait3A_177, %dma_wait3A_178] : memref<10240x128xf32, #tpu.memory_space<hbm>> -> memref<128x128xf32, #tpu.memory_space<hbm>>
        %dma_wait3A_180 = arith.constant 0 : i32
        %dma_wait3A_181 = arith.constant 0 : i32
        %dma_wait3A_182 = tpu.memref_slice %arg2[%dma_wait3A_180, %dma_wait3A_181] : memref<10240x128xf32, #tpu.memory_space<hbm>> -> memref<128x128xf32, #tpu.memory_space<hbm>>
        tpu.wait_dma2 semaphore(%arg15 : memref<!tpu.dma_semaphore, #tpu.memory_space<semaphore_mem>>) src(%dma_wait3A_182 : memref<128x128xf32, #tpu.memory_space<hbm>>) dst(%arg12 : memref<128x128xf32, #tpu.memory_space<vmem>>)
        %add3A_183 = arith.constant 1 : i32
        %add3A_184 = arith.addi %mul3A_158, %add3A_183 : i32
        "tpu.region"() ({
          %run_scoped3A_195 = tpu.sem_alloc : memref<!tpu.dma_semaphore, #tpu.memory_space<semaphore_mem>>
          %dma_start3A_196 = arith.constant 0 : i32
          %dma_start3A_197 = tpu.memref_slice %arg10[%add3A_184, %dma_start3A_196] : memref<40x128xi32, #tpu.memory_space<vmem>> -> memref<1x128xi32, #tpu.memory_space<vmem>>
          %dma_start3A_198 = tpu.memref_squeeze %dma_start3A_197 : memref<1x128xi32, #tpu.memory_space<vmem>> -> memref<128xi32, #tpu.memory_space<vmem>>
          %dma_start3A_199 = arith.constant 0 : i32
          %dma_start3A_200 = arith.constant 0 : i32
          %dma_start3A_201 = tpu.memref_slice %arg13[%dma_start3A_199, %dma_start3A_200] : memref<10240x128xf32, #tpu.memory_space<vmem_shared>> -> memref<10240x128xf32, #tpu.memory_space<vmem_shared>>
          tpu.enqueue_indirect_dma source(%arg12 : memref<128x128xf32, #tpu.memory_space<vmem>>) target(%dma_start3A_201 : memref<10240x128xf32, #tpu.memory_space<vmem_shared>>) offsets(%dma_start3A_198 : memref<128xi32, #tpu.memory_space<vmem>>) semaphore(%run_scoped3A_195 : memref<!tpu.dma_semaphore, #tpu.memory_space<semaphore_mem>>) {add = true}
          %dma_wait3A_202 = arith.constant 0 : i32
          %dma_wait3A_203 = tpu.memref_slice %arg10[%add3A_184, %dma_wait3A_202] : memref<40x128xi32, #tpu.memory_space<vmem>> -> memref<1x128xi32, #tpu.memory_space<vmem>>
          %dma_wait3A_204 = tpu.memref_squeeze %dma_wait3A_203 : memref<1x128xi32, #tpu.memory_space<vmem>> -> memref<128xi32, #tpu.memory_space<vmem>>
          %dma_wait3A_205 = arith.constant 0 : i32
          %dma_wait3A_206 = arith.constant 0 : i32
          %dma_wait3A_207 = tpu.memref_slice %arg13[%dma_wait3A_205, %dma_wait3A_206] : memref<10240x128xf32, #tpu.memory_space<vmem_shared>> -> memref<10240x128xf32, #tpu.memory_space<vmem_shared>>
          tpu.wait_indirect_dma semaphore(%run_scoped3A_195 : memref<!tpu.dma_semaphore, #tpu.memory_space<semaphore_mem>>) src(%arg12 : memref<128x128xf32, #tpu.memory_space<vmem>>) dst(%dma_wait3A_207 : memref<10240x128xf32, #tpu.memory_space<vmem_shared>>)
          tpu.yield
        }) : () -> ()
        %add3A_185 = arith.constant 2 : i32
        %add3A_186 = arith.addi %mul3A_158, %add3A_185 : i32
        %add3A_187 = arith.constant 1 : i32
        %add3A_188 = arith.addi %add3A_186, %add3A_187 : i32
        %dma_start3A_189 = arith.constant 0 : i32
        %dma_start3A_190 = tpu.memref_slice %arg9[%add3A_188, %dma_start3A_189] : memref<40x128xi32, #tpu.memory_space<vmem>> -> memref<1x128xi32, #tpu.memory_space<vmem>>
        %dma_start3A_191 = tpu.memref_squeeze %dma_start3A_190 : memref<1x128xi32, #tpu.memory_space<vmem>> -> memref<128xi32, #tpu.memory_space<vmem>>
        %dma_start3A_192 = arith.constant 0 : i32
        %dma_start3A_193 = arith.constant 0 : i32
        %dma_start3A_194 = tpu.memref_slice %arg2[%dma_start3A_192, %dma_start3A_193] : memref<10240x128xf32, #tpu.memory_space<hbm>> -> memref<10240x128xf32, #tpu.memory_space<hbm>>
        tpu.enqueue_indirect_dma source(%dma_start3A_194 : memref<10240x128xf32, #tpu.memory_space<hbm>>) target(%arg12 : memref<128x128xf32, #tpu.memory_space<vmem>>) offsets(%dma_start3A_191 : memref<128xi32, #tpu.memory_space<vmem>>) semaphore(%arg15 : memref<!tpu.dma_semaphore, #tpu.memory_space<semaphore_mem>>)
      }
      %scan3A_65 = arith.constant 19 : i32
      %dma_wait3A_66 = arith.constant 0 : i32
      %dma_wait3A_67 = arith.constant 0 : i32
      %dma_wait3A_68 = tpu.memref_slice %arg2[%dma_wait3A_66, %dma_wait3A_67] : memref<10240x128xf32, #tpu.memory_space<hbm>> -> memref<128x128xf32, #tpu.memory_space<hbm>>
      %dma_wait3A_69 = arith.constant 0 : i32
      %dma_wait3A_70 = arith.constant 0 : i32
      %dma_wait3A_71 = tpu.memref_slice %arg2[%dma_wait3A_69, %dma_wait3A_70] : memref<10240x128xf32, #tpu.memory_space<hbm>> -> memref<128x128xf32, #tpu.memory_space<hbm>>
      tpu.wait_dma2 semaphore(%arg14 : memref<!tpu.dma_semaphore, #tpu.memory_space<semaphore_mem>>) src(%dma_wait3A_71 : memref<128x128xf32, #tpu.memory_space<hbm>>) dst(%arg11 : memref<128x128xf32, #tpu.memory_space<vmem>>)
      %run_scoped3A_72 = arith.constant 38 : i32
      "tpu.region"() ({
        %run_scoped3A_156 = tpu.sem_alloc : memref<!tpu.dma_semaphore, #tpu.memory_space<semaphore_mem>>
        %dma_start3A_157 = arith.constant 0 : i32
        %dma_start3A_158 = tpu.memref_slice %arg10[%run_scoped3A_72, %dma_start3A_157] : memref<40x128xi32, #tpu.memory_space<vmem>> -> memref<1x128xi32, #tpu.memory_space<vmem>>
        %dma_start3A_159 = tpu.memref_squeeze %dma_start3A_158 : memref<1x128xi32, #tpu.memory_space<vmem>> -> memref<128xi32, #tpu.memory_space<vmem>>
        %dma_start3A_160 = arith.constant 0 : i32
        %dma_start3A_161 = arith.constant 0 : i32
        %dma_start3A_162 = tpu.memref_slice %arg13[%dma_start3A_160, %dma_start3A_161] : memref<10240x128xf32, #tpu.memory_space<vmem_shared>> -> memref<10240x128xf32, #tpu.memory_space<vmem_shared>>
        tpu.enqueue_indirect_dma source(%arg11 : memref<128x128xf32, #tpu.memory_space<vmem>>) target(%dma_start3A_162 : memref<10240x128xf32, #tpu.memory_space<vmem_shared>>) offsets(%dma_start3A_159 : memref<128xi32, #tpu.memory_space<vmem>>) semaphore(%run_scoped3A_156 : memref<!tpu.dma_semaphore, #tpu.memory_space<semaphore_mem>>) {add = true}
        %dma_wait3A_163 = arith.constant 0 : i32
        %dma_wait3A_164 = tpu.memref_slice %arg10[%run_scoped3A_72, %dma_wait3A_163] : memref<40x128xi32, #tpu.memory_space<vmem>> -> memref<1x128xi32, #tpu.memory_space<vmem>>
        %dma_wait3A_165 = tpu.memref_squeeze %dma_wait3A_164 : memref<1x128xi32, #tpu.memory_space<vmem>> -> memref<128xi32, #tpu.memory_space<vmem>>
        %dma_wait3A_166 = arith.constant 0 : i32
        %dma_wait3A_167 = arith.constant 0 : i32
        %dma_wait3A_168 = tpu.memref_slice %arg13[%dma_wait3A_166, %dma_wait3A_167] : memref<10240x128xf32, #tpu.memory_space<vmem_shared>> -> memref<10240x128xf32, #tpu.memory_space<vmem_shared>>
        tpu.wait_indirect_dma semaphore(%run_scoped3A_156 : memref<!tpu.dma_semaphore, #tpu.memory_space<semaphore_mem>>) src(%arg11 : memref<128x128xf32, #tpu.memory_space<vmem>>) dst(%dma_wait3A_168 : memref<10240x128xf32, #tpu.memory_space<vmem_shared>>)
        tpu.yield
      }) : () -> ()
      %dma_wait3A_73 = arith.constant 0 : i32
      %dma_wait3A_74 = arith.constant 0 : i32
      %dma_wait3A_75 = tpu.memref_slice %arg2[%dma_wait3A_73, %dma_wait3A_74] : memref<10240x128xf32, #tpu.memory_space<hbm>> -> memref<128x128xf32, #tpu.memory_space<hbm>>
      %dma_wait3A_76 = arith.constant 0 : i32
      %dma_wait3A_77 = arith.constant 0 : i32
      %dma_wait3A_78 = tpu.memref_slice %arg2[%dma_wait3A_76, %dma_wait3A_77] : memref<10240x128xf32, #tpu.memory_space<hbm>> -> memref<128x128xf32, #tpu.memory_space<hbm>>
      tpu.wait_dma2 semaphore(%arg15 : memref<!tpu.dma_semaphore, #tpu.memory_space<semaphore_mem>>) src(%dma_wait3A_78 : memref<128x128xf32, #tpu.memory_space<hbm>>) dst(%arg12 : memref<128x128xf32, #tpu.memory_space<vmem>>)
      %run_scoped3A_79 = arith.constant 39 : i32
      "tpu.region"() ({
        %run_scoped3A_156 = tpu.sem_alloc : memref<!tpu.dma_semaphore, #tpu.memory_space<semaphore_mem>>
        %dma_start3A_157 = arith.constant 0 : i32
        %dma_start3A_158 = tpu.memref_slice %arg10[%run_scoped3A_79, %dma_start3A_157] : memref<40x128xi32, #tpu.memory_space<vmem>> -> memref<1x128xi32, #tpu.memory_space<vmem>>
        %dma_start3A_159 = tpu.memref_squeeze %dma_start3A_158 : memref<1x128xi32, #tpu.memory_space<vmem>> -> memref<128xi32, #tpu.memory_space<vmem>>
        %dma_start3A_160 = arith.constant 0 : i32
        %dma_start3A_161 = arith.constant 0 : i32
        %dma_start3A_162 = tpu.memref_slice %arg13[%dma_start3A_160, %dma_start3A_161] : memref<10240x128xf32, #tpu.memory_space<vmem_shared>> -> memref<10240x128xf32, #tpu.memory_space<vmem_shared>>
        tpu.enqueue_indirect_dma source(%arg12 : memref<128x128xf32, #tpu.memory_space<vmem>>) target(%dma_start3A_162 : memref<10240x128xf32, #tpu.memory_space<vmem_shared>>) offsets(%dma_start3A_159 : memref<128xi32, #tpu.memory_space<vmem>>) semaphore(%run_scoped3A_156 : memref<!tpu.dma_semaphore, #tpu.memory_space<semaphore_mem>>) {add = true}
        %dma_wait3A_163 = arith.constant 0 : i32
        %dma_wait3A_164 = tpu.memref_slice %arg10[%run_scoped3A_79, %dma_wait3A_163] : memref<40x128xi32, #tpu.memory_space<vmem>> -> memref<1x128xi32, #tpu.memory_space<vmem>>
        %dma_wait3A_165 = tpu.memref_squeeze %dma_wait3A_164 : memref<1x128xi32, #tpu.memory_space<vmem>> -> memref<128xi32, #tpu.memory_space<vmem>>
        %dma_wait3A_166 = arith.constant 0 : i32
        %dma_wait3A_167 = arith.constant 0 : i32
        %dma_wait3A_168 = tpu.memref_slice %arg13[%dma_wait3A_166, %dma_wait3A_167] : memref<10240x128xf32, #tpu.memory_space<vmem_shared>> -> memref<10240x128xf32, #tpu.memory_space<vmem_shared>>
        tpu.wait_indirect_dma semaphore(%run_scoped3A_156 : memref<!tpu.dma_semaphore, #tpu.memory_space<semaphore_mem>>) src(%arg12 : memref<128x128xf32, #tpu.memory_space<vmem>>) dst(%dma_wait3A_168 : memref<10240x128xf32, #tpu.memory_space<vmem_shared>>)
        tpu.yield
      }) : () -> ()
      %mul3A_80 = arith.constant 2 : i32
      %mul3A_81 = arith.muli %mul3A_80, %arg1 : i32
      %add3A_82 = arith.constant 1 : i32
      %add3A_83 = arith.addi %mul3A_81, %add3A_82 : i32
      "tpu.region"() ({
        %run_scoped3A_156 = tpu.sem_alloc : memref<!tpu.dma_semaphore, #tpu.memory_space<semaphore_mem>>
        %dma_start3A_157 = arith.constant 0 : i32
        %dma_start3A_158 = arith.constant 0 : i32
        %dma_start3A_159 = tpu.memref_slice %arg4[%add3A_83, %dma_start3A_157, %dma_start3A_158] : memref<32x80x128xi32, #tpu.memory_space<hbm>> -> memref<1x40x128xi32, #tpu.memory_space<hbm>>
        %dma_start3A_160 = tpu.memref_squeeze %dma_start3A_159 : memref<1x40x128xi32, #tpu.memory_space<hbm>> -> memref<40x128xi32, #tpu.memory_space<hbm>>
        %dma_start3A_161 = arith.constant 0 : i32
        %dma_start3A_162 = arith.constant 0 : i32
        %dma_start3A_163 = tpu.memref_slice %arg4[%add3A_83, %dma_start3A_161, %dma_start3A_162] : memref<32x80x128xi32, #tpu.memory_space<hbm>> -> memref<1x40x128xi32, #tpu.memory_space<hbm>>
        %dma_start3A_164 = tpu.memref_squeeze %dma_start3A_163 : memref<1x40x128xi32, #tpu.memory_space<hbm>> -> memref<40x128xi32, #tpu.memory_space<hbm>>
        tpu.enqueue_dma source(%dma_start3A_164 : memref<40x128xi32, #tpu.memory_space<hbm>>) target(%arg9 : memref<40x128xi32, #tpu.memory_space<vmem>>) target_semaphore(%run_scoped3A_156 : memref<!tpu.dma_semaphore, #tpu.memory_space<semaphore_mem>>)
        %dma_wait3A_165 = arith.constant 0 : i32
        %dma_wait3A_166 = arith.constant 0 : i32
        %dma_wait3A_167 = tpu.memref_slice %arg4[%add3A_83, %dma_wait3A_165, %dma_wait3A_166] : memref<32x80x128xi32, #tpu.memory_space<hbm>> -> memref<1x40x128xi32, #tpu.memory_space<hbm>>
        %dma_wait3A_168 = tpu.memref_squeeze %dma_wait3A_167 : memref<1x40x128xi32, #tpu.memory_space<hbm>> -> memref<40x128xi32, #tpu.memory_space<hbm>>
        %dma_wait3A_169 = arith.constant 0 : i32
        %dma_wait3A_170 = arith.constant 0 : i32
        %dma_wait3A_171 = tpu.memref_slice %arg4[%add3A_83, %dma_wait3A_169, %dma_wait3A_170] : memref<32x80x128xi32, #tpu.memory_space<hbm>> -> memref<1x40x128xi32, #tpu.memory_space<hbm>>
        %dma_wait3A_172 = tpu.memref_squeeze %dma_wait3A_171 : memref<1x40x128xi32, #tpu.memory_space<hbm>> -> memref<40x128xi32, #tpu.memory_space<hbm>>
        tpu.wait_dma2 semaphore(%run_scoped3A_156 : memref<!tpu.dma_semaphore, #tpu.memory_space<semaphore_mem>>) src(%dma_wait3A_172 : memref<40x128xi32, #tpu.memory_space<hbm>>) dst(%arg9 : memref<40x128xi32, #tpu.memory_space<vmem>>)
        tpu.yield
      }) : () -> ()
      "tpu.region"() ({
        %run_scoped3A_156 = tpu.sem_alloc : memref<!tpu.dma_semaphore, #tpu.memory_space<semaphore_mem>>
        %dma_start3A_157 = arith.constant 0 : i32
        %dma_start3A_158 = arith.constant 0 : i32
        %dma_start3A_159 = tpu.memref_slice %arg6[%add3A_83, %dma_start3A_157, %dma_start3A_158] : memref<32x80x128xi32, #tpu.memory_space<hbm>> -> memref<1x40x128xi32, #tpu.memory_space<hbm>>
        %dma_start3A_160 = tpu.memref_squeeze %dma_start3A_159 : memref<1x40x128xi32, #tpu.memory_space<hbm>> -> memref<40x128xi32, #tpu.memory_space<hbm>>
        %dma_start3A_161 = arith.constant 0 : i32
        %dma_start3A_162 = arith.constant 0 : i32
        %dma_start3A_163 = tpu.memref_slice %arg6[%add3A_83, %dma_start3A_161, %dma_start3A_162] : memref<32x80x128xi32, #tpu.memory_space<hbm>> -> memref<1x40x128xi32, #tpu.memory_space<hbm>>
        %dma_start3A_164 = tpu.memref_squeeze %dma_start3A_163 : memref<1x40x128xi32, #tpu.memory_space<hbm>> -> memref<40x128xi32, #tpu.memory_space<hbm>>
        tpu.enqueue_dma source(%dma_start3A_164 : memref<40x128xi32, #tpu.memory_space<hbm>>) target(%arg10 : memref<40x128xi32, #tpu.memory_space<vmem>>) target_semaphore(%run_scoped3A_156 : memref<!tpu.dma_semaphore, #tpu.memory_space<semaphore_mem>>)
        %dma_wait3A_165 = arith.constant 0 : i32
        %dma_wait3A_166 = arith.constant 0 : i32
        %dma_wait3A_167 = tpu.memref_slice %arg6[%add3A_83, %dma_wait3A_165, %dma_wait3A_166] : memref<32x80x128xi32, #tpu.memory_space<hbm>> -> memref<1x40x128xi32, #tpu.memory_space<hbm>>
        %dma_wait3A_168 = tpu.memref_squeeze %dma_wait3A_167 : memref<1x40x128xi32, #tpu.memory_space<hbm>> -> memref<40x128xi32, #tpu.memory_space<hbm>>
        %dma_wait3A_169 = arith.constant 0 : i32
        %dma_wait3A_170 = arith.constant 0 : i32
        %dma_wait3A_171 = tpu.memref_slice %arg6[%add3A_83, %dma_wait3A_169, %dma_wait3A_170] : memref<32x80x128xi32, #tpu.memory_space<hbm>> -> memref<1x40x128xi32, #tpu.memory_space<hbm>>
        %dma_wait3A_172 = tpu.memref_squeeze %dma_wait3A_171 : memref<1x40x128xi32, #tpu.memory_space<hbm>> -> memref<40x128xi32, #tpu.memory_space<hbm>>
        tpu.wait_dma2 semaphore(%run_scoped3A_156 : memref<!tpu.dma_semaphore, #tpu.memory_space<semaphore_mem>>) src(%dma_wait3A_172 : memref<40x128xi32, #tpu.memory_space<hbm>>) dst(%arg10 : memref<40x128xi32, #tpu.memory_space<vmem>>)
        tpu.yield
      }) : () -> ()
      %dma_start3A_84 = arith.constant 0 : i32
      %dma_start3A_85 = arith.constant 0 : i32
      %dma_start3A_86 = tpu.memref_slice %arg9[%dma_start3A_84, %dma_start3A_85] : memref<40x128xi32, #tpu.memory_space<vmem>> -> memref<1x128xi32, #tpu.memory_space<vmem>>
      %dma_start3A_87 = tpu.memref_squeeze %dma_start3A_86 : memref<1x128xi32, #tpu.memory_space<vmem>> -> memref<128xi32, #tpu.memory_space<vmem>>
      %dma_start3A_88 = arith.constant 0 : i32
      %dma_start3A_89 = arith.constant 0 : i32
      %dma_start3A_90 = tpu.memref_slice %arg2[%dma_start3A_88, %dma_start3A_89] : memref<10240x128xf32, #tpu.memory_space<hbm>> -> memref<10240x128xf32, #tpu.memory_space<hbm>>
      tpu.enqueue_indirect_dma source(%dma_start3A_90 : memref<10240x128xf32, #tpu.memory_space<hbm>>) target(%arg11 : memref<128x128xf32, #tpu.memory_space<vmem>>) offsets(%dma_start3A_87 : memref<128xi32, #tpu.memory_space<vmem>>) semaphore(%arg14 : memref<!tpu.dma_semaphore, #tpu.memory_space<semaphore_mem>>)
      %dma_start3A_91 = arith.constant 1 : i32
      %dma_start3A_92 = arith.constant 0 : i32
      %dma_start3A_93 = tpu.memref_slice %arg9[%dma_start3A_91, %dma_start3A_92] : memref<40x128xi32, #tpu.memory_space<vmem>> -> memref<1x128xi32, #tpu.memory_space<vmem>>
      %dma_start3A_94 = tpu.memref_squeeze %dma_start3A_93 : memref<1x128xi32, #tpu.memory_space<vmem>> -> memref<128xi32, #tpu.memory_space<vmem>>
      %dma_start3A_95 = arith.constant 0 : i32
      %dma_start3A_96 = arith.constant 0 : i32
      %dma_start3A_97 = tpu.memref_slice %arg2[%dma_start3A_95, %dma_start3A_96] : memref<10240x128xf32, #tpu.memory_space<hbm>> -> memref<10240x128xf32, #tpu.memory_space<hbm>>
      tpu.enqueue_indirect_dma source(%dma_start3A_97 : memref<10240x128xf32, #tpu.memory_space<hbm>>) target(%arg12 : memref<128x128xf32, #tpu.memory_space<vmem>>) offsets(%dma_start3A_94 : memref<128xi32, #tpu.memory_space<vmem>>) semaphore(%arg15 : memref<!tpu.dma_semaphore, #tpu.memory_space<semaphore_mem>>)
      %scan3A_98 = arith.constant 0 : i32
      %scan3A_99 = arith.constant 0 : i32
      %scan3A_100 = arith.constant 19 : i32
      %scan3A_101 = arith.addi %scan3A_99, %scan3A_100 : i32
      %scan3A_102 = arith.constant 1 : i32
      scf.for %scan3A_156 = %scan3A_99 to %scan3A_101 step %scan3A_102  : i32 {
        %mul3A_157 = arith.constant 2 : i32
        %mul3A_158 = arith.muli %scan3A_156, %mul3A_157 : i32
        %dma_wait3A_159 = arith.constant 0 : i32
        %dma_wait3A_160 = arith.constant 0 : i32
        %dma_wait3A_161 = tpu.memref_slice %arg2[%dma_wait3A_159, %dma_wait3A_160] : memref<10240x128xf32, #tpu.memory_space<hbm>> -> memref<128x128xf32, #tpu.memory_space<hbm>>
        %dma_wait3A_162 = arith.constant 0 : i32
        %dma_wait3A_163 = arith.constant 0 : i32
        %dma_wait3A_164 = tpu.memref_slice %arg2[%dma_wait3A_162, %dma_wait3A_163] : memref<10240x128xf32, #tpu.memory_space<hbm>> -> memref<128x128xf32, #tpu.memory_space<hbm>>
        tpu.wait_dma2 semaphore(%arg14 : memref<!tpu.dma_semaphore, #tpu.memory_space<semaphore_mem>>) src(%dma_wait3A_164 : memref<128x128xf32, #tpu.memory_space<hbm>>) dst(%arg11 : memref<128x128xf32, #tpu.memory_space<vmem>>)
        %add3A_165 = arith.constant 0 : i32
        %add3A_166 = arith.addi %mul3A_158, %add3A_165 : i32
        "tpu.region"() ({
          %run_scoped3A_195 = tpu.sem_alloc : memref<!tpu.dma_semaphore, #tpu.memory_space<semaphore_mem>>
          %dma_start3A_196 = arith.constant 0 : i32
          %dma_start3A_197 = tpu.memref_slice %arg10[%add3A_166, %dma_start3A_196] : memref<40x128xi32, #tpu.memory_space<vmem>> -> memref<1x128xi32, #tpu.memory_space<vmem>>
          %dma_start3A_198 = tpu.memref_squeeze %dma_start3A_197 : memref<1x128xi32, #tpu.memory_space<vmem>> -> memref<128xi32, #tpu.memory_space<vmem>>
          %dma_start3A_199 = arith.constant 0 : i32
          %dma_start3A_200 = arith.constant 0 : i32
          %dma_start3A_201 = tpu.memref_slice %arg13[%dma_start3A_199, %dma_start3A_200] : memref<10240x128xf32, #tpu.memory_space<vmem_shared>> -> memref<10240x128xf32, #tpu.memory_space<vmem_shared>>
          tpu.enqueue_indirect_dma source(%arg11 : memref<128x128xf32, #tpu.memory_space<vmem>>) target(%dma_start3A_201 : memref<10240x128xf32, #tpu.memory_space<vmem_shared>>) offsets(%dma_start3A_198 : memref<128xi32, #tpu.memory_space<vmem>>) semaphore(%run_scoped3A_195 : memref<!tpu.dma_semaphore, #tpu.memory_space<semaphore_mem>>) {add = true}
          %dma_wait3A_202 = arith.constant 0 : i32
          %dma_wait3A_203 = tpu.memref_slice %arg10[%add3A_166, %dma_wait3A_202] : memref<40x128xi32, #tpu.memory_space<vmem>> -> memref<1x128xi32, #tpu.memory_space<vmem>>
          %dma_wait3A_204 = tpu.memref_squeeze %dma_wait3A_203 : memref<1x128xi32, #tpu.memory_space<vmem>> -> memref<128xi32, #tpu.memory_space<vmem>>
          %dma_wait3A_205 = arith.constant 0 : i32
          %dma_wait3A_206 = arith.constant 0 : i32
          %dma_wait3A_207 = tpu.memref_slice %arg13[%dma_wait3A_205, %dma_wait3A_206] : memref<10240x128xf32, #tpu.memory_space<vmem_shared>> -> memref<10240x128xf32, #tpu.memory_space<vmem_shared>>
          tpu.wait_indirect_dma semaphore(%run_scoped3A_195 : memref<!tpu.dma_semaphore, #tpu.memory_space<semaphore_mem>>) src(%arg11 : memref<128x128xf32, #tpu.memory_space<vmem>>) dst(%dma_wait3A_207 : memref<10240x128xf32, #tpu.memory_space<vmem_shared>>)
          tpu.yield
        }) : () -> ()
        %add3A_167 = arith.constant 2 : i32
        %add3A_168 = arith.addi %mul3A_158, %add3A_167 : i32
        %add3A_169 = arith.constant 0 : i32
        %add3A_170 = arith.addi %add3A_168, %add3A_169 : i32
        %dma_start3A_171 = arith.constant 0 : i32
        %dma_start3A_172 = tpu.memref_slice %arg9[%add3A_170, %dma_start3A_171] : memref<40x128xi32, #tpu.memory_space<vmem>> -> memref<1x128xi32, #tpu.memory_space<vmem>>
        %dma_start3A_173 = tpu.memref_squeeze %dma_start3A_172 : memref<1x128xi32, #tpu.memory_space<vmem>> -> memref<128xi32, #tpu.memory_space<vmem>>
        %dma_start3A_174 = arith.constant 0 : i32
        %dma_start3A_175 = arith.constant 0 : i32
        %dma_start3A_176 = tpu.memref_slice %arg2[%dma_start3A_174, %dma_start3A_175] : memref<10240x128xf32, #tpu.memory_space<hbm>> -> memref<10240x128xf32, #tpu.memory_space<hbm>>
        tpu.enqueue_indirect_dma source(%dma_start3A_176 : memref<10240x128xf32, #tpu.memory_space<hbm>>) target(%arg11 : memref<128x128xf32, #tpu.memory_space<vmem>>) offsets(%dma_start3A_173 : memref<128xi32, #tpu.memory_space<vmem>>) semaphore(%arg14 : memref<!tpu.dma_semaphore, #tpu.memory_space<semaphore_mem>>)
        %dma_wait3A_177 = arith.constant 0 : i32
        %dma_wait3A_178 = arith.constant 0 : i32
        %dma_wait3A_179 = tpu.memref_slice %arg2[%dma_wait3A_177, %dma_wait3A_178] : memref<10240x128xf32, #tpu.memory_space<hbm>> -> memref<128x128xf32, #tpu.memory_space<hbm>>
        %dma_wait3A_180 = arith.constant 0 : i32
        %dma_wait3A_181 = arith.constant 0 : i32
        %dma_wait3A_182 = tpu.memref_slice %arg2[%dma_wait3A_180, %dma_wait3A_181] : memref<10240x128xf32, #tpu.memory_space<hbm>> -> memref<128x128xf32, #tpu.memory_space<hbm>>
        tpu.wait_dma2 semaphore(%arg15 : memref<!tpu.dma_semaphore, #tpu.memory_space<semaphore_mem>>) src(%dma_wait3A_182 : memref<128x128xf32, #tpu.memory_space<hbm>>) dst(%arg12 : memref<128x128xf32, #tpu.memory_space<vmem>>)
        %add3A_183 = arith.constant 1 : i32
        %add3A_184 = arith.addi %mul3A_158, %add3A_183 : i32
        "tpu.region"() ({
          %run_scoped3A_195 = tpu.sem_alloc : memref<!tpu.dma_semaphore, #tpu.memory_space<semaphore_mem>>
          %dma_start3A_196 = arith.constant 0 : i32
          %dma_start3A_197 = tpu.memref_slice %arg10[%add3A_184, %dma_start3A_196] : memref<40x128xi32, #tpu.memory_space<vmem>> -> memref<1x128xi32, #tpu.memory_space<vmem>>
          %dma_start3A_198 = tpu.memref_squeeze %dma_start3A_197 : memref<1x128xi32, #tpu.memory_space<vmem>> -> memref<128xi32, #tpu.memory_space<vmem>>
          %dma_start3A_199 = arith.constant 0 : i32
          %dma_start3A_200 = arith.constant 0 : i32
          %dma_start3A_201 = tpu.memref_slice %arg13[%dma_start3A_199, %dma_start3A_200] : memref<10240x128xf32, #tpu.memory_space<vmem_shared>> -> memref<10240x128xf32, #tpu.memory_space<vmem_shared>>
          tpu.enqueue_indirect_dma source(%arg12 : memref<128x128xf32, #tpu.memory_space<vmem>>) target(%dma_start3A_201 : memref<10240x128xf32, #tpu.memory_space<vmem_shared>>) offsets(%dma_start3A_198 : memref<128xi32, #tpu.memory_space<vmem>>) semaphore(%run_scoped3A_195 : memref<!tpu.dma_semaphore, #tpu.memory_space<semaphore_mem>>) {add = true}
          %dma_wait3A_202 = arith.constant 0 : i32
          %dma_wait3A_203 = tpu.memref_slice %arg10[%add3A_184, %dma_wait3A_202] : memref<40x128xi32, #tpu.memory_space<vmem>> -> memref<1x128xi32, #tpu.memory_space<vmem>>
          %dma_wait3A_204 = tpu.memref_squeeze %dma_wait3A_203 : memref<1x128xi32, #tpu.memory_space<vmem>> -> memref<128xi32, #tpu.memory_space<vmem>>
          %dma_wait3A_205 = arith.constant 0 : i32
          %dma_wait3A_206 = arith.constant 0 : i32
          %dma_wait3A_207 = tpu.memref_slice %arg13[%dma_wait3A_205, %dma_wait3A_206] : memref<10240x128xf32, #tpu.memory_space<vmem_shared>> -> memref<10240x128xf32, #tpu.memory_space<vmem_shared>>
          tpu.wait_indirect_dma semaphore(%run_scoped3A_195 : memref<!tpu.dma_semaphore, #tpu.memory_space<semaphore_mem>>) src(%arg12 : memref<128x128xf32, #tpu.memory_space<vmem>>) dst(%dma_wait3A_207 : memref<10240x128xf32, #tpu.memory_space<vmem_shared>>)
          tpu.yield
        }) : () -> ()
        %add3A_185 = arith.constant 2 : i32
        %add3A_186 = arith.addi %mul3A_158, %add3A_185 : i32
        %add3A_187 = arith.constant 1 : i32
        %add3A_188 = arith.addi %add3A_186, %add3A_187 : i32
        %dma_start3A_189 = arith.constant 0 : i32
        %dma_start3A_190 = tpu.memref_slice %arg9[%add3A_188, %dma_start3A_189] : memref<40x128xi32, #tpu.memory_space<vmem>> -> memref<1x128xi32, #tpu.memory_space<vmem>>
        %dma_start3A_191 = tpu.memref_squeeze %dma_start3A_190 : memref<1x128xi32, #tpu.memory_space<vmem>> -> memref<128xi32, #tpu.memory_space<vmem>>
        %dma_start3A_192 = arith.constant 0 : i32
        %dma_start3A_193 = arith.constant 0 : i32
        %dma_start3A_194 = tpu.memref_slice %arg2[%dma_start3A_192, %dma_start3A_193] : memref<10240x128xf32, #tpu.memory_space<hbm>> -> memref<10240x128xf32, #tpu.memory_space<hbm>>
        tpu.enqueue_indirect_dma source(%dma_start3A_194 : memref<10240x128xf32, #tpu.memory_space<hbm>>) target(%arg12 : memref<128x128xf32, #tpu.memory_space<vmem>>) offsets(%dma_start3A_191 : memref<128xi32, #tpu.memory_space<vmem>>) semaphore(%arg15 : memref<!tpu.dma_semaphore, #tpu.memory_space<semaphore_mem>>)
      }
      %scan3A_103 = arith.constant 19 : i32
      %dma_wait3A_104 = arith.constant 0 : i32
      %dma_wait3A_105 = arith.constant 0 : i32
      %dma_wait3A_106 = tpu.memref_slice %arg2[%dma_wait3A_104, %dma_wait3A_105] : memref<10240x128xf32, #tpu.memory_space<hbm>> -> memref<128x128xf32, #tpu.memory_space<hbm>>
      %dma_wait3A_107 = arith.constant 0 : i32
      %dma_wait3A_108 = arith.constant 0 : i32
      %dma_wait3A_109 = tpu.memref_slice %arg2[%dma_wait3A_107, %dma_wait3A_108] : memref<10240x128xf32, #tpu.memory_space<hbm>> -> memref<128x128xf32, #tpu.memory_space<hbm>>
      tpu.wait_dma2 semaphore(%arg14 : memref<!tpu.dma_semaphore, #tpu.memory_space<semaphore_mem>>) src(%dma_wait3A_109 : memref<128x128xf32, #tpu.memory_space<hbm>>) dst(%arg11 : memref<128x128xf32, #tpu.memory_space<vmem>>)
      %run_scoped3A_110 = arith.constant 38 : i32
      "tpu.region"() ({
        %run_scoped3A_156 = tpu.sem_alloc : memref<!tpu.dma_semaphore, #tpu.memory_space<semaphore_mem>>
        %dma_start3A_157 = arith.constant 0 : i32
        %dma_start3A_158 = tpu.memref_slice %arg10[%run_scoped3A_110, %dma_start3A_157] : memref<40x128xi32, #tpu.memory_space<vmem>> -> memref<1x128xi32, #tpu.memory_space<vmem>>
        %dma_start3A_159 = tpu.memref_squeeze %dma_start3A_158 : memref<1x128xi32, #tpu.memory_space<vmem>> -> memref<128xi32, #tpu.memory_space<vmem>>
        %dma_start3A_160 = arith.constant 0 : i32
        %dma_start3A_161 = arith.constant 0 : i32
        %dma_start3A_162 = tpu.memref_slice %arg13[%dma_start3A_160, %dma_start3A_161] : memref<10240x128xf32, #tpu.memory_space<vmem_shared>> -> memref<10240x128xf32, #tpu.memory_space<vmem_shared>>
        tpu.enqueue_indirect_dma source(%arg11 : memref<128x128xf32, #tpu.memory_space<vmem>>) target(%dma_start3A_162 : memref<10240x128xf32, #tpu.memory_space<vmem_shared>>) offsets(%dma_start3A_159 : memref<128xi32, #tpu.memory_space<vmem>>) semaphore(%run_scoped3A_156 : memref<!tpu.dma_semaphore, #tpu.memory_space<semaphore_mem>>) {add = true}
        %dma_wait3A_163 = arith.constant 0 : i32
        %dma_wait3A_164 = tpu.memref_slice %arg10[%run_scoped3A_110, %dma_wait3A_163] : memref<40x128xi32, #tpu.memory_space<vmem>> -> memref<1x128xi32, #tpu.memory_space<vmem>>
        %dma_wait3A_165 = tpu.memref_squeeze %dma_wait3A_164 : memref<1x128xi32, #tpu.memory_space<vmem>> -> memref<128xi32, #tpu.memory_space<vmem>>
        %dma_wait3A_166 = arith.constant 0 : i32
        %dma_wait3A_167 = arith.constant 0 : i32
        %dma_wait3A_168 = tpu.memref_slice %arg13[%dma_wait3A_166, %dma_wait3A_167] : memref<10240x128xf32, #tpu.memory_space<vmem_shared>> -> memref<10240x128xf32, #tpu.memory_space<vmem_shared>>
        tpu.wait_indirect_dma semaphore(%run_scoped3A_156 : memref<!tpu.dma_semaphore, #tpu.memory_space<semaphore_mem>>) src(%arg11 : memref<128x128xf32, #tpu.memory_space<vmem>>) dst(%dma_wait3A_168 : memref<10240x128xf32, #tpu.memory_space<vmem_shared>>)
        tpu.yield
      }) : () -> ()
      %dma_wait3A_111 = arith.constant 0 : i32
      %dma_wait3A_112 = arith.constant 0 : i32
      %dma_wait3A_113 = tpu.memref_slice %arg2[%dma_wait3A_111, %dma_wait3A_112] : memref<10240x128xf32, #tpu.memory_space<hbm>> -> memref<128x128xf32, #tpu.memory_space<hbm>>
      %dma_wait3A_114 = arith.constant 0 : i32
      %dma_wait3A_115 = arith.constant 0 : i32
      %dma_wait3A_116 = tpu.memref_slice %arg2[%dma_wait3A_114, %dma_wait3A_115] : memref<10240x128xf32, #tpu.memory_space<hbm>> -> memref<128x128xf32, #tpu.memory_space<hbm>>
      tpu.wait_dma2 semaphore(%arg15 : memref<!tpu.dma_semaphore, #tpu.memory_space<semaphore_mem>>) src(%dma_wait3A_116 : memref<128x128xf32, #tpu.memory_space<hbm>>) dst(%arg12 : memref<128x128xf32, #tpu.memory_space<vmem>>)
      %run_scoped3A_117 = arith.constant 39 : i32
      "tpu.region"() ({
        %run_scoped3A_156 = tpu.sem_alloc : memref<!tpu.dma_semaphore, #tpu.memory_space<semaphore_mem>>
        %dma_start3A_157 = arith.constant 0 : i32
        %dma_start3A_158 = tpu.memref_slice %arg10[%run_scoped3A_117, %dma_start3A_157] : memref<40x128xi32, #tpu.memory_space<vmem>> -> memref<1x128xi32, #tpu.memory_space<vmem>>
        %dma_start3A_159 = tpu.memref_squeeze %dma_start3A_158 : memref<1x128xi32, #tpu.memory_space<vmem>> -> memref<128xi32, #tpu.memory_space<vmem>>
        %dma_start3A_160 = arith.constant 0 : i32
        %dma_start3A_161 = arith.constant 0 : i32
        %dma_start3A_162 = tpu.memref_slice %arg13[%dma_start3A_160, %dma_start3A_161] : memref<10240x128xf32, #tpu.memory_space<vmem_shared>> -> memref<10240x128xf32, #tpu.memory_space<vmem_shared>>
        tpu.enqueue_indirect_dma source(%arg12 : memref<128x128xf32, #tpu.memory_space<vmem>>) target(%dma_start3A_162 : memref<10240x128xf32, #tpu.memory_space<vmem_shared>>) offsets(%dma_start3A_159 : memref<128xi32, #tpu.memory_space<vmem>>) semaphore(%run_scoped3A_156 : memref<!tpu.dma_semaphore, #tpu.memory_space<semaphore_mem>>) {add = true}
        %dma_wait3A_163 = arith.constant 0 : i32
        %dma_wait3A_164 = tpu.memref_slice %arg10[%run_scoped3A_117, %dma_wait3A_163] : memref<40x128xi32, #tpu.memory_space<vmem>> -> memref<1x128xi32, #tpu.memory_space<vmem>>
        %dma_wait3A_165 = tpu.memref_squeeze %dma_wait3A_164 : memref<1x128xi32, #tpu.memory_space<vmem>> -> memref<128xi32, #tpu.memory_space<vmem>>
        %dma_wait3A_166 = arith.constant 0 : i32
        %dma_wait3A_167 = arith.constant 0 : i32
        %dma_wait3A_168 = tpu.memref_slice %arg13[%dma_wait3A_166, %dma_wait3A_167] : memref<10240x128xf32, #tpu.memory_space<vmem_shared>> -> memref<10240x128xf32, #tpu.memory_space<vmem_shared>>
        tpu.wait_indirect_dma semaphore(%run_scoped3A_156 : memref<!tpu.dma_semaphore, #tpu.memory_space<semaphore_mem>>) src(%arg12 : memref<128x128xf32, #tpu.memory_space<vmem>>) dst(%dma_wait3A_168 : memref<10240x128xf32, #tpu.memory_space<vmem_shared>>)
        tpu.yield
      }) : () -> ()
      %mul3A_118 = arith.constant 2 : i32
      %mul3A_119 = arith.muli %mul3A_118, %arg1 : i32
      %add3A_120 = arith.constant 1 : i32
      %add3A_121 = arith.addi %mul3A_119, %add3A_120 : i32
      "tpu.region"() ({
        %run_scoped3A_156 = tpu.sem_alloc : memref<!tpu.dma_semaphore, #tpu.memory_space<semaphore_mem>>
        %dma_start3A_157 = arith.constant 40 : i32
        %dma_start3A_158 = arith.constant 0 : i32
        %dma_start3A_159 = tpu.memref_slice %arg4[%add3A_121, %dma_start3A_157, %dma_start3A_158] : memref<32x80x128xi32, #tpu.memory_space<hbm>> -> memref<1x40x128xi32, #tpu.memory_space<hbm>>
        %dma_start3A_160 = tpu.memref_squeeze %dma_start3A_159 : memref<1x40x128xi32, #tpu.memory_space<hbm>> -> memref<40x128xi32, #tpu.memory_space<hbm>>
        %dma_start3A_161 = arith.constant 40 : i32
        %dma_start3A_162 = arith.constant 0 : i32
        %dma_start3A_163 = tpu.memref_slice %arg4[%add3A_121, %dma_start3A_161, %dma_start3A_162] : memref<32x80x128xi32, #tpu.memory_space<hbm>> -> memref<1x40x128xi32, #tpu.memory_space<hbm>>
        %dma_start3A_164 = tpu.memref_squeeze %dma_start3A_163 : memref<1x40x128xi32, #tpu.memory_space<hbm>> -> memref<40x128xi32, #tpu.memory_space<hbm>>
        tpu.enqueue_dma source(%dma_start3A_164 : memref<40x128xi32, #tpu.memory_space<hbm>>) target(%arg9 : memref<40x128xi32, #tpu.memory_space<vmem>>) target_semaphore(%run_scoped3A_156 : memref<!tpu.dma_semaphore, #tpu.memory_space<semaphore_mem>>)
        %dma_wait3A_165 = arith.constant 40 : i32
        %dma_wait3A_166 = arith.constant 0 : i32
        %dma_wait3A_167 = tpu.memref_slice %arg4[%add3A_121, %dma_wait3A_165, %dma_wait3A_166] : memref<32x80x128xi32, #tpu.memory_space<hbm>> -> memref<1x40x128xi32, #tpu.memory_space<hbm>>
        %dma_wait3A_168 = tpu.memref_squeeze %dma_wait3A_167 : memref<1x40x128xi32, #tpu.memory_space<hbm>> -> memref<40x128xi32, #tpu.memory_space<hbm>>
        %dma_wait3A_169 = arith.constant 40 : i32
        %dma_wait3A_170 = arith.constant 0 : i32
        %dma_wait3A_171 = tpu.memref_slice %arg4[%add3A_121, %dma_wait3A_169, %dma_wait3A_170] : memref<32x80x128xi32, #tpu.memory_space<hbm>> -> memref<1x40x128xi32, #tpu.memory_space<hbm>>
        %dma_wait3A_172 = tpu.memref_squeeze %dma_wait3A_171 : memref<1x40x128xi32, #tpu.memory_space<hbm>> -> memref<40x128xi32, #tpu.memory_space<hbm>>
        tpu.wait_dma2 semaphore(%run_scoped3A_156 : memref<!tpu.dma_semaphore, #tpu.memory_space<semaphore_mem>>) src(%dma_wait3A_172 : memref<40x128xi32, #tpu.memory_space<hbm>>) dst(%arg9 : memref<40x128xi32, #tpu.memory_space<vmem>>)
        tpu.yield
      }) : () -> ()
      "tpu.region"() ({
        %run_scoped3A_156 = tpu.sem_alloc : memref<!tpu.dma_semaphore, #tpu.memory_space<semaphore_mem>>
        %dma_start3A_157 = arith.constant 40 : i32
        %dma_start3A_158 = arith.constant 0 : i32
        %dma_start3A_159 = tpu.memref_slice %arg6[%add3A_121, %dma_start3A_157, %dma_start3A_158] : memref<32x80x128xi32, #tpu.memory_space<hbm>> -> memref<1x40x128xi32, #tpu.memory_space<hbm>>
        %dma_start3A_160 = tpu.memref_squeeze %dma_start3A_159 : memref<1x40x128xi32, #tpu.memory_space<hbm>> -> memref<40x128xi32, #tpu.memory_space<hbm>>
        %dma_start3A_161 = arith.constant 40 : i32
        %dma_start3A_162 = arith.constant 0 : i32
        %dma_start3A_163 = tpu.memref_slice %arg6[%add3A_121, %dma_start3A_161, %dma_start3A_162] : memref<32x80x128xi32, #tpu.memory_space<hbm>> -> memref<1x40x128xi32, #tpu.memory_space<hbm>>
        %dma_start3A_164 = tpu.memref_squeeze %dma_start3A_163 : memref<1x40x128xi32, #tpu.memory_space<hbm>> -> memref<40x128xi32, #tpu.memory_space<hbm>>
        tpu.enqueue_dma source(%dma_start3A_164 : memref<40x128xi32, #tpu.memory_space<hbm>>) target(%arg10 : memref<40x128xi32, #tpu.memory_space<vmem>>) target_semaphore(%run_scoped3A_156 : memref<!tpu.dma_semaphore, #tpu.memory_space<semaphore_mem>>)
        %dma_wait3A_165 = arith.constant 40 : i32
        %dma_wait3A_166 = arith.constant 0 : i32
        %dma_wait3A_167 = tpu.memref_slice %arg6[%add3A_121, %dma_wait3A_165, %dma_wait3A_166] : memref<32x80x128xi32, #tpu.memory_space<hbm>> -> memref<1x40x128xi32, #tpu.memory_space<hbm>>
        %dma_wait3A_168 = tpu.memref_squeeze %dma_wait3A_167 : memref<1x40x128xi32, #tpu.memory_space<hbm>> -> memref<40x128xi32, #tpu.memory_space<hbm>>
        %dma_wait3A_169 = arith.constant 40 : i32
        %dma_wait3A_170 = arith.constant 0 : i32
        %dma_wait3A_171 = tpu.memref_slice %arg6[%add3A_121, %dma_wait3A_169, %dma_wait3A_170] : memref<32x80x128xi32, #tpu.memory_space<hbm>> -> memref<1x40x128xi32, #tpu.memory_space<hbm>>
        %dma_wait3A_172 = tpu.memref_squeeze %dma_wait3A_171 : memref<1x40x128xi32, #tpu.memory_space<hbm>> -> memref<40x128xi32, #tpu.memory_space<hbm>>
        tpu.wait_dma2 semaphore(%run_scoped3A_156 : memref<!tpu.dma_semaphore, #tpu.memory_space<semaphore_mem>>) src(%dma_wait3A_172 : memref<40x128xi32, #tpu.memory_space<hbm>>) dst(%arg10 : memref<40x128xi32, #tpu.memory_space<vmem>>)
        tpu.yield
      }) : () -> ()
      %dma_start3A_122 = arith.constant 0 : i32
      %dma_start3A_123 = arith.constant 0 : i32
      %dma_start3A_124 = tpu.memref_slice %arg9[%dma_start3A_122, %dma_start3A_123] : memref<40x128xi32, #tpu.memory_space<vmem>> -> memref<1x128xi32, #tpu.memory_space<vmem>>
      %dma_start3A_125 = tpu.memref_squeeze %dma_start3A_124 : memref<1x128xi32, #tpu.memory_space<vmem>> -> memref<128xi32, #tpu.memory_space<vmem>>
      %dma_start3A_126 = arith.constant 0 : i32
      %dma_start3A_127 = arith.constant 0 : i32
      %dma_start3A_128 = tpu.memref_slice %arg2[%dma_start3A_126, %dma_start3A_127] : memref<10240x128xf32, #tpu.memory_space<hbm>> -> memref<10240x128xf32, #tpu.memory_space<hbm>>
      tpu.enqueue_indirect_dma source(%dma_start3A_128 : memref<10240x128xf32, #tpu.memory_space<hbm>>) target(%arg11 : memref<128x128xf32, #tpu.memory_space<vmem>>) offsets(%dma_start3A_125 : memref<128xi32, #tpu.memory_space<vmem>>) semaphore(%arg14 : memref<!tpu.dma_semaphore, #tpu.memory_space<semaphore_mem>>)
      %dma_start3A_129 = arith.constant 1 : i32
      %dma_start3A_130 = arith.constant 0 : i32
      %dma_start3A_131 = tpu.memref_slice %arg9[%dma_start3A_129, %dma_start3A_130] : memref<40x128xi32, #tpu.memory_space<vmem>> -> memref<1x128xi32, #tpu.memory_space<vmem>>
      %dma_start3A_132 = tpu.memref_squeeze %dma_start3A_131 : memref<1x128xi32, #tpu.memory_space<vmem>> -> memref<128xi32, #tpu.memory_space<vmem>>
      %dma_start3A_133 = arith.constant 0 : i32
      %dma_start3A_134 = arith.constant 0 : i32
      %dma_start3A_135 = tpu.memref_slice %arg2[%dma_start3A_133, %dma_start3A_134] : memref<10240x128xf32, #tpu.memory_space<hbm>> -> memref<10240x128xf32, #tpu.memory_space<hbm>>
      tpu.enqueue_indirect_dma source(%dma_start3A_135 : memref<10240x128xf32, #tpu.memory_space<hbm>>) target(%arg12 : memref<128x128xf32, #tpu.memory_space<vmem>>) offsets(%dma_start3A_132 : memref<128xi32, #tpu.memory_space<vmem>>) semaphore(%arg15 : memref<!tpu.dma_semaphore, #tpu.memory_space<semaphore_mem>>)
      %scan3A_136 = arith.constant 0 : i32
      %scan3A_137 = arith.constant 0 : i32
      %scan3A_138 = arith.constant 19 : i32
      %scan3A_139 = arith.addi %scan3A_137, %scan3A_138 : i32
      %scan3A_140 = arith.constant 1 : i32
      scf.for %scan3A_156 = %scan3A_137 to %scan3A_139 step %scan3A_140  : i32 {
        %mul3A_157 = arith.constant 2 : i32
        %mul3A_158 = arith.muli %scan3A_156, %mul3A_157 : i32
        %dma_wait3A_159 = arith.constant 0 : i32
        %dma_wait3A_160 = arith.constant 0 : i32
        %dma_wait3A_161 = tpu.memref_slice %arg2[%dma_wait3A_159, %dma_wait3A_160] : memref<10240x128xf32, #tpu.memory_space<hbm>> -> memref<128x128xf32, #tpu.memory_space<hbm>>
        %dma_wait3A_162 = arith.constant 0 : i32
        %dma_wait3A_163 = arith.constant 0 : i32
        %dma_wait3A_164 = tpu.memref_slice %arg2[%dma_wait3A_162, %dma_wait3A_163] : memref<10240x128xf32, #tpu.memory_space<hbm>> -> memref<128x128xf32, #tpu.memory_space<hbm>>
        tpu.wait_dma2 semaphore(%arg14 : memref<!tpu.dma_semaphore, #tpu.memory_space<semaphore_mem>>) src(%dma_wait3A_164 : memref<128x128xf32, #tpu.memory_space<hbm>>) dst(%arg11 : memref<128x128xf32, #tpu.memory_space<vmem>>)
        %add3A_165 = arith.constant 0 : i32
        %add3A_166 = arith.addi %mul3A_158, %add3A_165 : i32
        "tpu.region"() ({
          %run_scoped3A_195 = tpu.sem_alloc : memref<!tpu.dma_semaphore, #tpu.memory_space<semaphore_mem>>
          %dma_start3A_196 = arith.constant 0 : i32
          %dma_start3A_197 = tpu.memref_slice %arg10[%add3A_166, %dma_start3A_196] : memref<40x128xi32, #tpu.memory_space<vmem>> -> memref<1x128xi32, #tpu.memory_space<vmem>>
          %dma_start3A_198 = tpu.memref_squeeze %dma_start3A_197 : memref<1x128xi32, #tpu.memory_space<vmem>> -> memref<128xi32, #tpu.memory_space<vmem>>
          %dma_start3A_199 = arith.constant 0 : i32
          %dma_start3A_200 = arith.constant 0 : i32
          %dma_start3A_201 = tpu.memref_slice %arg13[%dma_start3A_199, %dma_start3A_200] : memref<10240x128xf32, #tpu.memory_space<vmem_shared>> -> memref<10240x128xf32, #tpu.memory_space<vmem_shared>>
          tpu.enqueue_indirect_dma source(%arg11 : memref<128x128xf32, #tpu.memory_space<vmem>>) target(%dma_start3A_201 : memref<10240x128xf32, #tpu.memory_space<vmem_shared>>) offsets(%dma_start3A_198 : memref<128xi32, #tpu.memory_space<vmem>>) semaphore(%run_scoped3A_195 : memref<!tpu.dma_semaphore, #tpu.memory_space<semaphore_mem>>) {add = true}
          %dma_wait3A_202 = arith.constant 0 : i32
          %dma_wait3A_203 = tpu.memref_slice %arg10[%add3A_166, %dma_wait3A_202] : memref<40x128xi32, #tpu.memory_space<vmem>> -> memref<1x128xi32, #tpu.memory_space<vmem>>
          %dma_wait3A_204 = tpu.memref_squeeze %dma_wait3A_203 : memref<1x128xi32, #tpu.memory_space<vmem>> -> memref<128xi32, #tpu.memory_space<vmem>>
          %dma_wait3A_205 = arith.constant 0 : i32
          %dma_wait3A_206 = arith.constant 0 : i32
          %dma_wait3A_207 = tpu.memref_slice %arg13[%dma_wait3A_205, %dma_wait3A_206] : memref<10240x128xf32, #tpu.memory_space<vmem_shared>> -> memref<10240x128xf32, #tpu.memory_space<vmem_shared>>
          tpu.wait_indirect_dma semaphore(%run_scoped3A_195 : memref<!tpu.dma_semaphore, #tpu.memory_space<semaphore_mem>>) src(%arg11 : memref<128x128xf32, #tpu.memory_space<vmem>>) dst(%dma_wait3A_207 : memref<10240x128xf32, #tpu.memory_space<vmem_shared>>)
          tpu.yield
        }) : () -> ()
        %add3A_167 = arith.constant 2 : i32
        %add3A_168 = arith.addi %mul3A_158, %add3A_167 : i32
        %add3A_169 = arith.constant 0 : i32
        %add3A_170 = arith.addi %add3A_168, %add3A_169 : i32
        %dma_start3A_171 = arith.constant 0 : i32
        %dma_start3A_172 = tpu.memref_slice %arg9[%add3A_170, %dma_start3A_171] : memref<40x128xi32, #tpu.memory_space<vmem>> -> memref<1x128xi32, #tpu.memory_space<vmem>>
        %dma_start3A_173 = tpu.memref_squeeze %dma_start3A_172 : memref<1x128xi32, #tpu.memory_space<vmem>> -> memref<128xi32, #tpu.memory_space<vmem>>
        %dma_start3A_174 = arith.constant 0 : i32
        %dma_start3A_175 = arith.constant 0 : i32
        %dma_start3A_176 = tpu.memref_slice %arg2[%dma_start3A_174, %dma_start3A_175] : memref<10240x128xf32, #tpu.memory_space<hbm>> -> memref<10240x128xf32, #tpu.memory_space<hbm>>
        tpu.enqueue_indirect_dma source(%dma_start3A_176 : memref<10240x128xf32, #tpu.memory_space<hbm>>) target(%arg11 : memref<128x128xf32, #tpu.memory_space<vmem>>) offsets(%dma_start3A_173 : memref<128xi32, #tpu.memory_space<vmem>>) semaphore(%arg14 : memref<!tpu.dma_semaphore, #tpu.memory_space<semaphore_mem>>)
        %dma_wait3A_177 = arith.constant 0 : i32
        %dma_wait3A_178 = arith.constant 0 : i32
        %dma_wait3A_179 = tpu.memref_slice %arg2[%dma_wait3A_177, %dma_wait3A_178] : memref<10240x128xf32, #tpu.memory_space<hbm>> -> memref<128x128xf32, #tpu.memory_space<hbm>>
        %dma_wait3A_180 = arith.constant 0 : i32
        %dma_wait3A_181 = arith.constant 0 : i32
        %dma_wait3A_182 = tpu.memref_slice %arg2[%dma_wait3A_180, %dma_wait3A_181] : memref<10240x128xf32, #tpu.memory_space<hbm>> -> memref<128x128xf32, #tpu.memory_space<hbm>>
        tpu.wait_dma2 semaphore(%arg15 : memref<!tpu.dma_semaphore, #tpu.memory_space<semaphore_mem>>) src(%dma_wait3A_182 : memref<128x128xf32, #tpu.memory_space<hbm>>) dst(%arg12 : memref<128x128xf32, #tpu.memory_space<vmem>>)
        %add3A_183 = arith.constant 1 : i32
        %add3A_184 = arith.addi %mul3A_158, %add3A_183 : i32
        "tpu.region"() ({
          %run_scoped3A_195 = tpu.sem_alloc : memref<!tpu.dma_semaphore, #tpu.memory_space<semaphore_mem>>
          %dma_start3A_196 = arith.constant 0 : i32
          %dma_start3A_197 = tpu.memref_slice %arg10[%add3A_184, %dma_start3A_196] : memref<40x128xi32, #tpu.memory_space<vmem>> -> memref<1x128xi32, #tpu.memory_space<vmem>>
          %dma_start3A_198 = tpu.memref_squeeze %dma_start3A_197 : memref<1x128xi32, #tpu.memory_space<vmem>> -> memref<128xi32, #tpu.memory_space<vmem>>
          %dma_start3A_199 = arith.constant 0 : i32
          %dma_start3A_200 = arith.constant 0 : i32
          %dma_start3A_201 = tpu.memref_slice %arg13[%dma_start3A_199, %dma_start3A_200] : memref<10240x128xf32, #tpu.memory_space<vmem_shared>> -> memref<10240x128xf32, #tpu.memory_space<vmem_shared>>
          tpu.enqueue_indirect_dma source(%arg12 : memref<128x128xf32, #tpu.memory_space<vmem>>) target(%dma_start3A_201 : memref<10240x128xf32, #tpu.memory_space<vmem_shared>>) offsets(%dma_start3A_198 : memref<128xi32, #tpu.memory_space<vmem>>) semaphore(%run_scoped3A_195 : memref<!tpu.dma_semaphore, #tpu.memory_space<semaphore_mem>>) {add = true}
          %dma_wait3A_202 = arith.constant 0 : i32
          %dma_wait3A_203 = tpu.memref_slice %arg10[%add3A_184, %dma_wait3A_202] : memref<40x128xi32, #tpu.memory_space<vmem>> -> memref<1x128xi32, #tpu.memory_space<vmem>>
          %dma_wait3A_204 = tpu.memref_squeeze %dma_wait3A_203 : memref<1x128xi32, #tpu.memory_space<vmem>> -> memref<128xi32, #tpu.memory_space<vmem>>
          %dma_wait3A_205 = arith.constant 0 : i32
          %dma_wait3A_206 = arith.constant 0 : i32
          %dma_wait3A_207 = tpu.memref_slice %arg13[%dma_wait3A_205, %dma_wait3A_206] : memref<10240x128xf32, #tpu.memory_space<vmem_shared>> -> memref<10240x128xf32, #tpu.memory_space<vmem_shared>>
          tpu.wait_indirect_dma semaphore(%run_scoped3A_195 : memref<!tpu.dma_semaphore, #tpu.memory_space<semaphore_mem>>) src(%arg12 : memref<128x128xf32, #tpu.memory_space<vmem>>) dst(%dma_wait3A_207 : memref<10240x128xf32, #tpu.memory_space<vmem_shared>>)
          tpu.yield
        }) : () -> ()
        %add3A_185 = arith.constant 2 : i32
        %add3A_186 = arith.addi %mul3A_158, %add3A_185 : i32
        %add3A_187 = arith.constant 1 : i32
        %add3A_188 = arith.addi %add3A_186, %add3A_187 : i32
        %dma_start3A_189 = arith.constant 0 : i32
        %dma_start3A_190 = tpu.memref_slice %arg9[%add3A_188, %dma_start3A_189] : memref<40x128xi32, #tpu.memory_space<vmem>> -> memref<1x128xi32, #tpu.memory_space<vmem>>
        %dma_start3A_191 = tpu.memref_squeeze %dma_start3A_190 : memref<1x128xi32, #tpu.memory_space<vmem>> -> memref<128xi32, #tpu.memory_space<vmem>>
        %dma_start3A_192 = arith.constant 0 : i32
        %dma_start3A_193 = arith.constant 0 : i32
        %dma_start3A_194 = tpu.memref_slice %arg2[%dma_start3A_192, %dma_start3A_193] : memref<10240x128xf32, #tpu.memory_space<hbm>> -> memref<10240x128xf32, #tpu.memory_space<hbm>>
        tpu.enqueue_indirect_dma source(%dma_start3A_194 : memref<10240x128xf32, #tpu.memory_space<hbm>>) target(%arg12 : memref<128x128xf32, #tpu.memory_space<vmem>>) offsets(%dma_start3A_191 : memref<128xi32, #tpu.memory_space<vmem>>) semaphore(%arg15 : memref<!tpu.dma_semaphore, #tpu.memory_space<semaphore_mem>>)
      }
      %scan3A_141 = arith.constant 19 : i32
      %dma_wait3A_142 = arith.constant 0 : i32
      %dma_wait3A_143 = arith.constant 0 : i32
      %dma_wait3A_144 = tpu.memref_slice %arg2[%dma_wait3A_142, %dma_wait3A_143] : memref<10240x128xf32, #tpu.memory_space<hbm>> -> memref<128x128xf32, #tpu.memory_space<hbm>>
      %dma_wait3A_145 = arith.constant 0 : i32
      %dma_wait3A_146 = arith.constant 0 : i32
      %dma_wait3A_147 = tpu.memref_slice %arg2[%dma_wait3A_145, %dma_wait3A_146] : memref<10240x128xf32, #tpu.memory_space<hbm>> -> memref<128x128xf32, #tpu.memory_space<hbm>>
      tpu.wait_dma2 semaphore(%arg14 : memref<!tpu.dma_semaphore, #tpu.memory_space<semaphore_mem>>) src(%dma_wait3A_147 : memref<128x128xf32, #tpu.memory_space<hbm>>) dst(%arg11 : memref<128x128xf32, #tpu.memory_space<vmem>>)
      %run_scoped3A_148 = arith.constant 38 : i32
      "tpu.region"() ({
        %run_scoped3A_156 = tpu.sem_alloc : memref<!tpu.dma_semaphore, #tpu.memory_space<semaphore_mem>>
        %dma_start3A_157 = arith.constant 0 : i32
        %dma_start3A_158 = tpu.memref_slice %arg10[%run_scoped3A_148, %dma_start3A_157] : memref<40x128xi32, #tpu.memory_space<vmem>> -> memref<1x128xi32, #tpu.memory_space<vmem>>
        %dma_start3A_159 = tpu.memref_squeeze %dma_start3A_158 : memref<1x128xi32, #tpu.memory_space<vmem>> -> memref<128xi32, #tpu.memory_space<vmem>>
        %dma_start3A_160 = arith.constant 0 : i32
        %dma_start3A_161 = arith.constant 0 : i32
        %dma_start3A_162 = tpu.memref_slice %arg13[%dma_start3A_160, %dma_start3A_161] : memref<10240x128xf32, #tpu.memory_space<vmem_shared>> -> memref<10240x128xf32, #tpu.memory_space<vmem_shared>>
        tpu.enqueue_indirect_dma source(%arg11 : memref<128x128xf32, #tpu.memory_space<vmem>>) target(%dma_start3A_162 : memref<10240x128xf32, #tpu.memory_space<vmem_shared>>) offsets(%dma_start3A_159 : memref<128xi32, #tpu.memory_space<vmem>>) semaphore(%run_scoped3A_156 : memref<!tpu.dma_semaphore, #tpu.memory_space<semaphore_mem>>) {add = true}
        %dma_wait3A_163 = arith.constant 0 : i32
        %dma_wait3A_164 = tpu.memref_slice %arg10[%run_scoped3A_148, %dma_wait3A_163] : memref<40x128xi32, #tpu.memory_space<vmem>> -> memref<1x128xi32, #tpu.memory_space<vmem>>
        %dma_wait3A_165 = tpu.memref_squeeze %dma_wait3A_164 : memref<1x128xi32, #tpu.memory_space<vmem>> -> memref<128xi32, #tpu.memory_space<vmem>>
        %dma_wait3A_166 = arith.constant 0 : i32
        %dma_wait3A_167 = arith.constant 0 : i32
        %dma_wait3A_168 = tpu.memref_slice %arg13[%dma_wait3A_166, %dma_wait3A_167] : memref<10240x128xf32, #tpu.memory_space<vmem_shared>> -> memref<10240x128xf32, #tpu.memory_space<vmem_shared>>
        tpu.wait_indirect_dma semaphore(%run_scoped3A_156 : memref<!tpu.dma_semaphore, #tpu.memory_space<semaphore_mem>>) src(%arg11 : memref<128x128xf32, #tpu.memory_space<vmem>>) dst(%dma_wait3A_168 : memref<10240x128xf32, #tpu.memory_space<vmem_shared>>)
        tpu.yield
      }) : () -> ()
      %dma_wait3A_149 = arith.constant 0 : i32
      %dma_wait3A_150 = arith.constant 0 : i32
      %dma_wait3A_151 = tpu.memref_slice %arg2[%dma_wait3A_149, %dma_wait3A_150] : memref<10240x128xf32, #tpu.memory_space<hbm>> -> memref<128x128xf32, #tpu.memory_space<hbm>>
      %dma_wait3A_152 = arith.constant 0 : i32
      %dma_wait3A_153 = arith.constant 0 : i32
      %dma_wait3A_154 = tpu.memref_slice %arg2[%dma_wait3A_152, %dma_wait3A_153] : memref<10240x128xf32, #tpu.memory_space<hbm>> -> memref<128x128xf32, #tpu.memory_space<hbm>>
      tpu.wait_dma2 semaphore(%arg15 : memref<!tpu.dma_semaphore, #tpu.memory_space<semaphore_mem>>) src(%dma_wait3A_154 : memref<128x128xf32, #tpu.memory_space<hbm>>) dst(%arg12 : memref<128x128xf32, #tpu.memory_space<vmem>>)
      %run_scoped3A_155 = arith.constant 39 : i32
      "tpu.region"() ({
        %run_scoped3A_156 = tpu.sem_alloc : memref<!tpu.dma_semaphore, #tpu.memory_space<semaphore_mem>>
        %dma_start3A_157 = arith.constant 0 : i32
        %dma_start3A_158 = tpu.memref_slice %arg10[%run_scoped3A_155, %dma_start3A_157] : memref<40x128xi32, #tpu.memory_space<vmem>> -> memref<1x128xi32, #tpu.memory_space<vmem>>
        %dma_start3A_159 = tpu.memref_squeeze %dma_start3A_158 : memref<1x128xi32, #tpu.memory_space<vmem>> -> memref<128xi32, #tpu.memory_space<vmem>>
        %dma_start3A_160 = arith.constant 0 : i32
        %dma_start3A_161 = arith.constant 0 : i32
        %dma_start3A_162 = tpu.memref_slice %arg13[%dma_start3A_160, %dma_start3A_161] : memref<10240x128xf32, #tpu.memory_space<vmem_shared>> -> memref<10240x128xf32, #tpu.memory_space<vmem_shared>>
        tpu.enqueue_indirect_dma source(%arg12 : memref<128x128xf32, #tpu.memory_space<vmem>>) target(%dma_start3A_162 : memref<10240x128xf32, #tpu.memory_space<vmem_shared>>) offsets(%dma_start3A_159 : memref<128xi32, #tpu.memory_space<vmem>>) semaphore(%run_scoped3A_156 : memref<!tpu.dma_semaphore, #tpu.memory_space<semaphore_mem>>) {add = true}
        %dma_wait3A_163 = arith.constant 0 : i32
        %dma_wait3A_164 = tpu.memref_slice %arg10[%run_scoped3A_155, %dma_wait3A_163] : memref<40x128xi32, #tpu.memory_space<vmem>> -> memref<1x128xi32, #tpu.memory_space<vmem>>
        %dma_wait3A_165 = tpu.memref_squeeze %dma_wait3A_164 : memref<1x128xi32, #tpu.memory_space<vmem>> -> memref<128xi32, #tpu.memory_space<vmem>>
        %dma_wait3A_166 = arith.constant 0 : i32
        %dma_wait3A_167 = arith.constant 0 : i32
        %dma_wait3A_168 = tpu.memref_slice %arg13[%dma_wait3A_166, %dma_wait3A_167] : memref<10240x128xf32, #tpu.memory_space<vmem_shared>> -> memref<10240x128xf32, #tpu.memory_space<vmem_shared>>
        tpu.wait_indirect_dma semaphore(%run_scoped3A_156 : memref<!tpu.dma_semaphore, #tpu.memory_space<semaphore_mem>>) src(%arg12 : memref<128x128xf32, #tpu.memory_space<vmem>>) dst(%dma_wait3A_168 : memref<10240x128xf32, #tpu.memory_space<vmem_shared>>)
        tpu.yield
      }) : () -> ()
    } else {
    }
    %eq3A_3 = arith.constant 1 : i32
    %eq3A_4 = arith.cmpi eq, %arg0, %eq3A_3 : i32
    %convert_element_type3A_5 = arith.extui %eq3A_4 : i1 to i32
    %cond3A_6 = arith.constant 0 : i32
    %cond3A_7 = arith.cmpi ne, %convert_element_type3A_5, %cond3A_6 : i32
    scf.if %cond3A_7 {
      %mul3A_9 = arith.constant 2 : i32
      %mul3A_10 = arith.muli %mul3A_9, %arg1 : i32
      %add3A = arith.constant 0 : i32
      %add3A_11 = arith.addi %mul3A_10, %add3A : i32
      "tpu.region"() ({
        %run_scoped3A_156 = tpu.sem_alloc : memref<!tpu.dma_semaphore, #tpu.memory_space<semaphore_mem>>
        %dma_start3A_157 = arith.constant 0 : i32
        %dma_start3A_158 = arith.constant 0 : i32
        %dma_start3A_159 = tpu.memref_slice %arg5[%add3A_11, %dma_start3A_157, %dma_start3A_158] : memref<32x80x128xi32, #tpu.memory_space<hbm>> -> memref<1x40x128xi32, #tpu.memory_space<hbm>>
        %dma_start3A_160 = tpu.memref_squeeze %dma_start3A_159 : memref<1x40x128xi32, #tpu.memory_space<hbm>> -> memref<40x128xi32, #tpu.memory_space<hbm>>
        %dma_start3A_161 = arith.constant 0 : i32
        %dma_start3A_162 = arith.constant 0 : i32
        %dma_start3A_163 = tpu.memref_slice %arg5[%add3A_11, %dma_start3A_161, %dma_start3A_162] : memref<32x80x128xi32, #tpu.memory_space<hbm>> -> memref<1x40x128xi32, #tpu.memory_space<hbm>>
        %dma_start3A_164 = tpu.memref_squeeze %dma_start3A_163 : memref<1x40x128xi32, #tpu.memory_space<hbm>> -> memref<40x128xi32, #tpu.memory_space<hbm>>
        tpu.enqueue_dma source(%dma_start3A_164 : memref<40x128xi32, #tpu.memory_space<hbm>>) target(%arg9 : memref<40x128xi32, #tpu.memory_space<vmem>>) target_semaphore(%run_scoped3A_156 : memref<!tpu.dma_semaphore, #tpu.memory_space<semaphore_mem>>)
        %dma_wait3A_165 = arith.constant 0 : i32
        %dma_wait3A_166 = arith.constant 0 : i32
        %dma_wait3A_167 = tpu.memref_slice %arg5[%add3A_11, %dma_wait3A_165, %dma_wait3A_166] : memref<32x80x128xi32, #tpu.memory_space<hbm>> -> memref<1x40x128xi32, #tpu.memory_space<hbm>>
        %dma_wait3A_168 = tpu.memref_squeeze %dma_wait3A_167 : memref<1x40x128xi32, #tpu.memory_space<hbm>> -> memref<40x128xi32, #tpu.memory_space<hbm>>
        %dma_wait3A_169 = arith.constant 0 : i32
        %dma_wait3A_170 = arith.constant 0 : i32
        %dma_wait3A_171 = tpu.memref_slice %arg5[%add3A_11, %dma_wait3A_169, %dma_wait3A_170] : memref<32x80x128xi32, #tpu.memory_space<hbm>> -> memref<1x40x128xi32, #tpu.memory_space<hbm>>
        %dma_wait3A_172 = tpu.memref_squeeze %dma_wait3A_171 : memref<1x40x128xi32, #tpu.memory_space<hbm>> -> memref<40x128xi32, #tpu.memory_space<hbm>>
        tpu.wait_dma2 semaphore(%run_scoped3A_156 : memref<!tpu.dma_semaphore, #tpu.memory_space<semaphore_mem>>) src(%dma_wait3A_172 : memref<40x128xi32, #tpu.memory_space<hbm>>) dst(%arg9 : memref<40x128xi32, #tpu.memory_space<vmem>>)
        tpu.yield
      }) : () -> ()
      "tpu.region"() ({
        %run_scoped3A_156 = tpu.sem_alloc : memref<!tpu.dma_semaphore, #tpu.memory_space<semaphore_mem>>
        %dma_start3A_157 = arith.constant 0 : i32
        %dma_start3A_158 = arith.constant 0 : i32
        %dma_start3A_159 = tpu.memref_slice %arg6[%add3A_11, %dma_start3A_157, %dma_start3A_158] : memref<32x80x128xi32, #tpu.memory_space<hbm>> -> memref<1x40x128xi32, #tpu.memory_space<hbm>>
        %dma_start3A_160 = tpu.memref_squeeze %dma_start3A_159 : memref<1x40x128xi32, #tpu.memory_space<hbm>> -> memref<40x128xi32, #tpu.memory_space<hbm>>
        %dma_start3A_161 = arith.constant 0 : i32
        %dma_start3A_162 = arith.constant 0 : i32
        %dma_start3A_163 = tpu.memref_slice %arg6[%add3A_11, %dma_start3A_161, %dma_start3A_162] : memref<32x80x128xi32, #tpu.memory_space<hbm>> -> memref<1x40x128xi32, #tpu.memory_space<hbm>>
        %dma_start3A_164 = tpu.memref_squeeze %dma_start3A_163 : memref<1x40x128xi32, #tpu.memory_space<hbm>> -> memref<40x128xi32, #tpu.memory_space<hbm>>
        tpu.enqueue_dma source(%dma_start3A_164 : memref<40x128xi32, #tpu.memory_space<hbm>>) target(%arg10 : memref<40x128xi32, #tpu.memory_space<vmem>>) target_semaphore(%run_scoped3A_156 : memref<!tpu.dma_semaphore, #tpu.memory_space<semaphore_mem>>)
        %dma_wait3A_165 = arith.constant 0 : i32
        %dma_wait3A_166 = arith.constant 0 : i32
        %dma_wait3A_167 = tpu.memref_slice %arg6[%add3A_11, %dma_wait3A_165, %dma_wait3A_166] : memref<32x80x128xi32, #tpu.memory_space<hbm>> -> memref<1x40x128xi32, #tpu.memory_space<hbm>>
        %dma_wait3A_168 = tpu.memref_squeeze %dma_wait3A_167 : memref<1x40x128xi32, #tpu.memory_space<hbm>> -> memref<40x128xi32, #tpu.memory_space<hbm>>
        %dma_wait3A_169 = arith.constant 0 : i32
        %dma_wait3A_170 = arith.constant 0 : i32
        %dma_wait3A_171 = tpu.memref_slice %arg6[%add3A_11, %dma_wait3A_169, %dma_wait3A_170] : memref<32x80x128xi32, #tpu.memory_space<hbm>> -> memref<1x40x128xi32, #tpu.memory_space<hbm>>
        %dma_wait3A_172 = tpu.memref_squeeze %dma_wait3A_171 : memref<1x40x128xi32, #tpu.memory_space<hbm>> -> memref<40x128xi32, #tpu.memory_space<hbm>>
        tpu.wait_dma2 semaphore(%run_scoped3A_156 : memref<!tpu.dma_semaphore, #tpu.memory_space<semaphore_mem>>) src(%dma_wait3A_172 : memref<40x128xi32, #tpu.memory_space<hbm>>) dst(%arg10 : memref<40x128xi32, #tpu.memory_space<vmem>>)
        tpu.yield
      }) : () -> ()
      %dma_start3A = arith.constant 0 : i32
      %dma_start3A_12 = arith.constant 0 : i32
      %dma_start3A_13 = tpu.memref_slice %arg9[%dma_start3A, %dma_start3A_12] : memref<40x128xi32, #tpu.memory_space<vmem>> -> memref<1x128xi32, #tpu.memory_space<vmem>>
      %dma_start3A_14 = tpu.memref_squeeze %dma_start3A_13 : memref<1x128xi32, #tpu.memory_space<vmem>> -> memref<128xi32, #tpu.memory_space<vmem>>
      %dma_start3A_15 = arith.constant 0 : i32
      %dma_start3A_16 = arith.constant 0 : i32
      %dma_start3A_17 = tpu.memref_slice %arg3[%dma_start3A_15, %dma_start3A_16] : memref<320000x128xf32, #tpu.memory_space<hbm>> -> memref<320000x128xf32, #tpu.memory_space<hbm>>
      tpu.enqueue_indirect_dma source(%dma_start3A_17 : memref<320000x128xf32, #tpu.memory_space<hbm>>) target(%arg11 : memref<128x128xf32, #tpu.memory_space<vmem>>) offsets(%dma_start3A_14 : memref<128xi32, #tpu.memory_space<vmem>>) semaphore(%arg14 : memref<!tpu.dma_semaphore, #tpu.memory_space<semaphore_mem>>)
      %dma_start3A_18 = arith.constant 1 : i32
      %dma_start3A_19 = arith.constant 0 : i32
      %dma_start3A_20 = tpu.memref_slice %arg9[%dma_start3A_18, %dma_start3A_19] : memref<40x128xi32, #tpu.memory_space<vmem>> -> memref<1x128xi32, #tpu.memory_space<vmem>>
      %dma_start3A_21 = tpu.memref_squeeze %dma_start3A_20 : memref<1x128xi32, #tpu.memory_space<vmem>> -> memref<128xi32, #tpu.memory_space<vmem>>
      %dma_start3A_22 = arith.constant 0 : i32
      %dma_start3A_23 = arith.constant 0 : i32
      %dma_start3A_24 = tpu.memref_slice %arg3[%dma_start3A_22, %dma_start3A_23] : memref<320000x128xf32, #tpu.memory_space<hbm>> -> memref<320000x128xf32, #tpu.memory_space<hbm>>
      tpu.enqueue_indirect_dma source(%dma_start3A_24 : memref<320000x128xf32, #tpu.memory_space<hbm>>) target(%arg12 : memref<128x128xf32, #tpu.memory_space<vmem>>) offsets(%dma_start3A_21 : memref<128xi32, #tpu.memory_space<vmem>>) semaphore(%arg15 : memref<!tpu.dma_semaphore, #tpu.memory_space<semaphore_mem>>)
      %scan3A = arith.constant 0 : i32
      %scan3A_25 = arith.constant 0 : i32
      %scan3A_26 = arith.constant 19 : i32
      %scan3A_27 = arith.addi %scan3A_25, %scan3A_26 : i32
      %scan3A_28 = arith.constant 1 : i32
      scf.for %scan3A_156 = %scan3A_25 to %scan3A_27 step %scan3A_28  : i32 {
        %mul3A_157 = arith.constant 2 : i32
        %mul3A_158 = arith.muli %scan3A_156, %mul3A_157 : i32
        %dma_wait3A_159 = arith.constant 0 : i32
        %dma_wait3A_160 = arith.constant 0 : i32
        %dma_wait3A_161 = tpu.memref_slice %arg3[%dma_wait3A_159, %dma_wait3A_160] : memref<320000x128xf32, #tpu.memory_space<hbm>> -> memref<128x128xf32, #tpu.memory_space<hbm>>
        %dma_wait3A_162 = arith.constant 0 : i32
        %dma_wait3A_163 = arith.constant 0 : i32
        %dma_wait3A_164 = tpu.memref_slice %arg3[%dma_wait3A_162, %dma_wait3A_163] : memref<320000x128xf32, #tpu.memory_space<hbm>> -> memref<128x128xf32, #tpu.memory_space<hbm>>
        tpu.wait_dma2 semaphore(%arg14 : memref<!tpu.dma_semaphore, #tpu.memory_space<semaphore_mem>>) src(%dma_wait3A_164 : memref<128x128xf32, #tpu.memory_space<hbm>>) dst(%arg11 : memref<128x128xf32, #tpu.memory_space<vmem>>)
        %add3A_165 = arith.constant 0 : i32
        %add3A_166 = arith.addi %mul3A_158, %add3A_165 : i32
        "tpu.region"() ({
          %run_scoped3A_195 = tpu.sem_alloc : memref<!tpu.dma_semaphore, #tpu.memory_space<semaphore_mem>>
          %dma_start3A_196 = arith.constant 0 : i32
          %dma_start3A_197 = tpu.memref_slice %arg10[%add3A_166, %dma_start3A_196] : memref<40x128xi32, #tpu.memory_space<vmem>> -> memref<1x128xi32, #tpu.memory_space<vmem>>
          %dma_start3A_198 = tpu.memref_squeeze %dma_start3A_197 : memref<1x128xi32, #tpu.memory_space<vmem>> -> memref<128xi32, #tpu.memory_space<vmem>>
          %dma_start3A_199 = arith.constant 0 : i32
          %dma_start3A_200 = arith.constant 0 : i32
          %dma_start3A_201 = tpu.memref_slice %arg13[%dma_start3A_199, %dma_start3A_200] : memref<10240x128xf32, #tpu.memory_space<vmem_shared>> -> memref<10240x128xf32, #tpu.memory_space<vmem_shared>>
          tpu.enqueue_indirect_dma source(%arg11 : memref<128x128xf32, #tpu.memory_space<vmem>>) target(%dma_start3A_201 : memref<10240x128xf32, #tpu.memory_space<vmem_shared>>) offsets(%dma_start3A_198 : memref<128xi32, #tpu.memory_space<vmem>>) semaphore(%run_scoped3A_195 : memref<!tpu.dma_semaphore, #tpu.memory_space<semaphore_mem>>) {add = true}
          %dma_wait3A_202 = arith.constant 0 : i32
          %dma_wait3A_203 = tpu.memref_slice %arg10[%add3A_166, %dma_wait3A_202] : memref<40x128xi32, #tpu.memory_space<vmem>> -> memref<1x128xi32, #tpu.memory_space<vmem>>
          %dma_wait3A_204 = tpu.memref_squeeze %dma_wait3A_203 : memref<1x128xi32, #tpu.memory_space<vmem>> -> memref<128xi32, #tpu.memory_space<vmem>>
          %dma_wait3A_205 = arith.constant 0 : i32
          %dma_wait3A_206 = arith.constant 0 : i32
          %dma_wait3A_207 = tpu.memref_slice %arg13[%dma_wait3A_205, %dma_wait3A_206] : memref<10240x128xf32, #tpu.memory_space<vmem_shared>> -> memref<10240x128xf32, #tpu.memory_space<vmem_shared>>
          tpu.wait_indirect_dma semaphore(%run_scoped3A_195 : memref<!tpu.dma_semaphore, #tpu.memory_space<semaphore_mem>>) src(%arg11 : memref<128x128xf32, #tpu.memory_space<vmem>>) dst(%dma_wait3A_207 : memref<10240x128xf32, #tpu.memory_space<vmem_shared>>)
          tpu.yield
        }) : () -> ()
        %add3A_167 = arith.constant 2 : i32
        %add3A_168 = arith.addi %mul3A_158, %add3A_167 : i32
        %add3A_169 = arith.constant 0 : i32
        %add3A_170 = arith.addi %add3A_168, %add3A_169 : i32
        %dma_start3A_171 = arith.constant 0 : i32
        %dma_start3A_172 = tpu.memref_slice %arg9[%add3A_170, %dma_start3A_171] : memref<40x128xi32, #tpu.memory_space<vmem>> -> memref<1x128xi32, #tpu.memory_space<vmem>>
        %dma_start3A_173 = tpu.memref_squeeze %dma_start3A_172 : memref<1x128xi32, #tpu.memory_space<vmem>> -> memref<128xi32, #tpu.memory_space<vmem>>
        %dma_start3A_174 = arith.constant 0 : i32
        %dma_start3A_175 = arith.constant 0 : i32
        %dma_start3A_176 = tpu.memref_slice %arg3[%dma_start3A_174, %dma_start3A_175] : memref<320000x128xf32, #tpu.memory_space<hbm>> -> memref<320000x128xf32, #tpu.memory_space<hbm>>
        tpu.enqueue_indirect_dma source(%dma_start3A_176 : memref<320000x128xf32, #tpu.memory_space<hbm>>) target(%arg11 : memref<128x128xf32, #tpu.memory_space<vmem>>) offsets(%dma_start3A_173 : memref<128xi32, #tpu.memory_space<vmem>>) semaphore(%arg14 : memref<!tpu.dma_semaphore, #tpu.memory_space<semaphore_mem>>)
        %dma_wait3A_177 = arith.constant 0 : i32
        %dma_wait3A_178 = arith.constant 0 : i32
        %dma_wait3A_179 = tpu.memref_slice %arg3[%dma_wait3A_177, %dma_wait3A_178] : memref<320000x128xf32, #tpu.memory_space<hbm>> -> memref<128x128xf32, #tpu.memory_space<hbm>>
        %dma_wait3A_180 = arith.constant 0 : i32
        %dma_wait3A_181 = arith.constant 0 : i32
        %dma_wait3A_182 = tpu.memref_slice %arg3[%dma_wait3A_180, %dma_wait3A_181] : memref<320000x128xf32, #tpu.memory_space<hbm>> -> memref<128x128xf32, #tpu.memory_space<hbm>>
        tpu.wait_dma2 semaphore(%arg15 : memref<!tpu.dma_semaphore, #tpu.memory_space<semaphore_mem>>) src(%dma_wait3A_182 : memref<128x128xf32, #tpu.memory_space<hbm>>) dst(%arg12 : memref<128x128xf32, #tpu.memory_space<vmem>>)
        %add3A_183 = arith.constant 1 : i32
        %add3A_184 = arith.addi %mul3A_158, %add3A_183 : i32
        "tpu.region"() ({
          %run_scoped3A_195 = tpu.sem_alloc : memref<!tpu.dma_semaphore, #tpu.memory_space<semaphore_mem>>
          %dma_start3A_196 = arith.constant 0 : i32
          %dma_start3A_197 = tpu.memref_slice %arg10[%add3A_184, %dma_start3A_196] : memref<40x128xi32, #tpu.memory_space<vmem>> -> memref<1x128xi32, #tpu.memory_space<vmem>>
          %dma_start3A_198 = tpu.memref_squeeze %dma_start3A_197 : memref<1x128xi32, #tpu.memory_space<vmem>> -> memref<128xi32, #tpu.memory_space<vmem>>
          %dma_start3A_199 = arith.constant 0 : i32
          %dma_start3A_200 = arith.constant 0 : i32
          %dma_start3A_201 = tpu.memref_slice %arg13[%dma_start3A_199, %dma_start3A_200] : memref<10240x128xf32, #tpu.memory_space<vmem_shared>> -> memref<10240x128xf32, #tpu.memory_space<vmem_shared>>
          tpu.enqueue_indirect_dma source(%arg12 : memref<128x128xf32, #tpu.memory_space<vmem>>) target(%dma_start3A_201 : memref<10240x128xf32, #tpu.memory_space<vmem_shared>>) offsets(%dma_start3A_198 : memref<128xi32, #tpu.memory_space<vmem>>) semaphore(%run_scoped3A_195 : memref<!tpu.dma_semaphore, #tpu.memory_space<semaphore_mem>>) {add = true}
          %dma_wait3A_202 = arith.constant 0 : i32
          %dma_wait3A_203 = tpu.memref_slice %arg10[%add3A_184, %dma_wait3A_202] : memref<40x128xi32, #tpu.memory_space<vmem>> -> memref<1x128xi32, #tpu.memory_space<vmem>>
          %dma_wait3A_204 = tpu.memref_squeeze %dma_wait3A_203 : memref<1x128xi32, #tpu.memory_space<vmem>> -> memref<128xi32, #tpu.memory_space<vmem>>
          %dma_wait3A_205 = arith.constant 0 : i32
          %dma_wait3A_206 = arith.constant 0 : i32
          %dma_wait3A_207 = tpu.memref_slice %arg13[%dma_wait3A_205, %dma_wait3A_206] : memref<10240x128xf32, #tpu.memory_space<vmem_shared>> -> memref<10240x128xf32, #tpu.memory_space<vmem_shared>>
          tpu.wait_indirect_dma semaphore(%run_scoped3A_195 : memref<!tpu.dma_semaphore, #tpu.memory_space<semaphore_mem>>) src(%arg12 : memref<128x128xf32, #tpu.memory_space<vmem>>) dst(%dma_wait3A_207 : memref<10240x128xf32, #tpu.memory_space<vmem_shared>>)
          tpu.yield
        }) : () -> ()
        %add3A_185 = arith.constant 2 : i32
        %add3A_186 = arith.addi %mul3A_158, %add3A_185 : i32
        %add3A_187 = arith.constant 1 : i32
        %add3A_188 = arith.addi %add3A_186, %add3A_187 : i32
        %dma_start3A_189 = arith.constant 0 : i32
        %dma_start3A_190 = tpu.memref_slice %arg9[%add3A_188, %dma_start3A_189] : memref<40x128xi32, #tpu.memory_space<vmem>> -> memref<1x128xi32, #tpu.memory_space<vmem>>
        %dma_start3A_191 = tpu.memref_squeeze %dma_start3A_190 : memref<1x128xi32, #tpu.memory_space<vmem>> -> memref<128xi32, #tpu.memory_space<vmem>>
        %dma_start3A_192 = arith.constant 0 : i32
        %dma_start3A_193 = arith.constant 0 : i32
        %dma_start3A_194 = tpu.memref_slice %arg3[%dma_start3A_192, %dma_start3A_193] : memref<320000x128xf32, #tpu.memory_space<hbm>> -> memref<320000x128xf32, #tpu.memory_space<hbm>>
        tpu.enqueue_indirect_dma source(%dma_start3A_194 : memref<320000x128xf32, #tpu.memory_space<hbm>>) target(%arg12 : memref<128x128xf32, #tpu.memory_space<vmem>>) offsets(%dma_start3A_191 : memref<128xi32, #tpu.memory_space<vmem>>) semaphore(%arg15 : memref<!tpu.dma_semaphore, #tpu.memory_space<semaphore_mem>>)
      }
      %scan3A_29 = arith.constant 19 : i32
      %dma_wait3A = arith.constant 0 : i32
      %dma_wait3A_30 = arith.constant 0 : i32
      %dma_wait3A_31 = tpu.memref_slice %arg3[%dma_wait3A, %dma_wait3A_30] : memref<320000x128xf32, #tpu.memory_space<hbm>> -> memref<128x128xf32, #tpu.memory_space<hbm>>
      %dma_wait3A_32 = arith.constant 0 : i32
      %dma_wait3A_33 = arith.constant 0 : i32
      %dma_wait3A_34 = tpu.memref_slice %arg3[%dma_wait3A_32, %dma_wait3A_33] : memref<320000x128xf32, #tpu.memory_space<hbm>> -> memref<128x128xf32, #tpu.memory_space<hbm>>
      tpu.wait_dma2 semaphore(%arg14 : memref<!tpu.dma_semaphore, #tpu.memory_space<semaphore_mem>>) src(%dma_wait3A_34 : memref<128x128xf32, #tpu.memory_space<hbm>>) dst(%arg11 : memref<128x128xf32, #tpu.memory_space<vmem>>)
      %run_scoped3A = arith.constant 38 : i32
      "tpu.region"() ({
        %run_scoped3A_156 = tpu.sem_alloc : memref<!tpu.dma_semaphore, #tpu.memory_space<semaphore_mem>>
        %dma_start3A_157 = arith.constant 0 : i32
        %dma_start3A_158 = tpu.memref_slice %arg10[%run_scoped3A, %dma_start3A_157] : memref<40x128xi32, #tpu.memory_space<vmem>> -> memref<1x128xi32, #tpu.memory_space<vmem>>
        %dma_start3A_159 = tpu.memref_squeeze %dma_start3A_158 : memref<1x128xi32, #tpu.memory_space<vmem>> -> memref<128xi32, #tpu.memory_space<vmem>>
        %dma_start3A_160 = arith.constant 0 : i32
        %dma_start3A_161 = arith.constant 0 : i32
        %dma_start3A_162 = tpu.memref_slice %arg13[%dma_start3A_160, %dma_start3A_161] : memref<10240x128xf32, #tpu.memory_space<vmem_shared>> -> memref<10240x128xf32, #tpu.memory_space<vmem_shared>>
        tpu.enqueue_indirect_dma source(%arg11 : memref<128x128xf32, #tpu.memory_space<vmem>>) target(%dma_start3A_162 : memref<10240x128xf32, #tpu.memory_space<vmem_shared>>) offsets(%dma_start3A_159 : memref<128xi32, #tpu.memory_space<vmem>>) semaphore(%run_scoped3A_156 : memref<!tpu.dma_semaphore, #tpu.memory_space<semaphore_mem>>) {add = true}
        %dma_wait3A_163 = arith.constant 0 : i32
        %dma_wait3A_164 = tpu.memref_slice %arg10[%run_scoped3A, %dma_wait3A_163] : memref<40x128xi32, #tpu.memory_space<vmem>> -> memref<1x128xi32, #tpu.memory_space<vmem>>
        %dma_wait3A_165 = tpu.memref_squeeze %dma_wait3A_164 : memref<1x128xi32, #tpu.memory_space<vmem>> -> memref<128xi32, #tpu.memory_space<vmem>>
        %dma_wait3A_166 = arith.constant 0 : i32
        %dma_wait3A_167 = arith.constant 0 : i32
        %dma_wait3A_168 = tpu.memref_slice %arg13[%dma_wait3A_166, %dma_wait3A_167] : memref<10240x128xf32, #tpu.memory_space<vmem_shared>> -> memref<10240x128xf32, #tpu.memory_space<vmem_shared>>
        tpu.wait_indirect_dma semaphore(%run_scoped3A_156 : memref<!tpu.dma_semaphore, #tpu.memory_space<semaphore_mem>>) src(%arg11 : memref<128x128xf32, #tpu.memory_space<vmem>>) dst(%dma_wait3A_168 : memref<10240x128xf32, #tpu.memory_space<vmem_shared>>)
        tpu.yield
      }) : () -> ()
      %dma_wait3A_35 = arith.constant 0 : i32
      %dma_wait3A_36 = arith.constant 0 : i32
      %dma_wait3A_37 = tpu.memref_slice %arg3[%dma_wait3A_35, %dma_wait3A_36] : memref<320000x128xf32, #tpu.memory_space<hbm>> -> memref<128x128xf32, #tpu.memory_space<hbm>>
      %dma_wait3A_38 = arith.constant 0 : i32
      %dma_wait3A_39 = arith.constant 0 : i32
      %dma_wait3A_40 = tpu.memref_slice %arg3[%dma_wait3A_38, %dma_wait3A_39] : memref<320000x128xf32, #tpu.memory_space<hbm>> -> memref<128x128xf32, #tpu.memory_space<hbm>>
      tpu.wait_dma2 semaphore(%arg15 : memref<!tpu.dma_semaphore, #tpu.memory_space<semaphore_mem>>) src(%dma_wait3A_40 : memref<128x128xf32, #tpu.memory_space<hbm>>) dst(%arg12 : memref<128x128xf32, #tpu.memory_space<vmem>>)
      %run_scoped3A_41 = arith.constant 39 : i32
      "tpu.region"() ({
        %run_scoped3A_156 = tpu.sem_alloc : memref<!tpu.dma_semaphore, #tpu.memory_space<semaphore_mem>>
        %dma_start3A_157 = arith.constant 0 : i32
        %dma_start3A_158 = tpu.memref_slice %arg10[%run_scoped3A_41, %dma_start3A_157] : memref<40x128xi32, #tpu.memory_space<vmem>> -> memref<1x128xi32, #tpu.memory_space<vmem>>
        %dma_start3A_159 = tpu.memref_squeeze %dma_start3A_158 : memref<1x128xi32, #tpu.memory_space<vmem>> -> memref<128xi32, #tpu.memory_space<vmem>>
        %dma_start3A_160 = arith.constant 0 : i32
        %dma_start3A_161 = arith.constant 0 : i32
        %dma_start3A_162 = tpu.memref_slice %arg13[%dma_start3A_160, %dma_start3A_161] : memref<10240x128xf32, #tpu.memory_space<vmem_shared>> -> memref<10240x128xf32, #tpu.memory_space<vmem_shared>>
        tpu.enqueue_indirect_dma source(%arg12 : memref<128x128xf32, #tpu.memory_space<vmem>>) target(%dma_start3A_162 : memref<10240x128xf32, #tpu.memory_space<vmem_shared>>) offsets(%dma_start3A_159 : memref<128xi32, #tpu.memory_space<vmem>>) semaphore(%run_scoped3A_156 : memref<!tpu.dma_semaphore, #tpu.memory_space<semaphore_mem>>) {add = true}
        %dma_wait3A_163 = arith.constant 0 : i32
        %dma_wait3A_164 = tpu.memref_slice %arg10[%run_scoped3A_41, %dma_wait3A_163] : memref<40x128xi32, #tpu.memory_space<vmem>> -> memref<1x128xi32, #tpu.memory_space<vmem>>
        %dma_wait3A_165 = tpu.memref_squeeze %dma_wait3A_164 : memref<1x128xi32, #tpu.memory_space<vmem>> -> memref<128xi32, #tpu.memory_space<vmem>>
        %dma_wait3A_166 = arith.constant 0 : i32
        %dma_wait3A_167 = arith.constant 0 : i32
        %dma_wait3A_168 = tpu.memref_slice %arg13[%dma_wait3A_166, %dma_wait3A_167] : memref<10240x128xf32, #tpu.memory_space<vmem_shared>> -> memref<10240x128xf32, #tpu.memory_space<vmem_shared>>
        tpu.wait_indirect_dma semaphore(%run_scoped3A_156 : memref<!tpu.dma_semaphore, #tpu.memory_space<semaphore_mem>>) src(%arg12 : memref<128x128xf32, #tpu.memory_space<vmem>>) dst(%dma_wait3A_168 : memref<10240x128xf32, #tpu.memory_space<vmem_shared>>)
        tpu.yield
      }) : () -> ()
      %mul3A_42 = arith.constant 2 : i32
      %mul3A_43 = arith.muli %mul3A_42, %arg1 : i32
      %add3A_44 = arith.constant 0 : i32
      %add3A_45 = arith.addi %mul3A_43, %add3A_44 : i32
      "tpu.region"() ({
        %run_scoped3A_156 = tpu.sem_alloc : memref<!tpu.dma_semaphore, #tpu.memory_space<semaphore_mem>>
        %dma_start3A_157 = arith.constant 40 : i32
        %dma_start3A_158 = arith.constant 0 : i32
        %dma_start3A_159 = tpu.memref_slice %arg5[%add3A_45, %dma_start3A_157, %dma_start3A_158] : memref<32x80x128xi32, #tpu.memory_space<hbm>> -> memref<1x40x128xi32, #tpu.memory_space<hbm>>
        %dma_start3A_160 = tpu.memref_squeeze %dma_start3A_159 : memref<1x40x128xi32, #tpu.memory_space<hbm>> -> memref<40x128xi32, #tpu.memory_space<hbm>>
        %dma_start3A_161 = arith.constant 40 : i32
        %dma_start3A_162 = arith.constant 0 : i32
        %dma_start3A_163 = tpu.memref_slice %arg5[%add3A_45, %dma_start3A_161, %dma_start3A_162] : memref<32x80x128xi32, #tpu.memory_space<hbm>> -> memref<1x40x128xi32, #tpu.memory_space<hbm>>
        %dma_start3A_164 = tpu.memref_squeeze %dma_start3A_163 : memref<1x40x128xi32, #tpu.memory_space<hbm>> -> memref<40x128xi32, #tpu.memory_space<hbm>>
        tpu.enqueue_dma source(%dma_start3A_164 : memref<40x128xi32, #tpu.memory_space<hbm>>) target(%arg9 : memref<40x128xi32, #tpu.memory_space<vmem>>) target_semaphore(%run_scoped3A_156 : memref<!tpu.dma_semaphore, #tpu.memory_space<semaphore_mem>>)
        %dma_wait3A_165 = arith.constant 40 : i32
        %dma_wait3A_166 = arith.constant 0 : i32
        %dma_wait3A_167 = tpu.memref_slice %arg5[%add3A_45, %dma_wait3A_165, %dma_wait3A_166] : memref<32x80x128xi32, #tpu.memory_space<hbm>> -> memref<1x40x128xi32, #tpu.memory_space<hbm>>
        %dma_wait3A_168 = tpu.memref_squeeze %dma_wait3A_167 : memref<1x40x128xi32, #tpu.memory_space<hbm>> -> memref<40x128xi32, #tpu.memory_space<hbm>>
        %dma_wait3A_169 = arith.constant 40 : i32
        %dma_wait3A_170 = arith.constant 0 : i32
        %dma_wait3A_171 = tpu.memref_slice %arg5[%add3A_45, %dma_wait3A_169, %dma_wait3A_170] : memref<32x80x128xi32, #tpu.memory_space<hbm>> -> memref<1x40x128xi32, #tpu.memory_space<hbm>>
        %dma_wait3A_172 = tpu.memref_squeeze %dma_wait3A_171 : memref<1x40x128xi32, #tpu.memory_space<hbm>> -> memref<40x128xi32, #tpu.memory_space<hbm>>
        tpu.wait_dma2 semaphore(%run_scoped3A_156 : memref<!tpu.dma_semaphore, #tpu.memory_space<semaphore_mem>>) src(%dma_wait3A_172 : memref<40x128xi32, #tpu.memory_space<hbm>>) dst(%arg9 : memref<40x128xi32, #tpu.memory_space<vmem>>)
        tpu.yield
      }) : () -> ()
      "tpu.region"() ({
        %run_scoped3A_156 = tpu.sem_alloc : memref<!tpu.dma_semaphore, #tpu.memory_space<semaphore_mem>>
        %dma_start3A_157 = arith.constant 40 : i32
        %dma_start3A_158 = arith.constant 0 : i32
        %dma_start3A_159 = tpu.memref_slice %arg6[%add3A_45, %dma_start3A_157, %dma_start3A_158] : memref<32x80x128xi32, #tpu.memory_space<hbm>> -> memref<1x40x128xi32, #tpu.memory_space<hbm>>
        %dma_start3A_160 = tpu.memref_squeeze %dma_start3A_159 : memref<1x40x128xi32, #tpu.memory_space<hbm>> -> memref<40x128xi32, #tpu.memory_space<hbm>>
        %dma_start3A_161 = arith.constant 40 : i32
        %dma_start3A_162 = arith.constant 0 : i32
        %dma_start3A_163 = tpu.memref_slice %arg6[%add3A_45, %dma_start3A_161, %dma_start3A_162] : memref<32x80x128xi32, #tpu.memory_space<hbm>> -> memref<1x40x128xi32, #tpu.memory_space<hbm>>
        %dma_start3A_164 = tpu.memref_squeeze %dma_start3A_163 : memref<1x40x128xi32, #tpu.memory_space<hbm>> -> memref<40x128xi32, #tpu.memory_space<hbm>>
        tpu.enqueue_dma source(%dma_start3A_164 : memref<40x128xi32, #tpu.memory_space<hbm>>) target(%arg10 : memref<40x128xi32, #tpu.memory_space<vmem>>) target_semaphore(%run_scoped3A_156 : memref<!tpu.dma_semaphore, #tpu.memory_space<semaphore_mem>>)
        %dma_wait3A_165 = arith.constant 40 : i32
        %dma_wait3A_166 = arith.constant 0 : i32
        %dma_wait3A_167 = tpu.memref_slice %arg6[%add3A_45, %dma_wait3A_165, %dma_wait3A_166] : memref<32x80x128xi32, #tpu.memory_space<hbm>> -> memref<1x40x128xi32, #tpu.memory_space<hbm>>
        %dma_wait3A_168 = tpu.memref_squeeze %dma_wait3A_167 : memref<1x40x128xi32, #tpu.memory_space<hbm>> -> memref<40x128xi32, #tpu.memory_space<hbm>>
        %dma_wait3A_169 = arith.constant 40 : i32
        %dma_wait3A_170 = arith.constant 0 : i32
        %dma_wait3A_171 = tpu.memref_slice %arg6[%add3A_45, %dma_wait3A_169, %dma_wait3A_170] : memref<32x80x128xi32, #tpu.memory_space<hbm>> -> memref<1x40x128xi32, #tpu.memory_space<hbm>>
        %dma_wait3A_172 = tpu.memref_squeeze %dma_wait3A_171 : memref<1x40x128xi32, #tpu.memory_space<hbm>> -> memref<40x128xi32, #tpu.memory_space<hbm>>
        tpu.wait_dma2 semaphore(%run_scoped3A_156 : memref<!tpu.dma_semaphore, #tpu.memory_space<semaphore_mem>>) src(%dma_wait3A_172 : memref<40x128xi32, #tpu.memory_space<hbm>>) dst(%arg10 : memref<40x128xi32, #tpu.memory_space<vmem>>)
        tpu.yield
      }) : () -> ()
      %dma_start3A_46 = arith.constant 0 : i32
      %dma_start3A_47 = arith.constant 0 : i32
      %dma_start3A_48 = tpu.memref_slice %arg9[%dma_start3A_46, %dma_start3A_47] : memref<40x128xi32, #tpu.memory_space<vmem>> -> memref<1x128xi32, #tpu.memory_space<vmem>>
      %dma_start3A_49 = tpu.memref_squeeze %dma_start3A_48 : memref<1x128xi32, #tpu.memory_space<vmem>> -> memref<128xi32, #tpu.memory_space<vmem>>
      %dma_start3A_50 = arith.constant 0 : i32
      %dma_start3A_51 = arith.constant 0 : i32
      %dma_start3A_52 = tpu.memref_slice %arg3[%dma_start3A_50, %dma_start3A_51] : memref<320000x128xf32, #tpu.memory_space<hbm>> -> memref<320000x128xf32, #tpu.memory_space<hbm>>
      tpu.enqueue_indirect_dma source(%dma_start3A_52 : memref<320000x128xf32, #tpu.memory_space<hbm>>) target(%arg11 : memref<128x128xf32, #tpu.memory_space<vmem>>) offsets(%dma_start3A_49 : memref<128xi32, #tpu.memory_space<vmem>>) semaphore(%arg14 : memref<!tpu.dma_semaphore, #tpu.memory_space<semaphore_mem>>)
      %dma_start3A_53 = arith.constant 1 : i32
      %dma_start3A_54 = arith.constant 0 : i32
      %dma_start3A_55 = tpu.memref_slice %arg9[%dma_start3A_53, %dma_start3A_54] : memref<40x128xi32, #tpu.memory_space<vmem>> -> memref<1x128xi32, #tpu.memory_space<vmem>>
      %dma_start3A_56 = tpu.memref_squeeze %dma_start3A_55 : memref<1x128xi32, #tpu.memory_space<vmem>> -> memref<128xi32, #tpu.memory_space<vmem>>
      %dma_start3A_57 = arith.constant 0 : i32
      %dma_start3A_58 = arith.constant 0 : i32
      %dma_start3A_59 = tpu.memref_slice %arg3[%dma_start3A_57, %dma_start3A_58] : memref<320000x128xf32, #tpu.memory_space<hbm>> -> memref<320000x128xf32, #tpu.memory_space<hbm>>
      tpu.enqueue_indirect_dma source(%dma_start3A_59 : memref<320000x128xf32, #tpu.memory_space<hbm>>) target(%arg12 : memref<128x128xf32, #tpu.memory_space<vmem>>) offsets(%dma_start3A_56 : memref<128xi32, #tpu.memory_space<vmem>>) semaphore(%arg15 : memref<!tpu.dma_semaphore, #tpu.memory_space<semaphore_mem>>)
      %scan3A_60 = arith.constant 0 : i32
      %scan3A_61 = arith.constant 0 : i32
      %scan3A_62 = arith.constant 19 : i32
      %scan3A_63 = arith.addi %scan3A_61, %scan3A_62 : i32
      %scan3A_64 = arith.constant 1 : i32
      scf.for %scan3A_156 = %scan3A_61 to %scan3A_63 step %scan3A_64  : i32 {
        %mul3A_157 = arith.constant 2 : i32
        %mul3A_158 = arith.muli %scan3A_156, %mul3A_157 : i32
        %dma_wait3A_159 = arith.constant 0 : i32
        %dma_wait3A_160 = arith.constant 0 : i32
        %dma_wait3A_161 = tpu.memref_slice %arg3[%dma_wait3A_159, %dma_wait3A_160] : memref<320000x128xf32, #tpu.memory_space<hbm>> -> memref<128x128xf32, #tpu.memory_space<hbm>>
        %dma_wait3A_162 = arith.constant 0 : i32
        %dma_wait3A_163 = arith.constant 0 : i32
        %dma_wait3A_164 = tpu.memref_slice %arg3[%dma_wait3A_162, %dma_wait3A_163] : memref<320000x128xf32, #tpu.memory_space<hbm>> -> memref<128x128xf32, #tpu.memory_space<hbm>>
        tpu.wait_dma2 semaphore(%arg14 : memref<!tpu.dma_semaphore, #tpu.memory_space<semaphore_mem>>) src(%dma_wait3A_164 : memref<128x128xf32, #tpu.memory_space<hbm>>) dst(%arg11 : memref<128x128xf32, #tpu.memory_space<vmem>>)
        %add3A_165 = arith.constant 0 : i32
        %add3A_166 = arith.addi %mul3A_158, %add3A_165 : i32
        "tpu.region"() ({
          %run_scoped3A_195 = tpu.sem_alloc : memref<!tpu.dma_semaphore, #tpu.memory_space<semaphore_mem>>
          %dma_start3A_196 = arith.constant 0 : i32
          %dma_start3A_197 = tpu.memref_slice %arg10[%add3A_166, %dma_start3A_196] : memref<40x128xi32, #tpu.memory_space<vmem>> -> memref<1x128xi32, #tpu.memory_space<vmem>>
          %dma_start3A_198 = tpu.memref_squeeze %dma_start3A_197 : memref<1x128xi32, #tpu.memory_space<vmem>> -> memref<128xi32, #tpu.memory_space<vmem>>
          %dma_start3A_199 = arith.constant 0 : i32
          %dma_start3A_200 = arith.constant 0 : i32
          %dma_start3A_201 = tpu.memref_slice %arg13[%dma_start3A_199, %dma_start3A_200] : memref<10240x128xf32, #tpu.memory_space<vmem_shared>> -> memref<10240x128xf32, #tpu.memory_space<vmem_shared>>
          tpu.enqueue_indirect_dma source(%arg11 : memref<128x128xf32, #tpu.memory_space<vmem>>) target(%dma_start3A_201 : memref<10240x128xf32, #tpu.memory_space<vmem_shared>>) offsets(%dma_start3A_198 : memref<128xi32, #tpu.memory_space<vmem>>) semaphore(%run_scoped3A_195 : memref<!tpu.dma_semaphore, #tpu.memory_space<semaphore_mem>>) {add = true}
          %dma_wait3A_202 = arith.constant 0 : i32
          %dma_wait3A_203 = tpu.memref_slice %arg10[%add3A_166, %dma_wait3A_202] : memref<40x128xi32, #tpu.memory_space<vmem>> -> memref<1x128xi32, #tpu.memory_space<vmem>>
          %dma_wait3A_204 = tpu.memref_squeeze %dma_wait3A_203 : memref<1x128xi32, #tpu.memory_space<vmem>> -> memref<128xi32, #tpu.memory_space<vmem>>
          %dma_wait3A_205 = arith.constant 0 : i32
          %dma_wait3A_206 = arith.constant 0 : i32
          %dma_wait3A_207 = tpu.memref_slice %arg13[%dma_wait3A_205, %dma_wait3A_206] : memref<10240x128xf32, #tpu.memory_space<vmem_shared>> -> memref<10240x128xf32, #tpu.memory_space<vmem_shared>>
          tpu.wait_indirect_dma semaphore(%run_scoped3A_195 : memref<!tpu.dma_semaphore, #tpu.memory_space<semaphore_mem>>) src(%arg11 : memref<128x128xf32, #tpu.memory_space<vmem>>) dst(%dma_wait3A_207 : memref<10240x128xf32, #tpu.memory_space<vmem_shared>>)
          tpu.yield
        }) : () -> ()
        %add3A_167 = arith.constant 2 : i32
        %add3A_168 = arith.addi %mul3A_158, %add3A_167 : i32
        %add3A_169 = arith.constant 0 : i32
        %add3A_170 = arith.addi %add3A_168, %add3A_169 : i32
        %dma_start3A_171 = arith.constant 0 : i32
        %dma_start3A_172 = tpu.memref_slice %arg9[%add3A_170, %dma_start3A_171] : memref<40x128xi32, #tpu.memory_space<vmem>> -> memref<1x128xi32, #tpu.memory_space<vmem>>
        %dma_start3A_173 = tpu.memref_squeeze %dma_start3A_172 : memref<1x128xi32, #tpu.memory_space<vmem>> -> memref<128xi32, #tpu.memory_space<vmem>>
        %dma_start3A_174 = arith.constant 0 : i32
        %dma_start3A_175 = arith.constant 0 : i32
        %dma_start3A_176 = tpu.memref_slice %arg3[%dma_start3A_174, %dma_start3A_175] : memref<320000x128xf32, #tpu.memory_space<hbm>> -> memref<320000x128xf32, #tpu.memory_space<hbm>>
        tpu.enqueue_indirect_dma source(%dma_start3A_176 : memref<320000x128xf32, #tpu.memory_space<hbm>>) target(%arg11 : memref<128x128xf32, #tpu.memory_space<vmem>>) offsets(%dma_start3A_173 : memref<128xi32, #tpu.memory_space<vmem>>) semaphore(%arg14 : memref<!tpu.dma_semaphore, #tpu.memory_space<semaphore_mem>>)
        %dma_wait3A_177 = arith.constant 0 : i32
        %dma_wait3A_178 = arith.constant 0 : i32
        %dma_wait3A_179 = tpu.memref_slice %arg3[%dma_wait3A_177, %dma_wait3A_178] : memref<320000x128xf32, #tpu.memory_space<hbm>> -> memref<128x128xf32, #tpu.memory_space<hbm>>
        %dma_wait3A_180 = arith.constant 0 : i32
        %dma_wait3A_181 = arith.constant 0 : i32
        %dma_wait3A_182 = tpu.memref_slice %arg3[%dma_wait3A_180, %dma_wait3A_181] : memref<320000x128xf32, #tpu.memory_space<hbm>> -> memref<128x128xf32, #tpu.memory_space<hbm>>
        tpu.wait_dma2 semaphore(%arg15 : memref<!tpu.dma_semaphore, #tpu.memory_space<semaphore_mem>>) src(%dma_wait3A_182 : memref<128x128xf32, #tpu.memory_space<hbm>>) dst(%arg12 : memref<128x128xf32, #tpu.memory_space<vmem>>)
        %add3A_183 = arith.constant 1 : i32
        %add3A_184 = arith.addi %mul3A_158, %add3A_183 : i32
        "tpu.region"() ({
          %run_scoped3A_195 = tpu.sem_alloc : memref<!tpu.dma_semaphore, #tpu.memory_space<semaphore_mem>>
          %dma_start3A_196 = arith.constant 0 : i32
          %dma_start3A_197 = tpu.memref_slice %arg10[%add3A_184, %dma_start3A_196] : memref<40x128xi32, #tpu.memory_space<vmem>> -> memref<1x128xi32, #tpu.memory_space<vmem>>
          %dma_start3A_198 = tpu.memref_squeeze %dma_start3A_197 : memref<1x128xi32, #tpu.memory_space<vmem>> -> memref<128xi32, #tpu.memory_space<vmem>>
          %dma_start3A_199 = arith.constant 0 : i32
          %dma_start3A_200 = arith.constant 0 : i32
          %dma_start3A_201 = tpu.memref_slice %arg13[%dma_start3A_199, %dma_start3A_200] : memref<10240x128xf32, #tpu.memory_space<vmem_shared>> -> memref<10240x128xf32, #tpu.memory_space<vmem_shared>>
          tpu.enqueue_indirect_dma source(%arg12 : memref<128x128xf32, #tpu.memory_space<vmem>>) target(%dma_start3A_201 : memref<10240x128xf32, #tpu.memory_space<vmem_shared>>) offsets(%dma_start3A_198 : memref<128xi32, #tpu.memory_space<vmem>>) semaphore(%run_scoped3A_195 : memref<!tpu.dma_semaphore, #tpu.memory_space<semaphore_mem>>) {add = true}
          %dma_wait3A_202 = arith.constant 0 : i32
          %dma_wait3A_203 = tpu.memref_slice %arg10[%add3A_184, %dma_wait3A_202] : memref<40x128xi32, #tpu.memory_space<vmem>> -> memref<1x128xi32, #tpu.memory_space<vmem>>
          %dma_wait3A_204 = tpu.memref_squeeze %dma_wait3A_203 : memref<1x128xi32, #tpu.memory_space<vmem>> -> memref<128xi32, #tpu.memory_space<vmem>>
          %dma_wait3A_205 = arith.constant 0 : i32
          %dma_wait3A_206 = arith.constant 0 : i32
          %dma_wait3A_207 = tpu.memref_slice %arg13[%dma_wait3A_205, %dma_wait3A_206] : memref<10240x128xf32, #tpu.memory_space<vmem_shared>> -> memref<10240x128xf32, #tpu.memory_space<vmem_shared>>
          tpu.wait_indirect_dma semaphore(%run_scoped3A_195 : memref<!tpu.dma_semaphore, #tpu.memory_space<semaphore_mem>>) src(%arg12 : memref<128x128xf32, #tpu.memory_space<vmem>>) dst(%dma_wait3A_207 : memref<10240x128xf32, #tpu.memory_space<vmem_shared>>)
          tpu.yield
        }) : () -> ()
        %add3A_185 = arith.constant 2 : i32
        %add3A_186 = arith.addi %mul3A_158, %add3A_185 : i32
        %add3A_187 = arith.constant 1 : i32
        %add3A_188 = arith.addi %add3A_186, %add3A_187 : i32
        %dma_start3A_189 = arith.constant 0 : i32
        %dma_start3A_190 = tpu.memref_slice %arg9[%add3A_188, %dma_start3A_189] : memref<40x128xi32, #tpu.memory_space<vmem>> -> memref<1x128xi32, #tpu.memory_space<vmem>>
        %dma_start3A_191 = tpu.memref_squeeze %dma_start3A_190 : memref<1x128xi32, #tpu.memory_space<vmem>> -> memref<128xi32, #tpu.memory_space<vmem>>
        %dma_start3A_192 = arith.constant 0 : i32
        %dma_start3A_193 = arith.constant 0 : i32
        %dma_start3A_194 = tpu.memref_slice %arg3[%dma_start3A_192, %dma_start3A_193] : memref<320000x128xf32, #tpu.memory_space<hbm>> -> memref<320000x128xf32, #tpu.memory_space<hbm>>
        tpu.enqueue_indirect_dma source(%dma_start3A_194 : memref<320000x128xf32, #tpu.memory_space<hbm>>) target(%arg12 : memref<128x128xf32, #tpu.memory_space<vmem>>) offsets(%dma_start3A_191 : memref<128xi32, #tpu.memory_space<vmem>>) semaphore(%arg15 : memref<!tpu.dma_semaphore, #tpu.memory_space<semaphore_mem>>)
      }
      %scan3A_65 = arith.constant 19 : i32
      %dma_wait3A_66 = arith.constant 0 : i32
      %dma_wait3A_67 = arith.constant 0 : i32
      %dma_wait3A_68 = tpu.memref_slice %arg3[%dma_wait3A_66, %dma_wait3A_67] : memref<320000x128xf32, #tpu.memory_space<hbm>> -> memref<128x128xf32, #tpu.memory_space<hbm>>
      %dma_wait3A_69 = arith.constant 0 : i32
      %dma_wait3A_70 = arith.constant 0 : i32
      %dma_wait3A_71 = tpu.memref_slice %arg3[%dma_wait3A_69, %dma_wait3A_70] : memref<320000x128xf32, #tpu.memory_space<hbm>> -> memref<128x128xf32, #tpu.memory_space<hbm>>
      tpu.wait_dma2 semaphore(%arg14 : memref<!tpu.dma_semaphore, #tpu.memory_space<semaphore_mem>>) src(%dma_wait3A_71 : memref<128x128xf32, #tpu.memory_space<hbm>>) dst(%arg11 : memref<128x128xf32, #tpu.memory_space<vmem>>)
      %run_scoped3A_72 = arith.constant 38 : i32
      "tpu.region"() ({
        %run_scoped3A_156 = tpu.sem_alloc : memref<!tpu.dma_semaphore, #tpu.memory_space<semaphore_mem>>
        %dma_start3A_157 = arith.constant 0 : i32
        %dma_start3A_158 = tpu.memref_slice %arg10[%run_scoped3A_72, %dma_start3A_157] : memref<40x128xi32, #tpu.memory_space<vmem>> -> memref<1x128xi32, #tpu.memory_space<vmem>>
        %dma_start3A_159 = tpu.memref_squeeze %dma_start3A_158 : memref<1x128xi32, #tpu.memory_space<vmem>> -> memref<128xi32, #tpu.memory_space<vmem>>
        %dma_start3A_160 = arith.constant 0 : i32
        %dma_start3A_161 = arith.constant 0 : i32
        %dma_start3A_162 = tpu.memref_slice %arg13[%dma_start3A_160, %dma_start3A_161] : memref<10240x128xf32, #tpu.memory_space<vmem_shared>> -> memref<10240x128xf32, #tpu.memory_space<vmem_shared>>
        tpu.enqueue_indirect_dma source(%arg11 : memref<128x128xf32, #tpu.memory_space<vmem>>) target(%dma_start3A_162 : memref<10240x128xf32, #tpu.memory_space<vmem_shared>>) offsets(%dma_start3A_159 : memref<128xi32, #tpu.memory_space<vmem>>) semaphore(%run_scoped3A_156 : memref<!tpu.dma_semaphore, #tpu.memory_space<semaphore_mem>>) {add = true}
        %dma_wait3A_163 = arith.constant 0 : i32
        %dma_wait3A_164 = tpu.memref_slice %arg10[%run_scoped3A_72, %dma_wait3A_163] : memref<40x128xi32, #tpu.memory_space<vmem>> -> memref<1x128xi32, #tpu.memory_space<vmem>>
        %dma_wait3A_165 = tpu.memref_squeeze %dma_wait3A_164 : memref<1x128xi32, #tpu.memory_space<vmem>> -> memref<128xi32, #tpu.memory_space<vmem>>
        %dma_wait3A_166 = arith.constant 0 : i32
        %dma_wait3A_167 = arith.constant 0 : i32
        %dma_wait3A_168 = tpu.memref_slice %arg13[%dma_wait3A_166, %dma_wait3A_167] : memref<10240x128xf32, #tpu.memory_space<vmem_shared>> -> memref<10240x128xf32, #tpu.memory_space<vmem_shared>>
        tpu.wait_indirect_dma semaphore(%run_scoped3A_156 : memref<!tpu.dma_semaphore, #tpu.memory_space<semaphore_mem>>) src(%arg11 : memref<128x128xf32, #tpu.memory_space<vmem>>) dst(%dma_wait3A_168 : memref<10240x128xf32, #tpu.memory_space<vmem_shared>>)
        tpu.yield
      }) : () -> ()
      %dma_wait3A_73 = arith.constant 0 : i32
      %dma_wait3A_74 = arith.constant 0 : i32
      %dma_wait3A_75 = tpu.memref_slice %arg3[%dma_wait3A_73, %dma_wait3A_74] : memref<320000x128xf32, #tpu.memory_space<hbm>> -> memref<128x128xf32, #tpu.memory_space<hbm>>
      %dma_wait3A_76 = arith.constant 0 : i32
      %dma_wait3A_77 = arith.constant 0 : i32
      %dma_wait3A_78 = tpu.memref_slice %arg3[%dma_wait3A_76, %dma_wait3A_77] : memref<320000x128xf32, #tpu.memory_space<hbm>> -> memref<128x128xf32, #tpu.memory_space<hbm>>
      tpu.wait_dma2 semaphore(%arg15 : memref<!tpu.dma_semaphore, #tpu.memory_space<semaphore_mem>>) src(%dma_wait3A_78 : memref<128x128xf32, #tpu.memory_space<hbm>>) dst(%arg12 : memref<128x128xf32, #tpu.memory_space<vmem>>)
      %run_scoped3A_79 = arith.constant 39 : i32
      "tpu.region"() ({
        %run_scoped3A_156 = tpu.sem_alloc : memref<!tpu.dma_semaphore, #tpu.memory_space<semaphore_mem>>
        %dma_start3A_157 = arith.constant 0 : i32
        %dma_start3A_158 = tpu.memref_slice %arg10[%run_scoped3A_79, %dma_start3A_157] : memref<40x128xi32, #tpu.memory_space<vmem>> -> memref<1x128xi32, #tpu.memory_space<vmem>>
        %dma_start3A_159 = tpu.memref_squeeze %dma_start3A_158 : memref<1x128xi32, #tpu.memory_space<vmem>> -> memref<128xi32, #tpu.memory_space<vmem>>
        %dma_start3A_160 = arith.constant 0 : i32
        %dma_start3A_161 = arith.constant 0 : i32
        %dma_start3A_162 = tpu.memref_slice %arg13[%dma_start3A_160, %dma_start3A_161] : memref<10240x128xf32, #tpu.memory_space<vmem_shared>> -> memref<10240x128xf32, #tpu.memory_space<vmem_shared>>
        tpu.enqueue_indirect_dma source(%arg12 : memref<128x128xf32, #tpu.memory_space<vmem>>) target(%dma_start3A_162 : memref<10240x128xf32, #tpu.memory_space<vmem_shared>>) offsets(%dma_start3A_159 : memref<128xi32, #tpu.memory_space<vmem>>) semaphore(%run_scoped3A_156 : memref<!tpu.dma_semaphore, #tpu.memory_space<semaphore_mem>>) {add = true}
        %dma_wait3A_163 = arith.constant 0 : i32
        %dma_wait3A_164 = tpu.memref_slice %arg10[%run_scoped3A_79, %dma_wait3A_163] : memref<40x128xi32, #tpu.memory_space<vmem>> -> memref<1x128xi32, #tpu.memory_space<vmem>>
        %dma_wait3A_165 = tpu.memref_squeeze %dma_wait3A_164 : memref<1x128xi32, #tpu.memory_space<vmem>> -> memref<128xi32, #tpu.memory_space<vmem>>
        %dma_wait3A_166 = arith.constant 0 : i32
        %dma_wait3A_167 = arith.constant 0 : i32
        %dma_wait3A_168 = tpu.memref_slice %arg13[%dma_wait3A_166, %dma_wait3A_167] : memref<10240x128xf32, #tpu.memory_space<vmem_shared>> -> memref<10240x128xf32, #tpu.memory_space<vmem_shared>>
        tpu.wait_indirect_dma semaphore(%run_scoped3A_156 : memref<!tpu.dma_semaphore, #tpu.memory_space<semaphore_mem>>) src(%arg12 : memref<128x128xf32, #tpu.memory_space<vmem>>) dst(%dma_wait3A_168 : memref<10240x128xf32, #tpu.memory_space<vmem_shared>>)
        tpu.yield
      }) : () -> ()
      %mul3A_80 = arith.constant 2 : i32
      %mul3A_81 = arith.muli %mul3A_80, %arg1 : i32
      %add3A_82 = arith.constant 1 : i32
      %add3A_83 = arith.addi %mul3A_81, %add3A_82 : i32
      "tpu.region"() ({
        %run_scoped3A_156 = tpu.sem_alloc : memref<!tpu.dma_semaphore, #tpu.memory_space<semaphore_mem>>
        %dma_start3A_157 = arith.constant 0 : i32
        %dma_start3A_158 = arith.constant 0 : i32
        %dma_start3A_159 = tpu.memref_slice %arg5[%add3A_83, %dma_start3A_157, %dma_start3A_158] : memref<32x80x128xi32, #tpu.memory_space<hbm>> -> memref<1x40x128xi32, #tpu.memory_space<hbm>>
        %dma_start3A_160 = tpu.memref_squeeze %dma_start3A_159 : memref<1x40x128xi32, #tpu.memory_space<hbm>> -> memref<40x128xi32, #tpu.memory_space<hbm>>
        %dma_start3A_161 = arith.constant 0 : i32
        %dma_start3A_162 = arith.constant 0 : i32
        %dma_start3A_163 = tpu.memref_slice %arg5[%add3A_83, %dma_start3A_161, %dma_start3A_162] : memref<32x80x128xi32, #tpu.memory_space<hbm>> -> memref<1x40x128xi32, #tpu.memory_space<hbm>>
        %dma_start3A_164 = tpu.memref_squeeze %dma_start3A_163 : memref<1x40x128xi32, #tpu.memory_space<hbm>> -> memref<40x128xi32, #tpu.memory_space<hbm>>
        tpu.enqueue_dma source(%dma_start3A_164 : memref<40x128xi32, #tpu.memory_space<hbm>>) target(%arg9 : memref<40x128xi32, #tpu.memory_space<vmem>>) target_semaphore(%run_scoped3A_156 : memref<!tpu.dma_semaphore, #tpu.memory_space<semaphore_mem>>)
        %dma_wait3A_165 = arith.constant 0 : i32
        %dma_wait3A_166 = arith.constant 0 : i32
        %dma_wait3A_167 = tpu.memref_slice %arg5[%add3A_83, %dma_wait3A_165, %dma_wait3A_166] : memref<32x80x128xi32, #tpu.memory_space<hbm>> -> memref<1x40x128xi32, #tpu.memory_space<hbm>>
        %dma_wait3A_168 = tpu.memref_squeeze %dma_wait3A_167 : memref<1x40x128xi32, #tpu.memory_space<hbm>> -> memref<40x128xi32, #tpu.memory_space<hbm>>
        %dma_wait3A_169 = arith.constant 0 : i32
        %dma_wait3A_170 = arith.constant 0 : i32
        %dma_wait3A_171 = tpu.memref_slice %arg5[%add3A_83, %dma_wait3A_169, %dma_wait3A_170] : memref<32x80x128xi32, #tpu.memory_space<hbm>> -> memref<1x40x128xi32, #tpu.memory_space<hbm>>
        %dma_wait3A_172 = tpu.memref_squeeze %dma_wait3A_171 : memref<1x40x128xi32, #tpu.memory_space<hbm>> -> memref<40x128xi32, #tpu.memory_space<hbm>>
        tpu.wait_dma2 semaphore(%run_scoped3A_156 : memref<!tpu.dma_semaphore, #tpu.memory_space<semaphore_mem>>) src(%dma_wait3A_172 : memref<40x128xi32, #tpu.memory_space<hbm>>) dst(%arg9 : memref<40x128xi32, #tpu.memory_space<vmem>>)
        tpu.yield
      }) : () -> ()
      "tpu.region"() ({
        %run_scoped3A_156 = tpu.sem_alloc : memref<!tpu.dma_semaphore, #tpu.memory_space<semaphore_mem>>
        %dma_start3A_157 = arith.constant 0 : i32
        %dma_start3A_158 = arith.constant 0 : i32
        %dma_start3A_159 = tpu.memref_slice %arg6[%add3A_83, %dma_start3A_157, %dma_start3A_158] : memref<32x80x128xi32, #tpu.memory_space<hbm>> -> memref<1x40x128xi32, #tpu.memory_space<hbm>>
        %dma_start3A_160 = tpu.memref_squeeze %dma_start3A_159 : memref<1x40x128xi32, #tpu.memory_space<hbm>> -> memref<40x128xi32, #tpu.memory_space<hbm>>
        %dma_start3A_161 = arith.constant 0 : i32
        %dma_start3A_162 = arith.constant 0 : i32
        %dma_start3A_163 = tpu.memref_slice %arg6[%add3A_83, %dma_start3A_161, %dma_start3A_162] : memref<32x80x128xi32, #tpu.memory_space<hbm>> -> memref<1x40x128xi32, #tpu.memory_space<hbm>>
        %dma_start3A_164 = tpu.memref_squeeze %dma_start3A_163 : memref<1x40x128xi32, #tpu.memory_space<hbm>> -> memref<40x128xi32, #tpu.memory_space<hbm>>
        tpu.enqueue_dma source(%dma_start3A_164 : memref<40x128xi32, #tpu.memory_space<hbm>>) target(%arg10 : memref<40x128xi32, #tpu.memory_space<vmem>>) target_semaphore(%run_scoped3A_156 : memref<!tpu.dma_semaphore, #tpu.memory_space<semaphore_mem>>)
        %dma_wait3A_165 = arith.constant 0 : i32
        %dma_wait3A_166 = arith.constant 0 : i32
        %dma_wait3A_167 = tpu.memref_slice %arg6[%add3A_83, %dma_wait3A_165, %dma_wait3A_166] : memref<32x80x128xi32, #tpu.memory_space<hbm>> -> memref<1x40x128xi32, #tpu.memory_space<hbm>>
        %dma_wait3A_168 = tpu.memref_squeeze %dma_wait3A_167 : memref<1x40x128xi32, #tpu.memory_space<hbm>> -> memref<40x128xi32, #tpu.memory_space<hbm>>
        %dma_wait3A_169 = arith.constant 0 : i32
        %dma_wait3A_170 = arith.constant 0 : i32
        %dma_wait3A_171 = tpu.memref_slice %arg6[%add3A_83, %dma_wait3A_169, %dma_wait3A_170] : memref<32x80x128xi32, #tpu.memory_space<hbm>> -> memref<1x40x128xi32, #tpu.memory_space<hbm>>
        %dma_wait3A_172 = tpu.memref_squeeze %dma_wait3A_171 : memref<1x40x128xi32, #tpu.memory_space<hbm>> -> memref<40x128xi32, #tpu.memory_space<hbm>>
        tpu.wait_dma2 semaphore(%run_scoped3A_156 : memref<!tpu.dma_semaphore, #tpu.memory_space<semaphore_mem>>) src(%dma_wait3A_172 : memref<40x128xi32, #tpu.memory_space<hbm>>) dst(%arg10 : memref<40x128xi32, #tpu.memory_space<vmem>>)
        tpu.yield
      }) : () -> ()
      %dma_start3A_84 = arith.constant 0 : i32
      %dma_start3A_85 = arith.constant 0 : i32
      %dma_start3A_86 = tpu.memref_slice %arg9[%dma_start3A_84, %dma_start3A_85] : memref<40x128xi32, #tpu.memory_space<vmem>> -> memref<1x128xi32, #tpu.memory_space<vmem>>
      %dma_start3A_87 = tpu.memref_squeeze %dma_start3A_86 : memref<1x128xi32, #tpu.memory_space<vmem>> -> memref<128xi32, #tpu.memory_space<vmem>>
      %dma_start3A_88 = arith.constant 0 : i32
      %dma_start3A_89 = arith.constant 0 : i32
      %dma_start3A_90 = tpu.memref_slice %arg3[%dma_start3A_88, %dma_start3A_89] : memref<320000x128xf32, #tpu.memory_space<hbm>> -> memref<320000x128xf32, #tpu.memory_space<hbm>>
      tpu.enqueue_indirect_dma source(%dma_start3A_90 : memref<320000x128xf32, #tpu.memory_space<hbm>>) target(%arg11 : memref<128x128xf32, #tpu.memory_space<vmem>>) offsets(%dma_start3A_87 : memref<128xi32, #tpu.memory_space<vmem>>) semaphore(%arg14 : memref<!tpu.dma_semaphore, #tpu.memory_space<semaphore_mem>>)
      %dma_start3A_91 = arith.constant 1 : i32
      %dma_start3A_92 = arith.constant 0 : i32
      %dma_start3A_93 = tpu.memref_slice %arg9[%dma_start3A_91, %dma_start3A_92] : memref<40x128xi32, #tpu.memory_space<vmem>> -> memref<1x128xi32, #tpu.memory_space<vmem>>
      %dma_start3A_94 = tpu.memref_squeeze %dma_start3A_93 : memref<1x128xi32, #tpu.memory_space<vmem>> -> memref<128xi32, #tpu.memory_space<vmem>>
      %dma_start3A_95 = arith.constant 0 : i32
      %dma_start3A_96 = arith.constant 0 : i32
      %dma_start3A_97 = tpu.memref_slice %arg3[%dma_start3A_95, %dma_start3A_96] : memref<320000x128xf32, #tpu.memory_space<hbm>> -> memref<320000x128xf32, #tpu.memory_space<hbm>>
      tpu.enqueue_indirect_dma source(%dma_start3A_97 : memref<320000x128xf32, #tpu.memory_space<hbm>>) target(%arg12 : memref<128x128xf32, #tpu.memory_space<vmem>>) offsets(%dma_start3A_94 : memref<128xi32, #tpu.memory_space<vmem>>) semaphore(%arg15 : memref<!tpu.dma_semaphore, #tpu.memory_space<semaphore_mem>>)
      %scan3A_98 = arith.constant 0 : i32
      %scan3A_99 = arith.constant 0 : i32
      %scan3A_100 = arith.constant 19 : i32
      %scan3A_101 = arith.addi %scan3A_99, %scan3A_100 : i32
      %scan3A_102 = arith.constant 1 : i32
      scf.for %scan3A_156 = %scan3A_99 to %scan3A_101 step %scan3A_102  : i32 {
        %mul3A_157 = arith.constant 2 : i32
        %mul3A_158 = arith.muli %scan3A_156, %mul3A_157 : i32
        %dma_wait3A_159 = arith.constant 0 : i32
        %dma_wait3A_160 = arith.constant 0 : i32
        %dma_wait3A_161 = tpu.memref_slice %arg3[%dma_wait3A_159, %dma_wait3A_160] : memref<320000x128xf32, #tpu.memory_space<hbm>> -> memref<128x128xf32, #tpu.memory_space<hbm>>
        %dma_wait3A_162 = arith.constant 0 : i32
        %dma_wait3A_163 = arith.constant 0 : i32
        %dma_wait3A_164 = tpu.memref_slice %arg3[%dma_wait3A_162, %dma_wait3A_163] : memref<320000x128xf32, #tpu.memory_space<hbm>> -> memref<128x128xf32, #tpu.memory_space<hbm>>
        tpu.wait_dma2 semaphore(%arg14 : memref<!tpu.dma_semaphore, #tpu.memory_space<semaphore_mem>>) src(%dma_wait3A_164 : memref<128x128xf32, #tpu.memory_space<hbm>>) dst(%arg11 : memref<128x128xf32, #tpu.memory_space<vmem>>)
        %add3A_165 = arith.constant 0 : i32
        %add3A_166 = arith.addi %mul3A_158, %add3A_165 : i32
        "tpu.region"() ({
          %run_scoped3A_195 = tpu.sem_alloc : memref<!tpu.dma_semaphore, #tpu.memory_space<semaphore_mem>>
          %dma_start3A_196 = arith.constant 0 : i32
          %dma_start3A_197 = tpu.memref_slice %arg10[%add3A_166, %dma_start3A_196] : memref<40x128xi32, #tpu.memory_space<vmem>> -> memref<1x128xi32, #tpu.memory_space<vmem>>
          %dma_start3A_198 = tpu.memref_squeeze %dma_start3A_197 : memref<1x128xi32, #tpu.memory_space<vmem>> -> memref<128xi32, #tpu.memory_space<vmem>>
          %dma_start3A_199 = arith.constant 0 : i32
          %dma_start3A_200 = arith.constant 0 : i32
          %dma_start3A_201 = tpu.memref_slice %arg13[%dma_start3A_199, %dma_start3A_200] : memref<10240x128xf32, #tpu.memory_space<vmem_shared>> -> memref<10240x128xf32, #tpu.memory_space<vmem_shared>>
          tpu.enqueue_indirect_dma source(%arg11 : memref<128x128xf32, #tpu.memory_space<vmem>>) target(%dma_start3A_201 : memref<10240x128xf32, #tpu.memory_space<vmem_shared>>) offsets(%dma_start3A_198 : memref<128xi32, #tpu.memory_space<vmem>>) semaphore(%run_scoped3A_195 : memref<!tpu.dma_semaphore, #tpu.memory_space<semaphore_mem>>) {add = true}
          %dma_wait3A_202 = arith.constant 0 : i32
          %dma_wait3A_203 = tpu.memref_slice %arg10[%add3A_166, %dma_wait3A_202] : memref<40x128xi32, #tpu.memory_space<vmem>> -> memref<1x128xi32, #tpu.memory_space<vmem>>
          %dma_wait3A_204 = tpu.memref_squeeze %dma_wait3A_203 : memref<1x128xi32, #tpu.memory_space<vmem>> -> memref<128xi32, #tpu.memory_space<vmem>>
          %dma_wait3A_205 = arith.constant 0 : i32
          %dma_wait3A_206 = arith.constant 0 : i32
          %dma_wait3A_207 = tpu.memref_slice %arg13[%dma_wait3A_205, %dma_wait3A_206] : memref<10240x128xf32, #tpu.memory_space<vmem_shared>> -> memref<10240x128xf32, #tpu.memory_space<vmem_shared>>
          tpu.wait_indirect_dma semaphore(%run_scoped3A_195 : memref<!tpu.dma_semaphore, #tpu.memory_space<semaphore_mem>>) src(%arg11 : memref<128x128xf32, #tpu.memory_space<vmem>>) dst(%dma_wait3A_207 : memref<10240x128xf32, #tpu.memory_space<vmem_shared>>)
          tpu.yield
        }) : () -> ()
        %add3A_167 = arith.constant 2 : i32
        %add3A_168 = arith.addi %mul3A_158, %add3A_167 : i32
        %add3A_169 = arith.constant 0 : i32
        %add3A_170 = arith.addi %add3A_168, %add3A_169 : i32
        %dma_start3A_171 = arith.constant 0 : i32
        %dma_start3A_172 = tpu.memref_slice %arg9[%add3A_170, %dma_start3A_171] : memref<40x128xi32, #tpu.memory_space<vmem>> -> memref<1x128xi32, #tpu.memory_space<vmem>>
        %dma_start3A_173 = tpu.memref_squeeze %dma_start3A_172 : memref<1x128xi32, #tpu.memory_space<vmem>> -> memref<128xi32, #tpu.memory_space<vmem>>
        %dma_start3A_174 = arith.constant 0 : i32
        %dma_start3A_175 = arith.constant 0 : i32
        %dma_start3A_176 = tpu.memref_slice %arg3[%dma_start3A_174, %dma_start3A_175] : memref<320000x128xf32, #tpu.memory_space<hbm>> -> memref<320000x128xf32, #tpu.memory_space<hbm>>
        tpu.enqueue_indirect_dma source(%dma_start3A_176 : memref<320000x128xf32, #tpu.memory_space<hbm>>) target(%arg11 : memref<128x128xf32, #tpu.memory_space<vmem>>) offsets(%dma_start3A_173 : memref<128xi32, #tpu.memory_space<vmem>>) semaphore(%arg14 : memref<!tpu.dma_semaphore, #tpu.memory_space<semaphore_mem>>)
        %dma_wait3A_177 = arith.constant 0 : i32
        %dma_wait3A_178 = arith.constant 0 : i32
        %dma_wait3A_179 = tpu.memref_slice %arg3[%dma_wait3A_177, %dma_wait3A_178] : memref<320000x128xf32, #tpu.memory_space<hbm>> -> memref<128x128xf32, #tpu.memory_space<hbm>>
        %dma_wait3A_180 = arith.constant 0 : i32
        %dma_wait3A_181 = arith.constant 0 : i32
        %dma_wait3A_182 = tpu.memref_slice %arg3[%dma_wait3A_180, %dma_wait3A_181] : memref<320000x128xf32, #tpu.memory_space<hbm>> -> memref<128x128xf32, #tpu.memory_space<hbm>>
        tpu.wait_dma2 semaphore(%arg15 : memref<!tpu.dma_semaphore, #tpu.memory_space<semaphore_mem>>) src(%dma_wait3A_182 : memref<128x128xf32, #tpu.memory_space<hbm>>) dst(%arg12 : memref<128x128xf32, #tpu.memory_space<vmem>>)
        %add3A_183 = arith.constant 1 : i32
        %add3A_184 = arith.addi %mul3A_158, %add3A_183 : i32
        "tpu.region"() ({
          %run_scoped3A_195 = tpu.sem_alloc : memref<!tpu.dma_semaphore, #tpu.memory_space<semaphore_mem>>
          %dma_start3A_196 = arith.constant 0 : i32
          %dma_start3A_197 = tpu.memref_slice %arg10[%add3A_184, %dma_start3A_196] : memref<40x128xi32, #tpu.memory_space<vmem>> -> memref<1x128xi32, #tpu.memory_space<vmem>>
          %dma_start3A_198 = tpu.memref_squeeze %dma_start3A_197 : memref<1x128xi32, #tpu.memory_space<vmem>> -> memref<128xi32, #tpu.memory_space<vmem>>
          %dma_start3A_199 = arith.constant 0 : i32
          %dma_start3A_200 = arith.constant 0 : i32
          %dma_start3A_201 = tpu.memref_slice %arg13[%dma_start3A_199, %dma_start3A_200] : memref<10240x128xf32, #tpu.memory_space<vmem_shared>> -> memref<10240x128xf32, #tpu.memory_space<vmem_shared>>
          tpu.enqueue_indirect_dma source(%arg12 : memref<128x128xf32, #tpu.memory_space<vmem>>) target(%dma_start3A_201 : memref<10240x128xf32, #tpu.memory_space<vmem_shared>>) offsets(%dma_start3A_198 : memref<128xi32, #tpu.memory_space<vmem>>) semaphore(%run_scoped3A_195 : memref<!tpu.dma_semaphore, #tpu.memory_space<semaphore_mem>>) {add = true}
          %dma_wait3A_202 = arith.constant 0 : i32
          %dma_wait3A_203 = tpu.memref_slice %arg10[%add3A_184, %dma_wait3A_202] : memref<40x128xi32, #tpu.memory_space<vmem>> -> memref<1x128xi32, #tpu.memory_space<vmem>>
          %dma_wait3A_204 = tpu.memref_squeeze %dma_wait3A_203 : memref<1x128xi32, #tpu.memory_space<vmem>> -> memref<128xi32, #tpu.memory_space<vmem>>
          %dma_wait3A_205 = arith.constant 0 : i32
          %dma_wait3A_206 = arith.constant 0 : i32
          %dma_wait3A_207 = tpu.memref_slice %arg13[%dma_wait3A_205, %dma_wait3A_206] : memref<10240x128xf32, #tpu.memory_space<vmem_shared>> -> memref<10240x128xf32, #tpu.memory_space<vmem_shared>>
          tpu.wait_indirect_dma semaphore(%run_scoped3A_195 : memref<!tpu.dma_semaphore, #tpu.memory_space<semaphore_mem>>) src(%arg12 : memref<128x128xf32, #tpu.memory_space<vmem>>) dst(%dma_wait3A_207 : memref<10240x128xf32, #tpu.memory_space<vmem_shared>>)
          tpu.yield
        }) : () -> ()
        %add3A_185 = arith.constant 2 : i32
        %add3A_186 = arith.addi %mul3A_158, %add3A_185 : i32
        %add3A_187 = arith.constant 1 : i32
        %add3A_188 = arith.addi %add3A_186, %add3A_187 : i32
        %dma_start3A_189 = arith.constant 0 : i32
        %dma_start3A_190 = tpu.memref_slice %arg9[%add3A_188, %dma_start3A_189] : memref<40x128xi32, #tpu.memory_space<vmem>> -> memref<1x128xi32, #tpu.memory_space<vmem>>
        %dma_start3A_191 = tpu.memref_squeeze %dma_start3A_190 : memref<1x128xi32, #tpu.memory_space<vmem>> -> memref<128xi32, #tpu.memory_space<vmem>>
        %dma_start3A_192 = arith.constant 0 : i32
        %dma_start3A_193 = arith.constant 0 : i32
        %dma_start3A_194 = tpu.memref_slice %arg3[%dma_start3A_192, %dma_start3A_193] : memref<320000x128xf32, #tpu.memory_space<hbm>> -> memref<320000x128xf32, #tpu.memory_space<hbm>>
        tpu.enqueue_indirect_dma source(%dma_start3A_194 : memref<320000x128xf32, #tpu.memory_space<hbm>>) target(%arg12 : memref<128x128xf32, #tpu.memory_space<vmem>>) offsets(%dma_start3A_191 : memref<128xi32, #tpu.memory_space<vmem>>) semaphore(%arg15 : memref<!tpu.dma_semaphore, #tpu.memory_space<semaphore_mem>>)
      }
      %scan3A_103 = arith.constant 19 : i32
      %dma_wait3A_104 = arith.constant 0 : i32
      %dma_wait3A_105 = arith.constant 0 : i32
      %dma_wait3A_106 = tpu.memref_slice %arg3[%dma_wait3A_104, %dma_wait3A_105] : memref<320000x128xf32, #tpu.memory_space<hbm>> -> memref<128x128xf32, #tpu.memory_space<hbm>>
      %dma_wait3A_107 = arith.constant 0 : i32
      %dma_wait3A_108 = arith.constant 0 : i32
      %dma_wait3A_109 = tpu.memref_slice %arg3[%dma_wait3A_107, %dma_wait3A_108] : memref<320000x128xf32, #tpu.memory_space<hbm>> -> memref<128x128xf32, #tpu.memory_space<hbm>>
      tpu.wait_dma2 semaphore(%arg14 : memref<!tpu.dma_semaphore, #tpu.memory_space<semaphore_mem>>) src(%dma_wait3A_109 : memref<128x128xf32, #tpu.memory_space<hbm>>) dst(%arg11 : memref<128x128xf32, #tpu.memory_space<vmem>>)
      %run_scoped3A_110 = arith.constant 38 : i32
      "tpu.region"() ({
        %run_scoped3A_156 = tpu.sem_alloc : memref<!tpu.dma_semaphore, #tpu.memory_space<semaphore_mem>>
        %dma_start3A_157 = arith.constant 0 : i32
        %dma_start3A_158 = tpu.memref_slice %arg10[%run_scoped3A_110, %dma_start3A_157] : memref<40x128xi32, #tpu.memory_space<vmem>> -> memref<1x128xi32, #tpu.memory_space<vmem>>
        %dma_start3A_159 = tpu.memref_squeeze %dma_start3A_158 : memref<1x128xi32, #tpu.memory_space<vmem>> -> memref<128xi32, #tpu.memory_space<vmem>>
        %dma_start3A_160 = arith.constant 0 : i32
        %dma_start3A_161 = arith.constant 0 : i32
        %dma_start3A_162 = tpu.memref_slice %arg13[%dma_start3A_160, %dma_start3A_161] : memref<10240x128xf32, #tpu.memory_space<vmem_shared>> -> memref<10240x128xf32, #tpu.memory_space<vmem_shared>>
        tpu.enqueue_indirect_dma source(%arg11 : memref<128x128xf32, #tpu.memory_space<vmem>>) target(%dma_start3A_162 : memref<10240x128xf32, #tpu.memory_space<vmem_shared>>) offsets(%dma_start3A_159 : memref<128xi32, #tpu.memory_space<vmem>>) semaphore(%run_scoped3A_156 : memref<!tpu.dma_semaphore, #tpu.memory_space<semaphore_mem>>) {add = true}
        %dma_wait3A_163 = arith.constant 0 : i32
        %dma_wait3A_164 = tpu.memref_slice %arg10[%run_scoped3A_110, %dma_wait3A_163] : memref<40x128xi32, #tpu.memory_space<vmem>> -> memref<1x128xi32, #tpu.memory_space<vmem>>
        %dma_wait3A_165 = tpu.memref_squeeze %dma_wait3A_164 : memref<1x128xi32, #tpu.memory_space<vmem>> -> memref<128xi32, #tpu.memory_space<vmem>>
        %dma_wait3A_166 = arith.constant 0 : i32
        %dma_wait3A_167 = arith.constant 0 : i32
        %dma_wait3A_168 = tpu.memref_slice %arg13[%dma_wait3A_166, %dma_wait3A_167] : memref<10240x128xf32, #tpu.memory_space<vmem_shared>> -> memref<10240x128xf32, #tpu.memory_space<vmem_shared>>
        tpu.wait_indirect_dma semaphore(%run_scoped3A_156 : memref<!tpu.dma_semaphore, #tpu.memory_space<semaphore_mem>>) src(%arg11 : memref<128x128xf32, #tpu.memory_space<vmem>>) dst(%dma_wait3A_168 : memref<10240x128xf32, #tpu.memory_space<vmem_shared>>)
        tpu.yield
      }) : () -> ()
      %dma_wait3A_111 = arith.constant 0 : i32
      %dma_wait3A_112 = arith.constant 0 : i32
      %dma_wait3A_113 = tpu.memref_slice %arg3[%dma_wait3A_111, %dma_wait3A_112] : memref<320000x128xf32, #tpu.memory_space<hbm>> -> memref<128x128xf32, #tpu.memory_space<hbm>>
      %dma_wait3A_114 = arith.constant 0 : i32
      %dma_wait3A_115 = arith.constant 0 : i32
      %dma_wait3A_116 = tpu.memref_slice %arg3[%dma_wait3A_114, %dma_wait3A_115] : memref<320000x128xf32, #tpu.memory_space<hbm>> -> memref<128x128xf32, #tpu.memory_space<hbm>>
      tpu.wait_dma2 semaphore(%arg15 : memref<!tpu.dma_semaphore, #tpu.memory_space<semaphore_mem>>) src(%dma_wait3A_116 : memref<128x128xf32, #tpu.memory_space<hbm>>) dst(%arg12 : memref<128x128xf32, #tpu.memory_space<vmem>>)
      %run_scoped3A_117 = arith.constant 39 : i32
      "tpu.region"() ({
        %run_scoped3A_156 = tpu.sem_alloc : memref<!tpu.dma_semaphore, #tpu.memory_space<semaphore_mem>>
        %dma_start3A_157 = arith.constant 0 : i32
        %dma_start3A_158 = tpu.memref_slice %arg10[%run_scoped3A_117, %dma_start3A_157] : memref<40x128xi32, #tpu.memory_space<vmem>> -> memref<1x128xi32, #tpu.memory_space<vmem>>
        %dma_start3A_159 = tpu.memref_squeeze %dma_start3A_158 : memref<1x128xi32, #tpu.memory_space<vmem>> -> memref<128xi32, #tpu.memory_space<vmem>>
        %dma_start3A_160 = arith.constant 0 : i32
        %dma_start3A_161 = arith.constant 0 : i32
        %dma_start3A_162 = tpu.memref_slice %arg13[%dma_start3A_160, %dma_start3A_161] : memref<10240x128xf32, #tpu.memory_space<vmem_shared>> -> memref<10240x128xf32, #tpu.memory_space<vmem_shared>>
        tpu.enqueue_indirect_dma source(%arg12 : memref<128x128xf32, #tpu.memory_space<vmem>>) target(%dma_start3A_162 : memref<10240x128xf32, #tpu.memory_space<vmem_shared>>) offsets(%dma_start3A_159 : memref<128xi32, #tpu.memory_space<vmem>>) semaphore(%run_scoped3A_156 : memref<!tpu.dma_semaphore, #tpu.memory_space<semaphore_mem>>) {add = true}
        %dma_wait3A_163 = arith.constant 0 : i32
        %dma_wait3A_164 = tpu.memref_slice %arg10[%run_scoped3A_117, %dma_wait3A_163] : memref<40x128xi32, #tpu.memory_space<vmem>> -> memref<1x128xi32, #tpu.memory_space<vmem>>
        %dma_wait3A_165 = tpu.memref_squeeze %dma_wait3A_164 : memref<1x128xi32, #tpu.memory_space<vmem>> -> memref<128xi32, #tpu.memory_space<vmem>>
        %dma_wait3A_166 = arith.constant 0 : i32
        %dma_wait3A_167 = arith.constant 0 : i32
        %dma_wait3A_168 = tpu.memref_slice %arg13[%dma_wait3A_166, %dma_wait3A_167] : memref<10240x128xf32, #tpu.memory_space<vmem_shared>> -> memref<10240x128xf32, #tpu.memory_space<vmem_shared>>
        tpu.wait_indirect_dma semaphore(%run_scoped3A_156 : memref<!tpu.dma_semaphore, #tpu.memory_space<semaphore_mem>>) src(%arg12 : memref<128x128xf32, #tpu.memory_space<vmem>>) dst(%dma_wait3A_168 : memref<10240x128xf32, #tpu.memory_space<vmem_shared>>)
        tpu.yield
      }) : () -> ()
      %mul3A_118 = arith.constant 2 : i32
      %mul3A_119 = arith.muli %mul3A_118, %arg1 : i32
      %add3A_120 = arith.constant 1 : i32
      %add3A_121 = arith.addi %mul3A_119, %add3A_120 : i32
      "tpu.region"() ({
        %run_scoped3A_156 = tpu.sem_alloc : memref<!tpu.dma_semaphore, #tpu.memory_space<semaphore_mem>>
        %dma_start3A_157 = arith.constant 40 : i32
        %dma_start3A_158 = arith.constant 0 : i32
        %dma_start3A_159 = tpu.memref_slice %arg5[%add3A_121, %dma_start3A_157, %dma_start3A_158] : memref<32x80x128xi32, #tpu.memory_space<hbm>> -> memref<1x40x128xi32, #tpu.memory_space<hbm>>
        %dma_start3A_160 = tpu.memref_squeeze %dma_start3A_159 : memref<1x40x128xi32, #tpu.memory_space<hbm>> -> memref<40x128xi32, #tpu.memory_space<hbm>>
        %dma_start3A_161 = arith.constant 40 : i32
        %dma_start3A_162 = arith.constant 0 : i32
        %dma_start3A_163 = tpu.memref_slice %arg5[%add3A_121, %dma_start3A_161, %dma_start3A_162] : memref<32x80x128xi32, #tpu.memory_space<hbm>> -> memref<1x40x128xi32, #tpu.memory_space<hbm>>
        %dma_start3A_164 = tpu.memref_squeeze %dma_start3A_163 : memref<1x40x128xi32, #tpu.memory_space<hbm>> -> memref<40x128xi32, #tpu.memory_space<hbm>>
        tpu.enqueue_dma source(%dma_start3A_164 : memref<40x128xi32, #tpu.memory_space<hbm>>) target(%arg9 : memref<40x128xi32, #tpu.memory_space<vmem>>) target_semaphore(%run_scoped3A_156 : memref<!tpu.dma_semaphore, #tpu.memory_space<semaphore_mem>>)
        %dma_wait3A_165 = arith.constant 40 : i32
        %dma_wait3A_166 = arith.constant 0 : i32
        %dma_wait3A_167 = tpu.memref_slice %arg5[%add3A_121, %dma_wait3A_165, %dma_wait3A_166] : memref<32x80x128xi32, #tpu.memory_space<hbm>> -> memref<1x40x128xi32, #tpu.memory_space<hbm>>
        %dma_wait3A_168 = tpu.memref_squeeze %dma_wait3A_167 : memref<1x40x128xi32, #tpu.memory_space<hbm>> -> memref<40x128xi32, #tpu.memory_space<hbm>>
        %dma_wait3A_169 = arith.constant 40 : i32
        %dma_wait3A_170 = arith.constant 0 : i32
        %dma_wait3A_171 = tpu.memref_slice %arg5[%add3A_121, %dma_wait3A_169, %dma_wait3A_170] : memref<32x80x128xi32, #tpu.memory_space<hbm>> -> memref<1x40x128xi32, #tpu.memory_space<hbm>>
        %dma_wait3A_172 = tpu.memref_squeeze %dma_wait3A_171 : memref<1x40x128xi32, #tpu.memory_space<hbm>> -> memref<40x128xi32, #tpu.memory_space<hbm>>
        tpu.wait_dma2 semaphore(%run_scoped3A_156 : memref<!tpu.dma_semaphore, #tpu.memory_space<semaphore_mem>>) src(%dma_wait3A_172 : memref<40x128xi32, #tpu.memory_space<hbm>>) dst(%arg9 : memref<40x128xi32, #tpu.memory_space<vmem>>)
        tpu.yield
      }) : () -> ()
      "tpu.region"() ({
        %run_scoped3A_156 = tpu.sem_alloc : memref<!tpu.dma_semaphore, #tpu.memory_space<semaphore_mem>>
        %dma_start3A_157 = arith.constant 40 : i32
        %dma_start3A_158 = arith.constant 0 : i32
        %dma_start3A_159 = tpu.memref_slice %arg6[%add3A_121, %dma_start3A_157, %dma_start3A_158] : memref<32x80x128xi32, #tpu.memory_space<hbm>> -> memref<1x40x128xi32, #tpu.memory_space<hbm>>
        %dma_start3A_160 = tpu.memref_squeeze %dma_start3A_159 : memref<1x40x128xi32, #tpu.memory_space<hbm>> -> memref<40x128xi32, #tpu.memory_space<hbm>>
        %dma_start3A_161 = arith.constant 40 : i32
        %dma_start3A_162 = arith.constant 0 : i32
        %dma_start3A_163 = tpu.memref_slice %arg6[%add3A_121, %dma_start3A_161, %dma_start3A_162] : memref<32x80x128xi32, #tpu.memory_space<hbm>> -> memref<1x40x128xi32, #tpu.memory_space<hbm>>
        %dma_start3A_164 = tpu.memref_squeeze %dma_start3A_163 : memref<1x40x128xi32, #tpu.memory_space<hbm>> -> memref<40x128xi32, #tpu.memory_space<hbm>>
        tpu.enqueue_dma source(%dma_start3A_164 : memref<40x128xi32, #tpu.memory_space<hbm>>) target(%arg10 : memref<40x128xi32, #tpu.memory_space<vmem>>) target_semaphore(%run_scoped3A_156 : memref<!tpu.dma_semaphore, #tpu.memory_space<semaphore_mem>>)
        %dma_wait3A_165 = arith.constant 40 : i32
        %dma_wait3A_166 = arith.constant 0 : i32
        %dma_wait3A_167 = tpu.memref_slice %arg6[%add3A_121, %dma_wait3A_165, %dma_wait3A_166] : memref<32x80x128xi32, #tpu.memory_space<hbm>> -> memref<1x40x128xi32, #tpu.memory_space<hbm>>
        %dma_wait3A_168 = tpu.memref_squeeze %dma_wait3A_167 : memref<1x40x128xi32, #tpu.memory_space<hbm>> -> memref<40x128xi32, #tpu.memory_space<hbm>>
        %dma_wait3A_169 = arith.constant 40 : i32
        %dma_wait3A_170 = arith.constant 0 : i32
        %dma_wait3A_171 = tpu.memref_slice %arg6[%add3A_121, %dma_wait3A_169, %dma_wait3A_170] : memref<32x80x128xi32, #tpu.memory_space<hbm>> -> memref<1x40x128xi32, #tpu.memory_space<hbm>>
        %dma_wait3A_172 = tpu.memref_squeeze %dma_wait3A_171 : memref<1x40x128xi32, #tpu.memory_space<hbm>> -> memref<40x128xi32, #tpu.memory_space<hbm>>
        tpu.wait_dma2 semaphore(%run_scoped3A_156 : memref<!tpu.dma_semaphore, #tpu.memory_space<semaphore_mem>>) src(%dma_wait3A_172 : memref<40x128xi32, #tpu.memory_space<hbm>>) dst(%arg10 : memref<40x128xi32, #tpu.memory_space<vmem>>)
        tpu.yield
      }) : () -> ()
      %dma_start3A_122 = arith.constant 0 : i32
      %dma_start3A_123 = arith.constant 0 : i32
      %dma_start3A_124 = tpu.memref_slice %arg9[%dma_start3A_122, %dma_start3A_123] : memref<40x128xi32, #tpu.memory_space<vmem>> -> memref<1x128xi32, #tpu.memory_space<vmem>>
      %dma_start3A_125 = tpu.memref_squeeze %dma_start3A_124 : memref<1x128xi32, #tpu.memory_space<vmem>> -> memref<128xi32, #tpu.memory_space<vmem>>
      %dma_start3A_126 = arith.constant 0 : i32
      %dma_start3A_127 = arith.constant 0 : i32
      %dma_start3A_128 = tpu.memref_slice %arg3[%dma_start3A_126, %dma_start3A_127] : memref<320000x128xf32, #tpu.memory_space<hbm>> -> memref<320000x128xf32, #tpu.memory_space<hbm>>
      tpu.enqueue_indirect_dma source(%dma_start3A_128 : memref<320000x128xf32, #tpu.memory_space<hbm>>) target(%arg11 : memref<128x128xf32, #tpu.memory_space<vmem>>) offsets(%dma_start3A_125 : memref<128xi32, #tpu.memory_space<vmem>>) semaphore(%arg14 : memref<!tpu.dma_semaphore, #tpu.memory_space<semaphore_mem>>)
      %dma_start3A_129 = arith.constant 1 : i32
      %dma_start3A_130 = arith.constant 0 : i32
      %dma_start3A_131 = tpu.memref_slice %arg9[%dma_start3A_129, %dma_start3A_130] : memref<40x128xi32, #tpu.memory_space<vmem>> -> memref<1x128xi32, #tpu.memory_space<vmem>>
      %dma_start3A_132 = tpu.memref_squeeze %dma_start3A_131 : memref<1x128xi32, #tpu.memory_space<vmem>> -> memref<128xi32, #tpu.memory_space<vmem>>
      %dma_start3A_133 = arith.constant 0 : i32
      %dma_start3A_134 = arith.constant 0 : i32
      %dma_start3A_135 = tpu.memref_slice %arg3[%dma_start3A_133, %dma_start3A_134] : memref<320000x128xf32, #tpu.memory_space<hbm>> -> memref<320000x128xf32, #tpu.memory_space<hbm>>
      tpu.enqueue_indirect_dma source(%dma_start3A_135 : memref<320000x128xf32, #tpu.memory_space<hbm>>) target(%arg12 : memref<128x128xf32, #tpu.memory_space<vmem>>) offsets(%dma_start3A_132 : memref<128xi32, #tpu.memory_space<vmem>>) semaphore(%arg15 : memref<!tpu.dma_semaphore, #tpu.memory_space<semaphore_mem>>)
      %scan3A_136 = arith.constant 0 : i32
      %scan3A_137 = arith.constant 0 : i32
      %scan3A_138 = arith.constant 19 : i32
      %scan3A_139 = arith.addi %scan3A_137, %scan3A_138 : i32
      %scan3A_140 = arith.constant 1 : i32
      scf.for %scan3A_156 = %scan3A_137 to %scan3A_139 step %scan3A_140  : i32 {
        %mul3A_157 = arith.constant 2 : i32
        %mul3A_158 = arith.muli %scan3A_156, %mul3A_157 : i32
        %dma_wait3A_159 = arith.constant 0 : i32
        %dma_wait3A_160 = arith.constant 0 : i32
        %dma_wait3A_161 = tpu.memref_slice %arg3[%dma_wait3A_159, %dma_wait3A_160] : memref<320000x128xf32, #tpu.memory_space<hbm>> -> memref<128x128xf32, #tpu.memory_space<hbm>>
        %dma_wait3A_162 = arith.constant 0 : i32
        %dma_wait3A_163 = arith.constant 0 : i32
        %dma_wait3A_164 = tpu.memref_slice %arg3[%dma_wait3A_162, %dma_wait3A_163] : memref<320000x128xf32, #tpu.memory_space<hbm>> -> memref<128x128xf32, #tpu.memory_space<hbm>>
        tpu.wait_dma2 semaphore(%arg14 : memref<!tpu.dma_semaphore, #tpu.memory_space<semaphore_mem>>) src(%dma_wait3A_164 : memref<128x128xf32, #tpu.memory_space<hbm>>) dst(%arg11 : memref<128x128xf32, #tpu.memory_space<vmem>>)
        %add3A_165 = arith.constant 0 : i32
        %add3A_166 = arith.addi %mul3A_158, %add3A_165 : i32
        "tpu.region"() ({
          %run_scoped3A_195 = tpu.sem_alloc : memref<!tpu.dma_semaphore, #tpu.memory_space<semaphore_mem>>
          %dma_start3A_196 = arith.constant 0 : i32
          %dma_start3A_197 = tpu.memref_slice %arg10[%add3A_166, %dma_start3A_196] : memref<40x128xi32, #tpu.memory_space<vmem>> -> memref<1x128xi32, #tpu.memory_space<vmem>>
          %dma_start3A_198 = tpu.memref_squeeze %dma_start3A_197 : memref<1x128xi32, #tpu.memory_space<vmem>> -> memref<128xi32, #tpu.memory_space<vmem>>
          %dma_start3A_199 = arith.constant 0 : i32
          %dma_start3A_200 = arith.constant 0 : i32
          %dma_start3A_201 = tpu.memref_slice %arg13[%dma_start3A_199, %dma_start3A_200] : memref<10240x128xf32, #tpu.memory_space<vmem_shared>> -> memref<10240x128xf32, #tpu.memory_space<vmem_shared>>
          tpu.enqueue_indirect_dma source(%arg11 : memref<128x128xf32, #tpu.memory_space<vmem>>) target(%dma_start3A_201 : memref<10240x128xf32, #tpu.memory_space<vmem_shared>>) offsets(%dma_start3A_198 : memref<128xi32, #tpu.memory_space<vmem>>) semaphore(%run_scoped3A_195 : memref<!tpu.dma_semaphore, #tpu.memory_space<semaphore_mem>>) {add = true}
          %dma_wait3A_202 = arith.constant 0 : i32
          %dma_wait3A_203 = tpu.memref_slice %arg10[%add3A_166, %dma_wait3A_202] : memref<40x128xi32, #tpu.memory_space<vmem>> -> memref<1x128xi32, #tpu.memory_space<vmem>>
          %dma_wait3A_204 = tpu.memref_squeeze %dma_wait3A_203 : memref<1x128xi32, #tpu.memory_space<vmem>> -> memref<128xi32, #tpu.memory_space<vmem>>
          %dma_wait3A_205 = arith.constant 0 : i32
          %dma_wait3A_206 = arith.constant 0 : i32
          %dma_wait3A_207 = tpu.memref_slice %arg13[%dma_wait3A_205, %dma_wait3A_206] : memref<10240x128xf32, #tpu.memory_space<vmem_shared>> -> memref<10240x128xf32, #tpu.memory_space<vmem_shared>>
          tpu.wait_indirect_dma semaphore(%run_scoped3A_195 : memref<!tpu.dma_semaphore, #tpu.memory_space<semaphore_mem>>) src(%arg11 : memref<128x128xf32, #tpu.memory_space<vmem>>) dst(%dma_wait3A_207 : memref<10240x128xf32, #tpu.memory_space<vmem_shared>>)
          tpu.yield
        }) : () -> ()
        %add3A_167 = arith.constant 2 : i32
        %add3A_168 = arith.addi %mul3A_158, %add3A_167 : i32
        %add3A_169 = arith.constant 0 : i32
        %add3A_170 = arith.addi %add3A_168, %add3A_169 : i32
        %dma_start3A_171 = arith.constant 0 : i32
        %dma_start3A_172 = tpu.memref_slice %arg9[%add3A_170, %dma_start3A_171] : memref<40x128xi32, #tpu.memory_space<vmem>> -> memref<1x128xi32, #tpu.memory_space<vmem>>
        %dma_start3A_173 = tpu.memref_squeeze %dma_start3A_172 : memref<1x128xi32, #tpu.memory_space<vmem>> -> memref<128xi32, #tpu.memory_space<vmem>>
        %dma_start3A_174 = arith.constant 0 : i32
        %dma_start3A_175 = arith.constant 0 : i32
        %dma_start3A_176 = tpu.memref_slice %arg3[%dma_start3A_174, %dma_start3A_175] : memref<320000x128xf32, #tpu.memory_space<hbm>> -> memref<320000x128xf32, #tpu.memory_space<hbm>>
        tpu.enqueue_indirect_dma source(%dma_start3A_176 : memref<320000x128xf32, #tpu.memory_space<hbm>>) target(%arg11 : memref<128x128xf32, #tpu.memory_space<vmem>>) offsets(%dma_start3A_173 : memref<128xi32, #tpu.memory_space<vmem>>) semaphore(%arg14 : memref<!tpu.dma_semaphore, #tpu.memory_space<semaphore_mem>>)
        %dma_wait3A_177 = arith.constant 0 : i32
        %dma_wait3A_178 = arith.constant 0 : i32
        %dma_wait3A_179 = tpu.memref_slice %arg3[%dma_wait3A_177, %dma_wait3A_178] : memref<320000x128xf32, #tpu.memory_space<hbm>> -> memref<128x128xf32, #tpu.memory_space<hbm>>
        %dma_wait3A_180 = arith.constant 0 : i32
        %dma_wait3A_181 = arith.constant 0 : i32
        %dma_wait3A_182 = tpu.memref_slice %arg3[%dma_wait3A_180, %dma_wait3A_181] : memref<320000x128xf32, #tpu.memory_space<hbm>> -> memref<128x128xf32, #tpu.memory_space<hbm>>
        tpu.wait_dma2 semaphore(%arg15 : memref<!tpu.dma_semaphore, #tpu.memory_space<semaphore_mem>>) src(%dma_wait3A_182 : memref<128x128xf32, #tpu.memory_space<hbm>>) dst(%arg12 : memref<128x128xf32, #tpu.memory_space<vmem>>)
        %add3A_183 = arith.constant 1 : i32
        %add3A_184 = arith.addi %mul3A_158, %add3A_183 : i32
        "tpu.region"() ({
          %run_scoped3A_195 = tpu.sem_alloc : memref<!tpu.dma_semaphore, #tpu.memory_space<semaphore_mem>>
          %dma_start3A_196 = arith.constant 0 : i32
          %dma_start3A_197 = tpu.memref_slice %arg10[%add3A_184, %dma_start3A_196] : memref<40x128xi32, #tpu.memory_space<vmem>> -> memref<1x128xi32, #tpu.memory_space<vmem>>
          %dma_start3A_198 = tpu.memref_squeeze %dma_start3A_197 : memref<1x128xi32, #tpu.memory_space<vmem>> -> memref<128xi32, #tpu.memory_space<vmem>>
          %dma_start3A_199 = arith.constant 0 : i32
          %dma_start3A_200 = arith.constant 0 : i32
          %dma_start3A_201 = tpu.memref_slice %arg13[%dma_start3A_199, %dma_start3A_200] : memref<10240x128xf32, #tpu.memory_space<vmem_shared>> -> memref<10240x128xf32, #tpu.memory_space<vmem_shared>>
          tpu.enqueue_indirect_dma source(%arg12 : memref<128x128xf32, #tpu.memory_space<vmem>>) target(%dma_start3A_201 : memref<10240x128xf32, #tpu.memory_space<vmem_shared>>) offsets(%dma_start3A_198 : memref<128xi32, #tpu.memory_space<vmem>>) semaphore(%run_scoped3A_195 : memref<!tpu.dma_semaphore, #tpu.memory_space<semaphore_mem>>) {add = true}
          %dma_wait3A_202 = arith.constant 0 : i32
          %dma_wait3A_203 = tpu.memref_slice %arg10[%add3A_184, %dma_wait3A_202] : memref<40x128xi32, #tpu.memory_space<vmem>> -> memref<1x128xi32, #tpu.memory_space<vmem>>
          %dma_wait3A_204 = tpu.memref_squeeze %dma_wait3A_203 : memref<1x128xi32, #tpu.memory_space<vmem>> -> memref<128xi32, #tpu.memory_space<vmem>>
          %dma_wait3A_205 = arith.constant 0 : i32
          %dma_wait3A_206 = arith.constant 0 : i32
          %dma_wait3A_207 = tpu.memref_slice %arg13[%dma_wait3A_205, %dma_wait3A_206] : memref<10240x128xf32, #tpu.memory_space<vmem_shared>> -> memref<10240x128xf32, #tpu.memory_space<vmem_shared>>
          tpu.wait_indirect_dma semaphore(%run_scoped3A_195 : memref<!tpu.dma_semaphore, #tpu.memory_space<semaphore_mem>>) src(%arg12 : memref<128x128xf32, #tpu.memory_space<vmem>>) dst(%dma_wait3A_207 : memref<10240x128xf32, #tpu.memory_space<vmem_shared>>)
          tpu.yield
        }) : () -> ()
        %add3A_185 = arith.constant 2 : i32
        %add3A_186 = arith.addi %mul3A_158, %add3A_185 : i32
        %add3A_187 = arith.constant 1 : i32
        %add3A_188 = arith.addi %add3A_186, %add3A_187 : i32
        %dma_start3A_189 = arith.constant 0 : i32
        %dma_start3A_190 = tpu.memref_slice %arg9[%add3A_188, %dma_start3A_189] : memref<40x128xi32, #tpu.memory_space<vmem>> -> memref<1x128xi32, #tpu.memory_space<vmem>>
        %dma_start3A_191 = tpu.memref_squeeze %dma_start3A_190 : memref<1x128xi32, #tpu.memory_space<vmem>> -> memref<128xi32, #tpu.memory_space<vmem>>
        %dma_start3A_192 = arith.constant 0 : i32
        %dma_start3A_193 = arith.constant 0 : i32
        %dma_start3A_194 = tpu.memref_slice %arg3[%dma_start3A_192, %dma_start3A_193] : memref<320000x128xf32, #tpu.memory_space<hbm>> -> memref<320000x128xf32, #tpu.memory_space<hbm>>
        tpu.enqueue_indirect_dma source(%dma_start3A_194 : memref<320000x128xf32, #tpu.memory_space<hbm>>) target(%arg12 : memref<128x128xf32, #tpu.memory_space<vmem>>) offsets(%dma_start3A_191 : memref<128xi32, #tpu.memory_space<vmem>>) semaphore(%arg15 : memref<!tpu.dma_semaphore, #tpu.memory_space<semaphore_mem>>)
      }
      %scan3A_141 = arith.constant 19 : i32
      %dma_wait3A_142 = arith.constant 0 : i32
      %dma_wait3A_143 = arith.constant 0 : i32
      %dma_wait3A_144 = tpu.memref_slice %arg3[%dma_wait3A_142, %dma_wait3A_143] : memref<320000x128xf32, #tpu.memory_space<hbm>> -> memref<128x128xf32, #tpu.memory_space<hbm>>
      %dma_wait3A_145 = arith.constant 0 : i32
      %dma_wait3A_146 = arith.constant 0 : i32
      %dma_wait3A_147 = tpu.memref_slice %arg3[%dma_wait3A_145, %dma_wait3A_146] : memref<320000x128xf32, #tpu.memory_space<hbm>> -> memref<128x128xf32, #tpu.memory_space<hbm>>
      tpu.wait_dma2 semaphore(%arg14 : memref<!tpu.dma_semaphore, #tpu.memory_space<semaphore_mem>>) src(%dma_wait3A_147 : memref<128x128xf32, #tpu.memory_space<hbm>>) dst(%arg11 : memref<128x128xf32, #tpu.memory_space<vmem>>)
      %run_scoped3A_148 = arith.constant 38 : i32
      "tpu.region"() ({
        %run_scoped3A_156 = tpu.sem_alloc : memref<!tpu.dma_semaphore, #tpu.memory_space<semaphore_mem>>
        %dma_start3A_157 = arith.constant 0 : i32
        %dma_start3A_158 = tpu.memref_slice %arg10[%run_scoped3A_148, %dma_start3A_157] : memref<40x128xi32, #tpu.memory_space<vmem>> -> memref<1x128xi32, #tpu.memory_space<vmem>>
        %dma_start3A_159 = tpu.memref_squeeze %dma_start3A_158 : memref<1x128xi32, #tpu.memory_space<vmem>> -> memref<128xi32, #tpu.memory_space<vmem>>
        %dma_start3A_160 = arith.constant 0 : i32
        %dma_start3A_161 = arith.constant 0 : i32
        %dma_start3A_162 = tpu.memref_slice %arg13[%dma_start3A_160, %dma_start3A_161] : memref<10240x128xf32, #tpu.memory_space<vmem_shared>> -> memref<10240x128xf32, #tpu.memory_space<vmem_shared>>
        tpu.enqueue_indirect_dma source(%arg11 : memref<128x128xf32, #tpu.memory_space<vmem>>) target(%dma_start3A_162 : memref<10240x128xf32, #tpu.memory_space<vmem_shared>>) offsets(%dma_start3A_159 : memref<128xi32, #tpu.memory_space<vmem>>) semaphore(%run_scoped3A_156 : memref<!tpu.dma_semaphore, #tpu.memory_space<semaphore_mem>>) {add = true}
        %dma_wait3A_163 = arith.constant 0 : i32
        %dma_wait3A_164 = tpu.memref_slice %arg10[%run_scoped3A_148, %dma_wait3A_163] : memref<40x128xi32, #tpu.memory_space<vmem>> -> memref<1x128xi32, #tpu.memory_space<vmem>>
        %dma_wait3A_165 = tpu.memref_squeeze %dma_wait3A_164 : memref<1x128xi32, #tpu.memory_space<vmem>> -> memref<128xi32, #tpu.memory_space<vmem>>
        %dma_wait3A_166 = arith.constant 0 : i32
        %dma_wait3A_167 = arith.constant 0 : i32
        %dma_wait3A_168 = tpu.memref_slice %arg13[%dma_wait3A_166, %dma_wait3A_167] : memref<10240x128xf32, #tpu.memory_space<vmem_shared>> -> memref<10240x128xf32, #tpu.memory_space<vmem_shared>>
        tpu.wait_indirect_dma semaphore(%run_scoped3A_156 : memref<!tpu.dma_semaphore, #tpu.memory_space<semaphore_mem>>) src(%arg11 : memref<128x128xf32, #tpu.memory_space<vmem>>) dst(%dma_wait3A_168 : memref<10240x128xf32, #tpu.memory_space<vmem_shared>>)
        tpu.yield
      }) : () -> ()
      %dma_wait3A_149 = arith.constant 0 : i32
      %dma_wait3A_150 = arith.constant 0 : i32
      %dma_wait3A_151 = tpu.memref_slice %arg3[%dma_wait3A_149, %dma_wait3A_150] : memref<320000x128xf32, #tpu.memory_space<hbm>> -> memref<128x128xf32, #tpu.memory_space<hbm>>
      %dma_wait3A_152 = arith.constant 0 : i32
      %dma_wait3A_153 = arith.constant 0 : i32
      %dma_wait3A_154 = tpu.memref_slice %arg3[%dma_wait3A_152, %dma_wait3A_153] : memref<320000x128xf32, #tpu.memory_space<hbm>> -> memref<128x128xf32, #tpu.memory_space<hbm>>
      tpu.wait_dma2 semaphore(%arg15 : memref<!tpu.dma_semaphore, #tpu.memory_space<semaphore_mem>>) src(%dma_wait3A_154 : memref<128x128xf32, #tpu.memory_space<hbm>>) dst(%arg12 : memref<128x128xf32, #tpu.memory_space<vmem>>)
      %run_scoped3A_155 = arith.constant 39 : i32
      "tpu.region"() ({
        %run_scoped3A_156 = tpu.sem_alloc : memref<!tpu.dma_semaphore, #tpu.memory_space<semaphore_mem>>
        %dma_start3A_157 = arith.constant 0 : i32
        %dma_start3A_158 = tpu.memref_slice %arg10[%run_scoped3A_155, %dma_start3A_157] : memref<40x128xi32, #tpu.memory_space<vmem>> -> memref<1x128xi32, #tpu.memory_space<vmem>>
        %dma_start3A_159 = tpu.memref_squeeze %dma_start3A_158 : memref<1x128xi32, #tpu.memory_space<vmem>> -> memref<128xi32, #tpu.memory_space<vmem>>
        %dma_start3A_160 = arith.constant 0 : i32
        %dma_start3A_161 = arith.constant 0 : i32
        %dma_start3A_162 = tpu.memref_slice %arg13[%dma_start3A_160, %dma_start3A_161] : memref<10240x128xf32, #tpu.memory_space<vmem_shared>> -> memref<10240x128xf32, #tpu.memory_space<vmem_shared>>
        tpu.enqueue_indirect_dma source(%arg12 : memref<128x128xf32, #tpu.memory_space<vmem>>) target(%dma_start3A_162 : memref<10240x128xf32, #tpu.memory_space<vmem_shared>>) offsets(%dma_start3A_159 : memref<128xi32, #tpu.memory_space<vmem>>) semaphore(%run_scoped3A_156 : memref<!tpu.dma_semaphore, #tpu.memory_space<semaphore_mem>>) {add = true}
        %dma_wait3A_163 = arith.constant 0 : i32
        %dma_wait3A_164 = tpu.memref_slice %arg10[%run_scoped3A_155, %dma_wait3A_163] : memref<40x128xi32, #tpu.memory_space<vmem>> -> memref<1x128xi32, #tpu.memory_space<vmem>>
        %dma_wait3A_165 = tpu.memref_squeeze %dma_wait3A_164 : memref<1x128xi32, #tpu.memory_space<vmem>> -> memref<128xi32, #tpu.memory_space<vmem>>
        %dma_wait3A_166 = arith.constant 0 : i32
        %dma_wait3A_167 = arith.constant 0 : i32
        %dma_wait3A_168 = tpu.memref_slice %arg13[%dma_wait3A_166, %dma_wait3A_167] : memref<10240x128xf32, #tpu.memory_space<vmem_shared>> -> memref<10240x128xf32, #tpu.memory_space<vmem_shared>>
        tpu.wait_indirect_dma semaphore(%run_scoped3A_156 : memref<!tpu.dma_semaphore, #tpu.memory_space<semaphore_mem>>) src(%arg12 : memref<128x128xf32, #tpu.memory_space<vmem>>) dst(%dma_wait3A_168 : memref<10240x128xf32, #tpu.memory_space<vmem_shared>>)
        tpu.yield
      }) : () -> ()
    } else {
    }
    %barrier3A_8 = arith.constant 0 : index
    tpu.barrier barrier_id(%barrier3A_8)
    "tpu.region"() ({
      %run_scoped3A = tpu.sem_alloc : memref<!tpu.dma_semaphore, #tpu.memory_space<semaphore_mem>>
      %dma_start3A = arith.constant 0 : i32
      %dma_start3A_9 = tpu.memref_slice %arg8[%arg0, %mul3A_0, %dma_start3A] : memref<2x10240x128xf32, #tpu.memory_space<hbm>> -> memref<1x640x128xf32, #tpu.memory_space<hbm>>
      %dma_start3A_10 = tpu.memref_squeeze %dma_start3A_9 : memref<1x640x128xf32, #tpu.memory_space<hbm>> -> memref<640x128xf32, #tpu.memory_space<hbm>>
      %dma_start3A_11 = arith.constant 0 : i32
      %dma_start3A_12 = tpu.memref_slice %arg13[%mul3A_0, %dma_start3A_11] : memref<10240x128xf32, #tpu.memory_space<vmem_shared>> -> memref<640x128xf32, #tpu.memory_space<vmem_shared>>
      tpu.enqueue_dma source(%dma_start3A_12 : memref<640x128xf32, #tpu.memory_space<vmem_shared>>) target(%dma_start3A_10 : memref<640x128xf32, #tpu.memory_space<hbm>>) target_semaphore(%run_scoped3A : memref<!tpu.dma_semaphore, #tpu.memory_space<semaphore_mem>>)
      %dma_wait3A = arith.constant 0 : i32
      %dma_wait3A_13 = tpu.memref_slice %arg8[%arg0, %mul3A_0, %dma_wait3A] : memref<2x10240x128xf32, #tpu.memory_space<hbm>> -> memref<1x640x128xf32, #tpu.memory_space<hbm>>
      %dma_wait3A_14 = tpu.memref_squeeze %dma_wait3A_13 : memref<1x640x128xf32, #tpu.memory_space<hbm>> -> memref<640x128xf32, #tpu.memory_space<hbm>>
      %dma_wait3A_15 = arith.constant 0 : i32
      %dma_wait3A_16 = tpu.memref_slice %arg13[%mul3A_0, %dma_wait3A_15] : memref<10240x128xf32, #tpu.memory_space<vmem_shared>> -> memref<640x128xf32, #tpu.memory_space<vmem_shared>>
      tpu.wait_dma2 semaphore(%run_scoped3A : memref<!tpu.dma_semaphore, #tpu.memory_space<semaphore_mem>>) src(%dma_wait3A_16 : memref<640x128xf32, #tpu.memory_space<vmem_shared>>) dst(%dma_wait3A_14 : memref<640x128xf32, #tpu.memory_space<hbm>>)
      tpu.yield
    }) : () -> ()
    return
  }
}

module attributes {stable_mosaic.version = 14 : i64} {
  func.func @body(%arg0: i32, %arg1: memref<2000x16xf32, #tpu.memory_space<vmem>>, %arg2: memref<2000x128xf32, #tpu.memory_space<vmem>>) attributes {dimension_semantics = [#tpu.dimension_semantics<arbitrary>], iteration_bounds = array<i64: 160>, scalar_prefetch = 0 : i64, scratch_operands = 0 : i64, tpu.core_type = #tpu.core_type<tc>, window_params = [{transform_indices = @transform_0, window_bounds = array<i64: 2000, 16>}, {transform_indices = @transform_1, window_bounds = array<i64: 2000, 128>}]} {
    %get3A = arith.constant 0 : index
    %get3A_0 = arith.constant 0 : index
    %get3A_1 = vector.load %arg1[%get3A, %get3A_0] : memref<2000x16xf32, #tpu.memory_space<vmem>>, vector<2000x16xf32>
    %swap3A = arith.constant 0 : index
    %swap3A_2 = arith.constant 0 : index
    %swap3A_3 = vector.load %arg2[%swap3A, %swap3A_2] : memref<2000x128xf32, #tpu.memory_space<vmem>>, vector<2000x16xf32>
    tpu.vector_store %arg2[%swap3A, %swap3A_2], %get3A_1 {strides = array<i32>} : memref<2000x128xf32, #tpu.memory_space<vmem>>, vector<2000x16xf32>,
    %broadcast_in_dim3A = arith.constant 1.000000e+00 : f32
    %broadcast_in_dim3A_4 = vector.broadcast %broadcast_in_dim3A : f32 to vector<2000x1xf32>
    %swap3A_5 = arith.constant 0 : index
    %swap3A_6 = arith.constant 16 : index
    %swap3A_7 = vector.load %arg2[%swap3A_5, %swap3A_6] : memref<2000x128xf32, #tpu.memory_space<vmem>>, vector<2000x1xf32>
    tpu.vector_store %arg2[%swap3A_5, %swap3A_6], %broadcast_in_dim3A_4 {strides = array<i32>} : memref<2000x128xf32, #tpu.memory_space<vmem>>, vector<2000x1xf32>,
    return
  }
  func.func @transform_0(%arg0: i32) -> (i32, i32) {
    %c0_i32 = arith.constant 0 : i32
    %c0_i32_0 = arith.constant 0 : i32
    return %arg0, %c0_i32 : i32, i32
  }
  func.func @transform_1(%arg0: i32) -> (i32, i32) {
    %c0_i32 = arith.constant 0 : i32
    %c0_i32_0 = arith.constant 0 : i32
    return %arg0, %c0_i32 : i32, i32
  }
}

module attributes {stable_mosaic.version = 14 : i64} {
  func.func @body(%arg0: i32, %arg1: memref<1024x128xf32, #tpu.memory_space<vmem>>, %arg2: memref<1x1024x128xf32, #tpu.memory_space<vmem>>, %arg3: memref<1x1024x128xf32, #tpu.memory_space<vmem>>, %arg4: memref<128x128xf32, #tpu.memory_space<vmem>>, %arg5: memref<128x128xf32, #tpu.memory_space<vmem>>, %arg6: memref<128x128xf32, #tpu.memory_space<vmem>>, %arg7: memref<128x128xf32, #tpu.memory_space<vmem>>, %arg8: memref<128x128xf32, #tpu.memory_space<vmem>>, %arg9: memref<8x128xf32, #tpu.memory_space<vmem>>, %arg10: memref<1024x128xf32, #tpu.memory_space<vmem>>) attributes {dimension_semantics = [#tpu.dimension_semantics<arbitrary>], iteration_bounds = array<i64: 10>, scalar_prefetch = 0 : i64, scratch_operands = 0 : i64, tpu.core_type = #tpu.core_type<tc>, window_params = [{transform_indices = @transform_0, window_bounds = array<i64: 1024, 128>}, {transform_indices = @transform_1, window_bounds = array<i64: 1, 1024, 128>}, {transform_indices = @transform_2, window_bounds = array<i64: 1, 1024, 128>}, {pipeline_mode = #tpu.pipeline_mode<synchronous>, transform_indices = @transform_3, window_bounds = array<i64: 128, 128>}, {pipeline_mode = #tpu.pipeline_mode<synchronous>, transform_indices = @transform_4, window_bounds = array<i64: 128, 128>}, {pipeline_mode = #tpu.pipeline_mode<synchronous>, transform_indices = @transform_5, window_bounds = array<i64: 128, 128>}, {pipeline_mode = #tpu.pipeline_mode<synchronous>, transform_indices = @transform_6, window_bounds = array<i64: 128, 128>}, {pipeline_mode = #tpu.pipeline_mode<synchronous>, transform_indices = @transform_7, window_bounds = array<i64: 128, 128>}, {pipeline_mode = #tpu.pipeline_mode<synchronous>, transform_indices = @transform_8, window_bounds = array<i64: 8, 128>}, {transform_indices = @transform_9, window_bounds = array<i64: 1024, 128>}]} {
    %get3A = arith.constant 0 : index
    %get3A_0 = arith.constant 0 : index
    %get3A_1 = arith.constant 0 : index
    %get3A_2 = vector.load %arg3[%get3A, %get3A_0, %get3A_1] : memref<1x1024x128xf32, #tpu.memory_space<vmem>>, vector<1x1024x128xf32>
    %get3A_3 = vector.shape_cast %get3A_2 : vector<1x1024x128xf32> to vector<1024x128xf32>
    %get3A_4 = arith.constant 0 : index
    %get3A_5 = arith.constant 0 : index
    %get3A_6 = arith.constant 0 : index
    %get3A_7 = vector.load %arg2[%get3A_4, %get3A_5, %get3A_6] : memref<1x1024x128xf32, #tpu.memory_space<vmem>>, vector<1x1024x128xf32>
    %get3A_8 = vector.shape_cast %get3A_7 : vector<1x1024x128xf32> to vector<1024x128xf32>
    %slice3A = vector.extract_strided_slice %get3A_3 {offsets = [0, 16], sizes = [1024, 1], strides = [1, 1]} : vector<1024x128xf32> to vector<1024x1xf32>
    %max3A = arith.constant 1.000000e+00 : f32
    %max3A_9 = vector.broadcast %max3A : f32 to vector<1024x1xf32>
    %max3A_10 = arith.maximumf %slice3A, %max3A_9 : vector<1024x1xf32>
    %div3A = arith.constant 1.000000e+00 : f32
    %div3A_11 = vector.broadcast %div3A : f32 to vector<1024x1xf32>
    %div3A_12 = arith.divf %div3A_11, %max3A_10 : vector<1024x1xf32>
    %gt3A = arith.constant 0.000000e+00 : f32
    %gt3A_13 = vector.broadcast %gt3A : f32 to vector<1024x1xf32>
    %gt3A_14 = arith.cmpf ogt, %slice3A, %gt3A_13 : vector<1024x1xf32>
    %convert_element_type3A = arith.extui %gt3A_14 : vector<1024x1xi1> to vector<1024x1xi32>
    %convert_element_type3A_15 = arith.sitofp %convert_element_type3A : vector<1024x1xi32> to vector<1024x1xf32>
    %mul3A = vector.broadcast %div3A_12 : vector<1024x1xf32> to vector<1024x128xf32>
    %mul3A_16 = arith.mulf %get3A_8, %mul3A : vector<1024x128xf32>
    %iota3A = tpu.iota {dimensions = array<i32: 1>} : vector<1024x128xi32>
    %lt3A = arith.constant 17 : i32
    %lt3A_17 = vector.broadcast %lt3A : i32 to vector<1024x128xi32>
    %lt3A_18 = arith.cmpi slt, %iota3A, %lt3A_17 : vector<1024x128xi32>
    %mul3A_19 = vector.broadcast %div3A_12 : vector<1024x1xf32> to vector<1024x128xf32>
    %mul3A_20 = arith.mulf %get3A_3, %mul3A_19 : vector<1024x128xf32>
    %jit3A = arith.constant 0.000000e+00 : f32
    %broadcast_in_dim3A = vector.broadcast %jit3A : f32 to vector<1024x128xf32>
    %select_n3A = arith.select %lt3A_18, %mul3A_20, %broadcast_in_dim3A : vector<1024x128xi1>, vector<1024x128xf32>
    %get3A_21 = arith.constant 0 : index
    %get3A_22 = arith.constant 0 : index
    %get3A_23 = vector.load %arg1[%get3A_21, %get3A_22] : memref<1024x128xf32, #tpu.memory_space<vmem>>, vector<1024x128xf32>
    %get3A_24 = arith.constant 0 : index
    %get3A_25 = arith.constant 0 : index
    %get3A_26 = vector.load %arg4[%get3A_24, %get3A_25] : memref<128x128xf32, #tpu.memory_space<vmem>>, vector<128x128xf32>
    %dot_general3A = arith.constant dense<0.000000e+00> : vector<1024x128xf32>
    %dot_general3A_27 = tpu.matmul %get3A_23, %get3A_26, %dot_general3A {dimension_numbers = #tpu.dot_dimension_numbers<[1], [0], [0], [1], [0, 0, 1, 1], [], []>, transpose_lhs_hint = false} : vector<1024x128xf32>, vector<128x128xf32>, vector<1024x128xf32> -> vector<1024x128xf32>
    %get3A_28 = arith.constant 0 : index
    %get3A_29 = arith.constant 0 : index
    %get3A_30 = vector.load %arg5[%get3A_28, %get3A_29] : memref<128x128xf32, #tpu.memory_space<vmem>>, vector<128x128xf32>
    %dot_general3A_31 = arith.constant dense<0.000000e+00> : vector<1024x128xf32>
    %dot_general3A_32 = tpu.matmul %mul3A_16, %get3A_30, %dot_general3A_31 {dimension_numbers = #tpu.dot_dimension_numbers<[1], [0], [0], [1], [0, 0, 1, 1], [], []>, transpose_lhs_hint = false} : vector<1024x128xf32>, vector<128x128xf32>, vector<1024x128xf32> -> vector<1024x128xf32>
    %add3A = arith.addf %dot_general3A_27, %dot_general3A_32 : vector<1024x128xf32>
    %get3A_33 = arith.constant 0 : index
    %get3A_34 = arith.constant 0 : index
    %get3A_35 = vector.load %arg6[%get3A_33, %get3A_34] : memref<128x128xf32, #tpu.memory_space<vmem>>, vector<128x128xf32>
    %dot_general3A_36 = arith.constant dense<0.000000e+00> : vector<1024x128xf32>
    %dot_general3A_37 = tpu.matmul %select_n3A, %get3A_35, %dot_general3A_36 {dimension_numbers = #tpu.dot_dimension_numbers<[1], [0], [0], [1], [0, 0, 1, 1], [], []>, transpose_lhs_hint = false} : vector<1024x128xf32>, vector<128x128xf32>, vector<1024x128xf32> -> vector<1024x128xf32>
    %add3A_38 = arith.addf %add3A, %dot_general3A_37 : vector<1024x128xf32>
    %mul3A_39 = vector.broadcast %convert_element_type3A_15 : vector<1024x1xf32> to vector<1024x128xf32>
    %mul3A_40 = arith.mulf %add3A_38, %mul3A_39 : vector<1024x128xf32>
    %get3A_41 = arith.constant 0 : index
    %get3A_42 = arith.constant 0 : index
    %get3A_43 = vector.load %arg7[%get3A_41, %get3A_42] : memref<128x128xf32, #tpu.memory_space<vmem>>, vector<128x128xf32>
    %dot_general3A_44 = arith.constant dense<0.000000e+00> : vector<1024x128xf32>
    %dot_general3A_45 = tpu.matmul %get3A_23, %get3A_43, %dot_general3A_44 {dimension_numbers = #tpu.dot_dimension_numbers<[1], [0], [0], [1], [0, 0, 1, 1], [], []>, transpose_lhs_hint = false} : vector<1024x128xf32>, vector<128x128xf32>, vector<1024x128xf32> -> vector<1024x128xf32>
    %get3A_46 = arith.constant 0 : index
    %get3A_47 = arith.constant 0 : index
    %get3A_48 = vector.load %arg8[%get3A_46, %get3A_47] : memref<128x128xf32, #tpu.memory_space<vmem>>, vector<128x128xf32>
    %dot_general3A_49 = arith.constant dense<0.000000e+00> : vector<1024x128xf32>
    %dot_general3A_50 = tpu.matmul %mul3A_40, %get3A_48, %dot_general3A_49 {dimension_numbers = #tpu.dot_dimension_numbers<[1], [0], [0], [1], [0, 0, 1, 1], [], []>, transpose_lhs_hint = false} : vector<1024x128xf32>, vector<128x128xf32>, vector<1024x128xf32> -> vector<1024x128xf32>
    %add3A_51 = arith.addf %dot_general3A_45, %dot_general3A_50 : vector<1024x128xf32>
    %get3A_52 = arith.constant 0 : index
    %get3A_53 = arith.constant 0 : index
    %get3A_54 = vector.load %arg9[%get3A_52, %get3A_53] : memref<8x128xf32, #tpu.memory_space<vmem>>, vector<1x128xf32>
    %add3A_55 = vector.broadcast %get3A_54 : vector<1x128xf32> to vector<1024x128xf32>
    %add3A_56 = arith.addf %add3A_51, %add3A_55 : vector<1024x128xf32>
    %add3A_57 = arith.addf %add3A_56, %get3A_23 : vector<1024x128xf32>
    %swap3A = arith.constant 0 : index
    %swap3A_58 = arith.constant 0 : index
    %swap3A_59 = vector.load %arg10[%swap3A, %swap3A_58] : memref<1024x128xf32, #tpu.memory_space<vmem>>, vector<1024x128xf32>
    tpu.vector_store %arg10[%swap3A, %swap3A_58], %add3A_57 {strides = array<i32>} : memref<1024x128xf32, #tpu.memory_space<vmem>>, vector<1024x128xf32>,
    return
  }
  func.func @transform_0(%arg0: i32) -> (i32, i32) {
    %c0_i32 = arith.constant 0 : i32
    %c0_i32_0 = arith.constant 0 : i32
    return %arg0, %c0_i32 : i32, i32
  }
  func.func @transform_1(%arg0: i32) -> (i32, i32, i32) {
    %c0_i32 = arith.constant 0 : i32
    %c0_i32_0 = arith.constant 0 : i32
    %c0_i32_1 = arith.constant 0 : i32
    return %c0_i32, %arg0, %c0_i32_0 : i32, i32, i32
  }
  func.func @transform_2(%arg0: i32) -> (i32, i32, i32) {
    %c1_i32 = arith.constant 1 : i32
    %c0_i32 = arith.constant 0 : i32
    %c0_i32_0 = arith.constant 0 : i32
    return %c1_i32, %arg0, %c0_i32 : i32, i32, i32
  }
  func.func @transform_3(%arg0: i32) -> (i32, i32) {
    %c0_i32 = arith.constant 0 : i32
    %c0_i32_0 = arith.constant 0 : i32
    %c0_i32_1 = arith.constant 0 : i32
    return %c0_i32, %c0_i32_0 : i32, i32
  }
  func.func @transform_4(%arg0: i32) -> (i32, i32) {
    %c0_i32 = arith.constant 0 : i32
    %c0_i32_0 = arith.constant 0 : i32
    %c0_i32_1 = arith.constant 0 : i32
    return %c0_i32, %c0_i32_0 : i32, i32
  }
  func.func @transform_5(%arg0: i32) -> (i32, i32) {
    %c0_i32 = arith.constant 0 : i32
    %c0_i32_0 = arith.constant 0 : i32
    %c0_i32_1 = arith.constant 0 : i32
    return %c0_i32, %c0_i32_0 : i32, i32
  }
  func.func @transform_6(%arg0: i32) -> (i32, i32) {
    %c0_i32 = arith.constant 0 : i32
    %c0_i32_0 = arith.constant 0 : i32
    %c0_i32_1 = arith.constant 0 : i32
    return %c0_i32, %c0_i32_0 : i32, i32
  }
  func.func @transform_7(%arg0: i32) -> (i32, i32) {
    %c0_i32 = arith.constant 0 : i32
    %c0_i32_0 = arith.constant 0 : i32
    %c0_i32_1 = arith.constant 0 : i32
    return %c0_i32, %c0_i32_0 : i32, i32
  }
  func.func @transform_8(%arg0: i32) -> (i32, i32) {
    %c0_i32 = arith.constant 0 : i32
    %c0_i32_0 = arith.constant 0 : i32
    %c0_i32_1 = arith.constant 0 : i32
    return %c0_i32, %c0_i32_0 : i32, i32
  }
  func.func @transform_9(%arg0: i32) -> (i32, i32) {
    %c0_i32 = arith.constant 0 : i32
    %c0_i32_0 = arith.constant 0 : i32
    return %arg0, %c0_i32 : i32, i32
  }
}

module attributes {stable_mosaic.version = 14 : i64} {
  func.func @body(%arg0: i32, %arg1: memref<1024x128xf32, #tpu.memory_space<vmem>>, %arg2: memref<2x1024x128xf32, #tpu.memory_space<vmem>>, %arg3: memref<1x1024x128xf32, #tpu.memory_space<vmem>>, %arg4: memref<128x128xf32, #tpu.memory_space<vmem>>, %arg5: memref<128x128xf32, #tpu.memory_space<vmem>>, %arg6: memref<128x128xf32, #tpu.memory_space<vmem>>, %arg7: memref<128x128xf32, #tpu.memory_space<vmem>>, %arg8: memref<128x128xf32, #tpu.memory_space<vmem>>, %arg9: memref<8x128xf32, #tpu.memory_space<vmem>>, %arg10: memref<1024x128xf32, #tpu.memory_space<vmem>>) attributes {dimension_semantics = [#tpu.dimension_semantics<arbitrary>], iteration_bounds = array<i64: 10>, scalar_prefetch = 0 : i64, scratch_operands = 0 : i64, tpu.core_type = #tpu.core_type<tc>, window_params = [{transform_indices = @transform_0, window_bounds = array<i64: 1024, 128>}, {transform_indices = @transform_1, window_bounds = array<i64: 2, 1024, 128>}, {transform_indices = @transform_2, window_bounds = array<i64: 1, 1024, 128>}, {pipeline_mode = #tpu.pipeline_mode<synchronous>, transform_indices = @transform_3, window_bounds = array<i64: 128, 128>}, {pipeline_mode = #tpu.pipeline_mode<synchronous>, transform_indices = @transform_4, window_bounds = array<i64: 128, 128>}, {pipeline_mode = #tpu.pipeline_mode<synchronous>, transform_indices = @transform_5, window_bounds = array<i64: 128, 128>}, {pipeline_mode = #tpu.pipeline_mode<synchronous>, transform_indices = @transform_6, window_bounds = array<i64: 128, 128>}, {pipeline_mode = #tpu.pipeline_mode<synchronous>, transform_indices = @transform_7, window_bounds = array<i64: 128, 128>}, {pipeline_mode = #tpu.pipeline_mode<synchronous>, transform_indices = @transform_8, window_bounds = array<i64: 8, 128>}, {transform_indices = @transform_9, window_bounds = array<i64: 1024, 128>}]} {
    %get3A = arith.constant 0 : index
    %get3A_0 = arith.constant 0 : index
    %get3A_1 = arith.constant 0 : index
    %get3A_2 = vector.load %arg3[%get3A, %get3A_0, %get3A_1] : memref<1x1024x128xf32, #tpu.memory_space<vmem>>, vector<1x1024x128xf32>
    %get3A_3 = vector.shape_cast %get3A_2 : vector<1x1024x128xf32> to vector<1024x128xf32>
    %get3A_4 = arith.constant 0 : index
    %get3A_5 = arith.constant 0 : index
    %get3A_6 = arith.constant 0 : index
    %get3A_7 = vector.load %arg2[%get3A_4, %get3A_5, %get3A_6] : memref<2x1024x128xf32, #tpu.memory_space<vmem>>, vector<1x1024x128xf32>
    %get3A_8 = vector.shape_cast %get3A_7 : vector<1x1024x128xf32> to vector<1024x128xf32>
    %get3A_9 = arith.constant 1 : index
    %get3A_10 = arith.constant 0 : index
    %get3A_11 = arith.constant 0 : index
    %get3A_12 = vector.load %arg2[%get3A_9, %get3A_10, %get3A_11] : memref<2x1024x128xf32, #tpu.memory_space<vmem>>, vector<1x1024x128xf32>
    %get3A_13 = vector.shape_cast %get3A_12 : vector<1x1024x128xf32> to vector<1024x128xf32>
    %add3A = arith.addf %get3A_8, %get3A_13 : vector<1024x128xf32>
    %slice3A = vector.extract_strided_slice %get3A_3 {offsets = [0, 16], sizes = [1024, 1], strides = [1, 1]} : vector<1024x128xf32> to vector<1024x1xf32>
    %max3A = arith.constant 1.000000e+00 : f32
    %max3A_14 = vector.broadcast %max3A : f32 to vector<1024x1xf32>
    %max3A_15 = arith.maximumf %slice3A, %max3A_14 : vector<1024x1xf32>
    %div3A = arith.constant 1.000000e+00 : f32
    %div3A_16 = vector.broadcast %div3A : f32 to vector<1024x1xf32>
    %div3A_17 = arith.divf %div3A_16, %max3A_15 : vector<1024x1xf32>
    %gt3A = arith.constant 0.000000e+00 : f32
    %gt3A_18 = vector.broadcast %gt3A : f32 to vector<1024x1xf32>
    %gt3A_19 = arith.cmpf ogt, %slice3A, %gt3A_18 : vector<1024x1xf32>
    %convert_element_type3A = arith.extui %gt3A_19 : vector<1024x1xi1> to vector<1024x1xi32>
    %convert_element_type3A_20 = arith.sitofp %convert_element_type3A : vector<1024x1xi32> to vector<1024x1xf32>
    %mul3A = vector.broadcast %div3A_17 : vector<1024x1xf32> to vector<1024x128xf32>
    %mul3A_21 = arith.mulf %add3A, %mul3A : vector<1024x128xf32>
    %iota3A = tpu.iota {dimensions = array<i32: 1>} : vector<1024x128xi32>
    %lt3A = arith.constant 17 : i32
    %lt3A_22 = vector.broadcast %lt3A : i32 to vector<1024x128xi32>
    %lt3A_23 = arith.cmpi slt, %iota3A, %lt3A_22 : vector<1024x128xi32>
    %mul3A_24 = vector.broadcast %div3A_17 : vector<1024x1xf32> to vector<1024x128xf32>
    %mul3A_25 = arith.mulf %get3A_3, %mul3A_24 : vector<1024x128xf32>
    %jit3A = arith.constant 0.000000e+00 : f32
    %broadcast_in_dim3A = vector.broadcast %jit3A : f32 to vector<1024x128xf32>
    %select_n3A = arith.select %lt3A_23, %mul3A_25, %broadcast_in_dim3A : vector<1024x128xi1>, vector<1024x128xf32>
    %get3A_26 = arith.constant 0 : index
    %get3A_27 = arith.constant 0 : index
    %get3A_28 = vector.load %arg1[%get3A_26, %get3A_27] : memref<1024x128xf32, #tpu.memory_space<vmem>>, vector<1024x128xf32>
    %get3A_29 = arith.constant 0 : index
    %get3A_30 = arith.constant 0 : index
    %get3A_31 = vector.load %arg4[%get3A_29, %get3A_30] : memref<128x128xf32, #tpu.memory_space<vmem>>, vector<128x128xf32>
    %dot_general3A = arith.constant dense<0.000000e+00> : vector<1024x128xf32>
    %dot_general3A_32 = tpu.matmul %get3A_28, %get3A_31, %dot_general3A {dimension_numbers = #tpu.dot_dimension_numbers<[1], [0], [0], [1], [0, 0, 1, 1], [], []>, transpose_lhs_hint = false} : vector<1024x128xf32>, vector<128x128xf32>, vector<1024x128xf32> -> vector<1024x128xf32>
    %get3A_33 = arith.constant 0 : index
    %get3A_34 = arith.constant 0 : index
    %get3A_35 = vector.load %arg5[%get3A_33, %get3A_34] : memref<128x128xf32, #tpu.memory_space<vmem>>, vector<128x128xf32>
    %dot_general3A_36 = arith.constant dense<0.000000e+00> : vector<1024x128xf32>
    %dot_general3A_37 = tpu.matmul %mul3A_21, %get3A_35, %dot_general3A_36 {dimension_numbers = #tpu.dot_dimension_numbers<[1], [0], [0], [1], [0, 0, 1, 1], [], []>, transpose_lhs_hint = false} : vector<1024x128xf32>, vector<128x128xf32>, vector<1024x128xf32> -> vector<1024x128xf32>
    %add3A_38 = arith.addf %dot_general3A_32, %dot_general3A_37 : vector<1024x128xf32>
    %get3A_39 = arith.constant 0 : index
    %get3A_40 = arith.constant 0 : index
    %get3A_41 = vector.load %arg6[%get3A_39, %get3A_40] : memref<128x128xf32, #tpu.memory_space<vmem>>, vector<128x128xf32>
    %dot_general3A_42 = arith.constant dense<0.000000e+00> : vector<1024x128xf32>
    %dot_general3A_43 = tpu.matmul %select_n3A, %get3A_41, %dot_general3A_42 {dimension_numbers = #tpu.dot_dimension_numbers<[1], [0], [0], [1], [0, 0, 1, 1], [], []>, transpose_lhs_hint = false} : vector<1024x128xf32>, vector<128x128xf32>, vector<1024x128xf32> -> vector<1024x128xf32>
    %add3A_44 = arith.addf %add3A_38, %dot_general3A_43 : vector<1024x128xf32>
    %mul3A_45 = vector.broadcast %convert_element_type3A_20 : vector<1024x1xf32> to vector<1024x128xf32>
    %mul3A_46 = arith.mulf %add3A_44, %mul3A_45 : vector<1024x128xf32>
    %get3A_47 = arith.constant 0 : index
    %get3A_48 = arith.constant 0 : index
    %get3A_49 = vector.load %arg7[%get3A_47, %get3A_48] : memref<128x128xf32, #tpu.memory_space<vmem>>, vector<128x128xf32>
    %dot_general3A_50 = arith.constant dense<0.000000e+00> : vector<1024x128xf32>
    %dot_general3A_51 = tpu.matmul %get3A_28, %get3A_49, %dot_general3A_50 {dimension_numbers = #tpu.dot_dimension_numbers<[1], [0], [0], [1], [0, 0, 1, 1], [], []>, transpose_lhs_hint = false} : vector<1024x128xf32>, vector<128x128xf32>, vector<1024x128xf32> -> vector<1024x128xf32>
    %get3A_52 = arith.constant 0 : index
    %get3A_53 = arith.constant 0 : index
    %get3A_54 = vector.load %arg8[%get3A_52, %get3A_53] : memref<128x128xf32, #tpu.memory_space<vmem>>, vector<128x128xf32>
    %dot_general3A_55 = arith.constant dense<0.000000e+00> : vector<1024x128xf32>
    %dot_general3A_56 = tpu.matmul %mul3A_46, %get3A_54, %dot_general3A_55 {dimension_numbers = #tpu.dot_dimension_numbers<[1], [0], [0], [1], [0, 0, 1, 1], [], []>, transpose_lhs_hint = false} : vector<1024x128xf32>, vector<128x128xf32>, vector<1024x128xf32> -> vector<1024x128xf32>
    %add3A_57 = arith.addf %dot_general3A_51, %dot_general3A_56 : vector<1024x128xf32>
    %get3A_58 = arith.constant 0 : index
    %get3A_59 = arith.constant 0 : index
    %get3A_60 = vector.load %arg9[%get3A_58, %get3A_59] : memref<8x128xf32, #tpu.memory_space<vmem>>, vector<1x128xf32>
    %add3A_61 = vector.broadcast %get3A_60 : vector<1x128xf32> to vector<1024x128xf32>
    %add3A_62 = arith.addf %add3A_57, %add3A_61 : vector<1024x128xf32>
    %add3A_63 = arith.addf %add3A_62, %get3A_28 : vector<1024x128xf32>
    %swap3A = arith.constant 0 : index
    %swap3A_64 = arith.constant 0 : index
    %swap3A_65 = vector.load %arg10[%swap3A, %swap3A_64] : memref<1024x128xf32, #tpu.memory_space<vmem>>, vector<1024x128xf32>
    tpu.vector_store %arg10[%swap3A, %swap3A_64], %add3A_63 {strides = array<i32>} : memref<1024x128xf32, #tpu.memory_space<vmem>>, vector<1024x128xf32>,
    return
  }
  func.func @transform_0(%arg0: i32) -> (i32, i32) {
    %c0_i32 = arith.constant 0 : i32
    %c0_i32_0 = arith.constant 0 : i32
    return %arg0, %c0_i32 : i32, i32
  }
  func.func @transform_1(%arg0: i32) -> (i32, i32, i32) {
    %c0_i32 = arith.constant 0 : i32
    %c0_i32_0 = arith.constant 0 : i32
    %c0_i32_1 = arith.constant 0 : i32
    return %c0_i32, %arg0, %c0_i32_0 : i32, i32, i32
  }
  func.func @transform_2(%arg0: i32) -> (i32, i32, i32) {
    %c1_i32 = arith.constant 1 : i32
    %c0_i32 = arith.constant 0 : i32
    %c0_i32_0 = arith.constant 0 : i32
    return %c1_i32, %arg0, %c0_i32 : i32, i32, i32
  }
  func.func @transform_3(%arg0: i32) -> (i32, i32) {
    %c0_i32 = arith.constant 0 : i32
    %c0_i32_0 = arith.constant 0 : i32
    %c0_i32_1 = arith.constant 0 : i32
    return %c0_i32, %c0_i32_0 : i32, i32
  }
  func.func @transform_4(%arg0: i32) -> (i32, i32) {
    %c0_i32 = arith.constant 0 : i32
    %c0_i32_0 = arith.constant 0 : i32
    %c0_i32_1 = arith.constant 0 : i32
    return %c0_i32, %c0_i32_0 : i32, i32
  }
  func.func @transform_5(%arg0: i32) -> (i32, i32) {
    %c0_i32 = arith.constant 0 : i32
    %c0_i32_0 = arith.constant 0 : i32
    %c0_i32_1 = arith.constant 0 : i32
    return %c0_i32, %c0_i32_0 : i32, i32
  }
  func.func @transform_6(%arg0: i32) -> (i32, i32) {
    %c0_i32 = arith.constant 0 : i32
    %c0_i32_0 = arith.constant 0 : i32
    %c0_i32_1 = arith.constant 0 : i32
    return %c0_i32, %c0_i32_0 : i32, i32
  }
  func.func @transform_7(%arg0: i32) -> (i32, i32) {
    %c0_i32 = arith.constant 0 : i32
    %c0_i32_0 = arith.constant 0 : i32
    %c0_i32_1 = arith.constant 0 : i32
    return %c0_i32, %c0_i32_0 : i32, i32
  }
  func.func @transform_8(%arg0: i32) -> (i32, i32) {
    %c0_i32 = arith.constant 0 : i32
    %c0_i32_0 = arith.constant 0 : i32
    %c0_i32_1 = arith.constant 0 : i32
    return %c0_i32, %c0_i32_0 : i32, i32
  }
  func.func @transform_9(%arg0: i32) -> (i32, i32) {
    %c0_i32 = arith.constant 0 : i32
    %c0_i32_0 = arith.constant 0 : i32
    return %arg0, %c0_i32 : i32, i32
  }
}

module attributes {stable_mosaic.version = 14 : i64} {
  func.func @body(%arg0: i32, %arg1: memref<1024x128xf32, #tpu.memory_space<vmem>>, %arg2: memref<2x1024x128xf32, #tpu.memory_space<vmem>>, %arg3: memref<1x1024x128xf32, #tpu.memory_space<vmem>>, %arg4: memref<128x128xf32, #tpu.memory_space<vmem>>, %arg5: memref<128x128xf32, #tpu.memory_space<vmem>>, %arg6: memref<128x128xf32, #tpu.memory_space<vmem>>, %arg7: memref<128x128xf32, #tpu.memory_space<vmem>>, %arg8: memref<128x128xf32, #tpu.memory_space<vmem>>, %arg9: memref<8x128xf32, #tpu.memory_space<vmem>>, %arg10: memref<1024x128xf32, #tpu.memory_space<vmem>>) attributes {dimension_semantics = [#tpu.dimension_semantics<arbitrary>], iteration_bounds = array<i64: 10>, scalar_prefetch = 0 : i64, scratch_operands = 0 : i64, tpu.core_type = #tpu.core_type<tc>, window_params = [{transform_indices = @transform_0, window_bounds = array<i64: 1024, 128>}, {transform_indices = @transform_1, window_bounds = array<i64: 2, 1024, 128>}, {transform_indices = @transform_2, window_bounds = array<i64: 1, 1024, 128>}, {pipeline_mode = #tpu.pipeline_mode<synchronous>, transform_indices = @transform_3, window_bounds = array<i64: 128, 128>}, {pipeline_mode = #tpu.pipeline_mode<synchronous>, transform_indices = @transform_4, window_bounds = array<i64: 128, 128>}, {pipeline_mode = #tpu.pipeline_mode<synchronous>, transform_indices = @transform_5, window_bounds = array<i64: 128, 128>}, {pipeline_mode = #tpu.pipeline_mode<synchronous>, transform_indices = @transform_6, window_bounds = array<i64: 128, 128>}, {pipeline_mode = #tpu.pipeline_mode<synchronous>, transform_indices = @transform_7, window_bounds = array<i64: 128, 128>}, {pipeline_mode = #tpu.pipeline_mode<synchronous>, transform_indices = @transform_8, window_bounds = array<i64: 8, 128>}, {transform_indices = @transform_9, window_bounds = array<i64: 1024, 128>}]} {
    %get3A = arith.constant 0 : index
    %get3A_0 = arith.constant 0 : index
    %get3A_1 = arith.constant 0 : index
    %get3A_2 = vector.load %arg3[%get3A, %get3A_0, %get3A_1] : memref<1x1024x128xf32, #tpu.memory_space<vmem>>, vector<1x1024x128xf32>
    %get3A_3 = vector.shape_cast %get3A_2 : vector<1x1024x128xf32> to vector<1024x128xf32>
    %get3A_4 = arith.constant 0 : index
    %get3A_5 = arith.constant 0 : index
    %get3A_6 = arith.constant 0 : index
    %get3A_7 = vector.load %arg2[%get3A_4, %get3A_5, %get3A_6] : memref<2x1024x128xf32, #tpu.memory_space<vmem>>, vector<1x1024x128xf32>
    %get3A_8 = vector.shape_cast %get3A_7 : vector<1x1024x128xf32> to vector<1024x128xf32>
    %get3A_9 = arith.constant 1 : index
    %get3A_10 = arith.constant 0 : index
    %get3A_11 = arith.constant 0 : index
    %get3A_12 = vector.load %arg2[%get3A_9, %get3A_10, %get3A_11] : memref<2x1024x128xf32, #tpu.memory_space<vmem>>, vector<1x1024x128xf32>
    %get3A_13 = vector.shape_cast %get3A_12 : vector<1x1024x128xf32> to vector<1024x128xf32>
    %add3A = arith.addf %get3A_8, %get3A_13 : vector<1024x128xf32>
    %slice3A = vector.extract_strided_slice %get3A_3 {offsets = [0, 16], sizes = [1024, 1], strides = [1, 1]} : vector<1024x128xf32> to vector<1024x1xf32>
    %max3A = arith.constant 1.000000e+00 : f32
    %max3A_14 = vector.broadcast %max3A : f32 to vector<1024x1xf32>
    %max3A_15 = arith.maximumf %slice3A, %max3A_14 : vector<1024x1xf32>
    %div3A = arith.constant 1.000000e+00 : f32
    %div3A_16 = vector.broadcast %div3A : f32 to vector<1024x1xf32>
    %div3A_17 = arith.divf %div3A_16, %max3A_15 : vector<1024x1xf32>
    %gt3A = arith.constant 0.000000e+00 : f32
    %gt3A_18 = vector.broadcast %gt3A : f32 to vector<1024x1xf32>
    %gt3A_19 = arith.cmpf ogt, %slice3A, %gt3A_18 : vector<1024x1xf32>
    %convert_element_type3A = arith.extui %gt3A_19 : vector<1024x1xi1> to vector<1024x1xi32>
    %convert_element_type3A_20 = arith.sitofp %convert_element_type3A : vector<1024x1xi32> to vector<1024x1xf32>
    %mul3A = vector.broadcast %div3A_17 : vector<1024x1xf32> to vector<1024x128xf32>
    %mul3A_21 = arith.mulf %add3A, %mul3A : vector<1024x128xf32>
    %iota3A = tpu.iota {dimensions = array<i32: 1>} : vector<1024x128xi32>
    %lt3A = arith.constant 17 : i32
    %lt3A_22 = vector.broadcast %lt3A : i32 to vector<1024x128xi32>
    %lt3A_23 = arith.cmpi slt, %iota3A, %lt3A_22 : vector<1024x128xi32>
    %mul3A_24 = vector.broadcast %div3A_17 : vector<1024x1xf32> to vector<1024x128xf32>
    %mul3A_25 = arith.mulf %get3A_3, %mul3A_24 : vector<1024x128xf32>
    %jit3A = arith.constant 0.000000e+00 : f32
    %broadcast_in_dim3A = vector.broadcast %jit3A : f32 to vector<1024x128xf32>
    %select_n3A = arith.select %lt3A_23, %mul3A_25, %broadcast_in_dim3A : vector<1024x128xi1>, vector<1024x128xf32>
    %get3A_26 = arith.constant 0 : index
    %get3A_27 = arith.constant 0 : index
    %get3A_28 = vector.load %arg1[%get3A_26, %get3A_27] : memref<1024x128xf32, #tpu.memory_space<vmem>>, vector<1024x128xf32>
    %get3A_29 = arith.constant 0 : index
    %get3A_30 = arith.constant 0 : index
    %get3A_31 = vector.load %arg4[%get3A_29, %get3A_30] : memref<128x128xf32, #tpu.memory_space<vmem>>, vector<128x128xf32>
    %dot_general3A = arith.constant dense<0.000000e+00> : vector<1024x128xf32>
    %dot_general3A_32 = tpu.matmul %get3A_28, %get3A_31, %dot_general3A {dimension_numbers = #tpu.dot_dimension_numbers<[1], [0], [0], [1], [0, 0, 1, 1], [], []>, transpose_lhs_hint = false} : vector<1024x128xf32>, vector<128x128xf32>, vector<1024x128xf32> -> vector<1024x128xf32>
    %get3A_33 = arith.constant 0 : index
    %get3A_34 = arith.constant 0 : index
    %get3A_35 = vector.load %arg5[%get3A_33, %get3A_34] : memref<128x128xf32, #tpu.memory_space<vmem>>, vector<128x128xf32>
    %dot_general3A_36 = arith.constant dense<0.000000e+00> : vector<1024x128xf32>
    %dot_general3A_37 = tpu.matmul %mul3A_21, %get3A_35, %dot_general3A_36 {dimension_numbers = #tpu.dot_dimension_numbers<[1], [0], [0], [1], [0, 0, 1, 1], [], []>, transpose_lhs_hint = false} : vector<1024x128xf32>, vector<128x128xf32>, vector<1024x128xf32> -> vector<1024x128xf32>
    %add3A_38 = arith.addf %dot_general3A_32, %dot_general3A_37 : vector<1024x128xf32>
    %get3A_39 = arith.constant 0 : index
    %get3A_40 = arith.constant 0 : index
    %get3A_41 = vector.load %arg6[%get3A_39, %get3A_40] : memref<128x128xf32, #tpu.memory_space<vmem>>, vector<128x128xf32>
    %dot_general3A_42 = arith.constant dense<0.000000e+00> : vector<1024x128xf32>
    %dot_general3A_43 = tpu.matmul %select_n3A, %get3A_41, %dot_general3A_42 {dimension_numbers = #tpu.dot_dimension_numbers<[1], [0], [0], [1], [0, 0, 1, 1], [], []>, transpose_lhs_hint = false} : vector<1024x128xf32>, vector<128x128xf32>, vector<1024x128xf32> -> vector<1024x128xf32>
    %add3A_44 = arith.addf %add3A_38, %dot_general3A_43 : vector<1024x128xf32>
    %mul3A_45 = vector.broadcast %convert_element_type3A_20 : vector<1024x1xf32> to vector<1024x128xf32>
    %mul3A_46 = arith.mulf %add3A_44, %mul3A_45 : vector<1024x128xf32>
    %get3A_47 = arith.constant 0 : index
    %get3A_48 = arith.constant 0 : index
    %get3A_49 = vector.load %arg7[%get3A_47, %get3A_48] : memref<128x128xf32, #tpu.memory_space<vmem>>, vector<128x128xf32>
    %dot_general3A_50 = arith.constant dense<0.000000e+00> : vector<1024x128xf32>
    %dot_general3A_51 = tpu.matmul %get3A_28, %get3A_49, %dot_general3A_50 {dimension_numbers = #tpu.dot_dimension_numbers<[1], [0], [0], [1], [0, 0, 1, 1], [], []>, transpose_lhs_hint = false} : vector<1024x128xf32>, vector<128x128xf32>, vector<1024x128xf32> -> vector<1024x128xf32>
    %get3A_52 = arith.constant 0 : index
    %get3A_53 = arith.constant 0 : index
    %get3A_54 = vector.load %arg8[%get3A_52, %get3A_53] : memref<128x128xf32, #tpu.memory_space<vmem>>, vector<128x128xf32>
    %dot_general3A_55 = arith.constant dense<0.000000e+00> : vector<1024x128xf32>
    %dot_general3A_56 = tpu.matmul %mul3A_46, %get3A_54, %dot_general3A_55 {dimension_numbers = #tpu.dot_dimension_numbers<[1], [0], [0], [1], [0, 0, 1, 1], [], []>, transpose_lhs_hint = false} : vector<1024x128xf32>, vector<128x128xf32>, vector<1024x128xf32> -> vector<1024x128xf32>
    %add3A_57 = arith.addf %dot_general3A_51, %dot_general3A_56 : vector<1024x128xf32>
    %get3A_58 = arith.constant 0 : index
    %get3A_59 = arith.constant 0 : index
    %get3A_60 = vector.load %arg9[%get3A_58, %get3A_59] : memref<8x128xf32, #tpu.memory_space<vmem>>, vector<1x128xf32>
    %add3A_61 = vector.broadcast %get3A_60 : vector<1x128xf32> to vector<1024x128xf32>
    %add3A_62 = arith.addf %add3A_57, %add3A_61 : vector<1024x128xf32>
    %swap3A = arith.constant 0 : index
    %swap3A_63 = arith.constant 0 : index
    %swap3A_64 = vector.load %arg10[%swap3A, %swap3A_63] : memref<1024x128xf32, #tpu.memory_space<vmem>>, vector<1024x128xf32>
    tpu.vector_store %arg10[%swap3A, %swap3A_63], %add3A_62 {strides = array<i32>} : memref<1024x128xf32, #tpu.memory_space<vmem>>, vector<1024x128xf32>,
    return
  }
  func.func @transform_0(%arg0: i32) -> (i32, i32) {
    %c0_i32 = arith.constant 0 : i32
    %c0_i32_0 = arith.constant 0 : i32
    return %arg0, %c0_i32 : i32, i32
  }
  func.func @transform_1(%arg0: i32) -> (i32, i32, i32) {
    %c0_i32 = arith.constant 0 : i32
    %c0_i32_0 = arith.constant 0 : i32
    %c0_i32_1 = arith.constant 0 : i32
    return %c0_i32, %arg0, %c0_i32_0 : i32, i32, i32
  }
  func.func @transform_2(%arg0: i32) -> (i32, i32, i32) {
    %c1_i32 = arith.constant 1 : i32
    %c0_i32 = arith.constant 0 : i32
    %c0_i32_0 = arith.constant 0 : i32
    return %c1_i32, %arg0, %c0_i32 : i32, i32, i32
  }
  func.func @transform_3(%arg0: i32) -> (i32, i32) {
    %c0_i32 = arith.constant 0 : i32
    %c0_i32_0 = arith.constant 0 : i32
    %c0_i32_1 = arith.constant 0 : i32
    return %c0_i32, %c0_i32_0 : i32, i32
  }
  func.func @transform_4(%arg0: i32) -> (i32, i32) {
    %c0_i32 = arith.constant 0 : i32
    %c0_i32_0 = arith.constant 0 : i32
    %c0_i32_1 = arith.constant 0 : i32
    return %c0_i32, %c0_i32_0 : i32, i32
  }
  func.func @transform_5(%arg0: i32) -> (i32, i32) {
    %c0_i32 = arith.constant 0 : i32
    %c0_i32_0 = arith.constant 0 : i32
    %c0_i32_1 = arith.constant 0 : i32
    return %c0_i32, %c0_i32_0 : i32, i32
  }
  func.func @transform_6(%arg0: i32) -> (i32, i32) {
    %c0_i32 = arith.constant 0 : i32
    %c0_i32_0 = arith.constant 0 : i32
    %c0_i32_1 = arith.constant 0 : i32
    return %c0_i32, %c0_i32_0 : i32, i32
  }
  func.func @transform_7(%arg0: i32) -> (i32, i32) {
    %c0_i32 = arith.constant 0 : i32
    %c0_i32_0 = arith.constant 0 : i32
    %c0_i32_1 = arith.constant 0 : i32
    return %c0_i32, %c0_i32_0 : i32, i32
  }
  func.func @transform_8(%arg0: i32) -> (i32, i32) {
    %c0_i32 = arith.constant 0 : i32
    %c0_i32_0 = arith.constant 0 : i32
    %c0_i32_1 = arith.constant 0 : i32
    return %c0_i32, %c0_i32_0 : i32, i32
  }
  func.func @transform_9(%arg0: i32) -> (i32, i32) {
    %c0_i32 = arith.constant 0 : i32
    %c0_i32_0 = arith.constant 0 : i32
    return %arg0, %c0_i32 : i32, i32
  }
}

</mosaic_0001>

<sc_bundles>
// kernel: kernel.12.cloned.1.call-start
scs
__scs_entry_jumppad:
0x0: {  	(pc) =	sbr.rel $0x88, $3  }
0x1: {  	(tag) =	ssettag $0x0;
	lr =	simm.s32 $0x1  }
0x2: {  	[smem:$0x3F9A] =	sst lr;
	_ =	strace $0xD0000000  }
0x3: {  	_ = 	snop  }
0x4: {  	_ = 	snop  }
0x5: {  	_ = 	snop  }
0x6: {  	_ = 	snop  }
0x7: {  	_ = 	snop  }
__scs_overlays_trampoline_lowered:
0x8: {  	[smem:$0x3FA9] =	sst s0  }
0x9: {  	[smem:$0x3FAA] =	sst s1  }
0xa: {  	[smem:$0x3FAB] =	sst s2  }
0xb: {  	[smem:$0x3FAC] =	sst s3  }
0xc: {  	[smem:$0x3FAD] =	sst s4  }
0xd: {  	[smem:$0x3FAE] =	sst s5  }
0xe: {  	[smem:$0x3FAF] =	sst s6  }
0xf: {  	[smem:$0x3FB0] =	sst s7  }
0x10: {  	[smem:$0x3FB1] =	sst s8  }
0x11: {  	[smem:$0x3FB2] =	sst s9;
	s0 =	simm.s32 @!p0 $0x0  }
0x12: {  	s1 =	sld [smem:$0x3F98];
	s0 =	simm.s32 @p0 $0x1  }
0x13: {  	[smem:$0x3FB3] =	sst s0;
	s0 =	simm.s32 @!p1 $0x0  }
0x14: {  	s2 =	sld [smem:$0x3F97];
	s0 =	simm.s32 @p1 $0x1  }
0x15: {  	[smem:$0x3FB4] =	sst s0;
	s0 =	simm.s32 @!p2 $0x0  }
0x16: {  	s3 =	sld [smem:$0x3FDB];
	s0 =	simm.s32 @p2 $0x1  }
0x17: {  	s4 =	simm.s32 $0x1BF5;
	[smem:$0x3FB6] =	sst s0  }
0x18: {  	s0 =	sld [smem:$0x3F99];
	_ =	swait.ge [sflag:s4], $0x0  }
0x19: {  	s7 =	sld [smem:$0x3F9A]  }
0x1a: {  	s8 =	sadd.s32 $0xFFFFE003, lr  }
0x1b: {  	s9 =	sadd.s32 $0xFFFFFEF7, lr;
	s5 =	simm.s32 $0xFFFFFFFF;
	p2 =	slt.u32 s8, $0xFFFFF086  }
0x1c: {  	p1 =	slt.u32 s9, $0xF7A;
	s5 =	simm.s32 @!p2 $0x0  }
0x1d: {  	s5 =	simm.s32 @p1 $0x1;
	p0 =	seq.s32 s7, s2  }
0x1e: {  	s7 =	smul.u32 @!p0 $0xF7A, s2;
	p2 =	seq.s32 @!p0 s5, $0x0  }
0x1f: {  	s9 =	smul.u32 $0xF7A, s1;
	s8 =	simm.s32 @!p0 $0x1BF5;
	p2 =	por !p2, p0  }
0x20: {  	[sflag:s8] =	ssyncset.s32 @!p0 $0xFFFFF086;
	s6 =	sadd.s32 @!p0 s3, s7;
	s7 =	simm.s32 @!p0 $0x108  }
0x21: {  	s3 =	sadd.s32 s3, s9;
	s6 =	sadd.s32 @!p0 $0x88, s6;
	s7 =	simm.s32 @p2 $0x1082  }
0x22: {  	[simem:s7], [sflag:s8] =	dma.local @!p0 [hbm:s6], $0xF7A  }
0x23: {  	s9 =	sor.u32 $0xD0000000, s2;
	s6 =	simm.s32 $0x108;
	_ =	swait.ge @!p0 [sflag:s8], $0x0  }
0x24: {  	s3 =	sadd.s32 $0x88, s3;
	s6 =	simm.s32 @!p1 $0x1082;
	[sflag:s4] =	ssyncset.s32 $0xFFFFF086  }
0x25: {  	[simem:s6], [sflag:s4] =	dma.local [hbm:s3], $0xF7A  }
0x26: {  	[smem:$0x3F9A] =	sst s1;
	(tag) =	ssettag s2;
	_ =	strace s9  }
0x27: {  	s1 =	sld [smem:$0x3FAA]  }
0x28: {  	s2 =	sld [smem:$0x3FAB]  }
0x29: {  	s4 =	sld [smem:$0x3FAD]  }
0x2a: {  	p0 =	seq.s32 s5, $0x0;
	s5 =	sld [smem:$0x3FAE]  }
0x2b: {  	s6 =	sld [smem:$0x3FAF]  }
0x2c: {  	s7 =	sld [smem:$0x3FB0]  }
0x2d: {  	s3 =	simm.s32 $0x108;
	s8 =	sld [smem:$0x3FB1]  }
0x2e: {  	s3 =	simm.s32 @!p0 $0x1082;
	s9 =	sld [smem:$0x3FB2]  }
0x2f: {  	lr =	sadd.s32 s0, s3;
	s0 =	sld [smem:$0x3FA9]  }
0x30: {  	s3 =	sld [smem:$0x3FAC]  }
0x31: {  	[smem:$0x3FB5] =	sst s10  }
0x32: {  	s10 =	sld [smem:$0x3FB3];
	_ =	sdelay $0x3  }
0x33: {  	p0 =	seq.s32 s10, $0x1;
	s10 =	sld [smem:$0x3FB5];
	_ =	sdelay $0x3  }
0x34: {  	[smem:$0x3FB5] =	sst s10  }
0x35: {  	s10 =	sld [smem:$0x3FB4];
	_ =	sdelay $0x3  }
0x36: {  	p1 =	seq.s32 s10, $0x1;
	s10 =	sld [smem:$0x3FB5];
	_ =	sdelay $0x3  }
0x37: {  	[smem:$0x3FB5] =	sst s10  }
0x38: {  	s10 =	sld [smem:$0x3FB6]  }
0x39: {  	_ = 	snop;
	(pc) =	sbr.ind lr, $3  }
0x3a: {  	_ = 	snop  }
0x3b: {  	_ = 	snop  }
0x3c: {  	p2 =	seq.s32 s10, $0x1;
	s10 =	sld [smem:$0x3FB5]  }
0x3d: {  	_ =	shalt  }
0x3e: {  	_ =	shalt  }
0x3f: {  	_ =	shalt  }
0x40: {  	_ =	shalt  }
0x41: {  	_ =	shalt  }
0x42: {  	_ =	shalt  }
0x43: {  	_ =	shalt  }
0x44: {  	_ =	shalt  }
0x45: {  	_ =	shalt  }
0x46: {  	_ =	shalt  }
0x47: {  	_ =	shalt  }
0x48: {  	_ =	shalt  }
0x49: {  	_ =	shalt  }
0x4a: {  	_ =	shalt  }
0x4b: {  	_ =	shalt  }
0x4c: {  	_ =	shalt  }
0x4d: {  	_ =	shalt  }
0x4e: {  	_ =	shalt  }
0x4f: {  	_ =	shalt  }
0x50: {  	_ =	shalt  }
0x51: {  	_ =	shalt  }
0x52: {  	_ =	shalt  }
0x53: {  	_ =	shalt  }
0x54: {  	_ =	shalt  }
0x55: {  	_ =	shalt  }
0x56: {  	_ =	shalt  }
0x57: {  	_ =	shalt  }
0x58: {  	_ =	shalt  }
0x59: {  	_ =	shalt  }
0x5a: {  	_ =	shalt  }
0x5b: {  	_ =	shalt  }
0x5c: {  	_ =	shalt  }
0x5d: {  	_ =	shalt  }
0x5e: {  	_ =	shalt  }
0x5f: {  	_ =	shalt  }
0x60: {  	_ =	shalt  }
0x61: {  	_ =	shalt  }
0x62: {  	_ =	shalt  }
0x63: {  	_ =	shalt  }
0x64: {  	_ =	shalt  }
0x65: {  	_ =	shalt  }
0x66: {  	_ =	shalt  }
0x67: {  	_ =	shalt  }
0x68: {  	_ =	shalt  }
0x69: {  	_ =	shalt  }
0x6a: {  	_ =	shalt  }
0x6b: {  	_ =	shalt  }
0x6c: {  	_ =	shalt  }
0x6d: {  	_ =	shalt  }
0x6e: {  	_ =	shalt  }
0x6f: {  	_ =	shalt  }
0x70: {  	_ =	shalt  }
0x71: {  	_ =	shalt  }
0x72: {  	_ =	shalt  }
0x73: {  	_ =	shalt  }
0x74: {  	_ =	shalt  }
0x75: {  	_ =	shalt  }
0x76: {  	_ =	shalt  }
0x77: {  	_ =	shalt  }
0x78: {  	_ =	shalt  }
0x79: {  	_ =	shalt  }
0x7a: {  	_ =	shalt  }
0x7b: {  	_ =	shalt  }
0x7c: {  	_ =	shalt  }
0x7d: {  	_ =	shalt  }
0x7e: {  	_ =	shalt  }
0x7f: {  	_ =	shalt  }
0x80: {  	_ =	shalt  }
0x81: {  	_ =	shalt  }
0x82: {  	_ =	shalt  }
0x83: {  	_ =	shalt  }
0x84: {  	_ =	shalt  }
0x85: {  	_ =	shalt  }
0x86: {  	_ =	shalt  }
0x87: {  	_ =	shalt  }
.Lfunc_end0:
.L_simem_size_0:
called_computation.1_lowered:
.L_overlay_start_0:
0x88: {  	s2 =	sld [smem:$0x3FD9]  }
0x89: {  	s3 =	sld [smem:$0x3FFE];
	_ =	sdelay $0x1  }
0x8a: {  	s1 =	srdreg.scid  }
0x8b: {  	s0 =	sand.u32 $0x1, s1  }
0x8c: {  	s17 =	sshll.u32 s0, $0xA;
	s2 =	sadd.s32 s3, s2  }
0x8d: {  	s2 =	sadd.s32 s2, s17  }
0x8e: {  	[smem:$0x3FC1] =	sst s2  }
0x8f: {  	_ = 	snop  }
0x90: {  	s2 =	sld [smem:$0x3FD0];
	(tm) =	ssettm $0x1  }
0x91: {  	s18 =	sld [smem:$0x3FFB];
	_ =	sdelay $0x3  }
0x92: {  	_ =	strace s18  }
0x93: {  	s3 =	sld [smem:$0x3FFC];
	_ =	sdelay $0x3  }
0x94: {  	_ =	strace s3  }
0x95: {  	s3 =	sld [smem:$0x3FFD];
	_ =	sdelay $0x3  }
0x96: {  	_ =	strace s3  }
0x97: {  	_ =	strace $0x8FFFFFFF  }
0x98: {  	s19 =	sld [smem:$0x3FDB];
	_ =	sdelay $0x1  }
0x99: {  	s4 =	simm.s32 $_scs_section_size  }
0x9a: {  	s5 =	simm.s32 $_size__tile_overlayer_lowered;
	s6 =	simm.s32 $_tile_overlayer_lowered  }
0x9b: {  	s22 =	simm.s32 $0x1BFF;
	s21 =	sshll.u32 s6, $0x1;
	s3 =	sadd.s32 s4, s19  }
0x9c: {  	s7 =	simm.s32 $0x0;
	s20 =	sshll.u32 s5, $0x1;
	s5 =	sadd.s32 s21, s3  }
0x9d: {  	[timem:s7], [sflag:s22] =	dma.local [hbm:s5], s20  }
0x9e: {  	_ =	swait.ge [sflag:s22], s20  }
0x9f: {  	s4 =	ssub.s32 $0x0, s20;
	[sflag:s22] =	ssyncset.done $0x0  }
0xa0: {  	[sflag:s22] =	ssyncadd.s32 s4;
	_ =	sdelay $0x1  }
0xa1: {  	s23 =	simm.s32 $0x1B8B  }
0xa2: {  	_ =	swait.ge [sflag:s23], $0x1  }
0xa3: {  	[sflag:s23] =	ssyncset.done $0x0  }
0xa4: {  	s25 =	simm.s32 $0x1B8E;
	s24 =	sld [smem:$0x3FFE];
	[sflag:s23] =	ssyncadd.s32 $0xFFFFFFFF  }
0xa5: {  	s26 =	simm.s32 $execute0_lowered;
	[smem:$0x3FD2] =	sst s25  }
0xa6: {  	s5 =	sshll.u32 s26, $0x1;
	_ =	strace $0x80000049;
	[dreg:$0x1] =	wrdreg $0xFFFFFFFF  }
0xa7: {  	s28 =	simm.s32 $_size_execute0_lowered;
	s3 =	sadd.s32 s3, s5;
	[dreg:$0x0] =	wrdreg $0x0  }
0xa8: {  	s5 =	sshll.u32 s28, $0x1;
	[dreg:$0x2] =	wrdreg s3  }
0xa9: {  	[dreg:$0x3] =	wrdreg s5  }
0xaa: {  	[dreg:$0x4] =	wrdreg $0xC0  }
0xab: {  	_ =	task [dreg:s7], $0x5FFFF  }
0xac: {  	[dreg:$0x1] =	wrdreg $0xFFFFFFFF  }
0xad: {  	[dreg:$0x0] =	wrdreg $0x60  }
0xae: {  	[dreg:$0x2] =	wrdreg s24  }
0xaf: {  	[dreg:$0x3] =	wrdreg s2  }
0xb0: {  	[dreg:$0x4] =	wrdreg $0xA8000  }
0xb1: {  	[dreg:$0x5] =	wrdreg $0x9  }
0xb2: {  	_ =	task.clear_ibuf [dreg:s7], $0x6FFFF;
	_ =	strace $0x90000049  }
0xb3: {  	s29 =	simm.s32 $0x9;
	_ =	strace $0x8000004B  }
0xb4: {  	_ =	swait.ge [sflag:s29], $0x1  }
0xb5: {  	[sflag:s29] =	ssyncadd.s32 $0xFFFFFFFF  }
0xb6: {  	_ =	strace $0x9000004B  }
0xb7: {  	_ =	sfence  }
0xb8: {  	s30 =	sld [smem:$0x0];
	_ =	sdelay $0x2  }
0xb9: {  	s31 =	sshll.u32 s1, $0xD;
	s1 =	sshrl.u32 s1, $0x2  }
0xba: {  	s3 =	sand.u32 $0x4000, s31;
	s1 =	sadd.s32 s1, s30  }
0xbb: {  	s0 =	sor.u32 s3, s0;
	s1 =	sshll.u32 s1, $0x11  }
0xbc: {  	s0 =	sor.u32 s1, s0  }
0xbd: {  	s0 =	sadd.s32 $0x8F2B, s0  }
0xbe: {  	[sflag:s0] =	ssyncadd.remote.s32 $0x1  }
0xbf: {  	_ =	sfence.sel $0xFFFF  }
0xc0: {  	[dreg:$0x0] =	wrdreg $0xFFFFFFFF;
	(pc) =	sbr.abs _section_cstart, $3  }
0xc1: {  	[dreg:$0x1] =	wrdreg $0xFFFFFFFF  }
0xc2: {  	_ =	task.clear_ibuf [dreg:s7], $0x2FFFF;
	_ =	strace $0x9FFFFFFF  }
0xc3: {  	(tm) =	ssettm $0x7FFFFFFF  }
tec
execute0_lowered:
.L_overlay_start_1:
0x0: {  	(tag) =	ssettag $0x1  }
0x1: {  	s6 =	rddreg [dreg:$0x0]  }
0x2: {  	s10 =	rddreg [dreg:$0x1]  }
0x3: {  	s1 =	rddreg [dreg:$0x2]  }
0x4: {  	s2 =	srdreg.scid;
	s0 =	rddreg [dreg:$0x3];
	s3 =	simm.s32 $0x0  }
0x5: {  	s16 =	simm.s32 $0x80;
	s17 =	simm.s32 $0x2800;
	s18 =	simm.s32 $0x6800  }
0x6: {  	s19 =	simm.s32 $0x1;
	s20 =	simm.s32 $0x2;
	s21 =	simm.s32 $0x2700  }
0x7: {  	s22 =	simm.s32 $0x2780;
	s7 =	sand.u32 $0x1, s2;
	s2 =	stileid.u32  }
0x8: {  	s23 =	simm.s32 $0x0;
	[smem:$0x7FF] =	sst s3;
	s5 =	smul.u32 $0x140000, s7  }
0x9: {  	s4 =	sadd.s32 $0x3400, s6;
	s9 =	sadd.s32 $0x2B400, s6;
	s8 =	smul.u32 $0x14000, s2  }
0xa: {  	_ =	strace $0x8000004A;
	s11 =	sshll.u32 s7, $0x4;
	s7 =	ssub.s32 $0x2, s7  }
0xb: {  	s12 =	smul.u32 $0x50000, s2;
	s31 =	sshll.u32 s2, $0x6;
	s11 =	sor.u32 s2, s11  }
0xc: {  	s28 =	sshrl.u32 s7, $0x1;
	s8 =	sadd.s32 s8, s5;
	s5 =	sadd.s32 $0x3F400, s6  }
0xd: {  	s29 =	smul.u32 $0x2800, s11;
	s14 =	ssub.s32 s7, s28;
	s30 =	sshrl.u32 s12, $0x2  }
0xe: {  	s8 =	sshrl.u32 s8, $0x3;
	s15 =	sadd.s32 s30, s1;
	s12 =	smax.u32 s14, $0x1  }
0xf: {  	s14 =	simm.s32 $0x3;
	s13 =	sadd.s32 s8, s6;
	s11 =	sshrl.u32 s29, $0x3  }
0x10: {  	s7 =	sadd.s32 s9, s11;
	s8 =	sadd.s32 s10, s11;
	s11 =	sadd.s32 $0x280, s11  }
0x11: {  	s6 =	sor.u32 $0x1C03, s31;
	s9 =	sadd.s32 s9, s11;
	s10 =	sadd.s32 s10, s11  }
0x12: {  	s11 =	sadd.s32 $0x91C00, s13;
	s13 =	sshrl.u32 s15, $0x3;
	s15 =	simm.s32 $0x1400  }
.LBB2_1:
0x13: {  	[spmem:s13], [sflag:s6] =	dma.local [hbm:s5], $0x2800  }
0x14: {  	_ =	swait.ge [sflag:s14], $0x2800  }
0x15: {  	[sflag:s14] =	ssyncset.done $0x0  }
0x16: {  	[sflag:s14] =	ssyncadd.s32 $0xFFFFD800  }
0x17: {  	[bflag:$0x0] =	sbarrier.arrive $0xFFFF  }
0x18: {  	[tilespmem:s3], [sflag:$0x3] =	stream.linear.gather [hbm4b:s7+s3], $0x1400, $0x38;
	[tilespmem:$0x1E800] =	vst v63  }
0x19: {  	_ =	swait.ge [sflag:s14], $0x1400  }
0x1a: {  	[sflag:s14] =	ssyncset.done $0x0  }
0x1b: {  	[sflag:s14] =	ssyncadd.s32 $0xFFFFEC00  }
0x1c: {  	[tilespmem:s15], [sflag:$0x3] =	stream.linear.gather [hbm4b:s8+s3], $0x1400, $0x38;
	[tilespmem:$0x1E800] =	vst v63  }
0x1d: {  	_ =	swait.ge [sflag:s14], $0x1400  }
0x1e: {  	[sflag:s14] =	ssyncset.done $0x0  }
0x1f: {  	[sflag:s14] =	ssyncadd.s32 $0xFFFFEC00  }
0x20: {  	[tilespmem:s17], [sflag:$0x1] =	stream.indirect.gather [hbm4b:s4+s16], $0x80, s3, s16, $0xb8;
	[tilespmem:$0x1E800] =	vst v63  }
0x21: {  	_ = 	snop  }
0x22: {  	[tilespmem:s18], [sflag:$0x2] =	stream.indirect.gather [hbm4b:s4+s16], $0x80, s16, s16, $0xb8;
	[tilespmem:$0x1E800] =	vst v63  }
0x23: {  	_ =	swait.ge [sflag:s19], $0x4000  }
0x24: {  	[sflag:s19] =	ssyncset.done $0x0  }
0x25: {  	s24 =	simm.s32 $0x1400;
	[sflag:s19] =	ssyncadd.s32 $0xFFFFC000  }
0x26: {  	[spmem:s1] =	stream.indirect.scatter.add.f32 [tilespmem:s17], [sflag:$0x3], $0x80, s24, s16, $0xb8;
	[tilespmem:$0x1E800] =	vst v63  }
0x27: {  	_ =	swait.ge [sflag:s14], $0x4000  }
0x28: {  	[sflag:s14] =	ssyncset.done $0x0  }
0x29: {  	s30 =	simm.s32 $0x100;
	[sflag:s14] =	ssyncadd.s32 $0xFFFFC000  }
0x2a: {  	[tilespmem:s17], [sflag:$0x1] =	stream.indirect.gather [hbm4b:s4+s16], $0x80, s30, s16, $0xb8;
	[tilespmem:$0x1E800] =	vst v63  }
0x2b: {  	_ =	swait.ge [sflag:s20], $0x4000  }
0x2c: {  	[sflag:s20] =	ssyncset.done $0x0  }
0x2d: {  	s31 =	simm.s32 $0x1480;
	[sflag:s20] =	ssyncadd.s32 $0xFFFFC000  }
0x2e: {  	[spmem:s1] =	stream.indirect.scatter.add.f32 [tilespmem:s18], [sflag:$0x3], $0x80, s31, s16, $0xb8;
	[tilespmem:$0x1E800] =	vst v63  }
0x2f: {  	_ =	swait.ge [sflag:s14], $0x4000  }
0x30: {  	[sflag:s14] =	ssyncset.done $0x0  }
0x31: {  	s25 =	simm.s32 $0x180;
	s24 =	simm.s32 $0x400;
	[sflag:s14] =	ssyncadd.s32 $0xFFFFC000  }
.LBB2_2:
0x32: {  	[tilespmem:s18], [sflag:$0x2] =	stream.indirect.gather [hbm4b:s4+s16], $0x80, s25, s16, $0xb8;
	[tilespmem:$0x1E800] =	vst v63  }
0x33: {  	s25 =	smov.u32 s24  }
0x34: {  	p0 =	sne.s32 s24, $0x4800;
	s24 =	sadd.s32 $0x400, s24;
	_ =	swait.ge [sflag:s19], $0x4000  }
0x35: {  	s25 =	sshra.s32 s25, $0x2;
	[sflag:s19] =	ssyncset.done $0x0  }
0x36: {  	s26 =	sadd.s32 $0x1400, s25;
	[sflag:s19] =	ssyncadd.s32 $0xFFFFC000  }
0x37: {  	[spmem:s1] =	stream.indirect.scatter.add.f32 [tilespmem:s17], [sflag:$0x3], $0x80, s26, s16, $0xb8;
	[tilespmem:$0x1E800] =	vst v63  }
0x38: {  	_ =	swait.ge [sflag:s14], $0x4000  }
0x39: {  	[sflag:s14] =	ssyncset.done $0x0  }
0x3a: {  	s26 =	sadd.s32 $0x100, s25;
	[sflag:s14] =	ssyncadd.s32 $0xFFFFC000  }
0x3b: {  	[tilespmem:s17], [sflag:$0x1] =	stream.indirect.gather [hbm4b:s4+s16], $0x80, s26, s16, $0xb8;
	[tilespmem:$0x1E800] =	vst v63  }
0x3c: {  	_ =	swait.ge [sflag:s20], $0x4000  }
0x3d: {  	[sflag:s20] =	ssyncset.done $0x0  }
.Ltmp0:
0x3e: {  	s26 =	sadd.s32 $0x1480, s25;
	[sflag:s20] =	ssyncadd.s32 $0xFFFFC000;
	(pc) =	sbr.rel @p0 .LBB2_2-.Ltmp0, $4  }
0x3f: {  	[spmem:s1] =	stream.indirect.scatter.add.f32 [tilespmem:s18], [sflag:$0x3], $0x80, s26, s16, $0xb8;
	[tilespmem:$0x1E800] =	vst v63  }
0x40: {  	_ =	swait.ge [sflag:s14], $0x4000  }
0x41: {  	[sflag:s14] =	ssyncset.done $0x0  }
0x42: {  	s25 =	sadd.s32 $0x180, s25;
	[sflag:s14] =	ssyncadd.s32 $0xFFFFC000  }
0x43: {  	[tilespmem:s18], [sflag:$0x2] =	stream.indirect.gather [hbm4b:s4+s16], $0x80, s25, s16, $0xb8;
	[tilespmem:$0x1E800] =	vst v63  }
0x44: {  	_ =	swait.ge [sflag:s19], $0x4000  }
0x45: {  	[sflag:s19] =	ssyncset.done $0x0  }
0x46: {  	[sflag:s19] =	ssyncadd.s32 $0xFFFFC000  }
0x47: {  	[spmem:s1] =	stream.indirect.scatter.add.f32 [tilespmem:s17], [sflag:$0x3], $0x80, s21, s16, $0xb8;
	[tilespmem:$0x1E800] =	vst v63  }
0x48: {  	_ =	swait.ge [sflag:s14], $0x4000  }
0x49: {  	[sflag:s14] =	ssyncset.done $0x0  }
0x4a: {  	[sflag:s14] =	ssyncadd.s32 $0xFFFFC000  }
0x4b: {  	_ =	swait.ge [sflag:s20], $0x4000  }
0x4c: {  	[sflag:s20] =	ssyncset.done $0x0  }
0x4d: {  	[sflag:s20] =	ssyncadd.s32 $0xFFFFC000  }
0x4e: {  	[spmem:s1] =	stream.indirect.scatter.add.f32 [tilespmem:s18], [sflag:$0x3], $0x80, s22, s16, $0xb8;
	[tilespmem:$0x1E800] =	vst v63  }
0x4f: {  	_ =	swait.ge [sflag:s14], $0x4000  }
0x50: {  	[sflag:s14] =	ssyncset.done $0x0  }
0x51: {  	s24 =	simm.s32 $0x0;
	[sflag:s14] =	ssyncadd.s32 $0xFFFFC000  }
0x52: {  	[tilespmem:s24], [sflag:$0x3] =	stream.linear.gather [hbm4b:s9+s24], $0x1400, $0x38;
	[tilespmem:$0x1E800] =	vst v63  }
0x53: {  	_ =	swait.ge [sflag:s14], $0x1400  }
0x54: {  	[sflag:s14] =	ssyncset.done $0x0  }
0x55: {  	[sflag:s14] =	ssyncadd.s32 $0xFFFFEC00  }
0x56: {  	[tilespmem:s15], [sflag:$0x3] =	stream.linear.gather [hbm4b:s10+s24], $0x1400, $0x38;
	[tilespmem:$0x1E800] =	vst v63  }
0x57: {  	_ =	swait.ge [sflag:s14], $0x1400  }
0x58: {  	[sflag:s14] =	ssyncset.done $0x0  }
0x59: {  	[sflag:s14] =	ssyncadd.s32 $0xFFFFEC00  }
0x5a: {  	[tilespmem:s17], [sflag:$0x1] =	stream.indirect.gather [hbm4b:s4+s16], $0x80, s24, s16, $0xb8;
	[tilespmem:$0x1E800] =	vst v63  }
0x5b: {  	_ = 	snop  }
0x5c: {  	[tilespmem:s18], [sflag:$0x2] =	stream.indirect.gather [hbm4b:s4+s16], $0x80, s16, s16, $0xb8;
	[tilespmem:$0x1E800] =	vst v63  }
0x5d: {  	_ =	swait.ge [sflag:s19], $0x4000  }
0x5e: {  	[sflag:s19] =	ssyncset.done $0x0  }
0x5f: {  	s29 =	simm.s32 $0x1400;
	[sflag:s19] =	ssyncadd.s32 $0xFFFFC000  }
0x60: {  	[spmem:s1] =	stream.indirect.scatter.add.f32 [tilespmem:s17], [sflag:$0x3], $0x80, s29, s16, $0xb8;
	[tilespmem:$0x1E800] =	vst v63  }
0x61: {  	_ =	swait.ge [sflag:s14], $0x4000  }
0x62: {  	[sflag:s14] =	ssyncset.done $0x0  }
0x63: {  	s30 =	simm.s32 $0x100;
	[sflag:s14] =	ssyncadd.s32 $0xFFFFC000  }
0x64: {  	[tilespmem:s17], [sflag:$0x1] =	stream.indirect.gather [hbm4b:s4+s16], $0x80, s30, s16, $0xb8;
	[tilespmem:$0x1E800] =	vst v63  }
0x65: {  	_ =	swait.ge [sflag:s20], $0x4000  }
0x66: {  	[sflag:s20] =	ssyncset.done $0x0  }
0x67: {  	s31 =	simm.s32 $0x1480;
	[sflag:s20] =	ssyncadd.s32 $0xFFFFC000  }
0x68: {  	[spmem:s1] =	stream.indirect.scatter.add.f32 [tilespmem:s18], [sflag:$0x3], $0x80, s31, s16, $0xb8;
	[tilespmem:$0x1E800] =	vst v63  }
0x69: {  	_ =	swait.ge [sflag:s14], $0x4000  }
0x6a: {  	[sflag:s14] =	ssyncset.done $0x0  }
0x6b: {  	s25 =	simm.s32 $0x180;
	s24 =	simm.s32 $0x400;
	[sflag:s14] =	ssyncadd.s32 $0xFFFFC000  }
.LBB2_4:
0x6c: {  	[tilespmem:s18], [sflag:$0x2] =	stream.indirect.gather [hbm4b:s4+s16], $0x80, s25, s16, $0xb8;
	[tilespmem:$0x1E800] =	vst v63  }
0x6d: {  	s25 =	smov.u32 s24  }
0x6e: {  	p0 =	sne.s32 s24, $0x4800;
	s24 =	sadd.s32 $0x400, s24;
	_ =	swait.ge [sflag:s19], $0x4000  }
0x6f: {  	s25 =	sshra.s32 s25, $0x2;
	[sflag:s19] =	ssyncset.done $0x0  }
0x70: {  	s26 =	sadd.s32 $0x1400, s25;
	[sflag:s19] =	ssyncadd.s32 $0xFFFFC000  }
0x71: {  	[spmem:s1] =	stream.indirect.scatter.add.f32 [tilespmem:s17], [sflag:$0x3], $0x80, s26, s16, $0xb8;
	[tilespmem:$0x1E800] =	vst v63  }
0x72: {  	_ =	swait.ge [sflag:s14], $0x4000  }
0x73: {  	[sflag:s14] =	ssyncset.done $0x0  }
0x74: {  	s26 =	sadd.s32 $0x100, s25;
	[sflag:s14] =	ssyncadd.s32 $0xFFFFC000  }
0x75: {  	[tilespmem:s17], [sflag:$0x1] =	stream.indirect.gather [hbm4b:s4+s16], $0x80, s26, s16, $0xb8;
	[tilespmem:$0x1E800] =	vst v63  }
0x76: {  	_ =	swait.ge [sflag:s20], $0x4000  }
0x77: {  	[sflag:s20] =	ssyncset.done $0x0  }
.Ltmp1:
0x78: {  	s26 =	sadd.s32 $0x1480, s25;
	[sflag:s20] =	ssyncadd.s32 $0xFFFFC000;
	(pc) =	sbr.rel @p0 .LBB2_4-.Ltmp1, $4  }
0x79: {  	[spmem:s1] =	stream.indirect.scatter.add.f32 [tilespmem:s18], [sflag:$0x3], $0x80, s26, s16, $0xb8;
	[tilespmem:$0x1E800] =	vst v63  }
0x7a: {  	_ =	swait.ge [sflag:s14], $0x4000  }
0x7b: {  	[sflag:s14] =	ssyncset.done $0x0  }
0x7c: {  	s25 =	sadd.s32 $0x180, s25;
	[sflag:s14] =	ssyncadd.s32 $0xFFFFC000  }
0x7d: {  	[tilespmem:s18], [sflag:$0x2] =	stream.indirect.gather [hbm4b:s4+s16], $0x80, s25, s16, $0xb8;
	[tilespmem:$0x1E800] =	vst v63  }
0x7e: {  	_ =	swait.ge [sflag:s19], $0x4000  }
0x7f: {  	[sflag:s19] =	ssyncset.done $0x0  }
0x80: {  	[sflag:s19] =	ssyncadd.s32 $0xFFFFC000  }
0x81: {  	[spmem:s1] =	stream.indirect.scatter.add.f32 [tilespmem:s17], [sflag:$0x3], $0x80, s21, s16, $0xb8;
	[tilespmem:$0x1E800] =	vst v63  }
0x82: {  	_ =	swait.ge [sflag:s14], $0x4000  }
0x83: {  	[sflag:s14] =	ssyncset.done $0x0  }
0x84: {  	[sflag:s14] =	ssyncadd.s32 $0xFFFFC000  }
0x85: {  	_ =	swait.ge [sflag:s20], $0x4000  }
0x86: {  	[sflag:s20] =	ssyncset.done $0x0  }
0x87: {  	[sflag:s20] =	ssyncadd.s32 $0xFFFFC000  }
0x88: {  	[spmem:s1] =	stream.indirect.scatter.add.f32 [tilespmem:s18], [sflag:$0x3], $0x80, s22, s16, $0xb8;
	[tilespmem:$0x1E800] =	vst v63  }
0x89: {  	_ =	swait.ge [sflag:s14], $0x4000  }
0x8a: {  	s23 =	sadd.s32 $0x1, s23;
	[sflag:s14] =	ssyncset.done $0x0  }
0x8b: {  	p0 =	sne.s32 s23, s12;
	[sflag:s14] =	ssyncadd.s32 $0xFFFFC000  }
.Ltmp2:
0x8c: {  	[bflag:$0x0] =	sbarrier.arrive $0xFFFF;
	(pc) =	sbr.rel @p0 .LBB2_1-.Ltmp2, $4  }
0x8d: {  	[hbm:s11], [sflag:s6] =	dma.local [spmem:s13], $0x2800  }
0x8e: {  	_ =	swait.ge [sflag:s14], $0x2800  }
0x8f: {  	[sflag:s14] =	ssyncset.done $0x0  }
0x90: {  	[sflag:s14] =	ssyncadd.s32 $0xFFFFD800  }
0x91: {  	_ =	sfence.sel $0x180000  }
0x92: {  	[bflag:$0x0] =	sbarrier.arrive $0xFFFF  }
0x93: {  	p0 =	sne.s32 s2, $0x0;
	_ =	strace $0x9000004A  }
0x94: {  	s0 =	sadd.s32 @!p0 $0x100000, s0;
	[bflag:$0x2] =	sbarrier.arrive $0xFFFF  }
0x95: {  	[sflag:s0] =	ssyncadd.tile.s32 @!p0 $0x1;
	_ =	shalt  }
.Lfunc_end2:
_tile_overlayer_lowered:
.L_overlay_start_2:
0x96: {  	(tag) =	ssettag $0x2  }
0x97: {  	s0 =	rddreg [dreg:$0x0];
	s2 =	stileid.u32  }
0x98: {  	s1 =	rddreg [dreg:$0x1];
	p0 =	sne.s32 s2, $0x0  }
0x99: {  	s3 =	rddreg [dreg:$0x2];
	[bflag:$0x3] =	sbarrier.arrive $0xFFFF;
	s2 =	simm.s32 @!p0 $0x1C03  }
0x9a: {  	[timem:s3], [sflag:s2] =	dma.local @!p0 [hbm:s0], s1  }
0x9b: {  	s0 =	simm.s32 @!p0 $0x3  }
0x9c: {  	_ =	swait.ge @!p0 [sflag:s0], s1  }
0x9d: {  	s1 =	ssub.s32 @!p0 $0x0, s1;
	[sflag:s0] =	ssyncset.done @!p0 $0x0  }
0x9e: {  	[sflag:s0] =	ssyncadd.s32 @!p0 s1  }
0x9f: {  	[bflag:$0x3] =	sbarrier.arrive $0xFFFF  }
0xa0: {  	_ =	shalt  }

// kernel: kernel.15.cloned.1.call-start
scs
__scs_entry_jumppad:
0x0: {  	(pc) =	sbr.rel $0x88, $3  }
0x1: {  	(tag) =	ssettag $0x0;
	lr =	simm.s32 $0x1  }
0x2: {  	[smem:$0x3F9A] =	sst lr;
	_ =	strace $0xD0000000  }
0x3: {  	_ = 	snop  }
0x4: {  	_ = 	snop  }
0x5: {  	_ = 	snop  }
0x6: {  	_ = 	snop  }
0x7: {  	_ = 	snop  }
__scs_overlays_trampoline_lowered:
0x8: {  	[smem:$0x3FA9] =	sst s0  }
0x9: {  	[smem:$0x3FAA] =	sst s1  }
0xa: {  	[smem:$0x3FAB] =	sst s2  }
0xb: {  	[smem:$0x3FAC] =	sst s3  }
0xc: {  	[smem:$0x3FAD] =	sst s4  }
0xd: {  	[smem:$0x3FAE] =	sst s5  }
0xe: {  	[smem:$0x3FAF] =	sst s6  }
0xf: {  	[smem:$0x3FB0] =	sst s7  }
0x10: {  	[smem:$0x3FB1] =	sst s8  }
0x11: {  	[smem:$0x3FB2] =	sst s9;
	s0 =	simm.s32 @!p0 $0x0  }
0x12: {  	s1 =	sld [smem:$0x3F98];
	s0 =	simm.s32 @p0 $0x1  }
0x13: {  	[smem:$0x3FB3] =	sst s0;
	s0 =	simm.s32 @!p1 $0x0  }
0x14: {  	s2 =	sld [smem:$0x3F97];
	s0 =	simm.s32 @p1 $0x1  }
0x15: {  	[smem:$0x3FB4] =	sst s0;
	s0 =	simm.s32 @!p2 $0x0  }
0x16: {  	s3 =	sld [smem:$0x3FDB];
	s0 =	simm.s32 @p2 $0x1  }
0x17: {  	s4 =	simm.s32 $0x1BF5;
	[smem:$0x3FB6] =	sst s0  }
0x18: {  	s0 =	sld [smem:$0x3F99];
	_ =	swait.ge [sflag:s4], $0x0  }
0x19: {  	s7 =	sld [smem:$0x3F9A]  }
0x1a: {  	s8 =	sadd.s32 $0xFFFFE003, lr  }
0x1b: {  	s9 =	sadd.s32 $0xFFFFFEF7, lr;
	s5 =	simm.s32 $0xFFFFFFFF;
	p2 =	slt.u32 s8, $0xFFFFF086  }
0x1c: {  	p1 =	slt.u32 s9, $0xF7A;
	s5 =	simm.s32 @!p2 $0x0  }
0x1d: {  	s5 =	simm.s32 @p1 $0x1;
	p0 =	seq.s32 s7, s2  }
0x1e: {  	s7 =	smul.u32 @!p0 $0xF7A, s2;
	p2 =	seq.s32 @!p0 s5, $0x0  }
0x1f: {  	s9 =	smul.u32 $0xF7A, s1;
	s8 =	simm.s32 @!p0 $0x1BF5;
	p2 =	por !p2, p0  }
0x20: {  	[sflag:s8] =	ssyncset.s32 @!p0 $0xFFFFF086;
	s6 =	sadd.s32 @!p0 s3, s7;
	s7 =	simm.s32 @!p0 $0x108  }
0x21: {  	s3 =	sadd.s32 s3, s9;
	s6 =	sadd.s32 @!p0 $0x88, s6;
	s7 =	simm.s32 @p2 $0x1082  }
0x22: {  	[simem:s7], [sflag:s8] =	dma.local @!p0 [hbm:s6], $0xF7A  }
0x23: {  	s9 =	sor.u32 $0xD0000000, s2;
	s6 =	simm.s32 $0x108;
	_ =	swait.ge @!p0 [sflag:s8], $0x0  }
0x24: {  	s3 =	sadd.s32 $0x88, s3;
	s6 =	simm.s32 @!p1 $0x1082;
	[sflag:s4] =	ssyncset.s32 $0xFFFFF086  }
0x25: {  	[simem:s6], [sflag:s4] =	dma.local [hbm:s3], $0xF7A  }
0x26: {  	[smem:$0x3F9A] =	sst s1;
	(tag) =	ssettag s2;
	_ =	strace s9  }
0x27: {  	s1 =	sld [smem:$0x3FAA]  }
0x28: {  	s2 =	sld [smem:$0x3FAB]  }
0x29: {  	s4 =	sld [smem:$0x3FAD]  }
0x2a: {  	p0 =	seq.s32 s5, $0x0;
	s5 =	sld [smem:$0x3FAE]  }
0x2b: {  	s6 =	sld [smem:$0x3FAF]  }
0x2c: {  	s7 =	sld [smem:$0x3FB0]  }
0x2d: {  	s3 =	simm.s32 $0x108;
	s8 =	sld [smem:$0x3FB1]  }
0x2e: {  	s3 =	simm.s32 @!p0 $0x1082;
	s9 =	sld [smem:$0x3FB2]  }
0x2f: {  	lr =	sadd.s32 s0, s3;
	s0 =	sld [smem:$0x3FA9]  }
0x30: {  	s3 =	sld [smem:$0x3FAC]  }
0x31: {  	[smem:$0x3FB5] =	sst s10  }
0x32: {  	s10 =	sld [smem:$0x3FB3];
	_ =	sdelay $0x3  }
0x33: {  	p0 =	seq.s32 s10, $0x1;
	s10 =	sld [smem:$0x3FB5];
	_ =	sdelay $0x3  }
0x34: {  	[smem:$0x3FB5] =	sst s10  }
0x35: {  	s10 =	sld [smem:$0x3FB4];
	_ =	sdelay $0x3  }
0x36: {  	p1 =	seq.s32 s10, $0x1;
	s10 =	sld [smem:$0x3FB5];
	_ =	sdelay $0x3  }
0x37: {  	[smem:$0x3FB5] =	sst s10  }
0x38: {  	s10 =	sld [smem:$0x3FB6]  }
0x39: {  	_ = 	snop;
	(pc) =	sbr.ind lr, $3  }
0x3a: {  	_ = 	snop  }
0x3b: {  	_ = 	snop  }
0x3c: {  	p2 =	seq.s32 s10, $0x1;
	s10 =	sld [smem:$0x3FB5]  }
0x3d: {  	_ =	shalt  }
0x3e: {  	_ =	shalt  }
0x3f: {  	_ =	shalt  }
0x40: {  	_ =	shalt  }
0x41: {  	_ =	shalt  }
0x42: {  	_ =	shalt  }
0x43: {  	_ =	shalt  }
0x44: {  	_ =	shalt  }
0x45: {  	_ =	shalt  }
0x46: {  	_ =	shalt  }
0x47: {  	_ =	shalt  }
0x48: {  	_ =	shalt  }
0x49: {  	_ =	shalt  }
0x4a: {  	_ =	shalt  }
0x4b: {  	_ =	shalt  }
0x4c: {  	_ =	shalt  }
0x4d: {  	_ =	shalt  }
0x4e: {  	_ =	shalt  }
0x4f: {  	_ =	shalt  }
0x50: {  	_ =	shalt  }
0x51: {  	_ =	shalt  }
0x52: {  	_ =	shalt  }
0x53: {  	_ =	shalt  }
0x54: {  	_ =	shalt  }
0x55: {  	_ =	shalt  }
0x56: {  	_ =	shalt  }
0x57: {  	_ =	shalt  }
0x58: {  	_ =	shalt  }
0x59: {  	_ =	shalt  }
0x5a: {  	_ =	shalt  }
0x5b: {  	_ =	shalt  }
0x5c: {  	_ =	shalt  }
0x5d: {  	_ =	shalt  }
0x5e: {  	_ =	shalt  }
0x5f: {  	_ =	shalt  }
0x60: {  	_ =	shalt  }
0x61: {  	_ =	shalt  }
0x62: {  	_ =	shalt  }
0x63: {  	_ =	shalt  }
0x64: {  	_ =	shalt  }
0x65: {  	_ =	shalt  }
0x66: {  	_ =	shalt  }
0x67: {  	_ =	shalt  }
0x68: {  	_ =	shalt  }
0x69: {  	_ =	shalt  }
0x6a: {  	_ =	shalt  }
0x6b: {  	_ =	shalt  }
0x6c: {  	_ =	shalt  }
0x6d: {  	_ =	shalt  }
0x6e: {  	_ =	shalt  }
0x6f: {  	_ =	shalt  }
0x70: {  	_ =	shalt  }
0x71: {  	_ =	shalt  }
0x72: {  	_ =	shalt  }
0x73: {  	_ =	shalt  }
0x74: {  	_ =	shalt  }
0x75: {  	_ =	shalt  }
0x76: {  	_ =	shalt  }
0x77: {  	_ =	shalt  }
0x78: {  	_ =	shalt  }
0x79: {  	_ =	shalt  }
0x7a: {  	_ =	shalt  }
0x7b: {  	_ =	shalt  }
0x7c: {  	_ =	shalt  }
0x7d: {  	_ =	shalt  }
0x7e: {  	_ =	shalt  }
0x7f: {  	_ =	shalt  }
0x80: {  	_ =	shalt  }
0x81: {  	_ =	shalt  }
0x82: {  	_ =	shalt  }
0x83: {  	_ =	shalt  }
0x84: {  	_ =	shalt  }
0x85: {  	_ =	shalt  }
0x86: {  	_ =	shalt  }
0x87: {  	_ =	shalt  }
.Lfunc_end0:
.L_simem_size_0:
called_computation.2_lowered:
.L_overlay_start_0:
0x88: {  	s2 =	sld [smem:$0x3FD9]  }
0x89: {  	s3 =	sld [smem:$0x3FFE];
	_ =	sdelay $0x1  }
0x8a: {  	s1 =	srdreg.scid  }
0x8b: {  	s0 =	sand.u32 $0x1, s1  }
0x8c: {  	s17 =	sshll.u32 s0, $0xA;
	s2 =	sadd.s32 s3, s2  }
0x8d: {  	s2 =	sadd.s32 s2, s17  }
0x8e: {  	[smem:$0x3FC1] =	sst s2  }
0x8f: {  	_ = 	snop  }
0x90: {  	s2 =	sld [smem:$0x3FD0];
	(tm) =	ssettm $0x1  }
0x91: {  	s18 =	sld [smem:$0x3FFB];
	_ =	sdelay $0x3  }
0x92: {  	_ =	strace s18  }
0x93: {  	s3 =	sld [smem:$0x3FFC];
	_ =	sdelay $0x3  }
0x94: {  	_ =	strace s3  }
0x95: {  	s3 =	sld [smem:$0x3FFD];
	_ =	sdelay $0x3  }
0x96: {  	_ =	strace s3  }
0x97: {  	_ =	strace $0x8FFFFFFF  }
0x98: {  	s19 =	sld [smem:$0x3FDB];
	_ =	sdelay $0x1  }
0x99: {  	s4 =	simm.s32 $_scs_section_size  }
0x9a: {  	s5 =	simm.s32 $_size__tile_overlayer_lowered;
	s6 =	simm.s32 $_tile_overlayer_lowered  }
0x9b: {  	s22 =	simm.s32 $0x1BFF;
	s21 =	sshll.u32 s6, $0x1;
	s3 =	sadd.s32 s4, s19  }
0x9c: {  	s7 =	simm.s32 $0x0;
	s20 =	sshll.u32 s5, $0x1;
	s5 =	sadd.s32 s21, s3  }
0x9d: {  	[timem:s7], [sflag:s22] =	dma.local [hbm:s5], s20  }
0x9e: {  	_ =	swait.ge [sflag:s22], s20  }
0x9f: {  	s4 =	ssub.s32 $0x0, s20;
	[sflag:s22] =	ssyncset.done $0x0  }
0xa0: {  	[sflag:s22] =	ssyncadd.s32 s4;
	_ =	sdelay $0x1  }
0xa1: {  	s23 =	simm.s32 $0x1B8B  }
0xa2: {  	_ =	swait.ge [sflag:s23], $0x1  }
0xa3: {  	[sflag:s23] =	ssyncset.done $0x0  }
0xa4: {  	s25 =	simm.s32 $0x1B8E;
	s24 =	sld [smem:$0x3FFE];
	[sflag:s23] =	ssyncadd.s32 $0xFFFFFFFF  }
0xa5: {  	s26 =	simm.s32 $execute0_lowered;
	[smem:$0x3FD2] =	sst s25  }
0xa6: {  	s5 =	sshll.u32 s26, $0x1;
	_ =	strace $0x8000004C;
	[dreg:$0x1] =	wrdreg $0xFFFFFFFF  }
0xa7: {  	s28 =	simm.s32 $_size_execute0_lowered;
	s3 =	sadd.s32 s3, s5;
	[dreg:$0x0] =	wrdreg $0x0  }
0xa8: {  	s5 =	sshll.u32 s28, $0x1;
	[dreg:$0x2] =	wrdreg s3  }
0xa9: {  	[dreg:$0x3] =	wrdreg s5  }
0xaa: {  	[dreg:$0x4] =	wrdreg $0xC0  }
0xab: {  	_ =	task [dreg:s7], $0x5FFFF  }
0xac: {  	[dreg:$0x1] =	wrdreg $0xFFFFFFFF  }
0xad: {  	[dreg:$0x0] =	wrdreg $0x60  }
0xae: {  	[dreg:$0x2] =	wrdreg s24  }
0xaf: {  	[dreg:$0x3] =	wrdreg s2  }
0xb0: {  	[dreg:$0x4] =	wrdreg $0xA8000  }
0xb1: {  	[dreg:$0x5] =	wrdreg $0x9  }
0xb2: {  	_ =	task.clear_ibuf [dreg:s7], $0x6FFFF;
	_ =	strace $0x9000004C  }
0xb3: {  	s29 =	simm.s32 $0x9;
	_ =	strace $0x8000004E  }
0xb4: {  	_ =	swait.ge [sflag:s29], $0x1  }
0xb5: {  	[sflag:s29] =	ssyncadd.s32 $0xFFFFFFFF  }
0xb6: {  	_ =	strace $0x9000004E  }
0xb7: {  	_ =	sfence  }
0xb8: {  	s30 =	sld [smem:$0x0];
	_ =	sdelay $0x2  }
0xb9: {  	s31 =	sshll.u32 s1, $0xD;
	s1 =	sshrl.u32 s1, $0x2  }
0xba: {  	s3 =	sand.u32 $0x4000, s31;
	s1 =	sadd.s32 s1, s30  }
0xbb: {  	s0 =	sor.u32 s3, s0;
	s1 =	sshll.u32 s1, $0x11  }
0xbc: {  	s0 =	sor.u32 s1, s0  }
0xbd: {  	s0 =	sadd.s32 $0x8F2B, s0  }
0xbe: {  	[sflag:s0] =	ssyncadd.remote.s32 $0x1  }
0xbf: {  	_ =	sfence.sel $0xFFFF  }
0xc0: {  	[dreg:$0x0] =	wrdreg $0xFFFFFFFF;
	(pc) =	sbr.abs _section_cstart, $3  }
0xc1: {  	[dreg:$0x1] =	wrdreg $0xFFFFFFFF  }
0xc2: {  	_ =	task.clear_ibuf [dreg:s7], $0x2FFFF;
	_ =	strace $0x9FFFFFFF  }
0xc3: {  	(tm) =	ssettm $0x7FFFFFFF  }
tec
execute0_lowered:
.L_overlay_start_1:
0x0: {  	(tag) =	ssettag $0x1  }
0x1: {  	s6 =	rddreg [dreg:$0x0]  }
0x2: {  	s10 =	rddreg [dreg:$0x1]  }
0x3: {  	s1 =	rddreg [dreg:$0x2]  }
0x4: {  	s2 =	srdreg.scid;
	s0 =	rddreg [dreg:$0x3];
	s3 =	simm.s32 $0x0  }
0x5: {  	s16 =	simm.s32 $0x80;
	s17 =	simm.s32 $0x2800;
	s18 =	simm.s32 $0x6800  }
0x6: {  	s19 =	simm.s32 $0x1;
	s20 =	simm.s32 $0x2;
	s21 =	simm.s32 $0x2700  }
0x7: {  	s22 =	simm.s32 $0x2780;
	s7 =	sand.u32 $0x1, s2;
	s2 =	stileid.u32  }
0x8: {  	s23 =	simm.s32 $0x0;
	[smem:$0x7FF] =	sst s3;
	s5 =	smul.u32 $0x140000, s7  }
0x9: {  	s4 =	sadd.s32 $0x3400, s6;
	s9 =	sadd.s32 $0x2B400, s6;
	s8 =	smul.u32 $0x14000, s2  }
0xa: {  	_ =	strace $0x8000004D;
	s11 =	sshll.u32 s7, $0x4;
	s7 =	ssub.s32 $0x2, s7  }
0xb: {  	s12 =	smul.u32 $0x50000, s2;
	s31 =	sshll.u32 s2, $0x6;
	s11 =	sor.u32 s2, s11  }
0xc: {  	s28 =	sshrl.u32 s7, $0x1;
	s8 =	sadd.s32 s8, s5;
	s5 =	sadd.s32 $0x3F400, s6  }
0xd: {  	s29 =	smul.u32 $0x2800, s11;
	s14 =	ssub.s32 s7, s28;
	s30 =	sshrl.u32 s12, $0x2  }
0xe: {  	s8 =	sshrl.u32 s8, $0x3;
	s15 =	sadd.s32 s30, s1;
	s12 =	smax.u32 s14, $0x1  }
0xf: {  	s14 =	simm.s32 $0x3;
	s13 =	sadd.s32 s8, s6;
	s11 =	sshrl.u32 s29, $0x3  }
0x10: {  	s7 =	sadd.s32 s9, s11;
	s8 =	sadd.s32 s10, s11;
	s11 =	sadd.s32 $0x280, s11  }
0x11: {  	s6 =	sor.u32 $0x1C03, s31;
	s9 =	sadd.s32 s9, s11;
	s10 =	sadd.s32 s10, s11  }
0x12: {  	s11 =	sadd.s32 $0x91C00, s13;
	s13 =	sshrl.u32 s15, $0x3;
	s15 =	simm.s32 $0x1400  }
.LBB2_1:
0x13: {  	[spmem:s13], [sflag:s6] =	dma.local [hbm:s5], $0x2800  }
0x14: {  	_ =	swait.ge [sflag:s14], $0x2800  }
0x15: {  	[sflag:s14] =	ssyncset.done $0x0  }
0x16: {  	[sflag:s14] =	ssyncadd.s32 $0xFFFFD800  }
0x17: {  	[bflag:$0x0] =	sbarrier.arrive $0xFFFF  }
0x18: {  	[tilespmem:s3], [sflag:$0x3] =	stream.linear.gather [hbm4b:s7+s3], $0x1400, $0x38;
	[tilespmem:$0x1E800] =	vst v63  }
0x19: {  	_ =	swait.ge [sflag:s14], $0x1400  }
0x1a: {  	[sflag:s14] =	ssyncset.done $0x0  }
0x1b: {  	[sflag:s14] =	ssyncadd.s32 $0xFFFFEC00  }
0x1c: {  	[tilespmem:s15], [sflag:$0x3] =	stream.linear.gather [hbm4b:s8+s3], $0x1400, $0x38;
	[tilespmem:$0x1E800] =	vst v63  }
0x1d: {  	_ =	swait.ge [sflag:s14], $0x1400  }
0x1e: {  	[sflag:s14] =	ssyncset.done $0x0  }
0x1f: {  	[sflag:s14] =	ssyncadd.s32 $0xFFFFEC00  }
0x20: {  	[tilespmem:s17], [sflag:$0x1] =	stream.indirect.gather [hbm4b:s4+s16], $0x80, s3, s16, $0xb8;
	[tilespmem:$0x1E800] =	vst v63  }
0x21: {  	_ = 	snop  }
0x22: {  	[tilespmem:s18], [sflag:$0x2] =	stream.indirect.gather [hbm4b:s4+s16], $0x80, s16, s16, $0xb8;
	[tilespmem:$0x1E800] =	vst v63  }
0x23: {  	_ =	swait.ge [sflag:s19], $0x4000  }
0x24: {  	[sflag:s19] =	ssyncset.done $0x0  }
0x25: {  	s24 =	simm.s32 $0x1400;
	[sflag:s19] =	ssyncadd.s32 $0xFFFFC000  }
0x26: {  	[spmem:s1] =	stream.indirect.scatter.add.f32 [tilespmem:s17], [sflag:$0x3], $0x80, s24, s16, $0xb8;
	[tilespmem:$0x1E800] =	vst v63  }
0x27: {  	_ =	swait.ge [sflag:s14], $0x4000  }
0x28: {  	[sflag:s14] =	ssyncset.done $0x0  }
0x29: {  	s30 =	simm.s32 $0x100;
	[sflag:s14] =	ssyncadd.s32 $0xFFFFC000  }
0x2a: {  	[tilespmem:s17], [sflag:$0x1] =	stream.indirect.gather [hbm4b:s4+s16], $0x80, s30, s16, $0xb8;
	[tilespmem:$0x1E800] =	vst v63  }
0x2b: {  	_ =	swait.ge [sflag:s20], $0x4000  }
0x2c: {  	[sflag:s20] =	ssyncset.done $0x0  }
0x2d: {  	s31 =	simm.s32 $0x1480;
	[sflag:s20] =	ssyncadd.s32 $0xFFFFC000  }
0x2e: {  	[spmem:s1] =	stream.indirect.scatter.add.f32 [tilespmem:s18], [sflag:$0x3], $0x80, s31, s16, $0xb8;
	[tilespmem:$0x1E800] =	vst v63  }
0x2f: {  	_ =	swait.ge [sflag:s14], $0x4000  }
0x30: {  	[sflag:s14] =	ssyncset.done $0x0  }
0x31: {  	s25 =	simm.s32 $0x180;
	s24 =	simm.s32 $0x400;
	[sflag:s14] =	ssyncadd.s32 $0xFFFFC000  }
.LBB2_2:
0x32: {  	[tilespmem:s18], [sflag:$0x2] =	stream.indirect.gather [hbm4b:s4+s16], $0x80, s25, s16, $0xb8;
	[tilespmem:$0x1E800] =	vst v63  }
0x33: {  	s25 =	smov.u32 s24  }
0x34: {  	p0 =	sne.s32 s24, $0x4800;
	s24 =	sadd.s32 $0x400, s24;
	_ =	swait.ge [sflag:s19], $0x4000  }
0x35: {  	s25 =	sshra.s32 s25, $0x2;
	[sflag:s19] =	ssyncset.done $0x0  }
0x36: {  	s26 =	sadd.s32 $0x1400, s25;
	[sflag:s19] =	ssyncadd.s32 $0xFFFFC000  }
0x37: {  	[spmem:s1] =	stream.indirect.scatter.add.f32 [tilespmem:s17], [sflag:$0x3], $0x80, s26, s16, $0xb8;
	[tilespmem:$0x1E800] =	vst v63  }
0x38: {  	_ =	swait.ge [sflag:s14], $0x4000  }
0x39: {  	[sflag:s14] =	ssyncset.done $0x0  }
0x3a: {  	s26 =	sadd.s32 $0x100, s25;
	[sflag:s14] =	ssyncadd.s32 $0xFFFFC000  }
0x3b: {  	[tilespmem:s17], [sflag:$0x1] =	stream.indirect.gather [hbm4b:s4+s16], $0x80, s26, s16, $0xb8;
	[tilespmem:$0x1E800] =	vst v63  }
0x3c: {  	_ =	swait.ge [sflag:s20], $0x4000  }
0x3d: {  	[sflag:s20] =	ssyncset.done $0x0  }
.Ltmp0:
0x3e: {  	s26 =	sadd.s32 $0x1480, s25;
	[sflag:s20] =	ssyncadd.s32 $0xFFFFC000;
	(pc) =	sbr.rel @p0 .LBB2_2-.Ltmp0, $4  }
0x3f: {  	[spmem:s1] =	stream.indirect.scatter.add.f32 [tilespmem:s18], [sflag:$0x3], $0x80, s26, s16, $0xb8;
	[tilespmem:$0x1E800] =	vst v63  }
0x40: {  	_ =	swait.ge [sflag:s14], $0x4000  }
0x41: {  	[sflag:s14] =	ssyncset.done $0x0  }
0x42: {  	s25 =	sadd.s32 $0x180, s25;
	[sflag:s14] =	ssyncadd.s32 $0xFFFFC000  }
0x43: {  	[tilespmem:s18], [sflag:$0x2] =	stream.indirect.gather [hbm4b:s4+s16], $0x80, s25, s16, $0xb8;
	[tilespmem:$0x1E800] =	vst v63  }
0x44: {  	_ =	swait.ge [sflag:s19], $0x4000  }
0x45: {  	[sflag:s19] =	ssyncset.done $0x0  }
0x46: {  	[sflag:s19] =	ssyncadd.s32 $0xFFFFC000  }
0x47: {  	[spmem:s1] =	stream.indirect.scatter.add.f32 [tilespmem:s17], [sflag:$0x3], $0x80, s21, s16, $0xb8;
	[tilespmem:$0x1E800] =	vst v63  }
0x48: {  	_ =	swait.ge [sflag:s14], $0x4000  }
0x49: {  	[sflag:s14] =	ssyncset.done $0x0  }
0x4a: {  	[sflag:s14] =	ssyncadd.s32 $0xFFFFC000  }
0x4b: {  	_ =	swait.ge [sflag:s20], $0x4000  }
0x4c: {  	[sflag:s20] =	ssyncset.done $0x0  }
0x4d: {  	[sflag:s20] =	ssyncadd.s32 $0xFFFFC000  }
0x4e: {  	[spmem:s1] =	stream.indirect.scatter.add.f32 [tilespmem:s18], [sflag:$0x3], $0x80, s22, s16, $0xb8;
	[tilespmem:$0x1E800] =	vst v63  }
0x4f: {  	_ =	swait.ge [sflag:s14], $0x4000  }
0x50: {  	[sflag:s14] =	ssyncset.done $0x0  }
0x51: {  	s24 =	simm.s32 $0x0;
	[sflag:s14] =	ssyncadd.s32 $0xFFFFC000  }
0x52: {  	[tilespmem:s24], [sflag:$0x3] =	stream.linear.gather [hbm4b:s9+s24], $0x1400, $0x38;
	[tilespmem:$0x1E800] =	vst v63  }
0x53: {  	_ =	swait.ge [sflag:s14], $0x1400  }
0x54: {  	[sflag:s14] =	ssyncset.done $0x0  }
0x55: {  	[sflag:s14] =	ssyncadd.s32 $0xFFFFEC00  }
0x56: {  	[tilespmem:s15], [sflag:$0x3] =	stream.linear.gather [hbm4b:s10+s24], $0x1400, $0x38;
	[tilespmem:$0x1E800] =	vst v63  }
0x57: {  	_ =	swait.ge [sflag:s14], $0x1400  }
0x58: {  	[sflag:s14] =	ssyncset.done $0x0  }
0x59: {  	[sflag:s14] =	ssyncadd.s32 $0xFFFFEC00  }
0x5a: {  	[tilespmem:s17], [sflag:$0x1] =	stream.indirect.gather [hbm4b:s4+s16], $0x80, s24, s16, $0xb8;
	[tilespmem:$0x1E800] =	vst v63  }
0x5b: {  	_ = 	snop  }
0x5c: {  	[tilespmem:s18], [sflag:$0x2] =	stream.indirect.gather [hbm4b:s4+s16], $0x80, s16, s16, $0xb8;
	[tilespmem:$0x1E800] =	vst v63  }
0x5d: {  	_ =	swait.ge [sflag:s19], $0x4000  }
0x5e: {  	[sflag:s19] =	ssyncset.done $0x0  }
0x5f: {  	s29 =	simm.s32 $0x1400;
	[sflag:s19] =	ssyncadd.s32 $0xFFFFC000  }
0x60: {  	[spmem:s1] =	stream.indirect.scatter.add.f32 [tilespmem:s17], [sflag:$0x3], $0x80, s29, s16, $0xb8;
	[tilespmem:$0x1E800] =	vst v63  }
0x61: {  	_ =	swait.ge [sflag:s14], $0x4000  }
0x62: {  	[sflag:s14] =	ssyncset.done $0x0  }
0x63: {  	s30 =	simm.s32 $0x100;
	[sflag:s14] =	ssyncadd.s32 $0xFFFFC000  }
0x64: {  	[tilespmem:s17], [sflag:$0x1] =	stream.indirect.gather [hbm4b:s4+s16], $0x80, s30, s16, $0xb8;
	[tilespmem:$0x1E800] =	vst v63  }
0x65: {  	_ =	swait.ge [sflag:s20], $0x4000  }
0x66: {  	[sflag:s20] =	ssyncset.done $0x0  }
0x67: {  	s31 =	simm.s32 $0x1480;
	[sflag:s20] =	ssyncadd.s32 $0xFFFFC000  }
0x68: {  	[spmem:s1] =	stream.indirect.scatter.add.f32 [tilespmem:s18], [sflag:$0x3], $0x80, s31, s16, $0xb8;
	[tilespmem:$0x1E800] =	vst v63  }
0x69: {  	_ =	swait.ge [sflag:s14], $0x4000  }
0x6a: {  	[sflag:s14] =	ssyncset.done $0x0  }
0x6b: {  	s25 =	simm.s32 $0x180;
	s24 =	simm.s32 $0x400;
	[sflag:s14] =	ssyncadd.s32 $0xFFFFC000  }
.LBB2_4:
0x6c: {  	[tilespmem:s18], [sflag:$0x2] =	stream.indirect.gather [hbm4b:s4+s16], $0x80, s25, s16, $0xb8;
	[tilespmem:$0x1E800] =	vst v63  }
0x6d: {  	s25 =	smov.u32 s24  }
0x6e: {  	p0 =	sne.s32 s24, $0x4800;
	s24 =	sadd.s32 $0x400, s24;
	_ =	swait.ge [sflag:s19], $0x4000  }
0x6f: {  	s25 =	sshra.s32 s25, $0x2;
	[sflag:s19] =	ssyncset.done $0x0  }
0x70: {  	s26 =	sadd.s32 $0x1400, s25;
	[sflag:s19] =	ssyncadd.s32 $0xFFFFC000  }
0x71: {  	[spmem:s1] =	stream.indirect.scatter.add.f32 [tilespmem:s17], [sflag:$0x3], $0x80, s26, s16, $0xb8;
	[tilespmem:$0x1E800] =	vst v63  }
0x72: {  	_ =	swait.ge [sflag:s14], $0x4000  }
0x73: {  	[sflag:s14] =	ssyncset.done $0x0  }
0x74: {  	s26 =	sadd.s32 $0x100, s25;
	[sflag:s14] =	ssyncadd.s32 $0xFFFFC000  }
0x75: {  	[tilespmem:s17], [sflag:$0x1] =	stream.indirect.gather [hbm4b:s4+s16], $0x80, s26, s16, $0xb8;
	[tilespmem:$0x1E800] =	vst v63  }
0x76: {  	_ =	swait.ge [sflag:s20], $0x4000  }
0x77: {  	[sflag:s20] =	ssyncset.done $0x0  }
.Ltmp1:
0x78: {  	s26 =	sadd.s32 $0x1480, s25;
	[sflag:s20] =	ssyncadd.s32 $0xFFFFC000;
	(pc) =	sbr.rel @p0 .LBB2_4-.Ltmp1, $4  }
0x79: {  	[spmem:s1] =	stream.indirect.scatter.add.f32 [tilespmem:s18], [sflag:$0x3], $0x80, s26, s16, $0xb8;
	[tilespmem:$0x1E800] =	vst v63  }
0x7a: {  	_ =	swait.ge [sflag:s14], $0x4000  }
0x7b: {  	[sflag:s14] =	ssyncset.done $0x0  }
0x7c: {  	s25 =	sadd.s32 $0x180, s25;
	[sflag:s14] =	ssyncadd.s32 $0xFFFFC000  }
0x7d: {  	[tilespmem:s18], [sflag:$0x2] =	stream.indirect.gather [hbm4b:s4+s16], $0x80, s25, s16, $0xb8;
	[tilespmem:$0x1E800] =	vst v63  }
0x7e: {  	_ =	swait.ge [sflag:s19], $0x4000  }
0x7f: {  	[sflag:s19] =	ssyncset.done $0x0  }
0x80: {  	[sflag:s19] =	ssyncadd.s32 $0xFFFFC000  }
0x81: {  	[spmem:s1] =	stream.indirect.scatter.add.f32 [tilespmem:s17], [sflag:$0x3], $0x80, s21, s16, $0xb8;
	[tilespmem:$0x1E800] =	vst v63  }
0x82: {  	_ =	swait.ge [sflag:s14], $0x4000  }
0x83: {  	[sflag:s14] =	ssyncset.done $0x0  }
0x84: {  	[sflag:s14] =	ssyncadd.s32 $0xFFFFC000  }
0x85: {  	_ =	swait.ge [sflag:s20], $0x4000  }
0x86: {  	[sflag:s20] =	ssyncset.done $0x0  }
0x87: {  	[sflag:s20] =	ssyncadd.s32 $0xFFFFC000  }
0x88: {  	[spmem:s1] =	stream.indirect.scatter.add.f32 [tilespmem:s18], [sflag:$0x3], $0x80, s22, s16, $0xb8;
	[tilespmem:$0x1E800] =	vst v63  }
0x89: {  	_ =	swait.ge [sflag:s14], $0x4000  }
0x8a: {  	s23 =	sadd.s32 $0x1, s23;
	[sflag:s14] =	ssyncset.done $0x0  }
0x8b: {  	p0 =	sne.s32 s23, s12;
	[sflag:s14] =	ssyncadd.s32 $0xFFFFC000  }
.Ltmp2:
0x8c: {  	[bflag:$0x0] =	sbarrier.arrive $0xFFFF;
	(pc) =	sbr.rel @p0 .LBB2_1-.Ltmp2, $4  }
0x8d: {  	[hbm:s11], [sflag:s6] =	dma.local [spmem:s13], $0x2800  }
0x8e: {  	_ =	swait.ge [sflag:s14], $0x2800  }
0x8f: {  	[sflag:s14] =	ssyncset.done $0x0  }
0x90: {  	[sflag:s14] =	ssyncadd.s32 $0xFFFFD800  }
0x91: {  	_ =	sfence.sel $0x180000  }
0x92: {  	[bflag:$0x0] =	sbarrier.arrive $0xFFFF  }
0x93: {  	p0 =	sne.s32 s2, $0x0;
	_ =	strace $0x9000004D  }
0x94: {  	s0 =	sadd.s32 @!p0 $0x100000, s0;
	[bflag:$0x2] =	sbarrier.arrive $0xFFFF  }
0x95: {  	[sflag:s0] =	ssyncadd.tile.s32 @!p0 $0x1;
	_ =	shalt  }
.Lfunc_end2:
_tile_overlayer_lowered:
.L_overlay_start_2:
0x96: {  	(tag) =	ssettag $0x2  }
0x97: {  	s0 =	rddreg [dreg:$0x0];
	s2 =	stileid.u32  }
0x98: {  	s1 =	rddreg [dreg:$0x1];
	p0 =	sne.s32 s2, $0x0  }
0x99: {  	s3 =	rddreg [dreg:$0x2];
	[bflag:$0x3] =	sbarrier.arrive $0xFFFF;
	s2 =	simm.s32 @!p0 $0x1C03  }
0x9a: {  	[timem:s3], [sflag:s2] =	dma.local @!p0 [hbm:s0], s1  }
0x9b: {  	s0 =	simm.s32 @!p0 $0x3  }
0x9c: {  	_ =	swait.ge @!p0 [sflag:s0], s1  }
0x9d: {  	s1 =	ssub.s32 @!p0 $0x0, s1;
	[sflag:s0] =	ssyncset.done @!p0 $0x0  }
0x9e: {  	[sflag:s0] =	ssyncadd.s32 @!p0 s1  }
0x9f: {  	[bflag:$0x3] =	sbarrier.arrive $0xFFFF  }
0xa0: {  	_ =	shalt  }

// kernel: kernel.9.cloned.1.call-start
scs
__scs_entry_jumppad:
0x0: {  	(pc) =	sbr.rel $0x88, $3  }
0x1: {  	(tag) =	ssettag $0x0;
	lr =	simm.s32 $0x1  }
0x2: {  	[smem:$0x3F9A] =	sst lr;
	_ =	strace $0xD0000000  }
0x3: {  	_ = 	snop  }
0x4: {  	_ = 	snop  }
0x5: {  	_ = 	snop  }
0x6: {  	_ = 	snop  }
0x7: {  	_ = 	snop  }
__scs_overlays_trampoline_lowered:
0x8: {  	[smem:$0x3FA9] =	sst s0  }
0x9: {  	[smem:$0x3FAA] =	sst s1  }
0xa: {  	[smem:$0x3FAB] =	sst s2  }
0xb: {  	[smem:$0x3FAC] =	sst s3  }
0xc: {  	[smem:$0x3FAD] =	sst s4  }
0xd: {  	[smem:$0x3FAE] =	sst s5  }
0xe: {  	[smem:$0x3FAF] =	sst s6  }
0xf: {  	[smem:$0x3FB0] =	sst s7  }
0x10: {  	[smem:$0x3FB1] =	sst s8  }
0x11: {  	[smem:$0x3FB2] =	sst s9;
	s0 =	simm.s32 @!p0 $0x0  }
0x12: {  	s1 =	sld [smem:$0x3F98];
	s0 =	simm.s32 @p0 $0x1  }
0x13: {  	[smem:$0x3FB3] =	sst s0;
	s0 =	simm.s32 @!p1 $0x0  }
0x14: {  	s2 =	sld [smem:$0x3F97];
	s0 =	simm.s32 @p1 $0x1  }
0x15: {  	[smem:$0x3FB4] =	sst s0;
	s0 =	simm.s32 @!p2 $0x0  }
0x16: {  	s3 =	sld [smem:$0x3FDB];
	s0 =	simm.s32 @p2 $0x1  }
0x17: {  	s4 =	simm.s32 $0x1BF5;
	[smem:$0x3FB6] =	sst s0  }
0x18: {  	s0 =	sld [smem:$0x3F99];
	_ =	swait.ge [sflag:s4], $0x0  }
0x19: {  	s7 =	sld [smem:$0x3F9A]  }
0x1a: {  	s8 =	sadd.s32 $0xFFFFE003, lr  }
0x1b: {  	s9 =	sadd.s32 $0xFFFFFEF7, lr;
	s5 =	simm.s32 $0xFFFFFFFF;
	p2 =	slt.u32 s8, $0xFFFFF086  }
0x1c: {  	p1 =	slt.u32 s9, $0xF7A;
	s5 =	simm.s32 @!p2 $0x0  }
0x1d: {  	s5 =	simm.s32 @p1 $0x1;
	p0 =	seq.s32 s7, s2  }
0x1e: {  	s7 =	smul.u32 @!p0 $0xF7A, s2;
	p2 =	seq.s32 @!p0 s5, $0x0  }
0x1f: {  	s9 =	smul.u32 $0xF7A, s1;
	s8 =	simm.s32 @!p0 $0x1BF5;
	p2 =	por !p2, p0  }
0x20: {  	[sflag:s8] =	ssyncset.s32 @!p0 $0xFFFFF086;
	s6 =	sadd.s32 @!p0 s3, s7;
	s7 =	simm.s32 @!p0 $0x108  }
0x21: {  	s3 =	sadd.s32 s3, s9;
	s6 =	sadd.s32 @!p0 $0x88, s6;
	s7 =	simm.s32 @p2 $0x1082  }
0x22: {  	[simem:s7], [sflag:s8] =	dma.local @!p0 [hbm:s6], $0xF7A  }
0x23: {  	s9 =	sor.u32 $0xD0000000, s2;
	s6 =	simm.s32 $0x108;
	_ =	swait.ge @!p0 [sflag:s8], $0x0  }
0x24: {  	s3 =	sadd.s32 $0x88, s3;
	s6 =	simm.s32 @!p1 $0x1082;
	[sflag:s4] =	ssyncset.s32 $0xFFFFF086  }
0x25: {  	[simem:s6], [sflag:s4] =	dma.local [hbm:s3], $0xF7A  }
0x26: {  	[smem:$0x3F9A] =	sst s1;
	(tag) =	ssettag s2;
	_ =	strace s9  }
0x27: {  	s1 =	sld [smem:$0x3FAA]  }
0x28: {  	s2 =	sld [smem:$0x3FAB]  }
0x29: {  	s4 =	sld [smem:$0x3FAD]  }
0x2a: {  	p0 =	seq.s32 s5, $0x0;
	s5 =	sld [smem:$0x3FAE]  }
0x2b: {  	s6 =	sld [smem:$0x3FAF]  }
0x2c: {  	s7 =	sld [smem:$0x3FB0]  }
0x2d: {  	s3 =	simm.s32 $0x108;
	s8 =	sld [smem:$0x3FB1]  }
0x2e: {  	s3 =	simm.s32 @!p0 $0x1082;
	s9 =	sld [smem:$0x3FB2]  }
0x2f: {  	lr =	sadd.s32 s0, s3;
	s0 =	sld [smem:$0x3FA9]  }
0x30: {  	s3 =	sld [smem:$0x3FAC]  }
0x31: {  	[smem:$0x3FB5] =	sst s10  }
0x32: {  	s10 =	sld [smem:$0x3FB3];
	_ =	sdelay $0x3  }
0x33: {  	p0 =	seq.s32 s10, $0x1;
	s10 =	sld [smem:$0x3FB5];
	_ =	sdelay $0x3  }
0x34: {  	[smem:$0x3FB5] =	sst s10  }
0x35: {  	s10 =	sld [smem:$0x3FB4];
	_ =	sdelay $0x3  }
0x36: {  	p1 =	seq.s32 s10, $0x1;
	s10 =	sld [smem:$0x3FB5];
	_ =	sdelay $0x3  }
0x37: {  	[smem:$0x3FB5] =	sst s10  }
0x38: {  	s10 =	sld [smem:$0x3FB6]  }
0x39: {  	_ = 	snop;
	(pc) =	sbr.ind lr, $3  }
0x3a: {  	_ = 	snop  }
0x3b: {  	_ = 	snop  }
0x3c: {  	p2 =	seq.s32 s10, $0x1;
	s10 =	sld [smem:$0x3FB5]  }
0x3d: {  	_ =	shalt  }
0x3e: {  	_ =	shalt  }
0x3f: {  	_ =	shalt  }
0x40: {  	_ =	shalt  }
0x41: {  	_ =	shalt  }
0x42: {  	_ =	shalt  }
0x43: {  	_ =	shalt  }
0x44: {  	_ =	shalt  }
0x45: {  	_ =	shalt  }
0x46: {  	_ =	shalt  }
0x47: {  	_ =	shalt  }
0x48: {  	_ =	shalt  }
0x49: {  	_ =	shalt  }
0x4a: {  	_ =	shalt  }
0x4b: {  	_ =	shalt  }
0x4c: {  	_ =	shalt  }
0x4d: {  	_ =	shalt  }
0x4e: {  	_ =	shalt  }
0x4f: {  	_ =	shalt  }
0x50: {  	_ =	shalt  }
0x51: {  	_ =	shalt  }
0x52: {  	_ =	shalt  }
0x53: {  	_ =	shalt  }
0x54: {  	_ =	shalt  }
0x55: {  	_ =	shalt  }
0x56: {  	_ =	shalt  }
0x57: {  	_ =	shalt  }
0x58: {  	_ =	shalt  }
0x59: {  	_ =	shalt  }
0x5a: {  	_ =	shalt  }
0x5b: {  	_ =	shalt  }
0x5c: {  	_ =	shalt  }
0x5d: {  	_ =	shalt  }
0x5e: {  	_ =	shalt  }
0x5f: {  	_ =	shalt  }
0x60: {  	_ =	shalt  }
0x61: {  	_ =	shalt  }
0x62: {  	_ =	shalt  }
0x63: {  	_ =	shalt  }
0x64: {  	_ =	shalt  }
0x65: {  	_ =	shalt  }
0x66: {  	_ =	shalt  }
0x67: {  	_ =	shalt  }
0x68: {  	_ =	shalt  }
0x69: {  	_ =	shalt  }
0x6a: {  	_ =	shalt  }
0x6b: {  	_ =	shalt  }
0x6c: {  	_ =	shalt  }
0x6d: {  	_ =	shalt  }
0x6e: {  	_ =	shalt  }
0x6f: {  	_ =	shalt  }
0x70: {  	_ =	shalt  }
0x71: {  	_ =	shalt  }
0x72: {  	_ =	shalt  }
0x73: {  	_ =	shalt  }
0x74: {  	_ =	shalt  }
0x75: {  	_ =	shalt  }
0x76: {  	_ =	shalt  }
0x77: {  	_ =	shalt  }
0x78: {  	_ =	shalt  }
0x79: {  	_ =	shalt  }
0x7a: {  	_ =	shalt  }
0x7b: {  	_ =	shalt  }
0x7c: {  	_ =	shalt  }
0x7d: {  	_ =	shalt  }
0x7e: {  	_ =	shalt  }
0x7f: {  	_ =	shalt  }
0x80: {  	_ =	shalt  }
0x81: {  	_ =	shalt  }
0x82: {  	_ =	shalt  }
0x83: {  	_ =	shalt  }
0x84: {  	_ =	shalt  }
0x85: {  	_ =	shalt  }
0x86: {  	_ =	shalt  }
0x87: {  	_ =	shalt  }
.Lfunc_end0:
.L_simem_size_0:
called_computation_lowered:
.L_overlay_start_0:
0x88: {  	s2 =	sld [smem:$0x3FD9]  }
0x89: {  	s3 =	sld [smem:$0x3FFE];
	_ =	sdelay $0x1  }
0x8a: {  	s1 =	srdreg.scid  }
0x8b: {  	s0 =	sand.u32 $0x1, s1  }
0x8c: {  	s17 =	sshll.u32 s0, $0xA;
	s2 =	sadd.s32 s3, s2  }
0x8d: {  	s2 =	sadd.s32 s2, s17  }
0x8e: {  	[smem:$0x3FC1] =	sst s2  }
0x8f: {  	_ = 	snop  }
0x90: {  	s2 =	sld [smem:$0x3FD0];
	(tm) =	ssettm $0x1  }
0x91: {  	s18 =	sld [smem:$0x3FFB];
	_ =	sdelay $0x3  }
0x92: {  	_ =	strace s18  }
0x93: {  	s3 =	sld [smem:$0x3FFC];
	_ =	sdelay $0x3  }
0x94: {  	_ =	strace s3  }
0x95: {  	s3 =	sld [smem:$0x3FFD];
	_ =	sdelay $0x3  }
0x96: {  	_ =	strace s3  }
0x97: {  	_ =	strace $0x8FFFFFFF  }
0x98: {  	s19 =	sld [smem:$0x3FDB];
	_ =	sdelay $0x1  }
0x99: {  	s4 =	simm.s32 $_scs_section_size  }
0x9a: {  	s5 =	simm.s32 $_size__tile_overlayer_lowered;
	s6 =	simm.s32 $_tile_overlayer_lowered  }
0x9b: {  	s22 =	simm.s32 $0x1BFF;
	s21 =	sshll.u32 s6, $0x1;
	s3 =	sadd.s32 s4, s19  }
0x9c: {  	s7 =	simm.s32 $0x0;
	s20 =	sshll.u32 s5, $0x1;
	s5 =	sadd.s32 s21, s3  }
0x9d: {  	[timem:s7], [sflag:s22] =	dma.local [hbm:s5], s20  }
0x9e: {  	_ =	swait.ge [sflag:s22], s20  }
0x9f: {  	s4 =	ssub.s32 $0x0, s20;
	[sflag:s22] =	ssyncset.done $0x0  }
0xa0: {  	[sflag:s22] =	ssyncadd.s32 s4;
	_ =	sdelay $0x1  }
0xa1: {  	s23 =	simm.s32 $0x1B8B  }
0xa2: {  	_ =	swait.ge [sflag:s23], $0x1  }
0xa3: {  	[sflag:s23] =	ssyncset.done $0x0  }
0xa4: {  	s25 =	simm.s32 $0x1B8E;
	s24 =	sld [smem:$0x3FFE];
	[sflag:s23] =	ssyncadd.s32 $0xFFFFFFFF  }
0xa5: {  	s26 =	simm.s32 $execute0_lowered;
	[smem:$0x3FD2] =	sst s25  }
0xa6: {  	s5 =	sshll.u32 s26, $0x1;
	_ =	strace $0x80000046;
	[dreg:$0x1] =	wrdreg $0xFFFFFFFF  }
0xa7: {  	s28 =	simm.s32 $_size_execute0_lowered;
	s3 =	sadd.s32 s3, s5;
	[dreg:$0x0] =	wrdreg $0x0  }
0xa8: {  	s5 =	sshll.u32 s28, $0x1;
	[dreg:$0x2] =	wrdreg s3  }
0xa9: {  	[dreg:$0x3] =	wrdreg s5  }
0xaa: {  	[dreg:$0x4] =	wrdreg $0xC0  }
0xab: {  	_ =	task [dreg:s7], $0x5FFFF  }
0xac: {  	[dreg:$0x1] =	wrdreg $0xFFFFFFFF  }
0xad: {  	[dreg:$0x0] =	wrdreg $0x60  }
0xae: {  	[dreg:$0x2] =	wrdreg s24  }
0xaf: {  	[dreg:$0x3] =	wrdreg s2  }
0xb0: {  	[dreg:$0x4] =	wrdreg $0xA8000  }
0xb1: {  	[dreg:$0x5] =	wrdreg $0x9  }
0xb2: {  	_ =	task.clear_ibuf [dreg:s7], $0x6FFFF;
	_ =	strace $0x90000046  }
0xb3: {  	s29 =	simm.s32 $0x9;
	_ =	strace $0x80000048  }
0xb4: {  	_ =	swait.ge [sflag:s29], $0x1  }
0xb5: {  	[sflag:s29] =	ssyncadd.s32 $0xFFFFFFFF  }
0xb6: {  	_ =	strace $0x90000048  }
0xb7: {  	_ =	sfence  }
0xb8: {  	s30 =	sld [smem:$0x0];
	_ =	sdelay $0x2  }
0xb9: {  	s31 =	sshll.u32 s1, $0xD;
	s1 =	sshrl.u32 s1, $0x2  }
0xba: {  	s3 =	sand.u32 $0x4000, s31;
	s1 =	sadd.s32 s1, s30  }
0xbb: {  	s0 =	sor.u32 s3, s0;
	s1 =	sshll.u32 s1, $0x11  }
0xbc: {  	s0 =	sor.u32 s1, s0  }
0xbd: {  	s0 =	sadd.s32 $0x8F2B, s0  }
0xbe: {  	[sflag:s0] =	ssyncadd.remote.s32 $0x1  }
0xbf: {  	_ =	sfence.sel $0xFFFF  }
0xc0: {  	[dreg:$0x0] =	wrdreg $0xFFFFFFFF;
	(pc) =	sbr.abs _section_cstart, $3  }
0xc1: {  	[dreg:$0x1] =	wrdreg $0xFFFFFFFF  }
0xc2: {  	_ =	task.clear_ibuf [dreg:s7], $0x2FFFF;
	_ =	strace $0x9FFFFFFF  }
0xc3: {  	(tm) =	ssettm $0x7FFFFFFF  }
tec
execute0_lowered:
.L_overlay_start_1:
0x0: {  	(tag) =	ssettag $0x1  }
0x1: {  	s0 =	rddreg [dreg:$0x0]  }
0x2: {  	s2 =	rddreg [dreg:$0x1]  }
0x3: {  	s1 =	rddreg [dreg:$0x2]  }
0x4: {  	s3 =	simm.s32 $0x0;
	s4 =	srdreg.scid;
	s13 =	stileid.u32  }
0x5: {  	s28 =	simm.s32 $0x6800;
	s29 =	simm.s32 $0x1;
	s30 =	simm.s32 $0x2  }
0x6: {  	s31 =	simm.s32 $0x2700;
	[smem:$0x7FF] =	sst s3;
	s9 =	sand.u32 $0x1, s4  }
0x7: {  	s8 =	smul.u32 $0x14000, s13;
	s4 =	sadd.s32 $0x3400, s0;
	s5 =	sadd.s32 $0x4E5400, s0  }
0x8: {  	s11 =	sadd.s32 $0x2B400, s0;
	s20 =	sadd.s32 $0x35400, s0;
	s10 =	smul.u32 $0x50000, s13  }
0x9: {  	s6 =	sadd.s32 $0x3F400, s0;
	s12 =	smul.u32 $0x5000, s13;
	s21 =	sshll.u32 s13, $0x6  }
0xa: {  	s7 =	smul.u32 $0x140000, s9;
	_ =	strace $0x80000047;
	s17 =	ssub.s32 $0x2, s9  }
0xb: {  	p0 =	seq.s32 s9, $0x1;
	s18 =	sshrl.u32 s17, $0x1;
	s19 =	sshrl.u32 s10, $0x2  }
0xc: {  	s7 =	sadd.s32 s8, s7;
	s22 =	ssub.s32 s17, s18;
	s17 =	sshrl.u32 s12, $0x3  }
0xd: {  	s8 =	sor.u32 $0x1C03, s21;
	s7 =	sshrl.u32 s7, $0x3;
	s23 =	sadd.s32 s11, s17  }
0xe: {  	s24 =	sadd.s32 $0x280, s17;
	s10 =	sadd.s32 s2, s17;
	s21 =	sadd.s32 $0x780, s17  }
0xf: {  	s22 =	smax.u32 s22, $0x1;
	s0 =	sadd.s32 s7, s0;
	s7 =	sadd.s32 s19, s1  }
0x10: {  	[dreg:$0x4] =	wrdreg s23;
	s25 =	sadd.s32 s11, s24;
	s19 =	sadd.s32 $0x500, s17  }
0x11: {  	s12 =	sadd.s32 s2, s24;
	s15 =	sadd.s32 s11, s21;
	s16 =	sadd.s32 s2, s21  }
.Ltmp0:
0x12: {  	s17 =	sadd.s32 s20, s17;
	s18 =	sadd.s32 s20, s24;
	(pc) =	sbr.rel .LBB2_1-.Ltmp0, $4  }
0x13: {  	s23 =	simm.s32 $0x3;
	s24 =	simm.s32 $0x1400;
	[dreg:$0x5] =	wrdreg s25  }
0x14: {  	s26 =	sadd.s32 s11, s19;
	s14 =	sadd.s32 s2, s19;
	s19 =	sadd.s32 s20, s19  }
0x15: {  	s20 =	sadd.s32 s20, s21;
	s21 =	sadd.s32 $0x41C00, s0;
	s25 =	simm.s32 $0x80  }
0x16: {  	s0 =	simm.s32 $0x2780;
	[dreg:$0x6] =	wrdreg s26;
	s26 =	simm.s32 $0x2800  }
.LBB2_19:
0x17: {  	[tilespmem:s28], [sflag:$0x2] =	stream.indirect.gather [hbm4b:s5+s25], $0x80, s11, s25, $0xb8;
	[tilespmem:$0x1E800] =	vst v63  }
.LBB2_20:
0x18: {  	_ =	swait.ge [sflag:s29], $0x4000  }
0x19: {  	[sflag:s29] =	ssyncset.done $0x0  }
0x1a: {  	[sflag:s29] =	ssyncadd.s32 $0xFFFFC000  }
0x1b: {  	[spmem:s1] =	stream.indirect.scatter.add.f32 [tilespmem:s26], [sflag:$0x3], $0x80, s31, s25, $0xb8;
	[tilespmem:$0x1E800] =	vst v63  }
0x1c: {  	_ =	swait.ge [sflag:s23], $0x4000  }
0x1d: {  	[sflag:s23] =	ssyncset.done $0x0  }
0x1e: {  	[sflag:s23] =	ssyncadd.s32 $0xFFFFC000  }
0x1f: {  	_ =	swait.ge [sflag:s30], $0x4000  }
0x20: {  	[sflag:s30] =	ssyncset.done $0x0  }
0x21: {  	[sflag:s30] =	ssyncadd.s32 $0xFFFFC000  }
0x22: {  	[spmem:s1] =	stream.indirect.scatter.add.f32 [tilespmem:s28], [sflag:$0x3], $0x80, s0, s25, $0xb8;
	[tilespmem:$0x1E800] =	vst v63  }
0x23: {  	_ =	swait.ge [sflag:s23], $0x4000  }
0x24: {  	s3 =	sadd.s32 $0x1, s3;
	[sflag:s23] =	ssyncset.done $0x0  }
0x25: {  	p1 =	sne.s32 s3, s22;
	[sflag:s23] =	ssyncadd.s32 $0xFFFFC000  }
.Ltmp1:
0x26: {  	[bflag:$0x0] =	sbarrier.arrive $0xFFFF;
	(pc) =	sbr.rel @!p1 .LBB2_21-.Ltmp1, $4  }
0x27: {  	[hbm:s21], [sflag:s8] =	dma.local [spmem:s2], $0x2800  }
0x28: {  	_ =	swait.ge [sflag:s23], $0x2800  }
0x29: {  	[sflag:s23] =	ssyncset.done $0x0  }
0x2a: {  	[sflag:s23] =	ssyncadd.s32 $0xFFFFD800  }
.LBB2_1:
0x2b: {  	s2 =	sshrl.u32 s7, $0x3  }
0x2c: {  	[spmem:s2], [sflag:s8] =	dma.local [hbm:s6], $0x2800  }
.Ltmp2:
0x2d: {  	_ =	swait.ge [sflag:s23], $0x2800;
	(pc) =	sbr.rel @!p0 .LBB2_2-.Ltmp2, $4  }
0x2e: {  	[sflag:s23] =	ssyncset.done $0x0  }
0x2f: {  	[sflag:s23] =	ssyncadd.s32 $0xFFFFD800  }
0x30: {  	[bflag:$0x0] =	sbarrier.arrive $0xFFFF  }
0x31: {  	s9 =	simm.s32 $0x0  }
0x32: {  	[tilespmem:s9], [sflag:$0x3] =	stream.linear.gather [hbm4b:s17+s9], $0x1400, $0x38;
	[tilespmem:$0x1E800] =	vst v63  }
0x33: {  	_ =	swait.ge [sflag:s23], $0x1400  }
0x34: {  	[sflag:s23] =	ssyncset.done $0x0  }
0x35: {  	[sflag:s23] =	ssyncadd.s32 $0xFFFFEC00  }
0x36: {  	[tilespmem:s24], [sflag:$0x3] =	stream.linear.gather [hbm4b:s10+s9], $0x1400, $0x38;
	[tilespmem:$0x1E800] =	vst v63  }
0x37: {  	_ =	swait.ge [sflag:s23], $0x1400  }
0x38: {  	[sflag:s23] =	ssyncset.done $0x0  }
0x39: {  	[sflag:s23] =	ssyncadd.s32 $0xFFFFEC00  }
0x3a: {  	[tilespmem:s26], [sflag:$0x1] =	stream.indirect.gather [hbm4b:s5+s25], $0x80, s9, s25, $0xb8;
	[tilespmem:$0x1E800] =	vst v63  }
0x3b: {  	_ = 	snop  }
0x3c: {  	[tilespmem:s28], [sflag:$0x2] =	stream.indirect.gather [hbm4b:s5+s25], $0x80, s25, s25, $0xb8;
	[tilespmem:$0x1E800] =	vst v63  }
0x3d: {  	_ =	swait.ge [sflag:s29], $0x4000  }
0x3e: {  	[sflag:s29] =	ssyncset.done $0x0  }
0x3f: {  	s13 =	simm.s32 $0x1400;
	[sflag:s29] =	ssyncadd.s32 $0xFFFFC000  }
0x40: {  	[spmem:s1] =	stream.indirect.scatter.add.f32 [tilespmem:s26], [sflag:$0x3], $0x80, s13, s25, $0xb8;
	[tilespmem:$0x1E800] =	vst v63  }
0x41: {  	_ =	swait.ge [sflag:s23], $0x4000  }
0x42: {  	[sflag:s23] =	ssyncset.done $0x0  }
0x43: {  	s11 =	simm.s32 $0x100;
	[sflag:s23] =	ssyncadd.s32 $0xFFFFC000  }
0x44: {  	[tilespmem:s26], [sflag:$0x1] =	stream.indirect.gather [hbm4b:s5+s25], $0x80, s11, s25, $0xb8;
	[tilespmem:$0x1E800] =	vst v63  }
0x45: {  	_ =	swait.ge [sflag:s30], $0x4000  }
0x46: {  	[sflag:s30] =	ssyncset.done $0x0  }
0x47: {  	s13 =	simm.s32 $0x1480;
	[sflag:s30] =	ssyncadd.s32 $0xFFFFC000  }
0x48: {  	[spmem:s1] =	stream.indirect.scatter.add.f32 [tilespmem:s28], [sflag:$0x3], $0x80, s13, s25, $0xb8;
	[tilespmem:$0x1E800] =	vst v63  }
0x49: {  	_ =	swait.ge [sflag:s23], $0x4000  }
0x4a: {  	[sflag:s23] =	ssyncset.done $0x0  }
0x4b: {  	s9 =	simm.s32 $0x400;
	s11 =	simm.s32 $0x180;
	[sflag:s23] =	ssyncadd.s32 $0xFFFFC000  }
.LBB2_12:
0x4c: {  	[tilespmem:s28], [sflag:$0x2] =	stream.indirect.gather [hbm4b:s5+s25], $0x80, s11, s25, $0xb8;
	[tilespmem:$0x1E800] =	vst v63  }
0x4d: {  	s11 =	smov.u32 s9  }
0x4e: {  	p1 =	sne.s32 s9, $0x4800;
	s9 =	sadd.s32 $0x400, s9;
	_ =	swait.ge [sflag:s29], $0x4000  }
0x4f: {  	s11 =	sshra.s32 s11, $0x2;
	[sflag:s29] =	ssyncset.done $0x0  }
0x50: {  	s13 =	sadd.s32 $0x1400, s11;
	[sflag:s29] =	ssyncadd.s32 $0xFFFFC000  }
0x51: {  	[spmem:s1] =	stream.indirect.scatter.add.f32 [tilespmem:s26], [sflag:$0x3], $0x80, s13, s25, $0xb8;
	[tilespmem:$0x1E800] =	vst v63  }
0x52: {  	_ =	swait.ge [sflag:s23], $0x4000  }
0x53: {  	[sflag:s23] =	ssyncset.done $0x0  }
0x54: {  	s13 =	sadd.s32 $0x100, s11;
	[sflag:s23] =	ssyncadd.s32 $0xFFFFC000  }
0x55: {  	[tilespmem:s26], [sflag:$0x1] =	stream.indirect.gather [hbm4b:s5+s25], $0x80, s13, s25, $0xb8;
	[tilespmem:$0x1E800] =	vst v63  }
0x56: {  	_ =	swait.ge [sflag:s30], $0x4000  }
0x57: {  	[sflag:s30] =	ssyncset.done $0x0  }
.Ltmp3:
0x58: {  	s13 =	sadd.s32 $0x1480, s11;
	[sflag:s30] =	ssyncadd.s32 $0xFFFFC000;
	(pc) =	sbr.rel @p1 .LBB2_12-.Ltmp3, $4  }
0x59: {  	[spmem:s1] =	stream.indirect.scatter.add.f32 [tilespmem:s28], [sflag:$0x3], $0x80, s13, s25, $0xb8;
	[tilespmem:$0x1E800] =	vst v63  }
0x5a: {  	_ =	swait.ge [sflag:s23], $0x4000  }
0x5b: {  	[sflag:s23] =	ssyncset.done $0x0  }
0x5c: {  	s11 =	sadd.s32 $0x180, s11;
	[sflag:s23] =	ssyncadd.s32 $0xFFFFC000  }
0x5d: {  	[tilespmem:s28], [sflag:$0x2] =	stream.indirect.gather [hbm4b:s5+s25], $0x80, s11, s25, $0xb8;
	[tilespmem:$0x1E800] =	vst v63  }
0x5e: {  	_ =	swait.ge [sflag:s29], $0x4000  }
0x5f: {  	[sflag:s29] =	ssyncset.done $0x0  }
0x60: {  	[sflag:s29] =	ssyncadd.s32 $0xFFFFC000  }
0x61: {  	[spmem:s1] =	stream.indirect.scatter.add.f32 [tilespmem:s26], [sflag:$0x3], $0x80, s31, s25, $0xb8;
	[tilespmem:$0x1E800] =	vst v63  }
0x62: {  	_ =	swait.ge [sflag:s23], $0x4000  }
0x63: {  	[sflag:s23] =	ssyncset.done $0x0  }
0x64: {  	[sflag:s23] =	ssyncadd.s32 $0xFFFFC000  }
0x65: {  	_ =	swait.ge [sflag:s30], $0x4000  }
0x66: {  	[sflag:s30] =	ssyncset.done $0x0  }
0x67: {  	[sflag:s30] =	ssyncadd.s32 $0xFFFFC000  }
0x68: {  	[spmem:s1] =	stream.indirect.scatter.add.f32 [tilespmem:s28], [sflag:$0x3], $0x80, s0, s25, $0xb8;
	[tilespmem:$0x1E800] =	vst v63  }
0x69: {  	_ =	swait.ge [sflag:s23], $0x4000  }
0x6a: {  	[sflag:s23] =	ssyncset.done $0x0  }
0x6b: {  	s9 =	simm.s32 $0x0;
	[sflag:s23] =	ssyncadd.s32 $0xFFFFC000  }
0x6c: {  	[tilespmem:s9], [sflag:$0x3] =	stream.linear.gather [hbm4b:s18+s9], $0x1400, $0x38;
	[tilespmem:$0x1E800] =	vst v63  }
0x6d: {  	_ =	swait.ge [sflag:s23], $0x1400  }
0x6e: {  	[sflag:s23] =	ssyncset.done $0x0  }
0x6f: {  	[sflag:s23] =	ssyncadd.s32 $0xFFFFEC00  }
0x70: {  	[tilespmem:s24], [sflag:$0x3] =	stream.linear.gather [hbm4b:s12+s9], $0x1400, $0x38;
	[tilespmem:$0x1E800] =	vst v63  }
0x71: {  	_ =	swait.ge [sflag:s23], $0x1400  }
0x72: {  	[sflag:s23] =	ssyncset.done $0x0  }
0x73: {  	[sflag:s23] =	ssyncadd.s32 $0xFFFFEC00  }
0x74: {  	[tilespmem:s26], [sflag:$0x1] =	stream.indirect.gather [hbm4b:s5+s25], $0x80, s9, s25, $0xb8;
	[tilespmem:$0x1E800] =	vst v63  }
0x75: {  	_ = 	snop  }
0x76: {  	[tilespmem:s28], [sflag:$0x2] =	stream.indirect.gather [hbm4b:s5+s25], $0x80, s25, s25, $0xb8;
	[tilespmem:$0x1E800] =	vst v63  }
0x77: {  	_ =	swait.ge [sflag:s29], $0x4000  }
0x78: {  	[sflag:s29] =	ssyncset.done $0x0  }
0x79: {  	s13 =	simm.s32 $0x1400;
	[sflag:s29] =	ssyncadd.s32 $0xFFFFC000  }
0x7a: {  	[spmem:s1] =	stream.indirect.scatter.add.f32 [tilespmem:s26], [sflag:$0x3], $0x80, s13, s25, $0xb8;
	[tilespmem:$0x1E800] =	vst v63  }
0x7b: {  	_ =	swait.ge [sflag:s23], $0x4000  }
0x7c: {  	[sflag:s23] =	ssyncset.done $0x0  }
0x7d: {  	s11 =	simm.s32 $0x100;
	[sflag:s23] =	ssyncadd.s32 $0xFFFFC000  }
0x7e: {  	[tilespmem:s26], [sflag:$0x1] =	stream.indirect.gather [hbm4b:s5+s25], $0x80, s11, s25, $0xb8;
	[tilespmem:$0x1E800] =	vst v63  }
0x7f: {  	_ =	swait.ge [sflag:s30], $0x4000  }
0x80: {  	[sflag:s30] =	ssyncset.done $0x0  }
0x81: {  	s13 =	simm.s32 $0x1480;
	[sflag:s30] =	ssyncadd.s32 $0xFFFFC000  }
0x82: {  	[spmem:s1] =	stream.indirect.scatter.add.f32 [tilespmem:s28], [sflag:$0x3], $0x80, s13, s25, $0xb8;
	[tilespmem:$0x1E800] =	vst v63  }
0x83: {  	_ =	swait.ge [sflag:s23], $0x4000  }
0x84: {  	[sflag:s23] =	ssyncset.done $0x0  }
0x85: {  	s9 =	simm.s32 $0x400;
	s11 =	simm.s32 $0x180;
	[sflag:s23] =	ssyncadd.s32 $0xFFFFC000  }
.LBB2_14:
0x86: {  	[tilespmem:s28], [sflag:$0x2] =	stream.indirect.gather [hbm4b:s5+s25], $0x80, s11, s25, $0xb8;
	[tilespmem:$0x1E800] =	vst v63  }
0x87: {  	s11 =	smov.u32 s9  }
0x88: {  	p1 =	sne.s32 s9, $0x4800;
	s9 =	sadd.s32 $0x400, s9;
	_ =	swait.ge [sflag:s29], $0x4000  }
0x89: {  	s11 =	sshra.s32 s11, $0x2;
	[sflag:s29] =	ssyncset.done $0x0  }
0x8a: {  	s13 =	sadd.s32 $0x1400, s11;
	[sflag:s29] =	ssyncadd.s32 $0xFFFFC000  }
0x8b: {  	[spmem:s1] =	stream.indirect.scatter.add.f32 [tilespmem:s26], [sflag:$0x3], $0x80, s13, s25, $0xb8;
	[tilespmem:$0x1E800] =	vst v63  }
0x8c: {  	_ =	swait.ge [sflag:s23], $0x4000  }
0x8d: {  	[sflag:s23] =	ssyncset.done $0x0  }
0x8e: {  	s13 =	sadd.s32 $0x100, s11;
	[sflag:s23] =	ssyncadd.s32 $0xFFFFC000  }
0x8f: {  	[tilespmem:s26], [sflag:$0x1] =	stream.indirect.gather [hbm4b:s5+s25], $0x80, s13, s25, $0xb8;
	[tilespmem:$0x1E800] =	vst v63  }
0x90: {  	_ =	swait.ge [sflag:s30], $0x4000  }
0x91: {  	[sflag:s30] =	ssyncset.done $0x0  }
.Ltmp4:
0x92: {  	s13 =	sadd.s32 $0x1480, s11;
	[sflag:s30] =	ssyncadd.s32 $0xFFFFC000;
	(pc) =	sbr.rel @p1 .LBB2_14-.Ltmp4, $4  }
0x93: {  	[spmem:s1] =	stream.indirect.scatter.add.f32 [tilespmem:s28], [sflag:$0x3], $0x80, s13, s25, $0xb8;
	[tilespmem:$0x1E800] =	vst v63  }
0x94: {  	_ =	swait.ge [sflag:s23], $0x4000  }
0x95: {  	[sflag:s23] =	ssyncset.done $0x0  }
0x96: {  	s11 =	sadd.s32 $0x180, s11;
	[sflag:s23] =	ssyncadd.s32 $0xFFFFC000  }
0x97: {  	[tilespmem:s28], [sflag:$0x2] =	stream.indirect.gather [hbm4b:s5+s25], $0x80, s11, s25, $0xb8;
	[tilespmem:$0x1E800] =	vst v63  }
0x98: {  	_ =	swait.ge [sflag:s29], $0x4000  }
0x99: {  	[sflag:s29] =	ssyncset.done $0x0  }
0x9a: {  	[sflag:s29] =	ssyncadd.s32 $0xFFFFC000  }
0x9b: {  	[spmem:s1] =	stream.indirect.scatter.add.f32 [tilespmem:s26], [sflag:$0x3], $0x80, s31, s25, $0xb8;
	[tilespmem:$0x1E800] =	vst v63  }
0x9c: {  	_ =	swait.ge [sflag:s23], $0x4000  }
0x9d: {  	[sflag:s23] =	ssyncset.done $0x0  }
0x9e: {  	[sflag:s23] =	ssyncadd.s32 $0xFFFFC000  }
0x9f: {  	_ =	swait.ge [sflag:s30], $0x4000  }
0xa0: {  	[sflag:s30] =	ssyncset.done $0x0  }
0xa1: {  	[sflag:s30] =	ssyncadd.s32 $0xFFFFC000  }
0xa2: {  	[spmem:s1] =	stream.indirect.scatter.add.f32 [tilespmem:s28], [sflag:$0x3], $0x80, s0, s25, $0xb8;
	[tilespmem:$0x1E800] =	vst v63  }
0xa3: {  	_ =	swait.ge [sflag:s23], $0x4000  }
0xa4: {  	[sflag:s23] =	ssyncset.done $0x0  }
0xa5: {  	s9 =	simm.s32 $0x0;
	[sflag:s23] =	ssyncadd.s32 $0xFFFFC000  }
0xa6: {  	[tilespmem:s9], [sflag:$0x3] =	stream.linear.gather [hbm4b:s19+s9], $0x1400, $0x38;
	[tilespmem:$0x1E800] =	vst v63  }
0xa7: {  	_ =	swait.ge [sflag:s23], $0x1400  }
0xa8: {  	[sflag:s23] =	ssyncset.done $0x0  }
0xa9: {  	[sflag:s23] =	ssyncadd.s32 $0xFFFFEC00  }
0xaa: {  	[tilespmem:s24], [sflag:$0x3] =	stream.linear.gather [hbm4b:s14+s9], $0x1400, $0x38;
	[tilespmem:$0x1E800] =	vst v63  }
0xab: {  	_ =	swait.ge [sflag:s23], $0x1400  }
0xac: {  	[sflag:s23] =	ssyncset.done $0x0  }
0xad: {  	[sflag:s23] =	ssyncadd.s32 $0xFFFFEC00  }
0xae: {  	[tilespmem:s26], [sflag:$0x1] =	stream.indirect.gather [hbm4b:s5+s25], $0x80, s9, s25, $0xb8;
	[tilespmem:$0x1E800] =	vst v63  }
0xaf: {  	_ = 	snop  }
0xb0: {  	[tilespmem:s28], [sflag:$0x2] =	stream.indirect.gather [hbm4b:s5+s25], $0x80, s25, s25, $0xb8;
	[tilespmem:$0x1E800] =	vst v63  }
0xb1: {  	_ =	swait.ge [sflag:s29], $0x4000  }
0xb2: {  	[sflag:s29] =	ssyncset.done $0x0  }
0xb3: {  	s13 =	simm.s32 $0x1400;
	[sflag:s29] =	ssyncadd.s32 $0xFFFFC000  }
0xb4: {  	[spmem:s1] =	stream.indirect.scatter.add.f32 [tilespmem:s26], [sflag:$0x3], $0x80, s13, s25, $0xb8;
	[tilespmem:$0x1E800] =	vst v63  }
0xb5: {  	_ =	swait.ge [sflag:s23], $0x4000  }
0xb6: {  	[sflag:s23] =	ssyncset.done $0x0  }
0xb7: {  	s11 =	simm.s32 $0x100;
	[sflag:s23] =	ssyncadd.s32 $0xFFFFC000  }
0xb8: {  	[tilespmem:s26], [sflag:$0x1] =	stream.indirect.gather [hbm4b:s5+s25], $0x80, s11, s25, $0xb8;
	[tilespmem:$0x1E800] =	vst v63  }
0xb9: {  	_ =	swait.ge [sflag:s30], $0x4000  }
0xba: {  	[sflag:s30] =	ssyncset.done $0x0  }
0xbb: {  	s13 =	simm.s32 $0x1480;
	[sflag:s30] =	ssyncadd.s32 $0xFFFFC000  }
0xbc: {  	[spmem:s1] =	stream.indirect.scatter.add.f32 [tilespmem:s28], [sflag:$0x3], $0x80, s13, s25, $0xb8;
	[tilespmem:$0x1E800] =	vst v63  }
0xbd: {  	_ =	swait.ge [sflag:s23], $0x4000  }
0xbe: {  	[sflag:s23] =	ssyncset.done $0x0  }
0xbf: {  	s9 =	simm.s32 $0x400;
	s11 =	simm.s32 $0x180;
	[sflag:s23] =	ssyncadd.s32 $0xFFFFC000  }
.LBB2_16:
0xc0: {  	[tilespmem:s28], [sflag:$0x2] =	stream.indirect.gather [hbm4b:s5+s25], $0x80, s11, s25, $0xb8;
	[tilespmem:$0x1E800] =	vst v63  }
0xc1: {  	s11 =	smov.u32 s9  }
0xc2: {  	p1 =	sne.s32 s9, $0x4800;
	s9 =	sadd.s32 $0x400, s9;
	_ =	swait.ge [sflag:s29], $0x4000  }
0xc3: {  	s11 =	sshra.s32 s11, $0x2;
	[sflag:s29] =	ssyncset.done $0x0  }
0xc4: {  	s13 =	sadd.s32 $0x1400, s11;
	[sflag:s29] =	ssyncadd.s32 $0xFFFFC000  }
0xc5: {  	[spmem:s1] =	stream.indirect.scatter.add.f32 [tilespmem:s26], [sflag:$0x3], $0x80, s13, s25, $0xb8;
	[tilespmem:$0x1E800] =	vst v63  }
0xc6: {  	_ =	swait.ge [sflag:s23], $0x4000  }
0xc7: {  	[sflag:s23] =	ssyncset.done $0x0  }
0xc8: {  	s13 =	sadd.s32 $0x100, s11;
	[sflag:s23] =	ssyncadd.s32 $0xFFFFC000  }
0xc9: {  	[tilespmem:s26], [sflag:$0x1] =	stream.indirect.gather [hbm4b:s5+s25], $0x80, s13, s25, $0xb8;
	[tilespmem:$0x1E800] =	vst v63  }
0xca: {  	_ =	swait.ge [sflag:s30], $0x4000  }
0xcb: {  	[sflag:s30] =	ssyncset.done $0x0  }
.Ltmp5:
0xcc: {  	s13 =	sadd.s32 $0x1480, s11;
	[sflag:s30] =	ssyncadd.s32 $0xFFFFC000;
	(pc) =	sbr.rel @p1 .LBB2_16-.Ltmp5, $4  }
0xcd: {  	[spmem:s1] =	stream.indirect.scatter.add.f32 [tilespmem:s28], [sflag:$0x3], $0x80, s13, s25, $0xb8;
	[tilespmem:$0x1E800] =	vst v63  }
0xce: {  	_ =	swait.ge [sflag:s23], $0x4000  }
0xcf: {  	[sflag:s23] =	ssyncset.done $0x0  }
0xd0: {  	s11 =	sadd.s32 $0x180, s11;
	[sflag:s23] =	ssyncadd.s32 $0xFFFFC000  }
0xd1: {  	[tilespmem:s28], [sflag:$0x2] =	stream.indirect.gather [hbm4b:s5+s25], $0x80, s11, s25, $0xb8;
	[tilespmem:$0x1E800] =	vst v63  }
0xd2: {  	_ =	swait.ge [sflag:s29], $0x4000  }
0xd3: {  	[sflag:s29] =	ssyncset.done $0x0  }
0xd4: {  	[sflag:s29] =	ssyncadd.s32 $0xFFFFC000  }
0xd5: {  	[spmem:s1] =	stream.indirect.scatter.add.f32 [tilespmem:s26], [sflag:$0x3], $0x80, s31, s25, $0xb8;
	[tilespmem:$0x1E800] =	vst v63  }
0xd6: {  	_ =	swait.ge [sflag:s23], $0x4000  }
0xd7: {  	[sflag:s23] =	ssyncset.done $0x0  }
0xd8: {  	[sflag:s23] =	ssyncadd.s32 $0xFFFFC000  }
0xd9: {  	_ =	swait.ge [sflag:s30], $0x4000  }
0xda: {  	[sflag:s30] =	ssyncset.done $0x0  }
0xdb: {  	[sflag:s30] =	ssyncadd.s32 $0xFFFFC000  }
0xdc: {  	[spmem:s1] =	stream.indirect.scatter.add.f32 [tilespmem:s28], [sflag:$0x3], $0x80, s0, s25, $0xb8;
	[tilespmem:$0x1E800] =	vst v63  }
0xdd: {  	_ =	swait.ge [sflag:s23], $0x4000  }
0xde: {  	[sflag:s23] =	ssyncset.done $0x0  }
0xdf: {  	s9 =	simm.s32 $0x0;
	[sflag:s23] =	ssyncadd.s32 $0xFFFFC000  }
0xe0: {  	[tilespmem:s9], [sflag:$0x3] =	stream.linear.gather [hbm4b:s20+s9], $0x1400, $0x38;
	[tilespmem:$0x1E800] =	vst v63  }
0xe1: {  	_ =	swait.ge [sflag:s23], $0x1400  }
0xe2: {  	[sflag:s23] =	ssyncset.done $0x0  }
0xe3: {  	[sflag:s23] =	ssyncadd.s32 $0xFFFFEC00  }
0xe4: {  	[tilespmem:s24], [sflag:$0x3] =	stream.linear.gather [hbm4b:s16+s9], $0x1400, $0x38;
	[tilespmem:$0x1E800] =	vst v63  }
0xe5: {  	_ =	swait.ge [sflag:s23], $0x1400  }
0xe6: {  	[sflag:s23] =	ssyncset.done $0x0  }
0xe7: {  	[sflag:s23] =	ssyncadd.s32 $0xFFFFEC00  }
0xe8: {  	[tilespmem:s26], [sflag:$0x1] =	stream.indirect.gather [hbm4b:s5+s25], $0x80, s9, s25, $0xb8;
	[tilespmem:$0x1E800] =	vst v63  }
0xe9: {  	_ = 	snop  }
0xea: {  	[tilespmem:s28], [sflag:$0x2] =	stream.indirect.gather [hbm4b:s5+s25], $0x80, s25, s25, $0xb8;
	[tilespmem:$0x1E800] =	vst v63  }
0xeb: {  	_ =	swait.ge [sflag:s29], $0x4000  }
0xec: {  	[sflag:s29] =	ssyncset.done $0x0  }
0xed: {  	s13 =	simm.s32 $0x1400;
	[sflag:s29] =	ssyncadd.s32 $0xFFFFC000  }
0xee: {  	[spmem:s1] =	stream.indirect.scatter.add.f32 [tilespmem:s26], [sflag:$0x3], $0x80, s13, s25, $0xb8;
	[tilespmem:$0x1E800] =	vst v63  }
0xef: {  	_ =	swait.ge [sflag:s23], $0x4000  }
0xf0: {  	[sflag:s23] =	ssyncset.done $0x0  }
0xf1: {  	s11 =	simm.s32 $0x100;
	[sflag:s23] =	ssyncadd.s32 $0xFFFFC000  }
0xf2: {  	[tilespmem:s26], [sflag:$0x1] =	stream.indirect.gather [hbm4b:s5+s25], $0x80, s11, s25, $0xb8;
	[tilespmem:$0x1E800] =	vst v63  }
0xf3: {  	_ =	swait.ge [sflag:s30], $0x4000  }
0xf4: {  	[sflag:s30] =	ssyncset.done $0x0  }
0xf5: {  	s13 =	simm.s32 $0x1480;
	[sflag:s30] =	ssyncadd.s32 $0xFFFFC000  }
0xf6: {  	[spmem:s1] =	stream.indirect.scatter.add.f32 [tilespmem:s28], [sflag:$0x3], $0x80, s13, s25, $0xb8;
	[tilespmem:$0x1E800] =	vst v63  }
0xf7: {  	_ =	swait.ge [sflag:s23], $0x4000  }
0xf8: {  	[sflag:s23] =	ssyncset.done $0x0  }
0xf9: {  	s9 =	simm.s32 $0x400;
	s11 =	simm.s32 $0x180;
	[sflag:s23] =	ssyncadd.s32 $0xFFFFC000  }
.LBB2_18:
0xfa: {  	[tilespmem:s28], [sflag:$0x2] =	stream.indirect.gather [hbm4b:s5+s25], $0x80, s11, s25, $0xb8;
	[tilespmem:$0x1E800] =	vst v63  }
0xfb: {  	s11 =	smov.u32 s9  }
0xfc: {  	p1 =	sne.s32 s9, $0x4800;
	s9 =	sadd.s32 $0x400, s9;
	_ =	swait.ge [sflag:s29], $0x4000  }
0xfd: {  	s11 =	sshra.s32 s11, $0x2;
	[sflag:s29] =	ssyncset.done $0x0  }
0xfe: {  	s13 =	sadd.s32 $0x1400, s11;
	[sflag:s29] =	ssyncadd.s32 $0xFFFFC000  }
0xff: {  	[spmem:s1] =	stream.indirect.scatter.add.f32 [tilespmem:s26], [sflag:$0x3], $0x80, s13, s25, $0xb8;
	[tilespmem:$0x1E800] =	vst v63  }
0x100: {  	_ =	swait.ge [sflag:s23], $0x4000  }
0x101: {  	[sflag:s23] =	ssyncset.done $0x0  }
0x102: {  	s13 =	sadd.s32 $0x100, s11;
	[sflag:s23] =	ssyncadd.s32 $0xFFFFC000  }
0x103: {  	[tilespmem:s26], [sflag:$0x1] =	stream.indirect.gather [hbm4b:s5+s25], $0x80, s13, s25, $0xb8;
	[tilespmem:$0x1E800] =	vst v63  }
0x104: {  	_ =	swait.ge [sflag:s30], $0x4000  }
0x105: {  	[sflag:s30] =	ssyncset.done $0x0  }
.Ltmp6:
0x106: {  	s13 =	sadd.s32 $0x1480, s11;
	[sflag:s30] =	ssyncadd.s32 $0xFFFFC000;
	(pc) =	sbr.rel @p1 .LBB2_18-.Ltmp6, $4  }
0x107: {  	[spmem:s1] =	stream.indirect.scatter.add.f32 [tilespmem:s28], [sflag:$0x3], $0x80, s13, s25, $0xb8;
	[tilespmem:$0x1E800] =	vst v63  }
0x108: {  	_ =	swait.ge [sflag:s23], $0x4000  }
0x109: {  	[sflag:s23] =	ssyncset.done $0x0  }
0x10a: {  	s11 =	sadd.s32 $0x180, s11;
	[sflag:s23] =	ssyncadd.s32 $0xFFFFC000  }
.Ltmp7:
0x10b: {  	_ = 	snop;
	(pc) =	sbr.rel .LBB2_19-.Ltmp7, $1  }
0x10c: {  	_ =	sdelay $0x3  }
.LBB2_2:
0x10d: {  	s11 =	rddreg [dreg:$0x4]  }
0x10e: {  	[tilespmem:s9], [sflag:$0x3] =	stream.linear.gather [hbm4b:s11+s9], $0x1400, $0x38;
	[tilespmem:$0x1E800] =	vst v63  }
0x10f: {  	_ =	swait.ge [sflag:s23], $0x1400  }
0x110: {  	[sflag:s23] =	ssyncset.done $0x0  }
0x111: {  	[sflag:s23] =	ssyncadd.s32 $0xFFFFEC00  }
0x112: {  	[tilespmem:s24], [sflag:$0x3] =	stream.linear.gather [hbm4b:s10+s9], $0x1400, $0x38;
	[tilespmem:$0x1E800] =	vst v63  }
0x113: {  	_ =	swait.ge [sflag:s23], $0x1400  }
0x114: {  	[sflag:s23] =	ssyncset.done $0x0  }
0x115: {  	[sflag:s23] =	ssyncadd.s32 $0xFFFFEC00  }
0x116: {  	[tilespmem:s26], [sflag:$0x1] =	stream.indirect.gather [hbm4b:s4+s25], $0x80, s9, s25, $0xb8;
	[tilespmem:$0x1E800] =	vst v63  }
0x117: {  	_ = 	snop  }
0x118: {  	[tilespmem:s28], [sflag:$0x2] =	stream.indirect.gather [hbm4b:s4+s25], $0x80, s25, s25, $0xb8;
	[tilespmem:$0x1E800] =	vst v63  }
0x119: {  	_ =	swait.ge [sflag:s29], $0x4000  }
0x11a: {  	[sflag:s29] =	ssyncset.done $0x0  }
0x11b: {  	s13 =	simm.s32 $0x1400;
	[sflag:s29] =	ssyncadd.s32 $0xFFFFC000  }
0x11c: {  	[spmem:s1] =	stream.indirect.scatter.add.f32 [tilespmem:s26], [sflag:$0x3], $0x80, s13, s25, $0xb8;
	[tilespmem:$0x1E800] =	vst v63  }
0x11d: {  	_ =	swait.ge [sflag:s23], $0x4000  }
0x11e: {  	[sflag:s23] =	ssyncset.done $0x0  }
0x11f: {  	s11 =	simm.s32 $0x100;
	[sflag:s23] =	ssyncadd.s32 $0xFFFFC000  }
0x120: {  	[tilespmem:s26], [sflag:$0x1] =	stream.indirect.gather [hbm4b:s4+s25], $0x80, s11, s25, $0xb8;
	[tilespmem:$0x1E800] =	vst v63  }
0x121: {  	_ =	swait.ge [sflag:s30], $0x4000  }
0x122: {  	[sflag:s30] =	ssyncset.done $0x0  }
0x123: {  	s13 =	simm.s32 $0x1480;
	[sflag:s30] =	ssyncadd.s32 $0xFFFFC000  }
0x124: {  	[spmem:s1] =	stream.indirect.scatter.add.f32 [tilespmem:s28], [sflag:$0x3], $0x80, s13, s25, $0xb8;
	[tilespmem:$0x1E800] =	vst v63  }
0x125: {  	_ =	swait.ge [sflag:s23], $0x4000  }
0x126: {  	[sflag:s23] =	ssyncset.done $0x0  }
0x127: {  	s9 =	simm.s32 $0x400;
	s11 =	simm.s32 $0x180;
	[sflag:s23] =	ssyncadd.s32 $0xFFFFC000  }
.LBB2_3:
0x128: {  	[tilespmem:s28], [sflag:$0x2] =	stream.indirect.gather [hbm4b:s4+s25], $0x80, s11, s25, $0xb8;
	[tilespmem:$0x1E800] =	vst v63  }
0x129: {  	s11 =	smov.u32 s9  }
0x12a: {  	p1 =	sne.s32 s9, $0x4800;
	s9 =	sadd.s32 $0x400, s9;
	_ =	swait.ge [sflag:s29], $0x4000  }
0x12b: {  	s11 =	sshra.s32 s11, $0x2;
	[sflag:s29] =	ssyncset.done $0x0  }
0x12c: {  	s13 =	sadd.s32 $0x1400, s11;
	[sflag:s29] =	ssyncadd.s32 $0xFFFFC000  }
0x12d: {  	[spmem:s1] =	stream.indirect.scatter.add.f32 [tilespmem:s26], [sflag:$0x3], $0x80, s13, s25, $0xb8;
	[tilespmem:$0x1E800] =	vst v63  }
0x12e: {  	_ =	swait.ge [sflag:s23], $0x4000  }
0x12f: {  	[sflag:s23] =	ssyncset.done $0x0  }
0x130: {  	s13 =	sadd.s32 $0x100, s11;
	[sflag:s23] =	ssyncadd.s32 $0xFFFFC000  }
0x131: {  	[tilespmem:s26], [sflag:$0x1] =	stream.indirect.gather [hbm4b:s4+s25], $0x80, s13, s25, $0xb8;
	[tilespmem:$0x1E800] =	vst v63  }
0x132: {  	_ =	swait.ge [sflag:s30], $0x4000  }
0x133: {  	[sflag:s30] =	ssyncset.done $0x0  }
.Ltmp8:
0x134: {  	s13 =	sadd.s32 $0x1480, s11;
	[sflag:s30] =	ssyncadd.s32 $0xFFFFC000;
	(pc) =	sbr.rel @p1 .LBB2_3-.Ltmp8, $4  }
0x135: {  	[spmem:s1] =	stream.indirect.scatter.add.f32 [tilespmem:s28], [sflag:$0x3], $0x80, s13, s25, $0xb8;
	[tilespmem:$0x1E800] =	vst v63  }
0x136: {  	_ =	swait.ge [sflag:s23], $0x4000  }
0x137: {  	[sflag:s23] =	ssyncset.done $0x0  }
0x138: {  	s11 =	sadd.s32 $0x180, s11;
	[sflag:s23] =	ssyncadd.s32 $0xFFFFC000  }
0x139: {  	[tilespmem:s28], [sflag:$0x2] =	stream.indirect.gather [hbm4b:s4+s25], $0x80, s11, s25, $0xb8;
	[tilespmem:$0x1E800] =	vst v63  }
0x13a: {  	_ =	swait.ge [sflag:s29], $0x4000  }
0x13b: {  	[sflag:s29] =	ssyncset.done $0x0  }
0x13c: {  	[sflag:s29] =	ssyncadd.s32 $0xFFFFC000  }
0x13d: {  	[spmem:s1] =	stream.indirect.scatter.add.f32 [tilespmem:s26], [sflag:$0x3], $0x80, s31, s25, $0xb8;
	[tilespmem:$0x1E800] =	vst v63  }
0x13e: {  	_ =	swait.ge [sflag:s23], $0x4000  }
0x13f: {  	[sflag:s23] =	ssyncset.done $0x0  }
0x140: {  	[sflag:s23] =	ssyncadd.s32 $0xFFFFC000  }
0x141: {  	_ =	swait.ge [sflag:s30], $0x4000  }
0x142: {  	[sflag:s30] =	ssyncset.done $0x0  }
0x143: {  	[sflag:s30] =	ssyncadd.s32 $0xFFFFC000  }
0x144: {  	[spmem:s1] =	stream.indirect.scatter.add.f32 [tilespmem:s28], [sflag:$0x3], $0x80, s0, s25, $0xb8;
	[tilespmem:$0x1E800] =	vst v63  }
0x145: {  	_ =	swait.ge [sflag:s23], $0x4000  }
0x146: {  	[sflag:s23] =	ssyncset.done $0x0  }
0x147: {  	s9 =	simm.s32 $0x0;
	s13 =	rddreg [dreg:$0x5];
	[sflag:s23] =	ssyncadd.s32 $0xFFFFC000  }
0x148: {  	[tilespmem:s9], [sflag:$0x3] =	stream.linear.gather [hbm4b:s13+s9], $0x1400, $0x38;
	[tilespmem:$0x1E800] =	vst v63  }
0x149: {  	_ =	swait.ge [sflag:s23], $0x1400  }
0x14a: {  	[sflag:s23] =	ssyncset.done $0x0  }
0x14b: {  	[sflag:s23] =	ssyncadd.s32 $0xFFFFEC00  }
0x14c: {  	[tilespmem:s24], [sflag:$0x3] =	stream.linear.gather [hbm4b:s12+s9], $0x1400, $0x38;
	[tilespmem:$0x1E800] =	vst v63  }
0x14d: {  	_ =	swait.ge [sflag:s23], $0x1400  }
0x14e: {  	[sflag:s23] =	ssyncset.done $0x0  }
0x14f: {  	[sflag:s23] =	ssyncadd.s32 $0xFFFFEC00  }
0x150: {  	[tilespmem:s26], [sflag:$0x1] =	stream.indirect.gather [hbm4b:s4+s25], $0x80, s9, s25, $0xb8;
	[tilespmem:$0x1E800] =	vst v63  }
0x151: {  	_ = 	snop  }
0x152: {  	[tilespmem:s28], [sflag:$0x2] =	stream.indirect.gather [hbm4b:s4+s25], $0x80, s25, s25, $0xb8;
	[tilespmem:$0x1E800] =	vst v63  }
0x153: {  	_ =	swait.ge [sflag:s29], $0x4000  }
0x154: {  	[sflag:s29] =	ssyncset.done $0x0  }
0x155: {  	s13 =	simm.s32 $0x1400;
	[sflag:s29] =	ssyncadd.s32 $0xFFFFC000  }
0x156: {  	[spmem:s1] =	stream.indirect.scatter.add.f32 [tilespmem:s26], [sflag:$0x3], $0x80, s13, s25, $0xb8;
	[tilespmem:$0x1E800] =	vst v63  }
0x157: {  	_ =	swait.ge [sflag:s23], $0x4000  }
0x158: {  	[sflag:s23] =	ssyncset.done $0x0  }
0x159: {  	s11 =	simm.s32 $0x100;
	[sflag:s23] =	ssyncadd.s32 $0xFFFFC000  }
0x15a: {  	[tilespmem:s26], [sflag:$0x1] =	stream.indirect.gather [hbm4b:s4+s25], $0x80, s11, s25, $0xb8;
	[tilespmem:$0x1E800] =	vst v63  }
0x15b: {  	_ =	swait.ge [sflag:s30], $0x4000  }
0x15c: {  	[sflag:s30] =	ssyncset.done $0x0  }
0x15d: {  	s13 =	simm.s32 $0x1480;
	[sflag:s30] =	ssyncadd.s32 $0xFFFFC000  }
0x15e: {  	[spmem:s1] =	stream.indirect.scatter.add.f32 [tilespmem:s28], [sflag:$0x3], $0x80, s13, s25, $0xb8;
	[tilespmem:$0x1E800] =	vst v63  }
0x15f: {  	_ =	swait.ge [sflag:s23], $0x4000  }
0x160: {  	[sflag:s23] =	ssyncset.done $0x0  }
0x161: {  	s9 =	simm.s32 $0x400;
	s11 =	simm.s32 $0x180;
	[sflag:s23] =	ssyncadd.s32 $0xFFFFC000  }
.LBB2_5:
0x162: {  	[tilespmem:s28], [sflag:$0x2] =	stream.indirect.gather [hbm4b:s4+s25], $0x80, s11, s25, $0xb8;
	[tilespmem:$0x1E800] =	vst v63  }
0x163: {  	s11 =	smov.u32 s9  }
0x164: {  	p1 =	sne.s32 s9, $0x4800;
	s9 =	sadd.s32 $0x400, s9;
	_ =	swait.ge [sflag:s29], $0x4000  }
0x165: {  	s11 =	sshra.s32 s11, $0x2;
	[sflag:s29] =	ssyncset.done $0x0  }
0x166: {  	s13 =	sadd.s32 $0x1400, s11;
	[sflag:s29] =	ssyncadd.s32 $0xFFFFC000  }
0x167: {  	[spmem:s1] =	stream.indirect.scatter.add.f32 [tilespmem:s26], [sflag:$0x3], $0x80, s13, s25, $0xb8;
	[tilespmem:$0x1E800] =	vst v63  }
0x168: {  	_ =	swait.ge [sflag:s23], $0x4000  }
0x169: {  	[sflag:s23] =	ssyncset.done $0x0  }
0x16a: {  	s13 =	sadd.s32 $0x100, s11;
	[sflag:s23] =	ssyncadd.s32 $0xFFFFC000  }
0x16b: {  	[tilespmem:s26], [sflag:$0x1] =	stream.indirect.gather [hbm4b:s4+s25], $0x80, s13, s25, $0xb8;
	[tilespmem:$0x1E800] =	vst v63  }
0x16c: {  	_ =	swait.ge [sflag:s30], $0x4000  }
0x16d: {  	[sflag:s30] =	ssyncset.done $0x0  }
.Ltmp9:
0x16e: {  	s13 =	sadd.s32 $0x1480, s11;
	[sflag:s30] =	ssyncadd.s32 $0xFFFFC000;
	(pc) =	sbr.rel @p1 .LBB2_5-.Ltmp9, $4  }
0x16f: {  	[spmem:s1] =	stream.indirect.scatter.add.f32 [tilespmem:s28], [sflag:$0x3], $0x80, s13, s25, $0xb8;
	[tilespmem:$0x1E800] =	vst v63  }
0x170: {  	_ =	swait.ge [sflag:s23], $0x4000  }
0x171: {  	[sflag:s23] =	ssyncset.done $0x0  }
0x172: {  	s11 =	sadd.s32 $0x180, s11;
	[sflag:s23] =	ssyncadd.s32 $0xFFFFC000  }
0x173: {  	[tilespmem:s28], [sflag:$0x2] =	stream.indirect.gather [hbm4b:s4+s25], $0x80, s11, s25, $0xb8;
	[tilespmem:$0x1E800] =	vst v63  }
0x174: {  	_ =	swait.ge [sflag:s29], $0x4000  }
0x175: {  	[sflag:s29] =	ssyncset.done $0x0  }
0x176: {  	[sflag:s29] =	ssyncadd.s32 $0xFFFFC000  }
0x177: {  	[spmem:s1] =	stream.indirect.scatter.add.f32 [tilespmem:s26], [sflag:$0x3], $0x80, s31, s25, $0xb8;
	[tilespmem:$0x1E800] =	vst v63  }
0x178: {  	_ =	swait.ge [sflag:s23], $0x4000  }
0x179: {  	[sflag:s23] =	ssyncset.done $0x0  }
0x17a: {  	[sflag:s23] =	ssyncadd.s32 $0xFFFFC000  }
0x17b: {  	_ =	swait.ge [sflag:s30], $0x4000  }
0x17c: {  	[sflag:s30] =	ssyncset.done $0x0  }
0x17d: {  	[sflag:s30] =	ssyncadd.s32 $0xFFFFC000  }
0x17e: {  	[spmem:s1] =	stream.indirect.scatter.add.f32 [tilespmem:s28], [sflag:$0x3], $0x80, s0, s25, $0xb8;
	[tilespmem:$0x1E800] =	vst v63  }
0x17f: {  	_ =	swait.ge [sflag:s23], $0x4000  }
0x180: {  	[sflag:s23] =	ssyncset.done $0x0  }
0x181: {  	s9 =	simm.s32 $0x0;
	s13 =	rddreg [dreg:$0x6];
	[sflag:s23] =	ssyncadd.s32 $0xFFFFC000  }
0x182: {  	[tilespmem:s9], [sflag:$0x3] =	stream.linear.gather [hbm4b:s13+s9], $0x1400, $0x38;
	[tilespmem:$0x1E800] =	vst v63  }
0x183: {  	_ =	swait.ge [sflag:s23], $0x1400  }
0x184: {  	[sflag:s23] =	ssyncset.done $0x0  }
0x185: {  	[sflag:s23] =	ssyncadd.s32 $0xFFFFEC00  }
0x186: {  	[tilespmem:s24], [sflag:$0x3] =	stream.linear.gather [hbm4b:s14+s9], $0x1400, $0x38;
	[tilespmem:$0x1E800] =	vst v63  }
0x187: {  	_ =	swait.ge [sflag:s23], $0x1400  }
0x188: {  	[sflag:s23] =	ssyncset.done $0x0  }
0x189: {  	[sflag:s23] =	ssyncadd.s32 $0xFFFFEC00  }
0x18a: {  	[tilespmem:s26], [sflag:$0x1] =	stream.indirect.gather [hbm4b:s4+s25], $0x80, s9, s25, $0xb8;
	[tilespmem:$0x1E800] =	vst v63  }
0x18b: {  	_ = 	snop  }
0x18c: {  	[tilespmem:s28], [sflag:$0x2] =	stream.indirect.gather [hbm4b:s4+s25], $0x80, s25, s25, $0xb8;
	[tilespmem:$0x1E800] =	vst v63  }
0x18d: {  	_ =	swait.ge [sflag:s29], $0x4000  }
0x18e: {  	[sflag:s29] =	ssyncset.done $0x0  }
0x18f: {  	s13 =	simm.s32 $0x1400;
	[sflag:s29] =	ssyncadd.s32 $0xFFFFC000  }
0x190: {  	[spmem:s1] =	stream.indirect.scatter.add.f32 [tilespmem:s26], [sflag:$0x3], $0x80, s13, s25, $0xb8;
	[tilespmem:$0x1E800] =	vst v63  }
0x191: {  	_ =	swait.ge [sflag:s23], $0x4000  }
0x192: {  	[sflag:s23] =	ssyncset.done $0x0  }
0x193: {  	s11 =	simm.s32 $0x100;
	[sflag:s23] =	ssyncadd.s32 $0xFFFFC000  }
0x194: {  	[tilespmem:s26], [sflag:$0x1] =	stream.indirect.gather [hbm4b:s4+s25], $0x80, s11, s25, $0xb8;
	[tilespmem:$0x1E800] =	vst v63  }
0x195: {  	_ =	swait.ge [sflag:s30], $0x4000  }
0x196: {  	[sflag:s30] =	ssyncset.done $0x0  }
0x197: {  	s13 =	simm.s32 $0x1480;
	[sflag:s30] =	ssyncadd.s32 $0xFFFFC000  }
0x198: {  	[spmem:s1] =	stream.indirect.scatter.add.f32 [tilespmem:s28], [sflag:$0x3], $0x80, s13, s25, $0xb8;
	[tilespmem:$0x1E800] =	vst v63  }
0x199: {  	_ =	swait.ge [sflag:s23], $0x4000  }
0x19a: {  	[sflag:s23] =	ssyncset.done $0x0  }
0x19b: {  	s9 =	simm.s32 $0x400;
	s11 =	simm.s32 $0x180;
	[sflag:s23] =	ssyncadd.s32 $0xFFFFC000  }
.LBB2_7:
0x19c: {  	[tilespmem:s28], [sflag:$0x2] =	stream.indirect.gather [hbm4b:s4+s25], $0x80, s11, s25, $0xb8;
	[tilespmem:$0x1E800] =	vst v63  }
0x19d: {  	s11 =	smov.u32 s9  }
0x19e: {  	p1 =	sne.s32 s9, $0x4800;
	s9 =	sadd.s32 $0x400, s9;
	_ =	swait.ge [sflag:s29], $0x4000  }
0x19f: {  	s11 =	sshra.s32 s11, $0x2;
	[sflag:s29] =	ssyncset.done $0x0  }
0x1a0: {  	s13 =	sadd.s32 $0x1400, s11;
	[sflag:s29] =	ssyncadd.s32 $0xFFFFC000  }
0x1a1: {  	[spmem:s1] =	stream.indirect.scatter.add.f32 [tilespmem:s26], [sflag:$0x3], $0x80, s13, s25, $0xb8;
	[tilespmem:$0x1E800] =	vst v63  }
0x1a2: {  	_ =	swait.ge [sflag:s23], $0x4000  }
0x1a3: {  	[sflag:s23] =	ssyncset.done $0x0  }
0x1a4: {  	s13 =	sadd.s32 $0x100, s11;
	[sflag:s23] =	ssyncadd.s32 $0xFFFFC000  }
0x1a5: {  	[tilespmem:s26], [sflag:$0x1] =	stream.indirect.gather [hbm4b:s4+s25], $0x80, s13, s25, $0xb8;
	[tilespmem:$0x1E800] =	vst v63  }
0x1a6: {  	_ =	swait.ge [sflag:s30], $0x4000  }
0x1a7: {  	[sflag:s30] =	ssyncset.done $0x0  }
.Ltmp10:
0x1a8: {  	s13 =	sadd.s32 $0x1480, s11;
	[sflag:s30] =	ssyncadd.s32 $0xFFFFC000;
	(pc) =	sbr.rel @p1 .LBB2_7-.Ltmp10, $4  }
0x1a9: {  	[spmem:s1] =	stream.indirect.scatter.add.f32 [tilespmem:s28], [sflag:$0x3], $0x80, s13, s25, $0xb8;
	[tilespmem:$0x1E800] =	vst v63  }
0x1aa: {  	_ =	swait.ge [sflag:s23], $0x4000  }
0x1ab: {  	[sflag:s23] =	ssyncset.done $0x0  }
0x1ac: {  	s11 =	sadd.s32 $0x180, s11;
	[sflag:s23] =	ssyncadd.s32 $0xFFFFC000  }
0x1ad: {  	[tilespmem:s28], [sflag:$0x2] =	stream.indirect.gather [hbm4b:s4+s25], $0x80, s11, s25, $0xb8;
	[tilespmem:$0x1E800] =	vst v63  }
0x1ae: {  	_ =	swait.ge [sflag:s29], $0x4000  }
0x1af: {  	[sflag:s29] =	ssyncset.done $0x0  }
0x1b0: {  	[sflag:s29] =	ssyncadd.s32 $0xFFFFC000  }
0x1b1: {  	[spmem:s1] =	stream.indirect.scatter.add.f32 [tilespmem:s26], [sflag:$0x3], $0x80, s31, s25, $0xb8;
	[tilespmem:$0x1E800] =	vst v63  }
0x1b2: {  	_ =	swait.ge [sflag:s23], $0x4000  }
0x1b3: {  	[sflag:s23] =	ssyncset.done $0x0  }
0x1b4: {  	[sflag:s23] =	ssyncadd.s32 $0xFFFFC000  }
0x1b5: {  	_ =	swait.ge [sflag:s30], $0x4000  }
0x1b6: {  	[sflag:s30] =	ssyncset.done $0x0  }
0x1b7: {  	[sflag:s30] =	ssyncadd.s32 $0xFFFFC000  }
0x1b8: {  	[spmem:s1] =	stream.indirect.scatter.add.f32 [tilespmem:s28], [sflag:$0x3], $0x80, s0, s25, $0xb8;
	[tilespmem:$0x1E800] =	vst v63  }
0x1b9: {  	_ =	swait.ge [sflag:s23], $0x4000  }
0x1ba: {  	[sflag:s23] =	ssyncset.done $0x0  }
0x1bb: {  	s9 =	simm.s32 $0x0;
	[sflag:s23] =	ssyncadd.s32 $0xFFFFC000  }
0x1bc: {  	[tilespmem:s9], [sflag:$0x3] =	stream.linear.gather [hbm4b:s15+s9], $0x1400, $0x38;
	[tilespmem:$0x1E800] =	vst v63  }
0x1bd: {  	_ =	swait.ge [sflag:s23], $0x1400  }
0x1be: {  	[sflag:s23] =	ssyncset.done $0x0  }
0x1bf: {  	[sflag:s23] =	ssyncadd.s32 $0xFFFFEC00  }
0x1c0: {  	[tilespmem:s24], [sflag:$0x3] =	stream.linear.gather [hbm4b:s16+s9], $0x1400, $0x38;
	[tilespmem:$0x1E800] =	vst v63  }
0x1c1: {  	_ =	swait.ge [sflag:s23], $0x1400  }
0x1c2: {  	[sflag:s23] =	ssyncset.done $0x0  }
0x1c3: {  	[sflag:s23] =	ssyncadd.s32 $0xFFFFEC00  }
0x1c4: {  	[tilespmem:s26], [sflag:$0x1] =	stream.indirect.gather [hbm4b:s4+s25], $0x80, s9, s25, $0xb8;
	[tilespmem:$0x1E800] =	vst v63  }
0x1c5: {  	_ = 	snop  }
0x1c6: {  	[tilespmem:s28], [sflag:$0x2] =	stream.indirect.gather [hbm4b:s4+s25], $0x80, s25, s25, $0xb8;
	[tilespmem:$0x1E800] =	vst v63  }
0x1c7: {  	_ =	swait.ge [sflag:s29], $0x4000  }
0x1c8: {  	[sflag:s29] =	ssyncset.done $0x0  }
0x1c9: {  	s13 =	simm.s32 $0x1400;
	[sflag:s29] =	ssyncadd.s32 $0xFFFFC000  }
0x1ca: {  	[spmem:s1] =	stream.indirect.scatter.add.f32 [tilespmem:s26], [sflag:$0x3], $0x80, s13, s25, $0xb8;
	[tilespmem:$0x1E800] =	vst v63  }
0x1cb: {  	_ =	swait.ge [sflag:s23], $0x4000  }
0x1cc: {  	[sflag:s23] =	ssyncset.done $0x0  }
0x1cd: {  	s11 =	simm.s32 $0x100;
	[sflag:s23] =	ssyncadd.s32 $0xFFFFC000  }
0x1ce: {  	[tilespmem:s26], [sflag:$0x1] =	stream.indirect.gather [hbm4b:s4+s25], $0x80, s11, s25, $0xb8;
	[tilespmem:$0x1E800] =	vst v63  }
0x1cf: {  	_ =	swait.ge [sflag:s30], $0x4000  }
0x1d0: {  	[sflag:s30] =	ssyncset.done $0x0  }
0x1d1: {  	s13 =	simm.s32 $0x1480;
	[sflag:s30] =	ssyncadd.s32 $0xFFFFC000  }
0x1d2: {  	[spmem:s1] =	stream.indirect.scatter.add.f32 [tilespmem:s28], [sflag:$0x3], $0x80, s13, s25, $0xb8;
	[tilespmem:$0x1E800] =	vst v63  }
0x1d3: {  	_ =	swait.ge [sflag:s23], $0x4000  }
0x1d4: {  	[sflag:s23] =	ssyncset.done $0x0  }
0x1d5: {  	s9 =	simm.s32 $0x400;
	s11 =	simm.s32 $0x180;
	[sflag:s23] =	ssyncadd.s32 $0xFFFFC000  }
.LBB2_9:
0x1d6: {  	[tilespmem:s28], [sflag:$0x2] =	stream.indirect.gather [hbm4b:s4+s25], $0x80, s11, s25, $0xb8;
	[tilespmem:$0x1E800] =	vst v63  }
0x1d7: {  	s11 =	smov.u32 s9  }
0x1d8: {  	p1 =	seq.s32 s9, $0x4800;
	s9 =	sadd.s32 $0x400, s9;
	_ =	swait.ge [sflag:s29], $0x4000  }
0x1d9: {  	s11 =	sshra.s32 s11, $0x2;
	[sflag:s29] =	ssyncset.done $0x0  }
0x1da: {  	s13 =	sadd.s32 $0x1400, s11;
	[sflag:s29] =	ssyncadd.s32 $0xFFFFC000  }
0x1db: {  	[spmem:s1] =	stream.indirect.scatter.add.f32 [tilespmem:s26], [sflag:$0x3], $0x80, s13, s25, $0xb8;
	[tilespmem:$0x1E800] =	vst v63  }
0x1dc: {  	_ =	swait.ge [sflag:s23], $0x4000  }
0x1dd: {  	[sflag:s23] =	ssyncset.done $0x0  }
0x1de: {  	s13 =	sadd.s32 $0x100, s11;
	[sflag:s23] =	ssyncadd.s32 $0xFFFFC000  }
0x1df: {  	[tilespmem:s26], [sflag:$0x1] =	stream.indirect.gather [hbm4b:s4+s25], $0x80, s13, s25, $0xb8;
	[tilespmem:$0x1E800] =	vst v63  }
0x1e0: {  	_ =	swait.ge [sflag:s30], $0x4000  }
0x1e1: {  	[sflag:s30] =	ssyncset.done $0x0  }
.Ltmp11:
0x1e2: {  	s13 =	sadd.s32 $0x1480, s11;
	[sflag:s30] =	ssyncadd.s32 $0xFFFFC000;
	(pc) =	sbr.rel @!p1 .LBB2_9-.Ltmp11, $4  }
0x1e3: {  	[spmem:s1] =	stream.indirect.scatter.add.f32 [tilespmem:s28], [sflag:$0x3], $0x80, s13, s25, $0xb8;
	[tilespmem:$0x1E800] =	vst v63  }
0x1e4: {  	_ =	swait.ge [sflag:s23], $0x4000  }
0x1e5: {  	[sflag:s23] =	ssyncset.done $0x0  }
0x1e6: {  	s11 =	sadd.s32 $0x180, s11;
	[sflag:s23] =	ssyncadd.s32 $0xFFFFC000  }
.Ltmp12:
0x1e7: {  	(pc) =	sbr.rel .LBB2_20-.Ltmp12, $2  }
0x1e8: {  	_ =	sdelay $0x2  }
0x1e9: {  	[tilespmem:s28], [sflag:$0x2] =	stream.indirect.gather [hbm4b:s4+s25], $0x80, s11, s25, $0xb8;
	[tilespmem:$0x1E800] =	vst v63  }
.LBB2_21:
0x1ea: {  	_ =	sfence.sel $0x180000  }
0x1eb: {  	[bflag:$0x0] =	sbarrier.arrive $0xFFFF  }
0x1ec: {  	_ =	strace $0x90000047  }
0x1ed: {  	s0 =	stileid.u32;
	[bflag:$0x2] =	sbarrier.arrive $0xFFFF  }
0x1ee: {  	p0 =	sne.s32 s0, $0x0;
	s0 =	rddreg [dreg:$0x3]  }
0x1ef: {  	s0 =	sadd.s32 @!p0 $0x100000, s0  }
0x1f0: {  	[sflag:s0] =	ssyncadd.tile.s32 @!p0 $0x1;
	_ =	shalt  }
.Lfunc_end2:
_tile_overlayer_lowered:
.L_overlay_start_2:
0x1f1: {  	(tag) =	ssettag $0x2  }
0x1f2: {  	s0 =	rddreg [dreg:$0x0];
	s2 =	stileid.u32  }
0x1f3: {  	s1 =	rddreg [dreg:$0x1];
	p0 =	sne.s32 s2, $0x0  }
0x1f4: {  	s3 =	rddreg [dreg:$0x2];
	[bflag:$0x3] =	sbarrier.arrive $0xFFFF;
	s2 =	simm.s32 @!p0 $0x1C03  }
0x1f5: {  	[timem:s3], [sflag:s2] =	dma.local @!p0 [hbm:s0], s1  }
0x1f6: {  	s0 =	simm.s32 @!p0 $0x3  }
0x1f7: {  	_ =	swait.ge @!p0 [sflag:s0], s1  }
0x1f8: {  	s1 =	ssub.s32 @!p0 $0x0, s1;
	[sflag:s0] =	ssyncset.done @!p0 $0x0  }
0x1f9: {  	[sflag:s0] =	ssyncadd.s32 @!p0 s1  }
0x1fa: {  	[bflag:$0x3] =	sbarrier.arrive $0xFFFF  }
0x1fb: {  	_ =	shalt  }

</sc_bundles>
